<compile_context>
chip_gen: v7x
topology: tpu7x:2x2x1
jax: 0.10.2.dev20260603
libtpu: 0.0.44.dev20260713+nightly
codegen_flags: <defaults>
</compile_context>

<pallas_src>
import functools

import jax
import jax.numpy as jnp
from jax import lax
from jax.experimental import pallas as pl
from jax.experimental.pallas import tpu as pltpu
from jax.experimental.pallas import tpu_sc as plsc

_K = 20
_RT = 256
_NC = 2
_NS = 16
_NW = _NC * _NS
_GP = 32
_ICH = 128


def _phase_a_body(n, k, xn_ref, x_ref, w_ref, cm_ref,
                  idx_ref, u_ref, v_ref):
    b = pl.program_id(0)
    xr = xn_ref[0].T
    xb = x_ref[0]
    c = xr.shape[1]
    d = 2.0 * jnp.dot(xr, xb, preferred_element_type=jnp.float32)
    xx = jnp.sum(xb * xb, axis=0, keepdims=True)
    d = d - xx
    w1 = w_ref[:, :c]
    w2 = w_ref[:, c:]
    dn = (((1,), (1,)), ((), ()))
    u_ref[0] = lax.dot_general(xr, w1, dn, preferred_element_type=jnp.float32)
    v_ref[0] = lax.dot_general(xr, w2 - w1, dn,
                               preferred_element_type=jnp.float32)
    neg = jnp.float32(-3.0e38)
    one = jnp.float32(1.0)
    zero = jnp.float32(0.0)
    rt = xr.shape[0]
    off = pl.program_id(1) * rt
    rowi = lax.broadcasted_iota(jnp.int32, (rt, 1), 0) + off
    coli = lax.broadcasted_iota(jnp.int32, (rt, n), 1)
    d = jnp.where(coli == rowi, neg, d)
    picks = [rowi.astype(jnp.float32)]
    for t in range(k - 1):
        m = jnp.max(d, axis=1, keepdims=True)
        match = d == m
        m01 = jnp.where(match, one, zero)
        jv = jnp.dot(m01, cm_ref[...], preferred_element_type=jnp.float32)
        picks.append(jv[:, 0:1] + 64.0 * jv[:, 1:2])
        if t < k - 2:
            d = jnp.where(match, neg, d)
    idxf = jnp.concatenate(picks, axis=1)
    idx_ref[0] = jnp.minimum(idxf.astype(jnp.int32), n - 1) + b * n


def _phase_a(x, w):
    bsz, c, n = x.shape
    jj = jnp.arange(n, dtype=jnp.int32)
    cm = (jnp.zeros((n, 128), jnp.float32)
          .at[:, 0].set((jj % 64).astype(jnp.float32))
          .at[:, 1].set((jj // 64).astype(jnp.float32)))
    grid = (bsz, n // _RT)
    out = pl.pallas_call(
        functools.partial(_phase_a_body, n, _K),
        grid=grid,
        in_specs=[
            pl.BlockSpec((1, c, _RT), lambda b, r: (b, 0, r)),
            pl.BlockSpec((1, c, n), lambda b, r: (b, 0, 0)),
            pl.BlockSpec(w.shape, lambda b, r: (0, 0)),
            pl.BlockSpec((n, 128), lambda b, r: (0, 0)),
        ],
        out_specs=[
            pl.BlockSpec((1, _RT, _K), lambda b, r: (b, r, 0)),
            pl.BlockSpec((1, _RT, w.shape[0]), lambda b, r: (b, r, 0)),
            pl.BlockSpec((1, _RT, w.shape[0]), lambda b, r: (b, r, 0)),
        ],
        out_shape=[
            jax.ShapeDtypeStruct((bsz, n, _K), jnp.int32),
            jax.ShapeDtypeStruct((bsz, n, w.shape[0]), jnp.float32),
            jax.ShapeDtypeStruct((bsz, n, w.shape[0]), jnp.float32),
        ],
    )(x, x, w, cm)
    return out


def _phase_b(u_flat, idx2d):
    bn, out_c = u_flat.shape
    ppw = bn // _NW
    irows = ppw * _K // _ICH
    ngrp = ppw // _GP
    chunks = _GP * _K // _ICH
    o4 = jax.ShapeDtypeStruct((bn, out_c), jnp.float32)
    mesh = plsc.VectorSubcoreMesh(core_axis_name="c", subcore_axis_name="s",
                                  num_cores=_NC, num_subcores=_NS)

    def body(u_hbm, idx_hbm, s_hbm, sq_hbm, mx_hbm, mn_hbm,
             idx_v, rows_v, ss, sqs, mxs, mns, sem0, sem1):
        cid = lax.axis_index("c")
        sid = lax.axis_index("s")
        wid = sid * _NC + cid
        pb = wid * ppw
        pltpu.sync_copy(idx_hbm.at[pl.ds(wid * irows, irows)], idx_v)
        sems = (sem0, sem1)

        def fire(g, slot):
            for ch in range(chunks):
                pltpu.make_async_copy(
                    u_hbm.at[idx_v.at[g * chunks + ch]],
                    rows_v.at[slot, pl.ds(ch * _ICH, _ICH)],
                    sems[slot]).start()

        def drain(slot):
            for ch in range(chunks):
                pltpu.make_async_copy(
                    u_hbm.at[idx_v.at[ch]],
                    rows_v.at[slot, pl.ds(ch * _ICH, _ICH)],
                    sems[slot]).wait()

        def reduce_group(g, slot):
            def pbody(p, carry):
                e0 = p * _K
                for cc in range(out_c // 16):
                    co = cc * 16
                    gv = rows_v[slot, e0, pl.ds(co, 16)]
                    s_ = gv
                    q_ = gv * gv
                    mx_ = gv
                    mn_ = gv
                    for kk in range(1, _K):
                        gv = rows_v[slot, e0 + kk, pl.ds(co, 16)]
                        s_ = s_ + gv
                        q_ = q_ + gv * gv
                        mx_ = jnp.maximum(mx_, gv)
                        mn_ = jnp.minimum(mn_, gv)
                    ss[p, pl.ds(co, 16)] = s_
                    sqs[p, pl.ds(co, 16)] = q_
                    mxs[p, pl.ds(co, 16)] = mx_
                    mns[p, pl.ds(co, 16)] = mn_
                return carry
            lax.fori_loop(0, _GP, pbody, 0)
            dst = pl.ds(pb + g * _GP, _GP)
            pltpu.sync_copy(ss, s_hbm.at[dst])
            pltpu.sync_copy(sqs, sq_hbm.at[dst])
            pltpu.sync_copy(mxs, mx_hbm.at[dst])
            pltpu.sync_copy(mns, mn_hbm.at[dst])

        fire(0, 0)

        def gbody(i, carry):
            g0 = 2 * i
            fire(g0 + 1, 1)
            drain(0)
            reduce_group(g0, 0)

            @pl.when(g0 + 2 < ngrp)
            def _():
                fire(g0 + 2, 0)

            drain(1)
            reduce_group(g0 + 1, 1)
            return carry

        lax.fori_loop(0, ngrp // 2, gbody, 0)

    call = pl.kernel(
        body,
        out_type=[o4, o4, o4, o4],
        mesh=mesh,
        scratch_types=[
            pltpu.VMEM((irows, _ICH), jnp.int32),
            pltpu.VMEM((2, _GP * _K, out_c), jnp.float32),
            pltpu.VMEM((_GP, out_c), jnp.float32),
            pltpu.VMEM((_GP, out_c), jnp.float32),
            pltpu.VMEM((_GP, out_c), jnp.float32),
            pltpu.VMEM((_GP, out_c), jnp.float32),
            pltpu.SemaphoreType.DMA,
            pltpu.SemaphoreType.DMA,
        ],
        compiler_params=pltpu.CompilerParams(use_tc_tiling_on_sc=False),
    )
    return call(u_flat, idx2d)


def _phase_c_body(k, s_ref, sq_ref, v_ref, mx_ref, mn_ref, g_ref, b_ref,
                  out_ref, acc):
    p = pl.program_id(0)
    j = pl.program_id(1)
    nb = pl.num_programs(1)

    @pl.when(p == 0)
    def _accumulate():
        @pl.when(j == 0)
        def _():
            acc[...] = jnp.zeros_like(acc)
        sv = s_ref[0]
        vv = v_ref[0]
        acc[0:1, :] += jnp.sum(sv, axis=0, keepdims=True)
        acc[1:2, :] += jnp.sum(sq_ref[0], axis=0, keepdims=True)
        acc[2:3, :] += jnp.sum(vv, axis=0, keepdims=True)
        acc[3:4, :] += jnp.sum(vv * vv, axis=0, keepdims=True)
        acc[4:5, :] += jnp.sum(vv * sv, axis=0, keepdims=True)

        @pl.when(j == nb - 1)
        def _finalize():
            n_edges = jnp.float32(nb * sv.shape[0] * k)
            s1 = acc[0:1, :]
            s2 = acc[1:2, :]
            svs = acc[2:3, :]
            sv2 = acc[3:4, :]
            xvs = acc[4:5, :]
            mean = (s1 + k * svs) / n_edges
            esq = (s2 + 2.0 * xvs + k * sv2) / n_edges
            var = esq - mean * mean
            scale = g_ref[...] * lax.rsqrt(var + 1e-5)
            acc[5:6, :] = mean
            acc[6:7, :] = scale

    @pl.when(p == 1)
    def _emit():
        mean = acc[5:6, :]
        scale = acc[6:7, :]
        top = jnp.where(scale >= 0, mx_ref[0], mn_ref[0])
        y = (v_ref[0] + top - mean) * scale + b_ref[...]
        y = jnp.where(y > 0, y, 0.2 * y)
        out_ref[0] = y.T


def _phase_c(s, sq, v, mx, mn, gamma, beta, bsz, n, out_c):
    shp3 = (bsz, n, out_c)
    args = [a.reshape(shp3) for a in (s, sq, v, mx, mn)]
    spec3 = pl.BlockSpec((1, n, out_c), lambda p, j: (j, 0, 0))
    spec1 = pl.BlockSpec((1, out_c), lambda p, j: (0, 0))
    return pl.pallas_call(
        functools.partial(_phase_c_body, _K),
        grid=(2, bsz),
        in_specs=[spec3] * 5 + [spec1] * 2,
        out_specs=pl.BlockSpec((1, out_c, n), lambda p, j: (j, 0, 0)),
        out_shape=jax.ShapeDtypeStruct((bsz, out_c, n), jnp.float32),
        scratch_shapes=[pltpu.VMEM((8, out_c), jnp.float32)],
    )(*args, gamma.reshape(1, out_c), beta.reshape(1, out_c))


def kernel(x, W, gamma, beta):
    bsz, c, n = x.shape
    out_c = W.shape[0]
    idxg, u, v = _phase_a(x, W)
    bn = bsz * n
    u_flat = u.reshape(bn, out_c)
    idx2d = idxg.reshape(bn * _K // _ICH, _ICH)
    s, sq, mx, mn = _phase_b(u_flat, idx2d)
    return _phase_c(s, sq, v.reshape(bn, out_c), mx, mn, gamma, beta,
                    bsz, n, out_c)

# --- scband reference (transcript-rebuilt; emitter-appended) ---
"""Pipeline reference for scband-edge-conv-73718818669280 (READ-ONLY COPY).

The authoritative reference and input builder live on the scoring server;
editing this copy changes nothing except your own understanding.
"""

import jax, jax.numpy as jnp
import numpy as np

B, C, N, K, OUT = 8, 64, 2048, 20, 64

def setup_inputs(seed: int = 0) -> dict:
    key = jax.random.key(seed)
    k1, k2 = jax.random.split(key)
    x = jax.random.normal(k1, (B, C, N), dtype=jnp.float32)
    # conv weight: Conv2d(2*C, OUT, 1, bias=False) -> [OUT, 2*C]
    W = jax.random.normal(k2, (OUT, 2 * C), dtype=jnp.float32) * (1.0 / np.sqrt(2 * C))
    gamma = jnp.ones((OUT,), dtype=jnp.float32)
    beta = jnp.zeros((OUT,), dtype=jnp.float32)
    return {"x": x, "W": W, "gamma": gamma, "beta": beta}

def reference(x, W, gamma, beta):
    b, c, n = x.shape
    k = K
    # knn: pairwise squared-distance (negated), top-k neighbor indices
    inner = -2.0 * jnp.einsum('bcn,bcm->bnm', x, x)
    xx = jnp.sum(x ** 2, axis=1, keepdims=True)  # [B,1,N]
    pairwise = -xx - inner - jnp.transpose(xx, (0, 2, 1))  # [B,N,N]
    _, idx = jax.lax.top_k(pairwise, k)  # [B,N,k]
    # get_graph_feature: gather neighbor features
    xt = jnp.transpose(x, (0, 2, 1))  # [B,N,C]
    idx_base = jnp.arange(b).reshape(-1, 1, 1) * n
    idx_flat = (idx + idx_base).reshape(-1)
    feature = xt.reshape(b * n, c)[idx_flat, :].reshape(b, n, k, c)
    xc = jnp.broadcast_to(xt[:, :, None, :], (b, n, k, c))
    feature = jnp.concatenate([feature - xc, xc], axis=3)  # [B,N,k,2C]
    feature = jnp.transpose(feature, (0, 3, 1, 2))  # [B,2C,N,k]
    # 1x1 conv (no bias)
    y = jnp.einsum('oc,bcnk->bonk', W, feature)  # [B,OUT,N,k]
    # BatchNorm2d (training-mode batch stats, eps=1e-5, biased var)
    mean = jnp.mean(y, axis=(0, 2, 3), keepdims=True)
    var = jnp.var(y, axis=(0, 2, 3), keepdims=True)
    y = (y - mean) / jnp.sqrt(var + 1e-5)
    y = y * gamma.reshape(1, -1, 1, 1) + beta.reshape(1, -1, 1, 1)
    # LeakyReLU(0.2)
    y = jnp.where(y > 0, y, 0.2 * y)
    # max over neighbors
    return jnp.max(y, axis=-1)  # [B,OUT,N]

if __name__ == "__main__":
    import jax
    _d = setup_inputs()
    print(jax.jit(kernel)(*tuple(_d.values())))

</pallas_src>

<mosaic_0001>
#map = affine_map<(d0, d1) -> (0, 0)>
module attributes {stable_mosaic.version = 14 : i64} {
  func.func @body(%arg0: i32, %arg1: i32, %arg2: memref<16384x64xf32, #tpu.memory_space<hbm>>, %arg3: memref<2560x128xi32, #tpu.memory_space<hbm>>, %arg4: memref<16384x64xf32, #tpu.memory_space<hbm>>, %arg5: memref<16384x64xf32, #tpu.memory_space<hbm>>, %arg6: memref<16384x64xf32, #tpu.memory_space<hbm>>, %arg7: memref<16384x64xf32, #tpu.memory_space<hbm>>, %arg8: memref<80x128xi32, #tpu.memory_space<vmem>>, %arg9: memref<2x640x64xf32, #tpu.memory_space<vmem>>, %arg10: memref<32x64xf32, #tpu.memory_space<vmem>>, %arg11: memref<32x64xf32, #tpu.memory_space<vmem>>, %arg12: memref<32x64xf32, #tpu.memory_space<vmem>>, %arg13: memref<32x64xf32, #tpu.memory_space<vmem>>, %arg14: memref<!tpu.dma_semaphore, #tpu.memory_space<semaphore_mem>>, %arg15: memref<!tpu.dma_semaphore, #tpu.memory_space<semaphore_mem>>) attributes {dimension_semantics = [#tpu.dimension_semantics<core_parallel>, #tpu.dimension_semantics<subcore_parallel>], iteration_bounds = array<i64: 2, 16>, scalar_prefetch = 0 : i64, scratch_operands = 8 : i64, tpu.core_type = #tpu.core_type<sc_vector_subcore>, window_params = [{transform_indices = #map}, {transform_indices = #map}, {transform_indices = #map}, {transform_indices = #map}, {transform_indices = #map}, {transform_indices = #map}]} {
    %mul3A = arith.constant 2 : i32
    %mul3A_0 = arith.muli %arg1, %mul3A : i32
    %add3A = arith.addi %mul3A_0, %arg0 : i32
    %mul3A_1 = arith.constant 512 : i32
    %mul3A_2 = arith.muli %add3A, %mul3A_1 : i32
    %mul3A_3 = arith.constant 80 : i32
    %mul3A_4 = arith.muli %add3A, %mul3A_3 : i32
    "tpu.region"() ({
      %run_scoped3A = tpu.sem_alloc : memref<!tpu.dma_semaphore, #tpu.memory_space<semaphore_mem>>
      %dma_start3A_69 = arith.constant 0 : i32
      %dma_start3A_70 = tpu.memref_slice %arg3[%mul3A_4, %dma_start3A_69] : memref<2560x128xi32, #tpu.memory_space<hbm>> -> memref<80x128xi32, #tpu.memory_space<hbm>>
      %dma_start3A_71 = arith.constant 0 : i32
      %dma_start3A_72 = tpu.memref_slice %arg3[%mul3A_4, %dma_start3A_71] : memref<2560x128xi32, #tpu.memory_space<hbm>> -> memref<80x128xi32, #tpu.memory_space<hbm>>
      tpu.enqueue_dma source(%dma_start3A_72 : memref<80x128xi32, #tpu.memory_space<hbm>>) target(%arg8 : memref<80x128xi32, #tpu.memory_space<vmem>>) target_semaphore(%run_scoped3A : memref<!tpu.dma_semaphore, #tpu.memory_space<semaphore_mem>>)
      %dma_wait3A = arith.constant 0 : i32
      %dma_wait3A_73 = tpu.memref_slice %arg3[%mul3A_4, %dma_wait3A] : memref<2560x128xi32, #tpu.memory_space<hbm>> -> memref<80x128xi32, #tpu.memory_space<hbm>>
      %dma_wait3A_74 = arith.constant 0 : i32
      %dma_wait3A_75 = tpu.memref_slice %arg3[%mul3A_4, %dma_wait3A_74] : memref<2560x128xi32, #tpu.memory_space<hbm>> -> memref<80x128xi32, #tpu.memory_space<hbm>>
      tpu.wait_dma2 semaphore(%run_scoped3A : memref<!tpu.dma_semaphore, #tpu.memory_space<semaphore_mem>>) src(%dma_wait3A_75 : memref<80x128xi32, #tpu.memory_space<hbm>>) dst(%arg8 : memref<80x128xi32, #tpu.memory_space<vmem>>)
      tpu.yield
    }) : () -> ()
    %dma_start3A = arith.constant 0 : i32
    %dma_start3A_5 = arith.constant 0 : i32
    %dma_start3A_6 = arith.constant 0 : i32
    %dma_start3A_7 = arith.constant 0 : i32
    %dma_start3A_8 = tpu.memref_slice %arg9[%dma_start3A_5, %dma_start3A_6, %dma_start3A_7] : memref<2x640x64xf32, #tpu.memory_space<vmem>> -> memref<1x128x64xf32, #tpu.memory_space<vmem>>
    %dma_start3A_9 = tpu.memref_squeeze %dma_start3A_8 : memref<1x128x64xf32, #tpu.memory_space<vmem>> -> memref<128x64xf32, #tpu.memory_space<vmem>>
    %dma_start3A_10 = arith.constant 0 : i32
    %dma_start3A_11 = tpu.memref_slice %arg8[%dma_start3A, %dma_start3A_10] : memref<80x128xi32, #tpu.memory_space<vmem>> -> memref<1x128xi32, #tpu.memory_space<vmem>>
    %dma_start3A_12 = tpu.memref_squeeze %dma_start3A_11 : memref<1x128xi32, #tpu.memory_space<vmem>> -> memref<128xi32, #tpu.memory_space<vmem>>
    %dma_start3A_13 = arith.constant 0 : i32
    %dma_start3A_14 = arith.constant 0 : i32
    %dma_start3A_15 = tpu.memref_slice %arg2[%dma_start3A_13, %dma_start3A_14] : memref<16384x64xf32, #tpu.memory_space<hbm>> -> memref<16384x64xf32, #tpu.memory_space<hbm>>
    tpu.enqueue_indirect_dma source(%dma_start3A_15 : memref<16384x64xf32, #tpu.memory_space<hbm>>) target(%dma_start3A_9 : memref<128x64xf32, #tpu.memory_space<vmem>>) offsets(%dma_start3A_12 : memref<128xi32, #tpu.memory_space<vmem>>) semaphore(%arg14 : memref<!tpu.dma_semaphore, #tpu.memory_space<semaphore_mem>>)
    %dma_start3A_16 = arith.constant 1 : i32
    %dma_start3A_17 = arith.constant 0 : i32
    %dma_start3A_18 = arith.constant 128 : i32
    %dma_start3A_19 = arith.constant 0 : i32
    %dma_start3A_20 = tpu.memref_slice %arg9[%dma_start3A_17, %dma_start3A_18, %dma_start3A_19] : memref<2x640x64xf32, #tpu.memory_space<vmem>> -> memref<1x128x64xf32, #tpu.memory_space<vmem>>
    %dma_start3A_21 = tpu.memref_squeeze %dma_start3A_20 : memref<1x128x64xf32, #tpu.memory_space<vmem>> -> memref<128x64xf32, #tpu.memory_space<vmem>>
    %dma_start3A_22 = arith.constant 0 : i32
    %dma_start3A_23 = tpu.memref_slice %arg8[%dma_start3A_16, %dma_start3A_22] : memref<80x128xi32, #tpu.memory_space<vmem>> -> memref<1x128xi32, #tpu.memory_space<vmem>>
    %dma_start3A_24 = tpu.memref_squeeze %dma_start3A_23 : memref<1x128xi32, #tpu.memory_space<vmem>> -> memref<128xi32, #tpu.memory_space<vmem>>
    %dma_start3A_25 = arith.constant 0 : i32
    %dma_start3A_26 = arith.constant 0 : i32
    %dma_start3A_27 = tpu.memref_slice %arg2[%dma_start3A_25, %dma_start3A_26] : memref<16384x64xf32, #tpu.memory_space<hbm>> -> memref<16384x64xf32, #tpu.memory_space<hbm>>
    tpu.enqueue_indirect_dma source(%dma_start3A_27 : memref<16384x64xf32, #tpu.memory_space<hbm>>) target(%dma_start3A_21 : memref<128x64xf32, #tpu.memory_space<vmem>>) offsets(%dma_start3A_24 : memref<128xi32, #tpu.memory_space<vmem>>) semaphore(%arg14 : memref<!tpu.dma_semaphore, #tpu.memory_space<semaphore_mem>>)
    %dma_start3A_28 = arith.constant 2 : i32
    %dma_start3A_29 = arith.constant 0 : i32
    %dma_start3A_30 = arith.constant 256 : i32
    %dma_start3A_31 = arith.constant 0 : i32
    %dma_start3A_32 = tpu.memref_slice %arg9[%dma_start3A_29, %dma_start3A_30, %dma_start3A_31] : memref<2x640x64xf32, #tpu.memory_space<vmem>> -> memref<1x128x64xf32, #tpu.memory_space<vmem>>
    %dma_start3A_33 = tpu.memref_squeeze %dma_start3A_32 : memref<1x128x64xf32, #tpu.memory_space<vmem>> -> memref<128x64xf32, #tpu.memory_space<vmem>>
    %dma_start3A_34 = arith.constant 0 : i32
    %dma_start3A_35 = tpu.memref_slice %arg8[%dma_start3A_28, %dma_start3A_34] : memref<80x128xi32, #tpu.memory_space<vmem>> -> memref<1x128xi32, #tpu.memory_space<vmem>>
    %dma_start3A_36 = tpu.memref_squeeze %dma_start3A_35 : memref<1x128xi32, #tpu.memory_space<vmem>> -> memref<128xi32, #tpu.memory_space<vmem>>
    %dma_start3A_37 = arith.constant 0 : i32
    %dma_start3A_38 = arith.constant 0 : i32
    %dma_start3A_39 = tpu.memref_slice %arg2[%dma_start3A_37, %dma_start3A_38] : memref<16384x64xf32, #tpu.memory_space<hbm>> -> memref<16384x64xf32, #tpu.memory_space<hbm>>
    tpu.enqueue_indirect_dma source(%dma_start3A_39 : memref<16384x64xf32, #tpu.memory_space<hbm>>) target(%dma_start3A_33 : memref<128x64xf32, #tpu.memory_space<vmem>>) offsets(%dma_start3A_36 : memref<128xi32, #tpu.memory_space<vmem>>) semaphore(%arg14 : memref<!tpu.dma_semaphore, #tpu.memory_space<semaphore_mem>>)
    %dma_start3A_40 = arith.constant 3 : i32
    %dma_start3A_41 = arith.constant 0 : i32
    %dma_start3A_42 = arith.constant 384 : i32
    %dma_start3A_43 = arith.constant 0 : i32
    %dma_start3A_44 = tpu.memref_slice %arg9[%dma_start3A_41, %dma_start3A_42, %dma_start3A_43] : memref<2x640x64xf32, #tpu.memory_space<vmem>> -> memref<1x128x64xf32, #tpu.memory_space<vmem>>
    %dma_start3A_45 = tpu.memref_squeeze %dma_start3A_44 : memref<1x128x64xf32, #tpu.memory_space<vmem>> -> memref<128x64xf32, #tpu.memory_space<vmem>>
    %dma_start3A_46 = arith.constant 0 : i32
    %dma_start3A_47 = tpu.memref_slice %arg8[%dma_start3A_40, %dma_start3A_46] : memref<80x128xi32, #tpu.memory_space<vmem>> -> memref<1x128xi32, #tpu.memory_space<vmem>>
    %dma_start3A_48 = tpu.memref_squeeze %dma_start3A_47 : memref<1x128xi32, #tpu.memory_space<vmem>> -> memref<128xi32, #tpu.memory_space<vmem>>
    %dma_start3A_49 = arith.constant 0 : i32
    %dma_start3A_50 = arith.constant 0 : i32
    %dma_start3A_51 = tpu.memref_slice %arg2[%dma_start3A_49, %dma_start3A_50] : memref<16384x64xf32, #tpu.memory_space<hbm>> -> memref<16384x64xf32, #tpu.memory_space<hbm>>
    tpu.enqueue_indirect_dma source(%dma_start3A_51 : memref<16384x64xf32, #tpu.memory_space<hbm>>) target(%dma_start3A_45 : memref<128x64xf32, #tpu.memory_space<vmem>>) offsets(%dma_start3A_48 : memref<128xi32, #tpu.memory_space<vmem>>) semaphore(%arg14 : memref<!tpu.dma_semaphore, #tpu.memory_space<semaphore_mem>>)
    %dma_start3A_52 = arith.constant 4 : i32
    %dma_start3A_53 = arith.constant 0 : i32
    %dma_start3A_54 = arith.constant 512 : i32
    %dma_start3A_55 = arith.constant 0 : i32
    %dma_start3A_56 = tpu.memref_slice %arg9[%dma_start3A_53, %dma_start3A_54, %dma_start3A_55] : memref<2x640x64xf32, #tpu.memory_space<vmem>> -> memref<1x128x64xf32, #tpu.memory_space<vmem>>
    %dma_start3A_57 = tpu.memref_squeeze %dma_start3A_56 : memref<1x128x64xf32, #tpu.memory_space<vmem>> -> memref<128x64xf32, #tpu.memory_space<vmem>>
    %dma_start3A_58 = arith.constant 0 : i32
    %dma_start3A_59 = tpu.memref_slice %arg8[%dma_start3A_52, %dma_start3A_58] : memref<80x128xi32, #tpu.memory_space<vmem>> -> memref<1x128xi32, #tpu.memory_space<vmem>>
    %dma_start3A_60 = tpu.memref_squeeze %dma_start3A_59 : memref<1x128xi32, #tpu.memory_space<vmem>> -> memref<128xi32, #tpu.memory_space<vmem>>
    %dma_start3A_61 = arith.constant 0 : i32
    %dma_start3A_62 = arith.constant 0 : i32
    %dma_start3A_63 = tpu.memref_slice %arg2[%dma_start3A_61, %dma_start3A_62] : memref<16384x64xf32, #tpu.memory_space<hbm>> -> memref<16384x64xf32, #tpu.memory_space<hbm>>
    tpu.enqueue_indirect_dma source(%dma_start3A_63 : memref<16384x64xf32, #tpu.memory_space<hbm>>) target(%dma_start3A_57 : memref<128x64xf32, #tpu.memory_space<vmem>>) offsets(%dma_start3A_60 : memref<128xi32, #tpu.memory_space<vmem>>) semaphore(%arg14 : memref<!tpu.dma_semaphore, #tpu.memory_space<semaphore_mem>>)
    %scan3A = arith.constant 0 : i32
    %scan3A_64 = arith.constant 0 : i32
    %scan3A_65 = arith.constant 8 : i32
    %scan3A_66 = arith.addi %scan3A_64, %scan3A_65 : i32
    %scan3A_67 = arith.constant 1 : i32
    scf.for %scan3A_69 = %scan3A_64 to %scan3A_66 step %scan3A_67  : i32 {
      %mul3A_70 = arith.constant 2 : i32
      %mul3A_71 = arith.muli %mul3A_70, %scan3A_69 : i32
      %add3A_72 = arith.constant 1 : i32
      %add3A_73 = arith.addi %mul3A_71, %add3A_72 : i32
      %mul3A_74 = arith.constant 5 : i32
      %mul3A_75 = arith.muli %add3A_73, %mul3A_74 : i32
      %add3A_76 = arith.constant 0 : i32
      %add3A_77 = arith.addi %mul3A_75, %add3A_76 : i32
      %dma_start3A_78 = arith.constant 1 : i32
      %dma_start3A_79 = arith.constant 0 : i32
      %dma_start3A_80 = arith.constant 0 : i32
      %dma_start3A_81 = tpu.memref_slice %arg9[%dma_start3A_78, %dma_start3A_79, %dma_start3A_80] : memref<2x640x64xf32, #tpu.memory_space<vmem>> -> memref<1x128x64xf32, #tpu.memory_space<vmem>>
      %dma_start3A_82 = tpu.memref_squeeze %dma_start3A_81 : memref<1x128x64xf32, #tpu.memory_space<vmem>> -> memref<128x64xf32, #tpu.memory_space<vmem>>
      %dma_start3A_83 = arith.constant 0 : i32
      %dma_start3A_84 = tpu.memref_slice %arg8[%add3A_77, %dma_start3A_83] : memref<80x128xi32, #tpu.memory_space<vmem>> -> memref<1x128xi32, #tpu.memory_space<vmem>>
      %dma_start3A_85 = tpu.memref_squeeze %dma_start3A_84 : memref<1x128xi32, #tpu.memory_space<vmem>> -> memref<128xi32, #tpu.memory_space<vmem>>
      %dma_start3A_86 = arith.constant 0 : i32
      %dma_start3A_87 = arith.constant 0 : i32
      %dma_start3A_88 = tpu.memref_slice %arg2[%dma_start3A_86, %dma_start3A_87] : memref<16384x64xf32, #tpu.memory_space<hbm>> -> memref<16384x64xf32, #tpu.memory_space<hbm>>
      tpu.enqueue_indirect_dma source(%dma_start3A_88 : memref<16384x64xf32, #tpu.memory_space<hbm>>) target(%dma_start3A_82 : memref<128x64xf32, #tpu.memory_space<vmem>>) offsets(%dma_start3A_85 : memref<128xi32, #tpu.memory_space<vmem>>) semaphore(%arg15 : memref<!tpu.dma_semaphore, #tpu.memory_space<semaphore_mem>>)
      %mul3A_89 = arith.constant 5 : i32
      %mul3A_90 = arith.muli %add3A_73, %mul3A_89 : i32
      %add3A_91 = arith.constant 1 : i32
      %add3A_92 = arith.addi %mul3A_90, %add3A_91 : i32
      %dma_start3A_93 = arith.constant 1 : i32
      %dma_start3A_94 = arith.constant 128 : i32
      %dma_start3A_95 = arith.constant 0 : i32
      %dma_start3A_96 = tpu.memref_slice %arg9[%dma_start3A_93, %dma_start3A_94, %dma_start3A_95] : memref<2x640x64xf32, #tpu.memory_space<vmem>> -> memref<1x128x64xf32, #tpu.memory_space<vmem>>
      %dma_start3A_97 = tpu.memref_squeeze %dma_start3A_96 : memref<1x128x64xf32, #tpu.memory_space<vmem>> -> memref<128x64xf32, #tpu.memory_space<vmem>>
      %dma_start3A_98 = arith.constant 0 : i32
      %dma_start3A_99 = tpu.memref_slice %arg8[%add3A_92, %dma_start3A_98] : memref<80x128xi32, #tpu.memory_space<vmem>> -> memref<1x128xi32, #tpu.memory_space<vmem>>
      %dma_start3A_100 = tpu.memref_squeeze %dma_start3A_99 : memref<1x128xi32, #tpu.memory_space<vmem>> -> memref<128xi32, #tpu.memory_space<vmem>>
      %dma_start3A_101 = arith.constant 0 : i32
      %dma_start3A_102 = arith.constant 0 : i32
      %dma_start3A_103 = tpu.memref_slice %arg2[%dma_start3A_101, %dma_start3A_102] : memref<16384x64xf32, #tpu.memory_space<hbm>> -> memref<16384x64xf32, #tpu.memory_space<hbm>>
      tpu.enqueue_indirect_dma source(%dma_start3A_103 : memref<16384x64xf32, #tpu.memory_space<hbm>>) target(%dma_start3A_97 : memref<128x64xf32, #tpu.memory_space<vmem>>) offsets(%dma_start3A_100 : memref<128xi32, #tpu.memory_space<vmem>>) semaphore(%arg15 : memref<!tpu.dma_semaphore, #tpu.memory_space<semaphore_mem>>)
      %mul3A_104 = arith.constant 5 : i32
      %mul3A_105 = arith.muli %add3A_73, %mul3A_104 : i32
      %add3A_106 = arith.constant 2 : i32
      %add3A_107 = arith.addi %mul3A_105, %add3A_106 : i32
      %dma_start3A_108 = arith.constant 1 : i32
      %dma_start3A_109 = arith.constant 256 : i32
      %dma_start3A_110 = arith.constant 0 : i32
      %dma_start3A_111 = tpu.memref_slice %arg9[%dma_start3A_108, %dma_start3A_109, %dma_start3A_110] : memref<2x640x64xf32, #tpu.memory_space<vmem>> -> memref<1x128x64xf32, #tpu.memory_space<vmem>>
      %dma_start3A_112 = tpu.memref_squeeze %dma_start3A_111 : memref<1x128x64xf32, #tpu.memory_space<vmem>> -> memref<128x64xf32, #tpu.memory_space<vmem>>
      %dma_start3A_113 = arith.constant 0 : i32
      %dma_start3A_114 = tpu.memref_slice %arg8[%add3A_107, %dma_start3A_113] : memref<80x128xi32, #tpu.memory_space<vmem>> -> memref<1x128xi32, #tpu.memory_space<vmem>>
      %dma_start3A_115 = tpu.memref_squeeze %dma_start3A_114 : memref<1x128xi32, #tpu.memory_space<vmem>> -> memref<128xi32, #tpu.memory_space<vmem>>
      %dma_start3A_116 = arith.constant 0 : i32
      %dma_start3A_117 = arith.constant 0 : i32
      %dma_start3A_118 = tpu.memref_slice %arg2[%dma_start3A_116, %dma_start3A_117] : memref<16384x64xf32, #tpu.memory_space<hbm>> -> memref<16384x64xf32, #tpu.memory_space<hbm>>
      tpu.enqueue_indirect_dma source(%dma_start3A_118 : memref<16384x64xf32, #tpu.memory_space<hbm>>) target(%dma_start3A_112 : memref<128x64xf32, #tpu.memory_space<vmem>>) offsets(%dma_start3A_115 : memref<128xi32, #tpu.memory_space<vmem>>) semaphore(%arg15 : memref<!tpu.dma_semaphore, #tpu.memory_space<semaphore_mem>>)
      %mul3A_119 = arith.constant 5 : i32
      %mul3A_120 = arith.muli %add3A_73, %mul3A_119 : i32
      %add3A_121 = arith.constant 3 : i32
      %add3A_122 = arith.addi %mul3A_120, %add3A_121 : i32
      %dma_start3A_123 = arith.constant 1 : i32
      %dma_start3A_124 = arith.constant 384 : i32
      %dma_start3A_125 = arith.constant 0 : i32
      %dma_start3A_126 = tpu.memref_slice %arg9[%dma_start3A_123, %dma_start3A_124, %dma_start3A_125] : memref<2x640x64xf32, #tpu.memory_space<vmem>> -> memref<1x128x64xf32, #tpu.memory_space<vmem>>
      %dma_start3A_127 = tpu.memref_squeeze %dma_start3A_126 : memref<1x128x64xf32, #tpu.memory_space<vmem>> -> memref<128x64xf32, #tpu.memory_space<vmem>>
      %dma_start3A_128 = arith.constant 0 : i32
      %dma_start3A_129 = tpu.memref_slice %arg8[%add3A_122, %dma_start3A_128] : memref<80x128xi32, #tpu.memory_space<vmem>> -> memref<1x128xi32, #tpu.memory_space<vmem>>
      %dma_start3A_130 = tpu.memref_squeeze %dma_start3A_129 : memref<1x128xi32, #tpu.memory_space<vmem>> -> memref<128xi32, #tpu.memory_space<vmem>>
      %dma_start3A_131 = arith.constant 0 : i32
      %dma_start3A_132 = arith.constant 0 : i32
      %dma_start3A_133 = tpu.memref_slice %arg2[%dma_start3A_131, %dma_start3A_132] : memref<16384x64xf32, #tpu.memory_space<hbm>> -> memref<16384x64xf32, #tpu.memory_space<hbm>>
      tpu.enqueue_indirect_dma source(%dma_start3A_133 : memref<16384x64xf32, #tpu.memory_space<hbm>>) target(%dma_start3A_127 : memref<128x64xf32, #tpu.memory_space<vmem>>) offsets(%dma_start3A_130 : memref<128xi32, #tpu.memory_space<vmem>>) semaphore(%arg15 : memref<!tpu.dma_semaphore, #tpu.memory_space<semaphore_mem>>)
      %mul3A_134 = arith.constant 5 : i32
      %mul3A_135 = arith.muli %add3A_73, %mul3A_134 : i32
      %add3A_136 = arith.constant 4 : i32
      %add3A_137 = arith.addi %mul3A_135, %add3A_136 : i32
      %dma_start3A_138 = arith.constant 1 : i32
      %dma_start3A_139 = arith.constant 512 : i32
      %dma_start3A_140 = arith.constant 0 : i32
      %dma_start3A_141 = tpu.memref_slice %arg9[%dma_start3A_138, %dma_start3A_139, %dma_start3A_140] : memref<2x640x64xf32, #tpu.memory_space<vmem>> -> memref<1x128x64xf32, #tpu.memory_space<vmem>>
      %dma_start3A_142 = tpu.memref_squeeze %dma_start3A_141 : memref<1x128x64xf32, #tpu.memory_space<vmem>> -> memref<128x64xf32, #tpu.memory_space<vmem>>
      %dma_start3A_143 = arith.constant 0 : i32
      %dma_start3A_144 = tpu.memref_slice %arg8[%add3A_137, %dma_start3A_143] : memref<80x128xi32, #tpu.memory_space<vmem>> -> memref<1x128xi32, #tpu.memory_space<vmem>>
      %dma_start3A_145 = tpu.memref_squeeze %dma_start3A_144 : memref<1x128xi32, #tpu.memory_space<vmem>> -> memref<128xi32, #tpu.memory_space<vmem>>
      %dma_start3A_146 = arith.constant 0 : i32
      %dma_start3A_147 = arith.constant 0 : i32
      %dma_start3A_148 = tpu.memref_slice %arg2[%dma_start3A_146, %dma_start3A_147] : memref<16384x64xf32, #tpu.memory_space<hbm>> -> memref<16384x64xf32, #tpu.memory_space<hbm>>
      tpu.enqueue_indirect_dma source(%dma_start3A_148 : memref<16384x64xf32, #tpu.memory_space<hbm>>) target(%dma_start3A_142 : memref<128x64xf32, #tpu.memory_space<vmem>>) offsets(%dma_start3A_145 : memref<128xi32, #tpu.memory_space<vmem>>) semaphore(%arg15 : memref<!tpu.dma_semaphore, #tpu.memory_space<semaphore_mem>>)
      %dma_wait3A = arith.constant 0 : i32
      %dma_wait3A_149 = arith.constant 0 : i32
      %dma_wait3A_150 = arith.constant 0 : i32
      %dma_wait3A_151 = arith.constant 0 : i32
      %dma_wait3A_152 = tpu.memref_slice %arg9[%dma_wait3A_149, %dma_wait3A_150, %dma_wait3A_151] : memref<2x640x64xf32, #tpu.memory_space<vmem>> -> memref<1x128x64xf32, #tpu.memory_space<vmem>>
      %dma_wait3A_153 = tpu.memref_squeeze %dma_wait3A_152 : memref<1x128x64xf32, #tpu.memory_space<vmem>> -> memref<128x64xf32, #tpu.memory_space<vmem>>
      %dma_wait3A_154 = arith.constant 0 : i32
      %dma_wait3A_155 = tpu.memref_slice %arg8[%dma_wait3A, %dma_wait3A_154] : memref<80x128xi32, #tpu.memory_space<vmem>> -> memref<1x128xi32, #tpu.memory_space<vmem>>
      %dma_wait3A_156 = tpu.memref_squeeze %dma_wait3A_155 : memref<1x128xi32, #tpu.memory_space<vmem>> -> memref<128xi32, #tpu.memory_space<vmem>>
      %dma_wait3A_157 = arith.constant 0 : i32
      %dma_wait3A_158 = arith.constant 0 : i32
      %dma_wait3A_159 = tpu.memref_slice %arg2[%dma_wait3A_157, %dma_wait3A_158] : memref<16384x64xf32, #tpu.memory_space<hbm>> -> memref<16384x64xf32, #tpu.memory_space<hbm>>
      tpu.wait_indirect_dma semaphore(%arg14 : memref<!tpu.dma_semaphore, #tpu.memory_space<semaphore_mem>>) src(%dma_wait3A_159 : memref<16384x64xf32, #tpu.memory_space<hbm>>) dst(%dma_wait3A_153 : memref<128x64xf32, #tpu.memory_space<vmem>>)
      %dma_wait3A_160 = arith.constant 1 : i32
      %dma_wait3A_161 = arith.constant 0 : i32
      %dma_wait3A_162 = arith.constant 128 : i32
      %dma_wait3A_163 = arith.constant 0 : i32
      %dma_wait3A_164 = tpu.memref_slice %arg9[%dma_wait3A_161, %dma_wait3A_162, %dma_wait3A_163] : memref<2x640x64xf32, #tpu.memory_space<vmem>> -> memref<1x128x64xf32, #tpu.memory_space<vmem>>
      %dma_wait3A_165 = tpu.memref_squeeze %dma_wait3A_164 : memref<1x128x64xf32, #tpu.memory_space<vmem>> -> memref<128x64xf32, #tpu.memory_space<vmem>>
      %dma_wait3A_166 = arith.constant 0 : i32
      %dma_wait3A_167 = tpu.memref_slice %arg8[%dma_wait3A_160, %dma_wait3A_166] : memref<80x128xi32, #tpu.memory_space<vmem>> -> memref<1x128xi32, #tpu.memory_space<vmem>>
      %dma_wait3A_168 = tpu.memref_squeeze %dma_wait3A_167 : memref<1x128xi32, #tpu.memory_space<vmem>> -> memref<128xi32, #tpu.memory_space<vmem>>
      %dma_wait3A_169 = arith.constant 0 : i32
      %dma_wait3A_170 = arith.constant 0 : i32
      %dma_wait3A_171 = tpu.memref_slice %arg2[%dma_wait3A_169, %dma_wait3A_170] : memref<16384x64xf32, #tpu.memory_space<hbm>> -> memref<16384x64xf32, #tpu.memory_space<hbm>>
      tpu.wait_indirect_dma semaphore(%arg14 : memref<!tpu.dma_semaphore, #tpu.memory_space<semaphore_mem>>) src(%dma_wait3A_171 : memref<16384x64xf32, #tpu.memory_space<hbm>>) dst(%dma_wait3A_165 : memref<128x64xf32, #tpu.memory_space<vmem>>)
      %dma_wait3A_172 = arith.constant 2 : i32
      %dma_wait3A_173 = arith.constant 0 : i32
      %dma_wait3A_174 = arith.constant 256 : i32
      %dma_wait3A_175 = arith.constant 0 : i32
      %dma_wait3A_176 = tpu.memref_slice %arg9[%dma_wait3A_173, %dma_wait3A_174, %dma_wait3A_175] : memref<2x640x64xf32, #tpu.memory_space<vmem>> -> memref<1x128x64xf32, #tpu.memory_space<vmem>>
      %dma_wait3A_177 = tpu.memref_squeeze %dma_wait3A_176 : memref<1x128x64xf32, #tpu.memory_space<vmem>> -> memref<128x64xf32, #tpu.memory_space<vmem>>
      %dma_wait3A_178 = arith.constant 0 : i32
      %dma_wait3A_179 = tpu.memref_slice %arg8[%dma_wait3A_172, %dma_wait3A_178] : memref<80x128xi32, #tpu.memory_space<vmem>> -> memref<1x128xi32, #tpu.memory_space<vmem>>
      %dma_wait3A_180 = tpu.memref_squeeze %dma_wait3A_179 : memref<1x128xi32, #tpu.memory_space<vmem>> -> memref<128xi32, #tpu.memory_space<vmem>>
      %dma_wait3A_181 = arith.constant 0 : i32
      %dma_wait3A_182 = arith.constant 0 : i32
      %dma_wait3A_183 = tpu.memref_slice %arg2[%dma_wait3A_181, %dma_wait3A_182] : memref<16384x64xf32, #tpu.memory_space<hbm>> -> memref<16384x64xf32, #tpu.memory_space<hbm>>
      tpu.wait_indirect_dma semaphore(%arg14 : memref<!tpu.dma_semaphore, #tpu.memory_space<semaphore_mem>>) src(%dma_wait3A_183 : memref<16384x64xf32, #tpu.memory_space<hbm>>) dst(%dma_wait3A_177 : memref<128x64xf32, #tpu.memory_space<vmem>>)
      %dma_wait3A_184 = arith.constant 3 : i32
      %dma_wait3A_185 = arith.constant 0 : i32
      %dma_wait3A_186 = arith.constant 384 : i32
      %dma_wait3A_187 = arith.constant 0 : i32
      %dma_wait3A_188 = tpu.memref_slice %arg9[%dma_wait3A_185, %dma_wait3A_186, %dma_wait3A_187] : memref<2x640x64xf32, #tpu.memory_space<vmem>> -> memref<1x128x64xf32, #tpu.memory_space<vmem>>
      %dma_wait3A_189 = tpu.memref_squeeze %dma_wait3A_188 : memref<1x128x64xf32, #tpu.memory_space<vmem>> -> memref<128x64xf32, #tpu.memory_space<vmem>>
      %dma_wait3A_190 = arith.constant 0 : i32
      %dma_wait3A_191 = tpu.memref_slice %arg8[%dma_wait3A_184, %dma_wait3A_190] : memref<80x128xi32, #tpu.memory_space<vmem>> -> memref<1x128xi32, #tpu.memory_space<vmem>>
      %dma_wait3A_192 = tpu.memref_squeeze %dma_wait3A_191 : memref<1x128xi32, #tpu.memory_space<vmem>> -> memref<128xi32, #tpu.memory_space<vmem>>
      %dma_wait3A_193 = arith.constant 0 : i32
      %dma_wait3A_194 = arith.constant 0 : i32
      %dma_wait3A_195 = tpu.memref_slice %arg2[%dma_wait3A_193, %dma_wait3A_194] : memref<16384x64xf32, #tpu.memory_space<hbm>> -> memref<16384x64xf32, #tpu.memory_space<hbm>>
      tpu.wait_indirect_dma semaphore(%arg14 : memref<!tpu.dma_semaphore, #tpu.memory_space<semaphore_mem>>) src(%dma_wait3A_195 : memref<16384x64xf32, #tpu.memory_space<hbm>>) dst(%dma_wait3A_189 : memref<128x64xf32, #tpu.memory_space<vmem>>)
      %dma_wait3A_196 = arith.constant 4 : i32
      %dma_wait3A_197 = arith.constant 0 : i32
      %dma_wait3A_198 = arith.constant 512 : i32
      %dma_wait3A_199 = arith.constant 0 : i32
      %dma_wait3A_200 = tpu.memref_slice %arg9[%dma_wait3A_197, %dma_wait3A_198, %dma_wait3A_199] : memref<2x640x64xf32, #tpu.memory_space<vmem>> -> memref<1x128x64xf32, #tpu.memory_space<vmem>>
      %dma_wait3A_201 = tpu.memref_squeeze %dma_wait3A_200 : memref<1x128x64xf32, #tpu.memory_space<vmem>> -> memref<128x64xf32, #tpu.memory_space<vmem>>
      %dma_wait3A_202 = arith.constant 0 : i32
      %dma_wait3A_203 = tpu.memref_slice %arg8[%dma_wait3A_196, %dma_wait3A_202] : memref<80x128xi32, #tpu.memory_space<vmem>> -> memref<1x128xi32, #tpu.memory_space<vmem>>
      %dma_wait3A_204 = tpu.memref_squeeze %dma_wait3A_203 : memref<1x128xi32, #tpu.memory_space<vmem>> -> memref<128xi32, #tpu.memory_space<vmem>>
      %dma_wait3A_205 = arith.constant 0 : i32
      %dma_wait3A_206 = arith.constant 0 : i32
      %dma_wait3A_207 = tpu.memref_slice %arg2[%dma_wait3A_205, %dma_wait3A_206] : memref<16384x64xf32, #tpu.memory_space<hbm>> -> memref<16384x64xf32, #tpu.memory_space<hbm>>
      tpu.wait_indirect_dma semaphore(%arg14 : memref<!tpu.dma_semaphore, #tpu.memory_space<semaphore_mem>>) src(%dma_wait3A_207 : memref<16384x64xf32, #tpu.memory_space<hbm>>) dst(%dma_wait3A_201 : memref<128x64xf32, #tpu.memory_space<vmem>>)
      %scan3A_208 = arith.constant 0 : i32
      %scan3A_209 = arith.constant 0 : i32
      %scan3A_210 = arith.constant 32 : i32
      %scan3A_211 = arith.addi %scan3A_209, %scan3A_210 : i32
      %scan3A_212 = arith.constant 1 : i32
      scf.for %scan3A_292 = %scan3A_209 to %scan3A_211 step %scan3A_212  : i32 {
        %mul3A_293 = arith.constant 20 : i32
        %mul3A_294 = arith.muli %scan3A_292, %mul3A_293 : i32
        %get3A = arith.constant 0 : i32
        %get3A_295 = arith.index_cast %get3A : i32 to index
        %get3A_296 = arith.index_cast %mul3A_294 : i32 to index
        %get3A_297 = arith.constant 0 : index
        %get3A_298 = tpu.vector_load %arg9[%get3A_295, %get3A_296, %get3A_297] {strides = array<i32>} : memref<2x640x64xf32, #tpu.memory_space<vmem>>, vector<1x1x16xf32>,
        %get3A_299 = vector.shape_cast %get3A_298 : vector<1x1x16xf32> to vector<16xf32>
        %mul3A_300 = arith.mulf %get3A_299, %get3A_299 : vector<16xf32>
        %add3A_301 = arith.constant 1 : i32
        %add3A_302 = arith.addi %mul3A_294, %add3A_301 : i32
        %get3A_303 = arith.constant 0 : i32
        %get3A_304 = arith.index_cast %get3A_303 : i32 to index
        %get3A_305 = arith.index_cast %add3A_302 : i32 to index
        %get3A_306 = arith.constant 0 : index
        %get3A_307 = tpu.vector_load %arg9[%get3A_304, %get3A_305, %get3A_306] {strides = array<i32>} : memref<2x640x64xf32, #tpu.memory_space<vmem>>, vector<1x1x16xf32>,
        %get3A_308 = vector.shape_cast %get3A_307 : vector<1x1x16xf32> to vector<16xf32>
        %add3A_309 = arith.addf %get3A_299, %get3A_308 : vector<16xf32>
        %mul3A_310 = arith.mulf %get3A_308, %get3A_308 : vector<16xf32>
        %add3A_311 = arith.addf %mul3A_300, %mul3A_310 : vector<16xf32>
        %max3A = arith.maximumf %get3A_299, %get3A_308 : vector<16xf32>
        %min3A = arith.minimumf %get3A_299, %get3A_308 : vector<16xf32>
        %add3A_312 = arith.constant 2 : i32
        %add3A_313 = arith.addi %mul3A_294, %add3A_312 : i32
        %get3A_314 = arith.constant 0 : i32
        %get3A_315 = arith.index_cast %get3A_314 : i32 to index
        %get3A_316 = arith.index_cast %add3A_313 : i32 to index
        %get3A_317 = arith.constant 0 : index
        %get3A_318 = tpu.vector_load %arg9[%get3A_315, %get3A_316, %get3A_317] {strides = array<i32>} : memref<2x640x64xf32, #tpu.memory_space<vmem>>, vector<1x1x16xf32>,
        %get3A_319 = vector.shape_cast %get3A_318 : vector<1x1x16xf32> to vector<16xf32>
        %add3A_320 = arith.addf %add3A_309, %get3A_319 : vector<16xf32>
        %mul3A_321 = arith.mulf %get3A_319, %get3A_319 : vector<16xf32>
        %add3A_322 = arith.addf %add3A_311, %mul3A_321 : vector<16xf32>
        %max3A_323 = arith.maximumf %max3A, %get3A_319 : vector<16xf32>
        %min3A_324 = arith.minimumf %min3A, %get3A_319 : vector<16xf32>
        %add3A_325 = arith.constant 3 : i32
        %add3A_326 = arith.addi %mul3A_294, %add3A_325 : i32
        %get3A_327 = arith.constant 0 : i32
        %get3A_328 = arith.index_cast %get3A_327 : i32 to index
        %get3A_329 = arith.index_cast %add3A_326 : i32 to index
        %get3A_330 = arith.constant 0 : index
        %get3A_331 = tpu.vector_load %arg9[%get3A_328, %get3A_329, %get3A_330] {strides = array<i32>} : memref<2x640x64xf32, #tpu.memory_space<vmem>>, vector<1x1x16xf32>,
        %get3A_332 = vector.shape_cast %get3A_331 : vector<1x1x16xf32> to vector<16xf32>
        %add3A_333 = arith.addf %add3A_320, %get3A_332 : vector<16xf32>
        %mul3A_334 = arith.mulf %get3A_332, %get3A_332 : vector<16xf32>
        %add3A_335 = arith.addf %add3A_322, %mul3A_334 : vector<16xf32>
        %max3A_336 = arith.maximumf %max3A_323, %get3A_332 : vector<16xf32>
        %min3A_337 = arith.minimumf %min3A_324, %get3A_332 : vector<16xf32>
        %add3A_338 = arith.constant 4 : i32
        %add3A_339 = arith.addi %mul3A_294, %add3A_338 : i32
        %get3A_340 = arith.constant 0 : i32
        %get3A_341 = arith.index_cast %get3A_340 : i32 to index
        %get3A_342 = arith.index_cast %add3A_339 : i32 to index
        %get3A_343 = arith.constant 0 : index
        %get3A_344 = tpu.vector_load %arg9[%get3A_341, %get3A_342, %get3A_343] {strides = array<i32>} : memref<2x640x64xf32, #tpu.memory_space<vmem>>, vector<1x1x16xf32>,
        %get3A_345 = vector.shape_cast %get3A_344 : vector<1x1x16xf32> to vector<16xf32>
        %add3A_346 = arith.addf %add3A_333, %get3A_345 : vector<16xf32>
        %mul3A_347 = arith.mulf %get3A_345, %get3A_345 : vector<16xf32>
        %add3A_348 = arith.addf %add3A_335, %mul3A_347 : vector<16xf32>
        %max3A_349 = arith.maximumf %max3A_336, %get3A_345 : vector<16xf32>
        %min3A_350 = arith.minimumf %min3A_337, %get3A_345 : vector<16xf32>
        %add3A_351 = arith.constant 5 : i32
        %add3A_352 = arith.addi %mul3A_294, %add3A_351 : i32
        %get3A_353 = arith.constant 0 : i32
        %get3A_354 = arith.index_cast %get3A_353 : i32 to index
        %get3A_355 = arith.index_cast %add3A_352 : i32 to index
        %get3A_356 = arith.constant 0 : index
        %get3A_357 = tpu.vector_load %arg9[%get3A_354, %get3A_355, %get3A_356] {strides = array<i32>} : memref<2x640x64xf32, #tpu.memory_space<vmem>>, vector<1x1x16xf32>,
        %get3A_358 = vector.shape_cast %get3A_357 : vector<1x1x16xf32> to vector<16xf32>
        %add3A_359 = arith.addf %add3A_346, %get3A_358 : vector<16xf32>
        %mul3A_360 = arith.mulf %get3A_358, %get3A_358 : vector<16xf32>
        %add3A_361 = arith.addf %add3A_348, %mul3A_360 : vector<16xf32>
        %max3A_362 = arith.maximumf %max3A_349, %get3A_358 : vector<16xf32>
        %min3A_363 = arith.minimumf %min3A_350, %get3A_358 : vector<16xf32>
        %add3A_364 = arith.constant 6 : i32
        %add3A_365 = arith.addi %mul3A_294, %add3A_364 : i32
        %get3A_366 = arith.constant 0 : i32
        %get3A_367 = arith.index_cast %get3A_366 : i32 to index
        %get3A_368 = arith.index_cast %add3A_365 : i32 to index
        %get3A_369 = arith.constant 0 : index
        %get3A_370 = tpu.vector_load %arg9[%get3A_367, %get3A_368, %get3A_369] {strides = array<i32>} : memref<2x640x64xf32, #tpu.memory_space<vmem>>, vector<1x1x16xf32>,
        %get3A_371 = vector.shape_cast %get3A_370 : vector<1x1x16xf32> to vector<16xf32>
        %add3A_372 = arith.addf %add3A_359, %get3A_371 : vector<16xf32>
        %mul3A_373 = arith.mulf %get3A_371, %get3A_371 : vector<16xf32>
        %add3A_374 = arith.addf %add3A_361, %mul3A_373 : vector<16xf32>
        %max3A_375 = arith.maximumf %max3A_362, %get3A_371 : vector<16xf32>
        %min3A_376 = arith.minimumf %min3A_363, %get3A_371 : vector<16xf32>
        %add3A_377 = arith.constant 7 : i32
        %add3A_378 = arith.addi %mul3A_294, %add3A_377 : i32
        %get3A_379 = arith.constant 0 : i32
        %get3A_380 = arith.index_cast %get3A_379 : i32 to index
        %get3A_381 = arith.index_cast %add3A_378 : i32 to index
        %get3A_382 = arith.constant 0 : index
        %get3A_383 = tpu.vector_load %arg9[%get3A_380, %get3A_381, %get3A_382] {strides = array<i32>} : memref<2x640x64xf32, #tpu.memory_space<vmem>>, vector<1x1x16xf32>,
        %get3A_384 = vector.shape_cast %get3A_383 : vector<1x1x16xf32> to vector<16xf32>
        %add3A_385 = arith.addf %add3A_372, %get3A_384 : vector<16xf32>
        %mul3A_386 = arith.mulf %get3A_384, %get3A_384 : vector<16xf32>
        %add3A_387 = arith.addf %add3A_374, %mul3A_386 : vector<16xf32>
        %max3A_388 = arith.maximumf %max3A_375, %get3A_384 : vector<16xf32>
        %min3A_389 = arith.minimumf %min3A_376, %get3A_384 : vector<16xf32>
        %add3A_390 = arith.constant 8 : i32
        %add3A_391 = arith.addi %mul3A_294, %add3A_390 : i32
        %get3A_392 = arith.constant 0 : i32
        %get3A_393 = arith.index_cast %get3A_392 : i32 to index
        %get3A_394 = arith.index_cast %add3A_391 : i32 to index
        %get3A_395 = arith.constant 0 : index
        %get3A_396 = tpu.vector_load %arg9[%get3A_393, %get3A_394, %get3A_395] {strides = array<i32>} : memref<2x640x64xf32, #tpu.memory_space<vmem>>, vector<1x1x16xf32>,
        %get3A_397 = vector.shape_cast %get3A_396 : vector<1x1x16xf32> to vector<16xf32>
        %add3A_398 = arith.addf %add3A_385, %get3A_397 : vector<16xf32>
        %mul3A_399 = arith.mulf %get3A_397, %get3A_397 : vector<16xf32>
        %add3A_400 = arith.addf %add3A_387, %mul3A_399 : vector<16xf32>
        %max3A_401 = arith.maximumf %max3A_388, %get3A_397 : vector<16xf32>
        %min3A_402 = arith.minimumf %min3A_389, %get3A_397 : vector<16xf32>
        %add3A_403 = arith.constant 9 : i32
        %add3A_404 = arith.addi %mul3A_294, %add3A_403 : i32
        %get3A_405 = arith.constant 0 : i32
        %get3A_406 = arith.index_cast %get3A_405 : i32 to index
        %get3A_407 = arith.index_cast %add3A_404 : i32 to index
        %get3A_408 = arith.constant 0 : index
        %get3A_409 = tpu.vector_load %arg9[%get3A_406, %get3A_407, %get3A_408] {strides = array<i32>} : memref<2x640x64xf32, #tpu.memory_space<vmem>>, vector<1x1x16xf32>,
        %get3A_410 = vector.shape_cast %get3A_409 : vector<1x1x16xf32> to vector<16xf32>
        %add3A_411 = arith.addf %add3A_398, %get3A_410 : vector<16xf32>
        %mul3A_412 = arith.mulf %get3A_410, %get3A_410 : vector<16xf32>
        %add3A_413 = arith.addf %add3A_400, %mul3A_412 : vector<16xf32>
        %max3A_414 = arith.maximumf %max3A_401, %get3A_410 : vector<16xf32>
        %min3A_415 = arith.minimumf %min3A_402, %get3A_410 : vector<16xf32>
        %add3A_416 = arith.constant 10 : i32
        %add3A_417 = arith.addi %mul3A_294, %add3A_416 : i32
        %get3A_418 = arith.constant 0 : i32
        %get3A_419 = arith.index_cast %get3A_418 : i32 to index
        %get3A_420 = arith.index_cast %add3A_417 : i32 to index
        %get3A_421 = arith.constant 0 : index
        %get3A_422 = tpu.vector_load %arg9[%get3A_419, %get3A_420, %get3A_421] {strides = array<i32>} : memref<2x640x64xf32, #tpu.memory_space<vmem>>, vector<1x1x16xf32>,
        %get3A_423 = vector.shape_cast %get3A_422 : vector<1x1x16xf32> to vector<16xf32>
        %add3A_424 = arith.addf %add3A_411, %get3A_423 : vector<16xf32>
        %mul3A_425 = arith.mulf %get3A_423, %get3A_423 : vector<16xf32>
        %add3A_426 = arith.addf %add3A_413, %mul3A_425 : vector<16xf32>
        %max3A_427 = arith.maximumf %max3A_414, %get3A_423 : vector<16xf32>
        %min3A_428 = arith.minimumf %min3A_415, %get3A_423 : vector<16xf32>
        %add3A_429 = arith.constant 11 : i32
        %add3A_430 = arith.addi %mul3A_294, %add3A_429 : i32
        %get3A_431 = arith.constant 0 : i32
        %get3A_432 = arith.index_cast %get3A_431 : i32 to index
        %get3A_433 = arith.index_cast %add3A_430 : i32 to index
        %get3A_434 = arith.constant 0 : index
        %get3A_435 = tpu.vector_load %arg9[%get3A_432, %get3A_433, %get3A_434] {strides = array<i32>} : memref<2x640x64xf32, #tpu.memory_space<vmem>>, vector<1x1x16xf32>,
        %get3A_436 = vector.shape_cast %get3A_435 : vector<1x1x16xf32> to vector<16xf32>
        %add3A_437 = arith.addf %add3A_424, %get3A_436 : vector<16xf32>
        %mul3A_438 = arith.mulf %get3A_436, %get3A_436 : vector<16xf32>
        %add3A_439 = arith.addf %add3A_426, %mul3A_438 : vector<16xf32>
        %max3A_440 = arith.maximumf %max3A_427, %get3A_436 : vector<16xf32>
        %min3A_441 = arith.minimumf %min3A_428, %get3A_436 : vector<16xf32>
        %add3A_442 = arith.constant 12 : i32
        %add3A_443 = arith.addi %mul3A_294, %add3A_442 : i32
        %get3A_444 = arith.constant 0 : i32
        %get3A_445 = arith.index_cast %get3A_444 : i32 to index
        %get3A_446 = arith.index_cast %add3A_443 : i32 to index
        %get3A_447 = arith.constant 0 : index
        %get3A_448 = tpu.vector_load %arg9[%get3A_445, %get3A_446, %get3A_447] {strides = array<i32>} : memref<2x640x64xf32, #tpu.memory_space<vmem>>, vector<1x1x16xf32>,
        %get3A_449 = vector.shape_cast %get3A_448 : vector<1x1x16xf32> to vector<16xf32>
        %add3A_450 = arith.addf %add3A_437, %get3A_449 : vector<16xf32>
        %mul3A_451 = arith.mulf %get3A_449, %get3A_449 : vector<16xf32>
        %add3A_452 = arith.addf %add3A_439, %mul3A_451 : vector<16xf32>
        %max3A_453 = arith.maximumf %max3A_440, %get3A_449 : vector<16xf32>
        %min3A_454 = arith.minimumf %min3A_441, %get3A_449 : vector<16xf32>
        %add3A_455 = arith.constant 13 : i32
        %add3A_456 = arith.addi %mul3A_294, %add3A_455 : i32
        %get3A_457 = arith.constant 0 : i32
        %get3A_458 = arith.index_cast %get3A_457 : i32 to index
        %get3A_459 = arith.index_cast %add3A_456 : i32 to index
        %get3A_460 = arith.constant 0 : index
        %get3A_461 = tpu.vector_load %arg9[%get3A_458, %get3A_459, %get3A_460] {strides = array<i32>} : memref<2x640x64xf32, #tpu.memory_space<vmem>>, vector<1x1x16xf32>,
        %get3A_462 = vector.shape_cast %get3A_461 : vector<1x1x16xf32> to vector<16xf32>
        %add3A_463 = arith.addf %add3A_450, %get3A_462 : vector<16xf32>
        %mul3A_464 = arith.mulf %get3A_462, %get3A_462 : vector<16xf32>
        %add3A_465 = arith.addf %add3A_452, %mul3A_464 : vector<16xf32>
        %max3A_466 = arith.maximumf %max3A_453, %get3A_462 : vector<16xf32>
        %min3A_467 = arith.minimumf %min3A_454, %get3A_462 : vector<16xf32>
        %add3A_468 = arith.constant 14 : i32
        %add3A_469 = arith.addi %mul3A_294, %add3A_468 : i32
        %get3A_470 = arith.constant 0 : i32
        %get3A_471 = arith.index_cast %get3A_470 : i32 to index
        %get3A_472 = arith.index_cast %add3A_469 : i32 to index
        %get3A_473 = arith.constant 0 : index
        %get3A_474 = tpu.vector_load %arg9[%get3A_471, %get3A_472, %get3A_473] {strides = array<i32>} : memref<2x640x64xf32, #tpu.memory_space<vmem>>, vector<1x1x16xf32>,
        %get3A_475 = vector.shape_cast %get3A_474 : vector<1x1x16xf32> to vector<16xf32>
        %add3A_476 = arith.addf %add3A_463, %get3A_475 : vector<16xf32>
        %mul3A_477 = arith.mulf %get3A_475, %get3A_475 : vector<16xf32>
        %add3A_478 = arith.addf %add3A_465, %mul3A_477 : vector<16xf32>
        %max3A_479 = arith.maximumf %max3A_466, %get3A_475 : vector<16xf32>
        %min3A_480 = arith.minimumf %min3A_467, %get3A_475 : vector<16xf32>
        %add3A_481 = arith.constant 15 : i32
        %add3A_482 = arith.addi %mul3A_294, %add3A_481 : i32
        %get3A_483 = arith.constant 0 : i32
        %get3A_484 = arith.index_cast %get3A_483 : i32 to index
        %get3A_485 = arith.index_cast %add3A_482 : i32 to index
        %get3A_486 = arith.constant 0 : index
        %get3A_487 = tpu.vector_load %arg9[%get3A_484, %get3A_485, %get3A_486] {strides = array<i32>} : memref<2x640x64xf32, #tpu.memory_space<vmem>>, vector<1x1x16xf32>,
        %get3A_488 = vector.shape_cast %get3A_487 : vector<1x1x16xf32> to vector<16xf32>
        %add3A_489 = arith.addf %add3A_476, %get3A_488 : vector<16xf32>
        %mul3A_490 = arith.mulf %get3A_488, %get3A_488 : vector<16xf32>
        %add3A_491 = arith.addf %add3A_478, %mul3A_490 : vector<16xf32>
        %max3A_492 = arith.maximumf %max3A_479, %get3A_488 : vector<16xf32>
        %min3A_493 = arith.minimumf %min3A_480, %get3A_488 : vector<16xf32>
        %add3A_494 = arith.constant 16 : i32
        %add3A_495 = arith.addi %mul3A_294, %add3A_494 : i32
        %get3A_496 = arith.constant 0 : i32
        %get3A_497 = arith.index_cast %get3A_496 : i32 to index
        %get3A_498 = arith.index_cast %add3A_495 : i32 to index
        %get3A_499 = arith.constant 0 : index
        %get3A_500 = tpu.vector_load %arg9[%get3A_497, %get3A_498, %get3A_499] {strides = array<i32>} : memref<2x640x64xf32, #tpu.memory_space<vmem>>, vector<1x1x16xf32>,
        %get3A_501 = vector.shape_cast %get3A_500 : vector<1x1x16xf32> to vector<16xf32>
        %add3A_502 = arith.addf %add3A_489, %get3A_501 : vector<16xf32>
        %mul3A_503 = arith.mulf %get3A_501, %get3A_501 : vector<16xf32>
        %add3A_504 = arith.addf %add3A_491, %mul3A_503 : vector<16xf32>
        %max3A_505 = arith.maximumf %max3A_492, %get3A_501 : vector<16xf32>
        %min3A_506 = arith.minimumf %min3A_493, %get3A_501 : vector<16xf32>
        %add3A_507 = arith.constant 17 : i32
        %add3A_508 = arith.addi %mul3A_294, %add3A_507 : i32
        %get3A_509 = arith.constant 0 : i32
        %get3A_510 = arith.index_cast %get3A_509 : i32 to index
        %get3A_511 = arith.index_cast %add3A_508 : i32 to index
        %get3A_512 = arith.constant 0 : index
        %get3A_513 = tpu.vector_load %arg9[%get3A_510, %get3A_511, %get3A_512] {strides = array<i32>} : memref<2x640x64xf32, #tpu.memory_space<vmem>>, vector<1x1x16xf32>,
        %get3A_514 = vector.shape_cast %get3A_513 : vector<1x1x16xf32> to vector<16xf32>
        %add3A_515 = arith.addf %add3A_502, %get3A_514 : vector<16xf32>
        %mul3A_516 = arith.mulf %get3A_514, %get3A_514 : vector<16xf32>
        %add3A_517 = arith.addf %add3A_504, %mul3A_516 : vector<16xf32>
        %max3A_518 = arith.maximumf %max3A_505, %get3A_514 : vector<16xf32>
        %min3A_519 = arith.minimumf %min3A_506, %get3A_514 : vector<16xf32>
        %add3A_520 = arith.constant 18 : i32
        %add3A_521 = arith.addi %mul3A_294, %add3A_520 : i32
        %get3A_522 = arith.constant 0 : i32
        %get3A_523 = arith.index_cast %get3A_522 : i32 to index
        %get3A_524 = arith.index_cast %add3A_521 : i32 to index
        %get3A_525 = arith.constant 0 : index
        %get3A_526 = tpu.vector_load %arg9[%get3A_523, %get3A_524, %get3A_525] {strides = array<i32>} : memref<2x640x64xf32, #tpu.memory_space<vmem>>, vector<1x1x16xf32>,
        %get3A_527 = vector.shape_cast %get3A_526 : vector<1x1x16xf32> to vector<16xf32>
        %add3A_528 = arith.addf %add3A_515, %get3A_527 : vector<16xf32>
        %mul3A_529 = arith.mulf %get3A_527, %get3A_527 : vector<16xf32>
        %add3A_530 = arith.addf %add3A_517, %mul3A_529 : vector<16xf32>
        %max3A_531 = arith.maximumf %max3A_518, %get3A_527 : vector<16xf32>
        %min3A_532 = arith.minimumf %min3A_519, %get3A_527 : vector<16xf32>
        %add3A_533 = arith.constant 19 : i32
        %add3A_534 = arith.addi %mul3A_294, %add3A_533 : i32
        %get3A_535 = arith.constant 0 : i32
        %get3A_536 = arith.index_cast %get3A_535 : i32 to index
        %get3A_537 = arith.index_cast %add3A_534 : i32 to index
        %get3A_538 = arith.constant 0 : index
        %get3A_539 = tpu.vector_load %arg9[%get3A_536, %get3A_537, %get3A_538] {strides = array<i32>} : memref<2x640x64xf32, #tpu.memory_space<vmem>>, vector<1x1x16xf32>,
        %get3A_540 = vector.shape_cast %get3A_539 : vector<1x1x16xf32> to vector<16xf32>
        %add3A_541 = arith.addf %add3A_528, %get3A_540 : vector<16xf32>
        %mul3A_542 = arith.mulf %get3A_540, %get3A_540 : vector<16xf32>
        %add3A_543 = arith.addf %add3A_530, %mul3A_542 : vector<16xf32>
        %max3A_544 = arith.maximumf %max3A_531, %get3A_540 : vector<16xf32>
        %min3A_545 = arith.minimumf %min3A_532, %get3A_540 : vector<16xf32>
        %swap3A = arith.index_cast %scan3A_292 : i32 to index
        %swap3A_546 = arith.constant 0 : index
        %swap3A_547 = tpu.vector_load %arg10[%swap3A, %swap3A_546] {strides = array<i32>} : memref<32x64xf32, #tpu.memory_space<vmem>>, vector<1x16xf32>,
        %swap3A_548 = vector.shape_cast %swap3A_547 : vector<1x16xf32> to vector<16xf32>
        %swap3A_549 = vector.shape_cast %add3A_541 : vector<16xf32> to vector<1x16xf32>
        tpu.vector_store %arg10[%swap3A, %swap3A_546], %swap3A_549 {strides = array<i32>} : memref<32x64xf32, #tpu.memory_space<vmem>>, vector<1x16xf32>,
        %swap3A_550 = arith.index_cast %scan3A_292 : i32 to index
        %swap3A_551 = arith.constant 0 : index
        %swap3A_552 = tpu.vector_load %arg11[%swap3A_550, %swap3A_551] {strides = array<i32>} : memref<32x64xf32, #tpu.memory_space<vmem>>, vector<1x16xf32>,
        %swap3A_553 = vector.shape_cast %swap3A_552 : vector<1x16xf32> to vector<16xf32>
        %swap3A_554 = vector.shape_cast %add3A_543 : vector<16xf32> to vector<1x16xf32>
        tpu.vector_store %arg11[%swap3A_550, %swap3A_551], %swap3A_554 {strides = array<i32>} : memref<32x64xf32, #tpu.memory_space<vmem>>, vector<1x16xf32>,
        %swap3A_555 = arith.index_cast %scan3A_292 : i32 to index
        %swap3A_556 = arith.constant 0 : index
        %swap3A_557 = tpu.vector_load %arg12[%swap3A_555, %swap3A_556] {strides = array<i32>} : memref<32x64xf32, #tpu.memory_space<vmem>>, vector<1x16xf32>,
        %swap3A_558 = vector.shape_cast %swap3A_557 : vector<1x16xf32> to vector<16xf32>
        %swap3A_559 = vector.shape_cast %max3A_544 : vector<16xf32> to vector<1x16xf32>
        tpu.vector_store %arg12[%swap3A_555, %swap3A_556], %swap3A_559 {strides = array<i32>} : memref<32x64xf32, #tpu.memory_space<vmem>>, vector<1x16xf32>,
        %swap3A_560 = arith.index_cast %scan3A_292 : i32 to index
        %swap3A_561 = arith.constant 0 : index
        %swap3A_562 = tpu.vector_load %arg13[%swap3A_560, %swap3A_561] {strides = array<i32>} : memref<32x64xf32, #tpu.memory_space<vmem>>, vector<1x16xf32>,
        %swap3A_563 = vector.shape_cast %swap3A_562 : vector<1x16xf32> to vector<16xf32>
        %swap3A_564 = vector.shape_cast %min3A_545 : vector<16xf32> to vector<1x16xf32>
        tpu.vector_store %arg13[%swap3A_560, %swap3A_561], %swap3A_564 {strides = array<i32>} : memref<32x64xf32, #tpu.memory_space<vmem>>, vector<1x16xf32>,
        %get3A_565 = arith.constant 0 : i32
        %get3A_566 = arith.index_cast %get3A_565 : i32 to index
        %get3A_567 = arith.index_cast %mul3A_294 : i32 to index
        %get3A_568 = arith.constant 16 : index
        %get3A_569 = tpu.vector_load %arg9[%get3A_566, %get3A_567, %get3A_568] {strides = array<i32>} : memref<2x640x64xf32, #tpu.memory_space<vmem>>, vector<1x1x16xf32>,
        %get3A_570 = vector.shape_cast %get3A_569 : vector<1x1x16xf32> to vector<16xf32>
        %mul3A_571 = arith.mulf %get3A_570, %get3A_570 : vector<16xf32>
        %add3A_572 = arith.constant 1 : i32
        %add3A_573 = arith.addi %mul3A_294, %add3A_572 : i32
        %get3A_574 = arith.constant 0 : i32
        %get3A_575 = arith.index_cast %get3A_574 : i32 to index
        %get3A_576 = arith.index_cast %add3A_573 : i32 to index
        %get3A_577 = arith.constant 16 : index
        %get3A_578 = tpu.vector_load %arg9[%get3A_575, %get3A_576, %get3A_577] {strides = array<i32>} : memref<2x640x64xf32, #tpu.memory_space<vmem>>, vector<1x1x16xf32>,
        %get3A_579 = vector.shape_cast %get3A_578 : vector<1x1x16xf32> to vector<16xf32>
        %add3A_580 = arith.addf %get3A_570, %get3A_579 : vector<16xf32>
        %mul3A_581 = arith.mulf %get3A_579, %get3A_579 : vector<16xf32>
        %add3A_582 = arith.addf %mul3A_571, %mul3A_581 : vector<16xf32>
        %max3A_583 = arith.maximumf %get3A_570, %get3A_579 : vector<16xf32>
        %min3A_584 = arith.minimumf %get3A_570, %get3A_579 : vector<16xf32>
        %add3A_585 = arith.constant 2 : i32
        %add3A_586 = arith.addi %mul3A_294, %add3A_585 : i32
        %get3A_587 = arith.constant 0 : i32
        %get3A_588 = arith.index_cast %get3A_587 : i32 to index
        %get3A_589 = arith.index_cast %add3A_586 : i32 to index
        %get3A_590 = arith.constant 16 : index
        %get3A_591 = tpu.vector_load %arg9[%get3A_588, %get3A_589, %get3A_590] {strides = array<i32>} : memref<2x640x64xf32, #tpu.memory_space<vmem>>, vector<1x1x16xf32>,
        %get3A_592 = vector.shape_cast %get3A_591 : vector<1x1x16xf32> to vector<16xf32>
        %add3A_593 = arith.addf %add3A_580, %get3A_592 : vector<16xf32>
        %mul3A_594 = arith.mulf %get3A_592, %get3A_592 : vector<16xf32>
        %add3A_595 = arith.addf %add3A_582, %mul3A_594 : vector<16xf32>
        %max3A_596 = arith.maximumf %max3A_583, %get3A_592 : vector<16xf32>
        %min3A_597 = arith.minimumf %min3A_584, %get3A_592 : vector<16xf32>
        %add3A_598 = arith.constant 3 : i32
        %add3A_599 = arith.addi %mul3A_294, %add3A_598 : i32
        %get3A_600 = arith.constant 0 : i32
        %get3A_601 = arith.index_cast %get3A_600 : i32 to index
        %get3A_602 = arith.index_cast %add3A_599 : i32 to index
        %get3A_603 = arith.constant 16 : index
        %get3A_604 = tpu.vector_load %arg9[%get3A_601, %get3A_602, %get3A_603] {strides = array<i32>} : memref<2x640x64xf32, #tpu.memory_space<vmem>>, vector<1x1x16xf32>,
        %get3A_605 = vector.shape_cast %get3A_604 : vector<1x1x16xf32> to vector<16xf32>
        %add3A_606 = arith.addf %add3A_593, %get3A_605 : vector<16xf32>
        %mul3A_607 = arith.mulf %get3A_605, %get3A_605 : vector<16xf32>
        %add3A_608 = arith.addf %add3A_595, %mul3A_607 : vector<16xf32>
        %max3A_609 = arith.maximumf %max3A_596, %get3A_605 : vector<16xf32>
        %min3A_610 = arith.minimumf %min3A_597, %get3A_605 : vector<16xf32>
        %add3A_611 = arith.constant 4 : i32
        %add3A_612 = arith.addi %mul3A_294, %add3A_611 : i32
        %get3A_613 = arith.constant 0 : i32
        %get3A_614 = arith.index_cast %get3A_613 : i32 to index
        %get3A_615 = arith.index_cast %add3A_612 : i32 to index
        %get3A_616 = arith.constant 16 : index
        %get3A_617 = tpu.vector_load %arg9[%get3A_614, %get3A_615, %get3A_616] {strides = array<i32>} : memref<2x640x64xf32, #tpu.memory_space<vmem>>, vector<1x1x16xf32>,
        %get3A_618 = vector.shape_cast %get3A_617 : vector<1x1x16xf32> to vector<16xf32>
        %add3A_619 = arith.addf %add3A_606, %get3A_618 : vector<16xf32>
        %mul3A_620 = arith.mulf %get3A_618, %get3A_618 : vector<16xf32>
        %add3A_621 = arith.addf %add3A_608, %mul3A_620 : vector<16xf32>
        %max3A_622 = arith.maximumf %max3A_609, %get3A_618 : vector<16xf32>
        %min3A_623 = arith.minimumf %min3A_610, %get3A_618 : vector<16xf32>
        %add3A_624 = arith.constant 5 : i32
        %add3A_625 = arith.addi %mul3A_294, %add3A_624 : i32
        %get3A_626 = arith.constant 0 : i32
        %get3A_627 = arith.index_cast %get3A_626 : i32 to index
        %get3A_628 = arith.index_cast %add3A_625 : i32 to index
        %get3A_629 = arith.constant 16 : index
        %get3A_630 = tpu.vector_load %arg9[%get3A_627, %get3A_628, %get3A_629] {strides = array<i32>} : memref<2x640x64xf32, #tpu.memory_space<vmem>>, vector<1x1x16xf32>,
        %get3A_631 = vector.shape_cast %get3A_630 : vector<1x1x16xf32> to vector<16xf32>
        %add3A_632 = arith.addf %add3A_619, %get3A_631 : vector<16xf32>
        %mul3A_633 = arith.mulf %get3A_631, %get3A_631 : vector<16xf32>
        %add3A_634 = arith.addf %add3A_621, %mul3A_633 : vector<16xf32>
        %max3A_635 = arith.maximumf %max3A_622, %get3A_631 : vector<16xf32>
        %min3A_636 = arith.minimumf %min3A_623, %get3A_631 : vector<16xf32>
        %add3A_637 = arith.constant 6 : i32
        %add3A_638 = arith.addi %mul3A_294, %add3A_637 : i32
        %get3A_639 = arith.constant 0 : i32
        %get3A_640 = arith.index_cast %get3A_639 : i32 to index
        %get3A_641 = arith.index_cast %add3A_638 : i32 to index
        %get3A_642 = arith.constant 16 : index
        %get3A_643 = tpu.vector_load %arg9[%get3A_640, %get3A_641, %get3A_642] {strides = array<i32>} : memref<2x640x64xf32, #tpu.memory_space<vmem>>, vector<1x1x16xf32>,
        %get3A_644 = vector.shape_cast %get3A_643 : vector<1x1x16xf32> to vector<16xf32>
        %add3A_645 = arith.addf %add3A_632, %get3A_644 : vector<16xf32>
        %mul3A_646 = arith.mulf %get3A_644, %get3A_644 : vector<16xf32>
        %add3A_647 = arith.addf %add3A_634, %mul3A_646 : vector<16xf32>
        %max3A_648 = arith.maximumf %max3A_635, %get3A_644 : vector<16xf32>
        %min3A_649 = arith.minimumf %min3A_636, %get3A_644 : vector<16xf32>
        %add3A_650 = arith.constant 7 : i32
        %add3A_651 = arith.addi %mul3A_294, %add3A_650 : i32
        %get3A_652 = arith.constant 0 : i32
        %get3A_653 = arith.index_cast %get3A_652 : i32 to index
        %get3A_654 = arith.index_cast %add3A_651 : i32 to index
        %get3A_655 = arith.constant 16 : index
        %get3A_656 = tpu.vector_load %arg9[%get3A_653, %get3A_654, %get3A_655] {strides = array<i32>} : memref<2x640x64xf32, #tpu.memory_space<vmem>>, vector<1x1x16xf32>,
        %get3A_657 = vector.shape_cast %get3A_656 : vector<1x1x16xf32> to vector<16xf32>
        %add3A_658 = arith.addf %add3A_645, %get3A_657 : vector<16xf32>
        %mul3A_659 = arith.mulf %get3A_657, %get3A_657 : vector<16xf32>
        %add3A_660 = arith.addf %add3A_647, %mul3A_659 : vector<16xf32>
        %max3A_661 = arith.maximumf %max3A_648, %get3A_657 : vector<16xf32>
        %min3A_662 = arith.minimumf %min3A_649, %get3A_657 : vector<16xf32>
        %add3A_663 = arith.constant 8 : i32
        %add3A_664 = arith.addi %mul3A_294, %add3A_663 : i32
        %get3A_665 = arith.constant 0 : i32
        %get3A_666 = arith.index_cast %get3A_665 : i32 to index
        %get3A_667 = arith.index_cast %add3A_664 : i32 to index
        %get3A_668 = arith.constant 16 : index
        %get3A_669 = tpu.vector_load %arg9[%get3A_666, %get3A_667, %get3A_668] {strides = array<i32>} : memref<2x640x64xf32, #tpu.memory_space<vmem>>, vector<1x1x16xf32>,
        %get3A_670 = vector.shape_cast %get3A_669 : vector<1x1x16xf32> to vector<16xf32>
        %add3A_671 = arith.addf %add3A_658, %get3A_670 : vector<16xf32>
        %mul3A_672 = arith.mulf %get3A_670, %get3A_670 : vector<16xf32>
        %add3A_673 = arith.addf %add3A_660, %mul3A_672 : vector<16xf32>
        %max3A_674 = arith.maximumf %max3A_661, %get3A_670 : vector<16xf32>
        %min3A_675 = arith.minimumf %min3A_662, %get3A_670 : vector<16xf32>
        %add3A_676 = arith.constant 9 : i32
        %add3A_677 = arith.addi %mul3A_294, %add3A_676 : i32
        %get3A_678 = arith.constant 0 : i32
        %get3A_679 = arith.index_cast %get3A_678 : i32 to index
        %get3A_680 = arith.index_cast %add3A_677 : i32 to index
        %get3A_681 = arith.constant 16 : index
        %get3A_682 = tpu.vector_load %arg9[%get3A_679, %get3A_680, %get3A_681] {strides = array<i32>} : memref<2x640x64xf32, #tpu.memory_space<vmem>>, vector<1x1x16xf32>,
        %get3A_683 = vector.shape_cast %get3A_682 : vector<1x1x16xf32> to vector<16xf32>
        %add3A_684 = arith.addf %add3A_671, %get3A_683 : vector<16xf32>
        %mul3A_685 = arith.mulf %get3A_683, %get3A_683 : vector<16xf32>
        %add3A_686 = arith.addf %add3A_673, %mul3A_685 : vector<16xf32>
        %max3A_687 = arith.maximumf %max3A_674, %get3A_683 : vector<16xf32>
        %min3A_688 = arith.minimumf %min3A_675, %get3A_683 : vector<16xf32>
        %add3A_689 = arith.constant 10 : i32
        %add3A_690 = arith.addi %mul3A_294, %add3A_689 : i32
        %get3A_691 = arith.constant 0 : i32
        %get3A_692 = arith.index_cast %get3A_691 : i32 to index
        %get3A_693 = arith.index_cast %add3A_690 : i32 to index
        %get3A_694 = arith.constant 16 : index
        %get3A_695 = tpu.vector_load %arg9[%get3A_692, %get3A_693, %get3A_694] {strides = array<i32>} : memref<2x640x64xf32, #tpu.memory_space<vmem>>, vector<1x1x16xf32>,
        %get3A_696 = vector.shape_cast %get3A_695 : vector<1x1x16xf32> to vector<16xf32>
        %add3A_697 = arith.addf %add3A_684, %get3A_696 : vector<16xf32>
        %mul3A_698 = arith.mulf %get3A_696, %get3A_696 : vector<16xf32>
        %add3A_699 = arith.addf %add3A_686, %mul3A_698 : vector<16xf32>
        %max3A_700 = arith.maximumf %max3A_687, %get3A_696 : vector<16xf32>
        %min3A_701 = arith.minimumf %min3A_688, %get3A_696 : vector<16xf32>
        %add3A_702 = arith.constant 11 : i32
        %add3A_703 = arith.addi %mul3A_294, %add3A_702 : i32
        %get3A_704 = arith.constant 0 : i32
        %get3A_705 = arith.index_cast %get3A_704 : i32 to index
        %get3A_706 = arith.index_cast %add3A_703 : i32 to index
        %get3A_707 = arith.constant 16 : index
        %get3A_708 = tpu.vector_load %arg9[%get3A_705, %get3A_706, %get3A_707] {strides = array<i32>} : memref<2x640x64xf32, #tpu.memory_space<vmem>>, vector<1x1x16xf32>,
        %get3A_709 = vector.shape_cast %get3A_708 : vector<1x1x16xf32> to vector<16xf32>
        %add3A_710 = arith.addf %add3A_697, %get3A_709 : vector<16xf32>
        %mul3A_711 = arith.mulf %get3A_709, %get3A_709 : vector<16xf32>
        %add3A_712 = arith.addf %add3A_699, %mul3A_711 : vector<16xf32>
        %max3A_713 = arith.maximumf %max3A_700, %get3A_709 : vector<16xf32>
        %min3A_714 = arith.minimumf %min3A_701, %get3A_709 : vector<16xf32>
        %add3A_715 = arith.constant 12 : i32
        %add3A_716 = arith.addi %mul3A_294, %add3A_715 : i32
        %get3A_717 = arith.constant 0 : i32
        %get3A_718 = arith.index_cast %get3A_717 : i32 to index
        %get3A_719 = arith.index_cast %add3A_716 : i32 to index
        %get3A_720 = arith.constant 16 : index
        %get3A_721 = tpu.vector_load %arg9[%get3A_718, %get3A_719, %get3A_720] {strides = array<i32>} : memref<2x640x64xf32, #tpu.memory_space<vmem>>, vector<1x1x16xf32>,
        %get3A_722 = vector.shape_cast %get3A_721 : vector<1x1x16xf32> to vector<16xf32>
        %add3A_723 = arith.addf %add3A_710, %get3A_722 : vector<16xf32>
        %mul3A_724 = arith.mulf %get3A_722, %get3A_722 : vector<16xf32>
        %add3A_725 = arith.addf %add3A_712, %mul3A_724 : vector<16xf32>
        %max3A_726 = arith.maximumf %max3A_713, %get3A_722 : vector<16xf32>
        %min3A_727 = arith.minimumf %min3A_714, %get3A_722 : vector<16xf32>
        %add3A_728 = arith.constant 13 : i32
        %add3A_729 = arith.addi %mul3A_294, %add3A_728 : i32
        %get3A_730 = arith.constant 0 : i32
        %get3A_731 = arith.index_cast %get3A_730 : i32 to index
        %get3A_732 = arith.index_cast %add3A_729 : i32 to index
        %get3A_733 = arith.constant 16 : index
        %get3A_734 = tpu.vector_load %arg9[%get3A_731, %get3A_732, %get3A_733] {strides = array<i32>} : memref<2x640x64xf32, #tpu.memory_space<vmem>>, vector<1x1x16xf32>,
        %get3A_735 = vector.shape_cast %get3A_734 : vector<1x1x16xf32> to vector<16xf32>
        %add3A_736 = arith.addf %add3A_723, %get3A_735 : vector<16xf32>
        %mul3A_737 = arith.mulf %get3A_735, %get3A_735 : vector<16xf32>
        %add3A_738 = arith.addf %add3A_725, %mul3A_737 : vector<16xf32>
        %max3A_739 = arith.maximumf %max3A_726, %get3A_735 : vector<16xf32>
        %min3A_740 = arith.minimumf %min3A_727, %get3A_735 : vector<16xf32>
        %add3A_741 = arith.constant 14 : i32
        %add3A_742 = arith.addi %mul3A_294, %add3A_741 : i32
        %get3A_743 = arith.constant 0 : i32
        %get3A_744 = arith.index_cast %get3A_743 : i32 to index
        %get3A_745 = arith.index_cast %add3A_742 : i32 to index
        %get3A_746 = arith.constant 16 : index
        %get3A_747 = tpu.vector_load %arg9[%get3A_744, %get3A_745, %get3A_746] {strides = array<i32>} : memref<2x640x64xf32, #tpu.memory_space<vmem>>, vector<1x1x16xf32>,
        %get3A_748 = vector.shape_cast %get3A_747 : vector<1x1x16xf32> to vector<16xf32>
        %add3A_749 = arith.addf %add3A_736, %get3A_748 : vector<16xf32>
        %mul3A_750 = arith.mulf %get3A_748, %get3A_748 : vector<16xf32>
        %add3A_751 = arith.addf %add3A_738, %mul3A_750 : vector<16xf32>
        %max3A_752 = arith.maximumf %max3A_739, %get3A_748 : vector<16xf32>
        %min3A_753 = arith.minimumf %min3A_740, %get3A_748 : vector<16xf32>
        %add3A_754 = arith.constant 15 : i32
        %add3A_755 = arith.addi %mul3A_294, %add3A_754 : i32
        %get3A_756 = arith.constant 0 : i32
        %get3A_757 = arith.index_cast %get3A_756 : i32 to index
        %get3A_758 = arith.index_cast %add3A_755 : i32 to index
        %get3A_759 = arith.constant 16 : index
        %get3A_760 = tpu.vector_load %arg9[%get3A_757, %get3A_758, %get3A_759] {strides = array<i32>} : memref<2x640x64xf32, #tpu.memory_space<vmem>>, vector<1x1x16xf32>,
        %get3A_761 = vector.shape_cast %get3A_760 : vector<1x1x16xf32> to vector<16xf32>
        %add3A_762 = arith.addf %add3A_749, %get3A_761 : vector<16xf32>
        %mul3A_763 = arith.mulf %get3A_761, %get3A_761 : vector<16xf32>
        %add3A_764 = arith.addf %add3A_751, %mul3A_763 : vector<16xf32>
        %max3A_765 = arith.maximumf %max3A_752, %get3A_761 : vector<16xf32>
        %min3A_766 = arith.minimumf %min3A_753, %get3A_761 : vector<16xf32>
        %add3A_767 = arith.constant 16 : i32
        %add3A_768 = arith.addi %mul3A_294, %add3A_767 : i32
        %get3A_769 = arith.constant 0 : i32
        %get3A_770 = arith.index_cast %get3A_769 : i32 to index
        %get3A_771 = arith.index_cast %add3A_768 : i32 to index
        %get3A_772 = arith.constant 16 : index
        %get3A_773 = tpu.vector_load %arg9[%get3A_770, %get3A_771, %get3A_772] {strides = array<i32>} : memref<2x640x64xf32, #tpu.memory_space<vmem>>, vector<1x1x16xf32>,
        %get3A_774 = vector.shape_cast %get3A_773 : vector<1x1x16xf32> to vector<16xf32>
        %add3A_775 = arith.addf %add3A_762, %get3A_774 : vector<16xf32>
        %mul3A_776 = arith.mulf %get3A_774, %get3A_774 : vector<16xf32>
        %add3A_777 = arith.addf %add3A_764, %mul3A_776 : vector<16xf32>
        %max3A_778 = arith.maximumf %max3A_765, %get3A_774 : vector<16xf32>
        %min3A_779 = arith.minimumf %min3A_766, %get3A_774 : vector<16xf32>
        %add3A_780 = arith.constant 17 : i32
        %add3A_781 = arith.addi %mul3A_294, %add3A_780 : i32
        %get3A_782 = arith.constant 0 : i32
        %get3A_783 = arith.index_cast %get3A_782 : i32 to index
        %get3A_784 = arith.index_cast %add3A_781 : i32 to index
        %get3A_785 = arith.constant 16 : index
        %get3A_786 = tpu.vector_load %arg9[%get3A_783, %get3A_784, %get3A_785] {strides = array<i32>} : memref<2x640x64xf32, #tpu.memory_space<vmem>>, vector<1x1x16xf32>,
        %get3A_787 = vector.shape_cast %get3A_786 : vector<1x1x16xf32> to vector<16xf32>
        %add3A_788 = arith.addf %add3A_775, %get3A_787 : vector<16xf32>
        %mul3A_789 = arith.mulf %get3A_787, %get3A_787 : vector<16xf32>
        %add3A_790 = arith.addf %add3A_777, %mul3A_789 : vector<16xf32>
        %max3A_791 = arith.maximumf %max3A_778, %get3A_787 : vector<16xf32>
        %min3A_792 = arith.minimumf %min3A_779, %get3A_787 : vector<16xf32>
        %add3A_793 = arith.constant 18 : i32
        %add3A_794 = arith.addi %mul3A_294, %add3A_793 : i32
        %get3A_795 = arith.constant 0 : i32
        %get3A_796 = arith.index_cast %get3A_795 : i32 to index
        %get3A_797 = arith.index_cast %add3A_794 : i32 to index
        %get3A_798 = arith.constant 16 : index
        %get3A_799 = tpu.vector_load %arg9[%get3A_796, %get3A_797, %get3A_798] {strides = array<i32>} : memref<2x640x64xf32, #tpu.memory_space<vmem>>, vector<1x1x16xf32>,
        %get3A_800 = vector.shape_cast %get3A_799 : vector<1x1x16xf32> to vector<16xf32>
        %add3A_801 = arith.addf %add3A_788, %get3A_800 : vector<16xf32>
        %mul3A_802 = arith.mulf %get3A_800, %get3A_800 : vector<16xf32>
        %add3A_803 = arith.addf %add3A_790, %mul3A_802 : vector<16xf32>
        %max3A_804 = arith.maximumf %max3A_791, %get3A_800 : vector<16xf32>
        %min3A_805 = arith.minimumf %min3A_792, %get3A_800 : vector<16xf32>
        %add3A_806 = arith.constant 19 : i32
        %add3A_807 = arith.addi %mul3A_294, %add3A_806 : i32
        %get3A_808 = arith.constant 0 : i32
        %get3A_809 = arith.index_cast %get3A_808 : i32 to index
        %get3A_810 = arith.index_cast %add3A_807 : i32 to index
        %get3A_811 = arith.constant 16 : index
        %get3A_812 = tpu.vector_load %arg9[%get3A_809, %get3A_810, %get3A_811] {strides = array<i32>} : memref<2x640x64xf32, #tpu.memory_space<vmem>>, vector<1x1x16xf32>,
        %get3A_813 = vector.shape_cast %get3A_812 : vector<1x1x16xf32> to vector<16xf32>
        %add3A_814 = arith.addf %add3A_801, %get3A_813 : vector<16xf32>
        %mul3A_815 = arith.mulf %get3A_813, %get3A_813 : vector<16xf32>
        %add3A_816 = arith.addf %add3A_803, %mul3A_815 : vector<16xf32>
        %max3A_817 = arith.maximumf %max3A_804, %get3A_813 : vector<16xf32>
        %min3A_818 = arith.minimumf %min3A_805, %get3A_813 : vector<16xf32>
        %swap3A_819 = arith.index_cast %scan3A_292 : i32 to index
        %swap3A_820 = arith.constant 16 : index
        %swap3A_821 = tpu.vector_load %arg10[%swap3A_819, %swap3A_820] {strides = array<i32>} : memref<32x64xf32, #tpu.memory_space<vmem>>, vector<1x16xf32>,
        %swap3A_822 = vector.shape_cast %swap3A_821 : vector<1x16xf32> to vector<16xf32>
        %swap3A_823 = vector.shape_cast %add3A_814 : vector<16xf32> to vector<1x16xf32>
        tpu.vector_store %arg10[%swap3A_819, %swap3A_820], %swap3A_823 {strides = array<i32>} : memref<32x64xf32, #tpu.memory_space<vmem>>, vector<1x16xf32>,
        %swap3A_824 = arith.index_cast %scan3A_292 : i32 to index
        %swap3A_825 = arith.constant 16 : index
        %swap3A_826 = tpu.vector_load %arg11[%swap3A_824, %swap3A_825] {strides = array<i32>} : memref<32x64xf32, #tpu.memory_space<vmem>>, vector<1x16xf32>,
        %swap3A_827 = vector.shape_cast %swap3A_826 : vector<1x16xf32> to vector<16xf32>
        %swap3A_828 = vector.shape_cast %add3A_816 : vector<16xf32> to vector<1x16xf32>
        tpu.vector_store %arg11[%swap3A_824, %swap3A_825], %swap3A_828 {strides = array<i32>} : memref<32x64xf32, #tpu.memory_space<vmem>>, vector<1x16xf32>,
        %swap3A_829 = arith.index_cast %scan3A_292 : i32 to index
        %swap3A_830 = arith.constant 16 : index
        %swap3A_831 = tpu.vector_load %arg12[%swap3A_829, %swap3A_830] {strides = array<i32>} : memref<32x64xf32, #tpu.memory_space<vmem>>, vector<1x16xf32>,
        %swap3A_832 = vector.shape_cast %swap3A_831 : vector<1x16xf32> to vector<16xf32>
        %swap3A_833 = vector.shape_cast %max3A_817 : vector<16xf32> to vector<1x16xf32>
        tpu.vector_store %arg12[%swap3A_829, %swap3A_830], %swap3A_833 {strides = array<i32>} : memref<32x64xf32, #tpu.memory_space<vmem>>, vector<1x16xf32>,
        %swap3A_834 = arith.index_cast %scan3A_292 : i32 to index
        %swap3A_835 = arith.constant 16 : index
        %swap3A_836 = tpu.vector_load %arg13[%swap3A_834, %swap3A_835] {strides = array<i32>} : memref<32x64xf32, #tpu.memory_space<vmem>>, vector<1x16xf32>,
        %swap3A_837 = vector.shape_cast %swap3A_836 : vector<1x16xf32> to vector<16xf32>
        %swap3A_838 = vector.shape_cast %min3A_818 : vector<16xf32> to vector<1x16xf32>
        tpu.vector_store %arg13[%swap3A_834, %swap3A_835], %swap3A_838 {strides = array<i32>} : memref<32x64xf32, #tpu.memory_space<vmem>>, vector<1x16xf32>,
        %get3A_839 = arith.constant 0 : i32
        %get3A_840 = arith.index_cast %get3A_839 : i32 to index
        %get3A_841 = arith.index_cast %mul3A_294 : i32 to index
        %get3A_842 = arith.constant 32 : index
        %get3A_843 = tpu.vector_load %arg9[%get3A_840, %get3A_841, %get3A_842] {strides = array<i32>} : memref<2x640x64xf32, #tpu.memory_space<vmem>>, vector<1x1x16xf32>,
        %get3A_844 = vector.shape_cast %get3A_843 : vector<1x1x16xf32> to vector<16xf32>
        %mul3A_845 = arith.mulf %get3A_844, %get3A_844 : vector<16xf32>
        %add3A_846 = arith.constant 1 : i32
        %add3A_847 = arith.addi %mul3A_294, %add3A_846 : i32
        %get3A_848 = arith.constant 0 : i32
        %get3A_849 = arith.index_cast %get3A_848 : i32 to index
        %get3A_850 = arith.index_cast %add3A_847 : i32 to index
        %get3A_851 = arith.constant 32 : index
        %get3A_852 = tpu.vector_load %arg9[%get3A_849, %get3A_850, %get3A_851] {strides = array<i32>} : memref<2x640x64xf32, #tpu.memory_space<vmem>>, vector<1x1x16xf32>,
        %get3A_853 = vector.shape_cast %get3A_852 : vector<1x1x16xf32> to vector<16xf32>
        %add3A_854 = arith.addf %get3A_844, %get3A_853 : vector<16xf32>
        %mul3A_855 = arith.mulf %get3A_853, %get3A_853 : vector<16xf32>
        %add3A_856 = arith.addf %mul3A_845, %mul3A_855 : vector<16xf32>
        %max3A_857 = arith.maximumf %get3A_844, %get3A_853 : vector<16xf32>
        %min3A_858 = arith.minimumf %get3A_844, %get3A_853 : vector<16xf32>
        %add3A_859 = arith.constant 2 : i32
        %add3A_860 = arith.addi %mul3A_294, %add3A_859 : i32
        %get3A_861 = arith.constant 0 : i32
        %get3A_862 = arith.index_cast %get3A_861 : i32 to index
        %get3A_863 = arith.index_cast %add3A_860 : i32 to index
        %get3A_864 = arith.constant 32 : index
        %get3A_865 = tpu.vector_load %arg9[%get3A_862, %get3A_863, %get3A_864] {strides = array<i32>} : memref<2x640x64xf32, #tpu.memory_space<vmem>>, vector<1x1x16xf32>,
        %get3A_866 = vector.shape_cast %get3A_865 : vector<1x1x16xf32> to vector<16xf32>
        %add3A_867 = arith.addf %add3A_854, %get3A_866 : vector<16xf32>
        %mul3A_868 = arith.mulf %get3A_866, %get3A_866 : vector<16xf32>
        %add3A_869 = arith.addf %add3A_856, %mul3A_868 : vector<16xf32>
        %max3A_870 = arith.maximumf %max3A_857, %get3A_866 : vector<16xf32>
        %min3A_871 = arith.minimumf %min3A_858, %get3A_866 : vector<16xf32>
        %add3A_872 = arith.constant 3 : i32
        %add3A_873 = arith.addi %mul3A_294, %add3A_872 : i32
        %get3A_874 = arith.constant 0 : i32
        %get3A_875 = arith.index_cast %get3A_874 : i32 to index
        %get3A_876 = arith.index_cast %add3A_873 : i32 to index
        %get3A_877 = arith.constant 32 : index
        %get3A_878 = tpu.vector_load %arg9[%get3A_875, %get3A_876, %get3A_877] {strides = array<i32>} : memref<2x640x64xf32, #tpu.memory_space<vmem>>, vector<1x1x16xf32>,
        %get3A_879 = vector.shape_cast %get3A_878 : vector<1x1x16xf32> to vector<16xf32>
        %add3A_880 = arith.addf %add3A_867, %get3A_879 : vector<16xf32>
        %mul3A_881 = arith.mulf %get3A_879, %get3A_879 : vector<16xf32>
        %add3A_882 = arith.addf %add3A_869, %mul3A_881 : vector<16xf32>
        %max3A_883 = arith.maximumf %max3A_870, %get3A_879 : vector<16xf32>
        %min3A_884 = arith.minimumf %min3A_871, %get3A_879 : vector<16xf32>
        %add3A_885 = arith.constant 4 : i32
        %add3A_886 = arith.addi %mul3A_294, %add3A_885 : i32
        %get3A_887 = arith.constant 0 : i32
        %get3A_888 = arith.index_cast %get3A_887 : i32 to index
        %get3A_889 = arith.index_cast %add3A_886 : i32 to index
        %get3A_890 = arith.constant 32 : index
        %get3A_891 = tpu.vector_load %arg9[%get3A_888, %get3A_889, %get3A_890] {strides = array<i32>} : memref<2x640x64xf32, #tpu.memory_space<vmem>>, vector<1x1x16xf32>,
        %get3A_892 = vector.shape_cast %get3A_891 : vector<1x1x16xf32> to vector<16xf32>
        %add3A_893 = arith.addf %add3A_880, %get3A_892 : vector<16xf32>
        %mul3A_894 = arith.mulf %get3A_892, %get3A_892 : vector<16xf32>
        %add3A_895 = arith.addf %add3A_882, %mul3A_894 : vector<16xf32>
        %max3A_896 = arith.maximumf %max3A_883, %get3A_892 : vector<16xf32>
        %min3A_897 = arith.minimumf %min3A_884, %get3A_892 : vector<16xf32>
        %add3A_898 = arith.constant 5 : i32
        %add3A_899 = arith.addi %mul3A_294, %add3A_898 : i32
        %get3A_900 = arith.constant 0 : i32
        %get3A_901 = arith.index_cast %get3A_900 : i32 to index
        %get3A_902 = arith.index_cast %add3A_899 : i32 to index
        %get3A_903 = arith.constant 32 : index
        %get3A_904 = tpu.vector_load %arg9[%get3A_901, %get3A_902, %get3A_903] {strides = array<i32>} : memref<2x640x64xf32, #tpu.memory_space<vmem>>, vector<1x1x16xf32>,
        %get3A_905 = vector.shape_cast %get3A_904 : vector<1x1x16xf32> to vector<16xf32>
        %add3A_906 = arith.addf %add3A_893, %get3A_905 : vector<16xf32>
        %mul3A_907 = arith.mulf %get3A_905, %get3A_905 : vector<16xf32>
        %add3A_908 = arith.addf %add3A_895, %mul3A_907 : vector<16xf32>
        %max3A_909 = arith.maximumf %max3A_896, %get3A_905 : vector<16xf32>
        %min3A_910 = arith.minimumf %min3A_897, %get3A_905 : vector<16xf32>
        %add3A_911 = arith.constant 6 : i32
        %add3A_912 = arith.addi %mul3A_294, %add3A_911 : i32
        %get3A_913 = arith.constant 0 : i32
        %get3A_914 = arith.index_cast %get3A_913 : i32 to index
        %get3A_915 = arith.index_cast %add3A_912 : i32 to index
        %get3A_916 = arith.constant 32 : index
        %get3A_917 = tpu.vector_load %arg9[%get3A_914, %get3A_915, %get3A_916] {strides = array<i32>} : memref<2x640x64xf32, #tpu.memory_space<vmem>>, vector<1x1x16xf32>,
        %get3A_918 = vector.shape_cast %get3A_917 : vector<1x1x16xf32> to vector<16xf32>
        %add3A_919 = arith.addf %add3A_906, %get3A_918 : vector<16xf32>
        %mul3A_920 = arith.mulf %get3A_918, %get3A_918 : vector<16xf32>
        %add3A_921 = arith.addf %add3A_908, %mul3A_920 : vector<16xf32>
        %max3A_922 = arith.maximumf %max3A_909, %get3A_918 : vector<16xf32>
        %min3A_923 = arith.minimumf %min3A_910, %get3A_918 : vector<16xf32>
        %add3A_924 = arith.constant 7 : i32
        %add3A_925 = arith.addi %mul3A_294, %add3A_924 : i32
        %get3A_926 = arith.constant 0 : i32
        %get3A_927 = arith.index_cast %get3A_926 : i32 to index
        %get3A_928 = arith.index_cast %add3A_925 : i32 to index
        %get3A_929 = arith.constant 32 : index
        %get3A_930 = tpu.vector_load %arg9[%get3A_927, %get3A_928, %get3A_929] {strides = array<i32>} : memref<2x640x64xf32, #tpu.memory_space<vmem>>, vector<1x1x16xf32>,
        %get3A_931 = vector.shape_cast %get3A_930 : vector<1x1x16xf32> to vector<16xf32>
        %add3A_932 = arith.addf %add3A_919, %get3A_931 : vector<16xf32>
        %mul3A_933 = arith.mulf %get3A_931, %get3A_931 : vector<16xf32>
        %add3A_934 = arith.addf %add3A_921, %mul3A_933 : vector<16xf32>
        %max3A_935 = arith.maximumf %max3A_922, %get3A_931 : vector<16xf32>
        %min3A_936 = arith.minimumf %min3A_923, %get3A_931 : vector<16xf32>
        %add3A_937 = arith.constant 8 : i32
        %add3A_938 = arith.addi %mul3A_294, %add3A_937 : i32
        %get3A_939 = arith.constant 0 : i32
        %get3A_940 = arith.index_cast %get3A_939 : i32 to index
        %get3A_941 = arith.index_cast %add3A_938 : i32 to index
        %get3A_942 = arith.constant 32 : index
        %get3A_943 = tpu.vector_load %arg9[%get3A_940, %get3A_941, %get3A_942] {strides = array<i32>} : memref<2x640x64xf32, #tpu.memory_space<vmem>>, vector<1x1x16xf32>,
        %get3A_944 = vector.shape_cast %get3A_943 : vector<1x1x16xf32> to vector<16xf32>
        %add3A_945 = arith.addf %add3A_932, %get3A_944 : vector<16xf32>
        %mul3A_946 = arith.mulf %get3A_944, %get3A_944 : vector<16xf32>
        %add3A_947 = arith.addf %add3A_934, %mul3A_946 : vector<16xf32>
        %max3A_948 = arith.maximumf %max3A_935, %get3A_944 : vector<16xf32>
        %min3A_949 = arith.minimumf %min3A_936, %get3A_944 : vector<16xf32>
        %add3A_950 = arith.constant 9 : i32
        %add3A_951 = arith.addi %mul3A_294, %add3A_950 : i32
        %get3A_952 = arith.constant 0 : i32
        %get3A_953 = arith.index_cast %get3A_952 : i32 to index
        %get3A_954 = arith.index_cast %add3A_951 : i32 to index
        %get3A_955 = arith.constant 32 : index
        %get3A_956 = tpu.vector_load %arg9[%get3A_953, %get3A_954, %get3A_955] {strides = array<i32>} : memref<2x640x64xf32, #tpu.memory_space<vmem>>, vector<1x1x16xf32>,
        %get3A_957 = vector.shape_cast %get3A_956 : vector<1x1x16xf32> to vector<16xf32>
        %add3A_958 = arith.addf %add3A_945, %get3A_957 : vector<16xf32>
        %mul3A_959 = arith.mulf %get3A_957, %get3A_957 : vector<16xf32>
        %add3A_960 = arith.addf %add3A_947, %mul3A_959 : vector<16xf32>
        %max3A_961 = arith.maximumf %max3A_948, %get3A_957 : vector<16xf32>
        %min3A_962 = arith.minimumf %min3A_949, %get3A_957 : vector<16xf32>
        %add3A_963 = arith.constant 10 : i32
        %add3A_964 = arith.addi %mul3A_294, %add3A_963 : i32
        %get3A_965 = arith.constant 0 : i32
        %get3A_966 = arith.index_cast %get3A_965 : i32 to index
        %get3A_967 = arith.index_cast %add3A_964 : i32 to index
        %get3A_968 = arith.constant 32 : index
        %get3A_969 = tpu.vector_load %arg9[%get3A_966, %get3A_967, %get3A_968] {strides = array<i32>} : memref<2x640x64xf32, #tpu.memory_space<vmem>>, vector<1x1x16xf32>,
        %get3A_970 = vector.shape_cast %get3A_969 : vector<1x1x16xf32> to vector<16xf32>
        %add3A_971 = arith.addf %add3A_958, %get3A_970 : vector<16xf32>
        %mul3A_972 = arith.mulf %get3A_970, %get3A_970 : vector<16xf32>
        %add3A_973 = arith.addf %add3A_960, %mul3A_972 : vector<16xf32>
        %max3A_974 = arith.maximumf %max3A_961, %get3A_970 : vector<16xf32>
        %min3A_975 = arith.minimumf %min3A_962, %get3A_970 : vector<16xf32>
        %add3A_976 = arith.constant 11 : i32
        %add3A_977 = arith.addi %mul3A_294, %add3A_976 : i32
        %get3A_978 = arith.constant 0 : i32
        %get3A_979 = arith.index_cast %get3A_978 : i32 to index
        %get3A_980 = arith.index_cast %add3A_977 : i32 to index
        %get3A_981 = arith.constant 32 : index
        %get3A_982 = tpu.vector_load %arg9[%get3A_979, %get3A_980, %get3A_981] {strides = array<i32>} : memref<2x640x64xf32, #tpu.memory_space<vmem>>, vector<1x1x16xf32>,
        %get3A_983 = vector.shape_cast %get3A_982 : vector<1x1x16xf32> to vector<16xf32>
        %add3A_984 = arith.addf %add3A_971, %get3A_983 : vector<16xf32>
        %mul3A_985 = arith.mulf %get3A_983, %get3A_983 : vector<16xf32>
        %add3A_986 = arith.addf %add3A_973, %mul3A_985 : vector<16xf32>
        %max3A_987 = arith.maximumf %max3A_974, %get3A_983 : vector<16xf32>
        %min3A_988 = arith.minimumf %min3A_975, %get3A_983 : vector<16xf32>
        %add3A_989 = arith.constant 12 : i32
        %add3A_990 = arith.addi %mul3A_294, %add3A_989 : i32
        %get3A_991 = arith.constant 0 : i32
        %get3A_992 = arith.index_cast %get3A_991 : i32 to index
        %get3A_993 = arith.index_cast %add3A_990 : i32 to index
        %get3A_994 = arith.constant 32 : index
        %get3A_995 = tpu.vector_load %arg9[%get3A_992, %get3A_993, %get3A_994] {strides = array<i32>} : memref<2x640x64xf32, #tpu.memory_space<vmem>>, vector<1x1x16xf32>,
        %get3A_996 = vector.shape_cast %get3A_995 : vector<1x1x16xf32> to vector<16xf32>
        %add3A_997 = arith.addf %add3A_984, %get3A_996 : vector<16xf32>
        %mul3A_998 = arith.mulf %get3A_996, %get3A_996 : vector<16xf32>
        %add3A_999 = arith.addf %add3A_986, %mul3A_998 : vector<16xf32>
        %max3A_1000 = arith.maximumf %max3A_987, %get3A_996 : vector<16xf32>
        %min3A_1001 = arith.minimumf %min3A_988, %get3A_996 : vector<16xf32>
        %add3A_1002 = arith.constant 13 : i32
        %add3A_1003 = arith.addi %mul3A_294, %add3A_1002 : i32
        %get3A_1004 = arith.constant 0 : i32
        %get3A_1005 = arith.index_cast %get3A_1004 : i32 to index
        %get3A_1006 = arith.index_cast %add3A_1003 : i32 to index
        %get3A_1007 = arith.constant 32 : index
        %get3A_1008 = tpu.vector_load %arg9[%get3A_1005, %get3A_1006, %get3A_1007] {strides = array<i32>} : memref<2x640x64xf32, #tpu.memory_space<vmem>>, vector<1x1x16xf32>,
        %get3A_1009 = vector.shape_cast %get3A_1008 : vector<1x1x16xf32> to vector<16xf32>
        %add3A_1010 = arith.addf %add3A_997, %get3A_1009 : vector<16xf32>
        %mul3A_1011 = arith.mulf %get3A_1009, %get3A_1009 : vector<16xf32>
        %add3A_1012 = arith.addf %add3A_999, %mul3A_1011 : vector<16xf32>
        %max3A_1013 = arith.maximumf %max3A_1000, %get3A_1009 : vector<16xf32>
        %min3A_1014 = arith.minimumf %min3A_1001, %get3A_1009 : vector<16xf32>
        %add3A_1015 = arith.constant 14 : i32
        %add3A_1016 = arith.addi %mul3A_294, %add3A_1015 : i32
        %get3A_1017 = arith.constant 0 : i32
        %get3A_1018 = arith.index_cast %get3A_1017 : i32 to index
        %get3A_1019 = arith.index_cast %add3A_1016 : i32 to index
        %get3A_1020 = arith.constant 32 : index
        %get3A_1021 = tpu.vector_load %arg9[%get3A_1018, %get3A_1019, %get3A_1020] {strides = array<i32>} : memref<2x640x64xf32, #tpu.memory_space<vmem>>, vector<1x1x16xf32>,
        %get3A_1022 = vector.shape_cast %get3A_1021 : vector<1x1x16xf32> to vector<16xf32>
        %add3A_1023 = arith.addf %add3A_1010, %get3A_1022 : vector<16xf32>
        %mul3A_1024 = arith.mulf %get3A_1022, %get3A_1022 : vector<16xf32>
        %add3A_1025 = arith.addf %add3A_1012, %mul3A_1024 : vector<16xf32>
        %max3A_1026 = arith.maximumf %max3A_1013, %get3A_1022 : vector<16xf32>
        %min3A_1027 = arith.minimumf %min3A_1014, %get3A_1022 : vector<16xf32>
        %add3A_1028 = arith.constant 15 : i32
        %add3A_1029 = arith.addi %mul3A_294, %add3A_1028 : i32
        %get3A_1030 = arith.constant 0 : i32
        %get3A_1031 = arith.index_cast %get3A_1030 : i32 to index
        %get3A_1032 = arith.index_cast %add3A_1029 : i32 to index
        %get3A_1033 = arith.constant 32 : index
        %get3A_1034 = tpu.vector_load %arg9[%get3A_1031, %get3A_1032, %get3A_1033] {strides = array<i32>} : memref<2x640x64xf32, #tpu.memory_space<vmem>>, vector<1x1x16xf32>,
        %get3A_1035 = vector.shape_cast %get3A_1034 : vector<1x1x16xf32> to vector<16xf32>
        %add3A_1036 = arith.addf %add3A_1023, %get3A_1035 : vector<16xf32>
        %mul3A_1037 = arith.mulf %get3A_1035, %get3A_1035 : vector<16xf32>
        %add3A_1038 = arith.addf %add3A_1025, %mul3A_1037 : vector<16xf32>
        %max3A_1039 = arith.maximumf %max3A_1026, %get3A_1035 : vector<16xf32>
        %min3A_1040 = arith.minimumf %min3A_1027, %get3A_1035 : vector<16xf32>
        %add3A_1041 = arith.constant 16 : i32
        %add3A_1042 = arith.addi %mul3A_294, %add3A_1041 : i32
        %get3A_1043 = arith.constant 0 : i32
        %get3A_1044 = arith.index_cast %get3A_1043 : i32 to index
        %get3A_1045 = arith.index_cast %add3A_1042 : i32 to index
        %get3A_1046 = arith.constant 32 : index
        %get3A_1047 = tpu.vector_load %arg9[%get3A_1044, %get3A_1045, %get3A_1046] {strides = array<i32>} : memref<2x640x64xf32, #tpu.memory_space<vmem>>, vector<1x1x16xf32>,
        %get3A_1048 = vector.shape_cast %get3A_1047 : vector<1x1x16xf32> to vector<16xf32>
        %add3A_1049 = arith.addf %add3A_1036, %get3A_1048 : vector<16xf32>
        %mul3A_1050 = arith.mulf %get3A_1048, %get3A_1048 : vector<16xf32>
        %add3A_1051 = arith.addf %add3A_1038, %mul3A_1050 : vector<16xf32>
        %max3A_1052 = arith.maximumf %max3A_1039, %get3A_1048 : vector<16xf32>
        %min3A_1053 = arith.minimumf %min3A_1040, %get3A_1048 : vector<16xf32>
        %add3A_1054 = arith.constant 17 : i32
        %add3A_1055 = arith.addi %mul3A_294, %add3A_1054 : i32
        %get3A_1056 = arith.constant 0 : i32
        %get3A_1057 = arith.index_cast %get3A_1056 : i32 to index
        %get3A_1058 = arith.index_cast %add3A_1055 : i32 to index
        %get3A_1059 = arith.constant 32 : index
        %get3A_1060 = tpu.vector_load %arg9[%get3A_1057, %get3A_1058, %get3A_1059] {strides = array<i32>} : memref<2x640x64xf32, #tpu.memory_space<vmem>>, vector<1x1x16xf32>,
        %get3A_1061 = vector.shape_cast %get3A_1060 : vector<1x1x16xf32> to vector<16xf32>
        %add3A_1062 = arith.addf %add3A_1049, %get3A_1061 : vector<16xf32>
        %mul3A_1063 = arith.mulf %get3A_1061, %get3A_1061 : vector<16xf32>
        %add3A_1064 = arith.addf %add3A_1051, %mul3A_1063 : vector<16xf32>
        %max3A_1065 = arith.maximumf %max3A_1052, %get3A_1061 : vector<16xf32>
        %min3A_1066 = arith.minimumf %min3A_1053, %get3A_1061 : vector<16xf32>
        %add3A_1067 = arith.constant 18 : i32
        %add3A_1068 = arith.addi %mul3A_294, %add3A_1067 : i32
        %get3A_1069 = arith.constant 0 : i32
        %get3A_1070 = arith.index_cast %get3A_1069 : i32 to index
        %get3A_1071 = arith.index_cast %add3A_1068 : i32 to index
        %get3A_1072 = arith.constant 32 : index
        %get3A_1073 = tpu.vector_load %arg9[%get3A_1070, %get3A_1071, %get3A_1072] {strides = array<i32>} : memref<2x640x64xf32, #tpu.memory_space<vmem>>, vector<1x1x16xf32>,
        %get3A_1074 = vector.shape_cast %get3A_1073 : vector<1x1x16xf32> to vector<16xf32>
        %add3A_1075 = arith.addf %add3A_1062, %get3A_1074 : vector<16xf32>
        %mul3A_1076 = arith.mulf %get3A_1074, %get3A_1074 : vector<16xf32>
        %add3A_1077 = arith.addf %add3A_1064, %mul3A_1076 : vector<16xf32>
        %max3A_1078 = arith.maximumf %max3A_1065, %get3A_1074 : vector<16xf32>
        %min3A_1079 = arith.minimumf %min3A_1066, %get3A_1074 : vector<16xf32>
        %add3A_1080 = arith.constant 19 : i32
        %add3A_1081 = arith.addi %mul3A_294, %add3A_1080 : i32
        %get3A_1082 = arith.constant 0 : i32
        %get3A_1083 = arith.index_cast %get3A_1082 : i32 to index
        %get3A_1084 = arith.index_cast %add3A_1081 : i32 to index
        %get3A_1085 = arith.constant 32 : index
        %get3A_1086 = tpu.vector_load %arg9[%get3A_1083, %get3A_1084, %get3A_1085] {strides = array<i32>} : memref<2x640x64xf32, #tpu.memory_space<vmem>>, vector<1x1x16xf32>,
        %get3A_1087 = vector.shape_cast %get3A_1086 : vector<1x1x16xf32> to vector<16xf32>
        %add3A_1088 = arith.addf %add3A_1075, %get3A_1087 : vector<16xf32>
        %mul3A_1089 = arith.mulf %get3A_1087, %get3A_1087 : vector<16xf32>
        %add3A_1090 = arith.addf %add3A_1077, %mul3A_1089 : vector<16xf32>
        %max3A_1091 = arith.maximumf %max3A_1078, %get3A_1087 : vector<16xf32>
        %min3A_1092 = arith.minimumf %min3A_1079, %get3A_1087 : vector<16xf32>
        %swap3A_1093 = arith.index_cast %scan3A_292 : i32 to index
        %swap3A_1094 = arith.constant 32 : index
        %swap3A_1095 = tpu.vector_load %arg10[%swap3A_1093, %swap3A_1094] {strides = array<i32>} : memref<32x64xf32, #tpu.memory_space<vmem>>, vector<1x16xf32>,
        %swap3A_1096 = vector.shape_cast %swap3A_1095 : vector<1x16xf32> to vector<16xf32>
        %swap3A_1097 = vector.shape_cast %add3A_1088 : vector<16xf32> to vector<1x16xf32>
        tpu.vector_store %arg10[%swap3A_1093, %swap3A_1094], %swap3A_1097 {strides = array<i32>} : memref<32x64xf32, #tpu.memory_space<vmem>>, vector<1x16xf32>,
        %swap3A_1098 = arith.index_cast %scan3A_292 : i32 to index
        %swap3A_1099 = arith.constant 32 : index
        %swap3A_1100 = tpu.vector_load %arg11[%swap3A_1098, %swap3A_1099] {strides = array<i32>} : memref<32x64xf32, #tpu.memory_space<vmem>>, vector<1x16xf32>,
        %swap3A_1101 = vector.shape_cast %swap3A_1100 : vector<1x16xf32> to vector<16xf32>
        %swap3A_1102 = vector.shape_cast %add3A_1090 : vector<16xf32> to vector<1x16xf32>
        tpu.vector_store %arg11[%swap3A_1098, %swap3A_1099], %swap3A_1102 {strides = array<i32>} : memref<32x64xf32, #tpu.memory_space<vmem>>, vector<1x16xf32>,
        %swap3A_1103 = arith.index_cast %scan3A_292 : i32 to index
        %swap3A_1104 = arith.constant 32 : index
        %swap3A_1105 = tpu.vector_load %arg12[%swap3A_1103, %swap3A_1104] {strides = array<i32>} : memref<32x64xf32, #tpu.memory_space<vmem>>, vector<1x16xf32>,
        %swap3A_1106 = vector.shape_cast %swap3A_1105 : vector<1x16xf32> to vector<16xf32>
        %swap3A_1107 = vector.shape_cast %max3A_1091 : vector<16xf32> to vector<1x16xf32>
        tpu.vector_store %arg12[%swap3A_1103, %swap3A_1104], %swap3A_1107 {strides = array<i32>} : memref<32x64xf32, #tpu.memory_space<vmem>>, vector<1x16xf32>,
        %swap3A_1108 = arith.index_cast %scan3A_292 : i32 to index
        %swap3A_1109 = arith.constant 32 : index
        %swap3A_1110 = tpu.vector_load %arg13[%swap3A_1108, %swap3A_1109] {strides = array<i32>} : memref<32x64xf32, #tpu.memory_space<vmem>>, vector<1x16xf32>,
        %swap3A_1111 = vector.shape_cast %swap3A_1110 : vector<1x16xf32> to vector<16xf32>
        %swap3A_1112 = vector.shape_cast %min3A_1092 : vector<16xf32> to vector<1x16xf32>
        tpu.vector_store %arg13[%swap3A_1108, %swap3A_1109], %swap3A_1112 {strides = array<i32>} : memref<32x64xf32, #tpu.memory_space<vmem>>, vector<1x16xf32>,
        %get3A_1113 = arith.constant 0 : i32
        %get3A_1114 = arith.index_cast %get3A_1113 : i32 to index
        %get3A_1115 = arith.index_cast %mul3A_294 : i32 to index
        %get3A_1116 = arith.constant 48 : index
        %get3A_1117 = tpu.vector_load %arg9[%get3A_1114, %get3A_1115, %get3A_1116] {strides = array<i32>} : memref<2x640x64xf32, #tpu.memory_space<vmem>>, vector<1x1x16xf32>,
        %get3A_1118 = vector.shape_cast %get3A_1117 : vector<1x1x16xf32> to vector<16xf32>
        %mul3A_1119 = arith.mulf %get3A_1118, %get3A_1118 : vector<16xf32>
        %add3A_1120 = arith.constant 1 : i32
        %add3A_1121 = arith.addi %mul3A_294, %add3A_1120 : i32
        %get3A_1122 = arith.constant 0 : i32
        %get3A_1123 = arith.index_cast %get3A_1122 : i32 to index
        %get3A_1124 = arith.index_cast %add3A_1121 : i32 to index
        %get3A_1125 = arith.constant 48 : index
        %get3A_1126 = tpu.vector_load %arg9[%get3A_1123, %get3A_1124, %get3A_1125] {strides = array<i32>} : memref<2x640x64xf32, #tpu.memory_space<vmem>>, vector<1x1x16xf32>,
        %get3A_1127 = vector.shape_cast %get3A_1126 : vector<1x1x16xf32> to vector<16xf32>
        %add3A_1128 = arith.addf %get3A_1118, %get3A_1127 : vector<16xf32>
        %mul3A_1129 = arith.mulf %get3A_1127, %get3A_1127 : vector<16xf32>
        %add3A_1130 = arith.addf %mul3A_1119, %mul3A_1129 : vector<16xf32>
        %max3A_1131 = arith.maximumf %get3A_1118, %get3A_1127 : vector<16xf32>
        %min3A_1132 = arith.minimumf %get3A_1118, %get3A_1127 : vector<16xf32>
        %add3A_1133 = arith.constant 2 : i32
        %add3A_1134 = arith.addi %mul3A_294, %add3A_1133 : i32
        %get3A_1135 = arith.constant 0 : i32
        %get3A_1136 = arith.index_cast %get3A_1135 : i32 to index
        %get3A_1137 = arith.index_cast %add3A_1134 : i32 to index
        %get3A_1138 = arith.constant 48 : index
        %get3A_1139 = tpu.vector_load %arg9[%get3A_1136, %get3A_1137, %get3A_1138] {strides = array<i32>} : memref<2x640x64xf32, #tpu.memory_space<vmem>>, vector<1x1x16xf32>,
        %get3A_1140 = vector.shape_cast %get3A_1139 : vector<1x1x16xf32> to vector<16xf32>
        %add3A_1141 = arith.addf %add3A_1128, %get3A_1140 : vector<16xf32>
        %mul3A_1142 = arith.mulf %get3A_1140, %get3A_1140 : vector<16xf32>
        %add3A_1143 = arith.addf %add3A_1130, %mul3A_1142 : vector<16xf32>
        %max3A_1144 = arith.maximumf %max3A_1131, %get3A_1140 : vector<16xf32>
        %min3A_1145 = arith.minimumf %min3A_1132, %get3A_1140 : vector<16xf32>
        %add3A_1146 = arith.constant 3 : i32
        %add3A_1147 = arith.addi %mul3A_294, %add3A_1146 : i32
        %get3A_1148 = arith.constant 0 : i32
        %get3A_1149 = arith.index_cast %get3A_1148 : i32 to index
        %get3A_1150 = arith.index_cast %add3A_1147 : i32 to index
        %get3A_1151 = arith.constant 48 : index
        %get3A_1152 = tpu.vector_load %arg9[%get3A_1149, %get3A_1150, %get3A_1151] {strides = array<i32>} : memref<2x640x64xf32, #tpu.memory_space<vmem>>, vector<1x1x16xf32>,
        %get3A_1153 = vector.shape_cast %get3A_1152 : vector<1x1x16xf32> to vector<16xf32>
        %add3A_1154 = arith.addf %add3A_1141, %get3A_1153 : vector<16xf32>
        %mul3A_1155 = arith.mulf %get3A_1153, %get3A_1153 : vector<16xf32>
        %add3A_1156 = arith.addf %add3A_1143, %mul3A_1155 : vector<16xf32>
        %max3A_1157 = arith.maximumf %max3A_1144, %get3A_1153 : vector<16xf32>
        %min3A_1158 = arith.minimumf %min3A_1145, %get3A_1153 : vector<16xf32>
        %add3A_1159 = arith.constant 4 : i32
        %add3A_1160 = arith.addi %mul3A_294, %add3A_1159 : i32
        %get3A_1161 = arith.constant 0 : i32
        %get3A_1162 = arith.index_cast %get3A_1161 : i32 to index
        %get3A_1163 = arith.index_cast %add3A_1160 : i32 to index
        %get3A_1164 = arith.constant 48 : index
        %get3A_1165 = tpu.vector_load %arg9[%get3A_1162, %get3A_1163, %get3A_1164] {strides = array<i32>} : memref<2x640x64xf32, #tpu.memory_space<vmem>>, vector<1x1x16xf32>,
        %get3A_1166 = vector.shape_cast %get3A_1165 : vector<1x1x16xf32> to vector<16xf32>
        %add3A_1167 = arith.addf %add3A_1154, %get3A_1166 : vector<16xf32>
        %mul3A_1168 = arith.mulf %get3A_1166, %get3A_1166 : vector<16xf32>
        %add3A_1169 = arith.addf %add3A_1156, %mul3A_1168 : vector<16xf32>
        %max3A_1170 = arith.maximumf %max3A_1157, %get3A_1166 : vector<16xf32>
        %min3A_1171 = arith.minimumf %min3A_1158, %get3A_1166 : vector<16xf32>
        %add3A_1172 = arith.constant 5 : i32
        %add3A_1173 = arith.addi %mul3A_294, %add3A_1172 : i32
        %get3A_1174 = arith.constant 0 : i32
        %get3A_1175 = arith.index_cast %get3A_1174 : i32 to index
        %get3A_1176 = arith.index_cast %add3A_1173 : i32 to index
        %get3A_1177 = arith.constant 48 : index
        %get3A_1178 = tpu.vector_load %arg9[%get3A_1175, %get3A_1176, %get3A_1177] {strides = array<i32>} : memref<2x640x64xf32, #tpu.memory_space<vmem>>, vector<1x1x16xf32>,
        %get3A_1179 = vector.shape_cast %get3A_1178 : vector<1x1x16xf32> to vector<16xf32>
        %add3A_1180 = arith.addf %add3A_1167, %get3A_1179 : vector<16xf32>
        %mul3A_1181 = arith.mulf %get3A_1179, %get3A_1179 : vector<16xf32>
        %add3A_1182 = arith.addf %add3A_1169, %mul3A_1181 : vector<16xf32>
        %max3A_1183 = arith.maximumf %max3A_1170, %get3A_1179 : vector<16xf32>
        %min3A_1184 = arith.minimumf %min3A_1171, %get3A_1179 : vector<16xf32>
        %add3A_1185 = arith.constant 6 : i32
        %add3A_1186 = arith.addi %mul3A_294, %add3A_1185 : i32
        %get3A_1187 = arith.constant 0 : i32
        %get3A_1188 = arith.index_cast %get3A_1187 : i32 to index
        %get3A_1189 = arith.index_cast %add3A_1186 : i32 to index
        %get3A_1190 = arith.constant 48 : index
        %get3A_1191 = tpu.vector_load %arg9[%get3A_1188, %get3A_1189, %get3A_1190] {strides = array<i32>} : memref<2x640x64xf32, #tpu.memory_space<vmem>>, vector<1x1x16xf32>,
        %get3A_1192 = vector.shape_cast %get3A_1191 : vector<1x1x16xf32> to vector<16xf32>
        %add3A_1193 = arith.addf %add3A_1180, %get3A_1192 : vector<16xf32>
        %mul3A_1194 = arith.mulf %get3A_1192, %get3A_1192 : vector<16xf32>
        %add3A_1195 = arith.addf %add3A_1182, %mul3A_1194 : vector<16xf32>
        %max3A_1196 = arith.maximumf %max3A_1183, %get3A_1192 : vector<16xf32>
        %min3A_1197 = arith.minimumf %min3A_1184, %get3A_1192 : vector<16xf32>
        %add3A_1198 = arith.constant 7 : i32
        %add3A_1199 = arith.addi %mul3A_294, %add3A_1198 : i32
        %get3A_1200 = arith.constant 0 : i32
        %get3A_1201 = arith.index_cast %get3A_1200 : i32 to index
        %get3A_1202 = arith.index_cast %add3A_1199 : i32 to index
        %get3A_1203 = arith.constant 48 : index
        %get3A_1204 = tpu.vector_load %arg9[%get3A_1201, %get3A_1202, %get3A_1203] {strides = array<i32>} : memref<2x640x64xf32, #tpu.memory_space<vmem>>, vector<1x1x16xf32>,
        %get3A_1205 = vector.shape_cast %get3A_1204 : vector<1x1x16xf32> to vector<16xf32>
        %add3A_1206 = arith.addf %add3A_1193, %get3A_1205 : vector<16xf32>
        %mul3A_1207 = arith.mulf %get3A_1205, %get3A_1205 : vector<16xf32>
        %add3A_1208 = arith.addf %add3A_1195, %mul3A_1207 : vector<16xf32>
        %max3A_1209 = arith.maximumf %max3A_1196, %get3A_1205 : vector<16xf32>
        %min3A_1210 = arith.minimumf %min3A_1197, %get3A_1205 : vector<16xf32>
        %add3A_1211 = arith.constant 8 : i32
        %add3A_1212 = arith.addi %mul3A_294, %add3A_1211 : i32
        %get3A_1213 = arith.constant 0 : i32
        %get3A_1214 = arith.index_cast %get3A_1213 : i32 to index
        %get3A_1215 = arith.index_cast %add3A_1212 : i32 to index
        %get3A_1216 = arith.constant 48 : index
        %get3A_1217 = tpu.vector_load %arg9[%get3A_1214, %get3A_1215, %get3A_1216] {strides = array<i32>} : memref<2x640x64xf32, #tpu.memory_space<vmem>>, vector<1x1x16xf32>,
        %get3A_1218 = vector.shape_cast %get3A_1217 : vector<1x1x16xf32> to vector<16xf32>
        %add3A_1219 = arith.addf %add3A_1206, %get3A_1218 : vector<16xf32>
        %mul3A_1220 = arith.mulf %get3A_1218, %get3A_1218 : vector<16xf32>
        %add3A_1221 = arith.addf %add3A_1208, %mul3A_1220 : vector<16xf32>
        %max3A_1222 = arith.maximumf %max3A_1209, %get3A_1218 : vector<16xf32>
        %min3A_1223 = arith.minimumf %min3A_1210, %get3A_1218 : vector<16xf32>
        %add3A_1224 = arith.constant 9 : i32
        %add3A_1225 = arith.addi %mul3A_294, %add3A_1224 : i32
        %get3A_1226 = arith.constant 0 : i32
        %get3A_1227 = arith.index_cast %get3A_1226 : i32 to index
        %get3A_1228 = arith.index_cast %add3A_1225 : i32 to index
        %get3A_1229 = arith.constant 48 : index
        %get3A_1230 = tpu.vector_load %arg9[%get3A_1227, %get3A_1228, %get3A_1229] {strides = array<i32>} : memref<2x640x64xf32, #tpu.memory_space<vmem>>, vector<1x1x16xf32>,
        %get3A_1231 = vector.shape_cast %get3A_1230 : vector<1x1x16xf32> to vector<16xf32>
        %add3A_1232 = arith.addf %add3A_1219, %get3A_1231 : vector<16xf32>
        %mul3A_1233 = arith.mulf %get3A_1231, %get3A_1231 : vector<16xf32>
        %add3A_1234 = arith.addf %add3A_1221, %mul3A_1233 : vector<16xf32>
        %max3A_1235 = arith.maximumf %max3A_1222, %get3A_1231 : vector<16xf32>
        %min3A_1236 = arith.minimumf %min3A_1223, %get3A_1231 : vector<16xf32>
        %add3A_1237 = arith.constant 10 : i32
        %add3A_1238 = arith.addi %mul3A_294, %add3A_1237 : i32
        %get3A_1239 = arith.constant 0 : i32
        %get3A_1240 = arith.index_cast %get3A_1239 : i32 to index
        %get3A_1241 = arith.index_cast %add3A_1238 : i32 to index
        %get3A_1242 = arith.constant 48 : index
        %get3A_1243 = tpu.vector_load %arg9[%get3A_1240, %get3A_1241, %get3A_1242] {strides = array<i32>} : memref<2x640x64xf32, #tpu.memory_space<vmem>>, vector<1x1x16xf32>,
        %get3A_1244 = vector.shape_cast %get3A_1243 : vector<1x1x16xf32> to vector<16xf32>
        %add3A_1245 = arith.addf %add3A_1232, %get3A_1244 : vector<16xf32>
        %mul3A_1246 = arith.mulf %get3A_1244, %get3A_1244 : vector<16xf32>
        %add3A_1247 = arith.addf %add3A_1234, %mul3A_1246 : vector<16xf32>
        %max3A_1248 = arith.maximumf %max3A_1235, %get3A_1244 : vector<16xf32>
        %min3A_1249 = arith.minimumf %min3A_1236, %get3A_1244 : vector<16xf32>
        %add3A_1250 = arith.constant 11 : i32
        %add3A_1251 = arith.addi %mul3A_294, %add3A_1250 : i32
        %get3A_1252 = arith.constant 0 : i32
        %get3A_1253 = arith.index_cast %get3A_1252 : i32 to index
        %get3A_1254 = arith.index_cast %add3A_1251 : i32 to index
        %get3A_1255 = arith.constant 48 : index
        %get3A_1256 = tpu.vector_load %arg9[%get3A_1253, %get3A_1254, %get3A_1255] {strides = array<i32>} : memref<2x640x64xf32, #tpu.memory_space<vmem>>, vector<1x1x16xf32>,
        %get3A_1257 = vector.shape_cast %get3A_1256 : vector<1x1x16xf32> to vector<16xf32>
        %add3A_1258 = arith.addf %add3A_1245, %get3A_1257 : vector<16xf32>
        %mul3A_1259 = arith.mulf %get3A_1257, %get3A_1257 : vector<16xf32>
        %add3A_1260 = arith.addf %add3A_1247, %mul3A_1259 : vector<16xf32>
        %max3A_1261 = arith.maximumf %max3A_1248, %get3A_1257 : vector<16xf32>
        %min3A_1262 = arith.minimumf %min3A_1249, %get3A_1257 : vector<16xf32>
        %add3A_1263 = arith.constant 12 : i32
        %add3A_1264 = arith.addi %mul3A_294, %add3A_1263 : i32
        %get3A_1265 = arith.constant 0 : i32
        %get3A_1266 = arith.index_cast %get3A_1265 : i32 to index
        %get3A_1267 = arith.index_cast %add3A_1264 : i32 to index
        %get3A_1268 = arith.constant 48 : index
        %get3A_1269 = tpu.vector_load %arg9[%get3A_1266, %get3A_1267, %get3A_1268] {strides = array<i32>} : memref<2x640x64xf32, #tpu.memory_space<vmem>>, vector<1x1x16xf32>,
        %get3A_1270 = vector.shape_cast %get3A_1269 : vector<1x1x16xf32> to vector<16xf32>
        %add3A_1271 = arith.addf %add3A_1258, %get3A_1270 : vector<16xf32>
        %mul3A_1272 = arith.mulf %get3A_1270, %get3A_1270 : vector<16xf32>
        %add3A_1273 = arith.addf %add3A_1260, %mul3A_1272 : vector<16xf32>
        %max3A_1274 = arith.maximumf %max3A_1261, %get3A_1270 : vector<16xf32>
        %min3A_1275 = arith.minimumf %min3A_1262, %get3A_1270 : vector<16xf32>
        %add3A_1276 = arith.constant 13 : i32
        %add3A_1277 = arith.addi %mul3A_294, %add3A_1276 : i32
        %get3A_1278 = arith.constant 0 : i32
        %get3A_1279 = arith.index_cast %get3A_1278 : i32 to index
        %get3A_1280 = arith.index_cast %add3A_1277 : i32 to index
        %get3A_1281 = arith.constant 48 : index
        %get3A_1282 = tpu.vector_load %arg9[%get3A_1279, %get3A_1280, %get3A_1281] {strides = array<i32>} : memref<2x640x64xf32, #tpu.memory_space<vmem>>, vector<1x1x16xf32>,
        %get3A_1283 = vector.shape_cast %get3A_1282 : vector<1x1x16xf32> to vector<16xf32>
        %add3A_1284 = arith.addf %add3A_1271, %get3A_1283 : vector<16xf32>
        %mul3A_1285 = arith.mulf %get3A_1283, %get3A_1283 : vector<16xf32>
        %add3A_1286 = arith.addf %add3A_1273, %mul3A_1285 : vector<16xf32>
        %max3A_1287 = arith.maximumf %max3A_1274, %get3A_1283 : vector<16xf32>
        %min3A_1288 = arith.minimumf %min3A_1275, %get3A_1283 : vector<16xf32>
        %add3A_1289 = arith.constant 14 : i32
        %add3A_1290 = arith.addi %mul3A_294, %add3A_1289 : i32
        %get3A_1291 = arith.constant 0 : i32
        %get3A_1292 = arith.index_cast %get3A_1291 : i32 to index
        %get3A_1293 = arith.index_cast %add3A_1290 : i32 to index
        %get3A_1294 = arith.constant 48 : index
        %get3A_1295 = tpu.vector_load %arg9[%get3A_1292, %get3A_1293, %get3A_1294] {strides = array<i32>} : memref<2x640x64xf32, #tpu.memory_space<vmem>>, vector<1x1x16xf32>,
        %get3A_1296 = vector.shape_cast %get3A_1295 : vector<1x1x16xf32> to vector<16xf32>
        %add3A_1297 = arith.addf %add3A_1284, %get3A_1296 : vector<16xf32>
        %mul3A_1298 = arith.mulf %get3A_1296, %get3A_1296 : vector<16xf32>
        %add3A_1299 = arith.addf %add3A_1286, %mul3A_1298 : vector<16xf32>
        %max3A_1300 = arith.maximumf %max3A_1287, %get3A_1296 : vector<16xf32>
        %min3A_1301 = arith.minimumf %min3A_1288, %get3A_1296 : vector<16xf32>
        %add3A_1302 = arith.constant 15 : i32
        %add3A_1303 = arith.addi %mul3A_294, %add3A_1302 : i32
        %get3A_1304 = arith.constant 0 : i32
        %get3A_1305 = arith.index_cast %get3A_1304 : i32 to index
        %get3A_1306 = arith.index_cast %add3A_1303 : i32 to index
        %get3A_1307 = arith.constant 48 : index
        %get3A_1308 = tpu.vector_load %arg9[%get3A_1305, %get3A_1306, %get3A_1307] {strides = array<i32>} : memref<2x640x64xf32, #tpu.memory_space<vmem>>, vector<1x1x16xf32>,
        %get3A_1309 = vector.shape_cast %get3A_1308 : vector<1x1x16xf32> to vector<16xf32>
        %add3A_1310 = arith.addf %add3A_1297, %get3A_1309 : vector<16xf32>
        %mul3A_1311 = arith.mulf %get3A_1309, %get3A_1309 : vector<16xf32>
        %add3A_1312 = arith.addf %add3A_1299, %mul3A_1311 : vector<16xf32>
        %max3A_1313 = arith.maximumf %max3A_1300, %get3A_1309 : vector<16xf32>
        %min3A_1314 = arith.minimumf %min3A_1301, %get3A_1309 : vector<16xf32>
        %add3A_1315 = arith.constant 16 : i32
        %add3A_1316 = arith.addi %mul3A_294, %add3A_1315 : i32
        %get3A_1317 = arith.constant 0 : i32
        %get3A_1318 = arith.index_cast %get3A_1317 : i32 to index
        %get3A_1319 = arith.index_cast %add3A_1316 : i32 to index
        %get3A_1320 = arith.constant 48 : index
        %get3A_1321 = tpu.vector_load %arg9[%get3A_1318, %get3A_1319, %get3A_1320] {strides = array<i32>} : memref<2x640x64xf32, #tpu.memory_space<vmem>>, vector<1x1x16xf32>,
        %get3A_1322 = vector.shape_cast %get3A_1321 : vector<1x1x16xf32> to vector<16xf32>
        %add3A_1323 = arith.addf %add3A_1310, %get3A_1322 : vector<16xf32>
        %mul3A_1324 = arith.mulf %get3A_1322, %get3A_1322 : vector<16xf32>
        %add3A_1325 = arith.addf %add3A_1312, %mul3A_1324 : vector<16xf32>
        %max3A_1326 = arith.maximumf %max3A_1313, %get3A_1322 : vector<16xf32>
        %min3A_1327 = arith.minimumf %min3A_1314, %get3A_1322 : vector<16xf32>
        %add3A_1328 = arith.constant 17 : i32
        %add3A_1329 = arith.addi %mul3A_294, %add3A_1328 : i32
        %get3A_1330 = arith.constant 0 : i32
        %get3A_1331 = arith.index_cast %get3A_1330 : i32 to index
        %get3A_1332 = arith.index_cast %add3A_1329 : i32 to index
        %get3A_1333 = arith.constant 48 : index
        %get3A_1334 = tpu.vector_load %arg9[%get3A_1331, %get3A_1332, %get3A_1333] {strides = array<i32>} : memref<2x640x64xf32, #tpu.memory_space<vmem>>, vector<1x1x16xf32>,
        %get3A_1335 = vector.shape_cast %get3A_1334 : vector<1x1x16xf32> to vector<16xf32>
        %add3A_1336 = arith.addf %add3A_1323, %get3A_1335 : vector<16xf32>
        %mul3A_1337 = arith.mulf %get3A_1335, %get3A_1335 : vector<16xf32>
        %add3A_1338 = arith.addf %add3A_1325, %mul3A_1337 : vector<16xf32>
        %max3A_1339 = arith.maximumf %max3A_1326, %get3A_1335 : vector<16xf32>
        %min3A_1340 = arith.minimumf %min3A_1327, %get3A_1335 : vector<16xf32>
        %add3A_1341 = arith.constant 18 : i32
        %add3A_1342 = arith.addi %mul3A_294, %add3A_1341 : i32
        %get3A_1343 = arith.constant 0 : i32
        %get3A_1344 = arith.index_cast %get3A_1343 : i32 to index
        %get3A_1345 = arith.index_cast %add3A_1342 : i32 to index
        %get3A_1346 = arith.constant 48 : index
        %get3A_1347 = tpu.vector_load %arg9[%get3A_1344, %get3A_1345, %get3A_1346] {strides = array<i32>} : memref<2x640x64xf32, #tpu.memory_space<vmem>>, vector<1x1x16xf32>,
        %get3A_1348 = vector.shape_cast %get3A_1347 : vector<1x1x16xf32> to vector<16xf32>
        %add3A_1349 = arith.addf %add3A_1336, %get3A_1348 : vector<16xf32>
        %mul3A_1350 = arith.mulf %get3A_1348, %get3A_1348 : vector<16xf32>
        %add3A_1351 = arith.addf %add3A_1338, %mul3A_1350 : vector<16xf32>
        %max3A_1352 = arith.maximumf %max3A_1339, %get3A_1348 : vector<16xf32>
        %min3A_1353 = arith.minimumf %min3A_1340, %get3A_1348 : vector<16xf32>
        %add3A_1354 = arith.constant 19 : i32
        %add3A_1355 = arith.addi %mul3A_294, %add3A_1354 : i32
        %get3A_1356 = arith.constant 0 : i32
        %get3A_1357 = arith.index_cast %get3A_1356 : i32 to index
        %get3A_1358 = arith.index_cast %add3A_1355 : i32 to index
        %get3A_1359 = arith.constant 48 : index
        %get3A_1360 = tpu.vector_load %arg9[%get3A_1357, %get3A_1358, %get3A_1359] {strides = array<i32>} : memref<2x640x64xf32, #tpu.memory_space<vmem>>, vector<1x1x16xf32>,
        %get3A_1361 = vector.shape_cast %get3A_1360 : vector<1x1x16xf32> to vector<16xf32>
        %add3A_1362 = arith.addf %add3A_1349, %get3A_1361 : vector<16xf32>
        %mul3A_1363 = arith.mulf %get3A_1361, %get3A_1361 : vector<16xf32>
        %add3A_1364 = arith.addf %add3A_1351, %mul3A_1363 : vector<16xf32>
        %max3A_1365 = arith.maximumf %max3A_1352, %get3A_1361 : vector<16xf32>
        %min3A_1366 = arith.minimumf %min3A_1353, %get3A_1361 : vector<16xf32>
        %swap3A_1367 = arith.index_cast %scan3A_292 : i32 to index
        %swap3A_1368 = arith.constant 48 : index
        %swap3A_1369 = tpu.vector_load %arg10[%swap3A_1367, %swap3A_1368] {strides = array<i32>} : memref<32x64xf32, #tpu.memory_space<vmem>>, vector<1x16xf32>,
        %swap3A_1370 = vector.shape_cast %swap3A_1369 : vector<1x16xf32> to vector<16xf32>
        %swap3A_1371 = vector.shape_cast %add3A_1362 : vector<16xf32> to vector<1x16xf32>
        tpu.vector_store %arg10[%swap3A_1367, %swap3A_1368], %swap3A_1371 {strides = array<i32>} : memref<32x64xf32, #tpu.memory_space<vmem>>, vector<1x16xf32>,
        %swap3A_1372 = arith.index_cast %scan3A_292 : i32 to index
        %swap3A_1373 = arith.constant 48 : index
        %swap3A_1374 = tpu.vector_load %arg11[%swap3A_1372, %swap3A_1373] {strides = array<i32>} : memref<32x64xf32, #tpu.memory_space<vmem>>, vector<1x16xf32>,
        %swap3A_1375 = vector.shape_cast %swap3A_1374 : vector<1x16xf32> to vector<16xf32>
        %swap3A_1376 = vector.shape_cast %add3A_1364 : vector<16xf32> to vector<1x16xf32>
        tpu.vector_store %arg11[%swap3A_1372, %swap3A_1373], %swap3A_1376 {strides = array<i32>} : memref<32x64xf32, #tpu.memory_space<vmem>>, vector<1x16xf32>,
        %swap3A_1377 = arith.index_cast %scan3A_292 : i32 to index
        %swap3A_1378 = arith.constant 48 : index
        %swap3A_1379 = tpu.vector_load %arg12[%swap3A_1377, %swap3A_1378] {strides = array<i32>} : memref<32x64xf32, #tpu.memory_space<vmem>>, vector<1x16xf32>,
        %swap3A_1380 = vector.shape_cast %swap3A_1379 : vector<1x16xf32> to vector<16xf32>
        %swap3A_1381 = vector.shape_cast %max3A_1365 : vector<16xf32> to vector<1x16xf32>
        tpu.vector_store %arg12[%swap3A_1377, %swap3A_1378], %swap3A_1381 {strides = array<i32>} : memref<32x64xf32, #tpu.memory_space<vmem>>, vector<1x16xf32>,
        %swap3A_1382 = arith.index_cast %scan3A_292 : i32 to index
        %swap3A_1383 = arith.constant 48 : index
        %swap3A_1384 = tpu.vector_load %arg13[%swap3A_1382, %swap3A_1383] {strides = array<i32>} : memref<32x64xf32, #tpu.memory_space<vmem>>, vector<1x16xf32>,
        %swap3A_1385 = vector.shape_cast %swap3A_1384 : vector<1x16xf32> to vector<16xf32>
        %swap3A_1386 = vector.shape_cast %min3A_1366 : vector<16xf32> to vector<1x16xf32>
        tpu.vector_store %arg13[%swap3A_1382, %swap3A_1383], %swap3A_1386 {strides = array<i32>} : memref<32x64xf32, #tpu.memory_space<vmem>>, vector<1x16xf32>,
      }
      %scan3A_213 = arith.constant 32 : i32
      %mul3A_214 = arith.constant 32 : i32
      %mul3A_215 = arith.muli %mul3A_71, %mul3A_214 : i32
      %add3A_216 = arith.addi %mul3A_2, %mul3A_215 : i32
      "tpu.region"() ({
        %run_scoped3A = tpu.sem_alloc : memref<!tpu.dma_semaphore, #tpu.memory_space<semaphore_mem>>
        %dma_start3A_292 = arith.constant 0 : i32
        %dma_start3A_293 = tpu.memref_slice %arg4[%add3A_216, %dma_start3A_292] : memref<16384x64xf32, #tpu.memory_space<hbm>> -> memref<32x64xf32, #tpu.memory_space<hbm>>
        %dma_start3A_294 = arith.constant 0 : i32
        %dma_start3A_295 = tpu.memref_slice %arg4[%add3A_216, %dma_start3A_294] : memref<16384x64xf32, #tpu.memory_space<hbm>> -> memref<32x64xf32, #tpu.memory_space<hbm>>
        tpu.enqueue_dma source(%arg10 : memref<32x64xf32, #tpu.memory_space<vmem>>) target(%dma_start3A_295 : memref<32x64xf32, #tpu.memory_space<hbm>>) target_semaphore(%run_scoped3A : memref<!tpu.dma_semaphore, #tpu.memory_space<semaphore_mem>>)
        %dma_wait3A_296 = arith.constant 0 : i32
        %dma_wait3A_297 = tpu.memref_slice %arg4[%add3A_216, %dma_wait3A_296] : memref<16384x64xf32, #tpu.memory_space<hbm>> -> memref<32x64xf32, #tpu.memory_space<hbm>>
        %dma_wait3A_298 = arith.constant 0 : i32
        %dma_wait3A_299 = tpu.memref_slice %arg4[%add3A_216, %dma_wait3A_298] : memref<16384x64xf32, #tpu.memory_space<hbm>> -> memref<32x64xf32, #tpu.memory_space<hbm>>
        tpu.wait_dma2 semaphore(%run_scoped3A : memref<!tpu.dma_semaphore, #tpu.memory_space<semaphore_mem>>) src(%arg10 : memref<32x64xf32, #tpu.memory_space<vmem>>) dst(%dma_wait3A_299 : memref<32x64xf32, #tpu.memory_space<hbm>>)
        tpu.yield
      }) : () -> ()
      "tpu.region"() ({
        %run_scoped3A = tpu.sem_alloc : memref<!tpu.dma_semaphore, #tpu.memory_space<semaphore_mem>>
        %dma_start3A_292 = arith.constant 0 : i32
        %dma_start3A_293 = tpu.memref_slice %arg5[%add3A_216, %dma_start3A_292] : memref<16384x64xf32, #tpu.memory_space<hbm>> -> memref<32x64xf32, #tpu.memory_space<hbm>>
        %dma_start3A_294 = arith.constant 0 : i32
        %dma_start3A_295 = tpu.memref_slice %arg5[%add3A_216, %dma_start3A_294] : memref<16384x64xf32, #tpu.memory_space<hbm>> -> memref<32x64xf32, #tpu.memory_space<hbm>>
        tpu.enqueue_dma source(%arg11 : memref<32x64xf32, #tpu.memory_space<vmem>>) target(%dma_start3A_295 : memref<32x64xf32, #tpu.memory_space<hbm>>) target_semaphore(%run_scoped3A : memref<!tpu.dma_semaphore, #tpu.memory_space<semaphore_mem>>)
        %dma_wait3A_296 = arith.constant 0 : i32
        %dma_wait3A_297 = tpu.memref_slice %arg5[%add3A_216, %dma_wait3A_296] : memref<16384x64xf32, #tpu.memory_space<hbm>> -> memref<32x64xf32, #tpu.memory_space<hbm>>
        %dma_wait3A_298 = arith.constant 0 : i32
        %dma_wait3A_299 = tpu.memref_slice %arg5[%add3A_216, %dma_wait3A_298] : memref<16384x64xf32, #tpu.memory_space<hbm>> -> memref<32x64xf32, #tpu.memory_space<hbm>>
        tpu.wait_dma2 semaphore(%run_scoped3A : memref<!tpu.dma_semaphore, #tpu.memory_space<semaphore_mem>>) src(%arg11 : memref<32x64xf32, #tpu.memory_space<vmem>>) dst(%dma_wait3A_299 : memref<32x64xf32, #tpu.memory_space<hbm>>)
        tpu.yield
      }) : () -> ()
      "tpu.region"() ({
        %run_scoped3A = tpu.sem_alloc : memref<!tpu.dma_semaphore, #tpu.memory_space<semaphore_mem>>
        %dma_start3A_292 = arith.constant 0 : i32
        %dma_start3A_293 = tpu.memref_slice %arg6[%add3A_216, %dma_start3A_292] : memref<16384x64xf32, #tpu.memory_space<hbm>> -> memref<32x64xf32, #tpu.memory_space<hbm>>
        %dma_start3A_294 = arith.constant 0 : i32
        %dma_start3A_295 = tpu.memref_slice %arg6[%add3A_216, %dma_start3A_294] : memref<16384x64xf32, #tpu.memory_space<hbm>> -> memref<32x64xf32, #tpu.memory_space<hbm>>
        tpu.enqueue_dma source(%arg12 : memref<32x64xf32, #tpu.memory_space<vmem>>) target(%dma_start3A_295 : memref<32x64xf32, #tpu.memory_space<hbm>>) target_semaphore(%run_scoped3A : memref<!tpu.dma_semaphore, #tpu.memory_space<semaphore_mem>>)
        %dma_wait3A_296 = arith.constant 0 : i32
        %dma_wait3A_297 = tpu.memref_slice %arg6[%add3A_216, %dma_wait3A_296] : memref<16384x64xf32, #tpu.memory_space<hbm>> -> memref<32x64xf32, #tpu.memory_space<hbm>>
        %dma_wait3A_298 = arith.constant 0 : i32
        %dma_wait3A_299 = tpu.memref_slice %arg6[%add3A_216, %dma_wait3A_298] : memref<16384x64xf32, #tpu.memory_space<hbm>> -> memref<32x64xf32, #tpu.memory_space<hbm>>
        tpu.wait_dma2 semaphore(%run_scoped3A : memref<!tpu.dma_semaphore, #tpu.memory_space<semaphore_mem>>) src(%arg12 : memref<32x64xf32, #tpu.memory_space<vmem>>) dst(%dma_wait3A_299 : memref<32x64xf32, #tpu.memory_space<hbm>>)
        tpu.yield
      }) : () -> ()
      "tpu.region"() ({
        %run_scoped3A = tpu.sem_alloc : memref<!tpu.dma_semaphore, #tpu.memory_space<semaphore_mem>>
        %dma_start3A_292 = arith.constant 0 : i32
        %dma_start3A_293 = tpu.memref_slice %arg7[%add3A_216, %dma_start3A_292] : memref<16384x64xf32, #tpu.memory_space<hbm>> -> memref<32x64xf32, #tpu.memory_space<hbm>>
        %dma_start3A_294 = arith.constant 0 : i32
        %dma_start3A_295 = tpu.memref_slice %arg7[%add3A_216, %dma_start3A_294] : memref<16384x64xf32, #tpu.memory_space<hbm>> -> memref<32x64xf32, #tpu.memory_space<hbm>>
        tpu.enqueue_dma source(%arg13 : memref<32x64xf32, #tpu.memory_space<vmem>>) target(%dma_start3A_295 : memref<32x64xf32, #tpu.memory_space<hbm>>) target_semaphore(%run_scoped3A : memref<!tpu.dma_semaphore, #tpu.memory_space<semaphore_mem>>)
        %dma_wait3A_296 = arith.constant 0 : i32
        %dma_wait3A_297 = tpu.memref_slice %arg7[%add3A_216, %dma_wait3A_296] : memref<16384x64xf32, #tpu.memory_space<hbm>> -> memref<32x64xf32, #tpu.memory_space<hbm>>
        %dma_wait3A_298 = arith.constant 0 : i32
        %dma_wait3A_299 = tpu.memref_slice %arg7[%add3A_216, %dma_wait3A_298] : memref<16384x64xf32, #tpu.memory_space<hbm>> -> memref<32x64xf32, #tpu.memory_space<hbm>>
        tpu.wait_dma2 semaphore(%run_scoped3A : memref<!tpu.dma_semaphore, #tpu.memory_space<semaphore_mem>>) src(%arg13 : memref<32x64xf32, #tpu.memory_space<vmem>>) dst(%dma_wait3A_299 : memref<32x64xf32, #tpu.memory_space<hbm>>)
        tpu.yield
      }) : () -> ()
      %add3A_217 = arith.constant 2 : i32
      %add3A_218 = arith.addi %mul3A_71, %add3A_217 : i32
      %lt3A = arith.constant 16 : i32
      %lt3A_219 = arith.cmpi slt, %add3A_218, %lt3A : i32
      %convert_element_type3A = arith.extui %lt3A_219 : i1 to i32
      %cond3A = arith.constant 0 : i32
      %cond3A_220 = arith.cmpi ne, %convert_element_type3A, %cond3A : i32
      scf.if %cond3A_220 {
        %add3A_292 = arith.constant 2 : i32
        %add3A_293 = arith.addi %mul3A_71, %add3A_292 : i32
        %mul3A_294 = arith.constant 5 : i32
        %mul3A_295 = arith.muli %add3A_293, %mul3A_294 : i32
        %add3A_296 = arith.constant 0 : i32
        %add3A_297 = arith.addi %mul3A_295, %add3A_296 : i32
        %dma_start3A_298 = arith.constant 0 : i32
        %dma_start3A_299 = arith.constant 0 : i32
        %dma_start3A_300 = arith.constant 0 : i32
        %dma_start3A_301 = tpu.memref_slice %arg9[%dma_start3A_298, %dma_start3A_299, %dma_start3A_300] : memref<2x640x64xf32, #tpu.memory_space<vmem>> -> memref<1x128x64xf32, #tpu.memory_space<vmem>>
        %dma_start3A_302 = tpu.memref_squeeze %dma_start3A_301 : memref<1x128x64xf32, #tpu.memory_space<vmem>> -> memref<128x64xf32, #tpu.memory_space<vmem>>
        %dma_start3A_303 = arith.constant 0 : i32
        %dma_start3A_304 = tpu.memref_slice %arg8[%add3A_297, %dma_start3A_303] : memref<80x128xi32, #tpu.memory_space<vmem>> -> memref<1x128xi32, #tpu.memory_space<vmem>>
        %dma_start3A_305 = tpu.memref_squeeze %dma_start3A_304 : memref<1x128xi32, #tpu.memory_space<vmem>> -> memref<128xi32, #tpu.memory_space<vmem>>
        %dma_start3A_306 = arith.constant 0 : i32
        %dma_start3A_307 = arith.constant 0 : i32
        %dma_start3A_308 = tpu.memref_slice %arg2[%dma_start3A_306, %dma_start3A_307] : memref<16384x64xf32, #tpu.memory_space<hbm>> -> memref<16384x64xf32, #tpu.memory_space<hbm>>
        tpu.enqueue_indirect_dma source(%dma_start3A_308 : memref<16384x64xf32, #tpu.memory_space<hbm>>) target(%dma_start3A_302 : memref<128x64xf32, #tpu.memory_space<vmem>>) offsets(%dma_start3A_305 : memref<128xi32, #tpu.memory_space<vmem>>) semaphore(%arg14 : memref<!tpu.dma_semaphore, #tpu.memory_space<semaphore_mem>>)
        %mul3A_309 = arith.constant 5 : i32
        %mul3A_310 = arith.muli %add3A_293, %mul3A_309 : i32
        %add3A_311 = arith.constant 1 : i32
        %add3A_312 = arith.addi %mul3A_310, %add3A_311 : i32
        %dma_start3A_313 = arith.constant 0 : i32
        %dma_start3A_314 = arith.constant 128 : i32
        %dma_start3A_315 = arith.constant 0 : i32
        %dma_start3A_316 = tpu.memref_slice %arg9[%dma_start3A_313, %dma_start3A_314, %dma_start3A_315] : memref<2x640x64xf32, #tpu.memory_space<vmem>> -> memref<1x128x64xf32, #tpu.memory_space<vmem>>
        %dma_start3A_317 = tpu.memref_squeeze %dma_start3A_316 : memref<1x128x64xf32, #tpu.memory_space<vmem>> -> memref<128x64xf32, #tpu.memory_space<vmem>>
        %dma_start3A_318 = arith.constant 0 : i32
        %dma_start3A_319 = tpu.memref_slice %arg8[%add3A_312, %dma_start3A_318] : memref<80x128xi32, #tpu.memory_space<vmem>> -> memref<1x128xi32, #tpu.memory_space<vmem>>
        %dma_start3A_320 = tpu.memref_squeeze %dma_start3A_319 : memref<1x128xi32, #tpu.memory_space<vmem>> -> memref<128xi32, #tpu.memory_space<vmem>>
        %dma_start3A_321 = arith.constant 0 : i32
        %dma_start3A_322 = arith.constant 0 : i32
        %dma_start3A_323 = tpu.memref_slice %arg2[%dma_start3A_321, %dma_start3A_322] : memref<16384x64xf32, #tpu.memory_space<hbm>> -> memref<16384x64xf32, #tpu.memory_space<hbm>>
        tpu.enqueue_indirect_dma source(%dma_start3A_323 : memref<16384x64xf32, #tpu.memory_space<hbm>>) target(%dma_start3A_317 : memref<128x64xf32, #tpu.memory_space<vmem>>) offsets(%dma_start3A_320 : memref<128xi32, #tpu.memory_space<vmem>>) semaphore(%arg14 : memref<!tpu.dma_semaphore, #tpu.memory_space<semaphore_mem>>)
        %mul3A_324 = arith.constant 5 : i32
        %mul3A_325 = arith.muli %add3A_293, %mul3A_324 : i32
        %add3A_326 = arith.constant 2 : i32
        %add3A_327 = arith.addi %mul3A_325, %add3A_326 : i32
        %dma_start3A_328 = arith.constant 0 : i32
        %dma_start3A_329 = arith.constant 256 : i32
        %dma_start3A_330 = arith.constant 0 : i32
        %dma_start3A_331 = tpu.memref_slice %arg9[%dma_start3A_328, %dma_start3A_329, %dma_start3A_330] : memref<2x640x64xf32, #tpu.memory_space<vmem>> -> memref<1x128x64xf32, #tpu.memory_space<vmem>>
        %dma_start3A_332 = tpu.memref_squeeze %dma_start3A_331 : memref<1x128x64xf32, #tpu.memory_space<vmem>> -> memref<128x64xf32, #tpu.memory_space<vmem>>
        %dma_start3A_333 = arith.constant 0 : i32
        %dma_start3A_334 = tpu.memref_slice %arg8[%add3A_327, %dma_start3A_333] : memref<80x128xi32, #tpu.memory_space<vmem>> -> memref<1x128xi32, #tpu.memory_space<vmem>>
        %dma_start3A_335 = tpu.memref_squeeze %dma_start3A_334 : memref<1x128xi32, #tpu.memory_space<vmem>> -> memref<128xi32, #tpu.memory_space<vmem>>
        %dma_start3A_336 = arith.constant 0 : i32
        %dma_start3A_337 = arith.constant 0 : i32
        %dma_start3A_338 = tpu.memref_slice %arg2[%dma_start3A_336, %dma_start3A_337] : memref<16384x64xf32, #tpu.memory_space<hbm>> -> memref<16384x64xf32, #tpu.memory_space<hbm>>
        tpu.enqueue_indirect_dma source(%dma_start3A_338 : memref<16384x64xf32, #tpu.memory_space<hbm>>) target(%dma_start3A_332 : memref<128x64xf32, #tpu.memory_space<vmem>>) offsets(%dma_start3A_335 : memref<128xi32, #tpu.memory_space<vmem>>) semaphore(%arg14 : memref<!tpu.dma_semaphore, #tpu.memory_space<semaphore_mem>>)
        %mul3A_339 = arith.constant 5 : i32
        %mul3A_340 = arith.muli %add3A_293, %mul3A_339 : i32
        %add3A_341 = arith.constant 3 : i32
        %add3A_342 = arith.addi %mul3A_340, %add3A_341 : i32
        %dma_start3A_343 = arith.constant 0 : i32
        %dma_start3A_344 = arith.constant 384 : i32
        %dma_start3A_345 = arith.constant 0 : i32
        %dma_start3A_346 = tpu.memref_slice %arg9[%dma_start3A_343, %dma_start3A_344, %dma_start3A_345] : memref<2x640x64xf32, #tpu.memory_space<vmem>> -> memref<1x128x64xf32, #tpu.memory_space<vmem>>
        %dma_start3A_347 = tpu.memref_squeeze %dma_start3A_346 : memref<1x128x64xf32, #tpu.memory_space<vmem>> -> memref<128x64xf32, #tpu.memory_space<vmem>>
        %dma_start3A_348 = arith.constant 0 : i32
        %dma_start3A_349 = tpu.memref_slice %arg8[%add3A_342, %dma_start3A_348] : memref<80x128xi32, #tpu.memory_space<vmem>> -> memref<1x128xi32, #tpu.memory_space<vmem>>
        %dma_start3A_350 = tpu.memref_squeeze %dma_start3A_349 : memref<1x128xi32, #tpu.memory_space<vmem>> -> memref<128xi32, #tpu.memory_space<vmem>>
        %dma_start3A_351 = arith.constant 0 : i32
        %dma_start3A_352 = arith.constant 0 : i32
        %dma_start3A_353 = tpu.memref_slice %arg2[%dma_start3A_351, %dma_start3A_352] : memref<16384x64xf32, #tpu.memory_space<hbm>> -> memref<16384x64xf32, #tpu.memory_space<hbm>>
        tpu.enqueue_indirect_dma source(%dma_start3A_353 : memref<16384x64xf32, #tpu.memory_space<hbm>>) target(%dma_start3A_347 : memref<128x64xf32, #tpu.memory_space<vmem>>) offsets(%dma_start3A_350 : memref<128xi32, #tpu.memory_space<vmem>>) semaphore(%arg14 : memref<!tpu.dma_semaphore, #tpu.memory_space<semaphore_mem>>)
        %mul3A_354 = arith.constant 5 : i32
        %mul3A_355 = arith.muli %add3A_293, %mul3A_354 : i32
        %add3A_356 = arith.constant 4 : i32
        %add3A_357 = arith.addi %mul3A_355, %add3A_356 : i32
        %dma_start3A_358 = arith.constant 0 : i32
        %dma_start3A_359 = arith.constant 512 : i32
        %dma_start3A_360 = arith.constant 0 : i32
        %dma_start3A_361 = tpu.memref_slice %arg9[%dma_start3A_358, %dma_start3A_359, %dma_start3A_360] : memref<2x640x64xf32, #tpu.memory_space<vmem>> -> memref<1x128x64xf32, #tpu.memory_space<vmem>>
        %dma_start3A_362 = tpu.memref_squeeze %dma_start3A_361 : memref<1x128x64xf32, #tpu.memory_space<vmem>> -> memref<128x64xf32, #tpu.memory_space<vmem>>
        %dma_start3A_363 = arith.constant 0 : i32
        %dma_start3A_364 = tpu.memref_slice %arg8[%add3A_357, %dma_start3A_363] : memref<80x128xi32, #tpu.memory_space<vmem>> -> memref<1x128xi32, #tpu.memory_space<vmem>>
        %dma_start3A_365 = tpu.memref_squeeze %dma_start3A_364 : memref<1x128xi32, #tpu.memory_space<vmem>> -> memref<128xi32, #tpu.memory_space<vmem>>
        %dma_start3A_366 = arith.constant 0 : i32
        %dma_start3A_367 = arith.constant 0 : i32
        %dma_start3A_368 = tpu.memref_slice %arg2[%dma_start3A_366, %dma_start3A_367] : memref<16384x64xf32, #tpu.memory_space<hbm>> -> memref<16384x64xf32, #tpu.memory_space<hbm>>
        tpu.enqueue_indirect_dma source(%dma_start3A_368 : memref<16384x64xf32, #tpu.memory_space<hbm>>) target(%dma_start3A_362 : memref<128x64xf32, #tpu.memory_space<vmem>>) offsets(%dma_start3A_365 : memref<128xi32, #tpu.memory_space<vmem>>) semaphore(%arg14 : memref<!tpu.dma_semaphore, #tpu.memory_space<semaphore_mem>>)
      } else {
      }
      %dma_wait3A_221 = arith.constant 0 : i32
      %dma_wait3A_222 = arith.constant 1 : i32
      %dma_wait3A_223 = arith.constant 0 : i32
      %dma_wait3A_224 = arith.constant 0 : i32
      %dma_wait3A_225 = tpu.memref_slice %arg9[%dma_wait3A_222, %dma_wait3A_223, %dma_wait3A_224] : memref<2x640x64xf32, #tpu.memory_space<vmem>> -> memref<1x128x64xf32, #tpu.memory_space<vmem>>
      %dma_wait3A_226 = tpu.memref_squeeze %dma_wait3A_225 : memref<1x128x64xf32, #tpu.memory_space<vmem>> -> memref<128x64xf32, #tpu.memory_space<vmem>>
      %dma_wait3A_227 = arith.constant 0 : i32
      %dma_wait3A_228 = tpu.memref_slice %arg8[%dma_wait3A_221, %dma_wait3A_227] : memref<80x128xi32, #tpu.memory_space<vmem>> -> memref<1x128xi32, #tpu.memory_space<vmem>>
      %dma_wait3A_229 = tpu.memref_squeeze %dma_wait3A_228 : memref<1x128xi32, #tpu.memory_space<vmem>> -> memref<128xi32, #tpu.memory_space<vmem>>
      %dma_wait3A_230 = arith.constant 0 : i32
      %dma_wait3A_231 = arith.constant 0 : i32
      %dma_wait3A_232 = tpu.memref_slice %arg2[%dma_wait3A_230, %dma_wait3A_231] : memref<16384x64xf32, #tpu.memory_space<hbm>> -> memref<16384x64xf32, #tpu.memory_space<hbm>>
      tpu.wait_indirect_dma semaphore(%arg15 : memref<!tpu.dma_semaphore, #tpu.memory_space<semaphore_mem>>) src(%dma_wait3A_232 : memref<16384x64xf32, #tpu.memory_space<hbm>>) dst(%dma_wait3A_226 : memref<128x64xf32, #tpu.memory_space<vmem>>)
      %dma_wait3A_233 = arith.constant 1 : i32
      %dma_wait3A_234 = arith.constant 1 : i32
      %dma_wait3A_235 = arith.constant 128 : i32
      %dma_wait3A_236 = arith.constant 0 : i32
      %dma_wait3A_237 = tpu.memref_slice %arg9[%dma_wait3A_234, %dma_wait3A_235, %dma_wait3A_236] : memref<2x640x64xf32, #tpu.memory_space<vmem>> -> memref<1x128x64xf32, #tpu.memory_space<vmem>>
      %dma_wait3A_238 = tpu.memref_squeeze %dma_wait3A_237 : memref<1x128x64xf32, #tpu.memory_space<vmem>> -> memref<128x64xf32, #tpu.memory_space<vmem>>
      %dma_wait3A_239 = arith.constant 0 : i32
      %dma_wait3A_240 = tpu.memref_slice %arg8[%dma_wait3A_233, %dma_wait3A_239] : memref<80x128xi32, #tpu.memory_space<vmem>> -> memref<1x128xi32, #tpu.memory_space<vmem>>
      %dma_wait3A_241 = tpu.memref_squeeze %dma_wait3A_240 : memref<1x128xi32, #tpu.memory_space<vmem>> -> memref<128xi32, #tpu.memory_space<vmem>>
      %dma_wait3A_242 = arith.constant 0 : i32
      %dma_wait3A_243 = arith.constant 0 : i32
      %dma_wait3A_244 = tpu.memref_slice %arg2[%dma_wait3A_242, %dma_wait3A_243] : memref<16384x64xf32, #tpu.memory_space<hbm>> -> memref<16384x64xf32, #tpu.memory_space<hbm>>
      tpu.wait_indirect_dma semaphore(%arg15 : memref<!tpu.dma_semaphore, #tpu.memory_space<semaphore_mem>>) src(%dma_wait3A_244 : memref<16384x64xf32, #tpu.memory_space<hbm>>) dst(%dma_wait3A_238 : memref<128x64xf32, #tpu.memory_space<vmem>>)
      %dma_wait3A_245 = arith.constant 2 : i32
      %dma_wait3A_246 = arith.constant 1 : i32
      %dma_wait3A_247 = arith.constant 256 : i32
      %dma_wait3A_248 = arith.constant 0 : i32
      %dma_wait3A_249 = tpu.memref_slice %arg9[%dma_wait3A_246, %dma_wait3A_247, %dma_wait3A_248] : memref<2x640x64xf32, #tpu.memory_space<vmem>> -> memref<1x128x64xf32, #tpu.memory_space<vmem>>
      %dma_wait3A_250 = tpu.memref_squeeze %dma_wait3A_249 : memref<1x128x64xf32, #tpu.memory_space<vmem>> -> memref<128x64xf32, #tpu.memory_space<vmem>>
      %dma_wait3A_251 = arith.constant 0 : i32
      %dma_wait3A_252 = tpu.memref_slice %arg8[%dma_wait3A_245, %dma_wait3A_251] : memref<80x128xi32, #tpu.memory_space<vmem>> -> memref<1x128xi32, #tpu.memory_space<vmem>>
      %dma_wait3A_253 = tpu.memref_squeeze %dma_wait3A_252 : memref<1x128xi32, #tpu.memory_space<vmem>> -> memref<128xi32, #tpu.memory_space<vmem>>
      %dma_wait3A_254 = arith.constant 0 : i32
      %dma_wait3A_255 = arith.constant 0 : i32
      %dma_wait3A_256 = tpu.memref_slice %arg2[%dma_wait3A_254, %dma_wait3A_255] : memref<16384x64xf32, #tpu.memory_space<hbm>> -> memref<16384x64xf32, #tpu.memory_space<hbm>>
      tpu.wait_indirect_dma semaphore(%arg15 : memref<!tpu.dma_semaphore, #tpu.memory_space<semaphore_mem>>) src(%dma_wait3A_256 : memref<16384x64xf32, #tpu.memory_space<hbm>>) dst(%dma_wait3A_250 : memref<128x64xf32, #tpu.memory_space<vmem>>)
      %dma_wait3A_257 = arith.constant 3 : i32
      %dma_wait3A_258 = arith.constant 1 : i32
      %dma_wait3A_259 = arith.constant 384 : i32
      %dma_wait3A_260 = arith.constant 0 : i32
      %dma_wait3A_261 = tpu.memref_slice %arg9[%dma_wait3A_258, %dma_wait3A_259, %dma_wait3A_260] : memref<2x640x64xf32, #tpu.memory_space<vmem>> -> memref<1x128x64xf32, #tpu.memory_space<vmem>>
      %dma_wait3A_262 = tpu.memref_squeeze %dma_wait3A_261 : memref<1x128x64xf32, #tpu.memory_space<vmem>> -> memref<128x64xf32, #tpu.memory_space<vmem>>
      %dma_wait3A_263 = arith.constant 0 : i32
      %dma_wait3A_264 = tpu.memref_slice %arg8[%dma_wait3A_257, %dma_wait3A_263] : memref<80x128xi32, #tpu.memory_space<vmem>> -> memref<1x128xi32, #tpu.memory_space<vmem>>
      %dma_wait3A_265 = tpu.memref_squeeze %dma_wait3A_264 : memref<1x128xi32, #tpu.memory_space<vmem>> -> memref<128xi32, #tpu.memory_space<vmem>>
      %dma_wait3A_266 = arith.constant 0 : i32
      %dma_wait3A_267 = arith.constant 0 : i32
      %dma_wait3A_268 = tpu.memref_slice %arg2[%dma_wait3A_266, %dma_wait3A_267] : memref<16384x64xf32, #tpu.memory_space<hbm>> -> memref<16384x64xf32, #tpu.memory_space<hbm>>
      tpu.wait_indirect_dma semaphore(%arg15 : memref<!tpu.dma_semaphore, #tpu.memory_space<semaphore_mem>>) src(%dma_wait3A_268 : memref<16384x64xf32, #tpu.memory_space<hbm>>) dst(%dma_wait3A_262 : memref<128x64xf32, #tpu.memory_space<vmem>>)
      %dma_wait3A_269 = arith.constant 4 : i32
      %dma_wait3A_270 = arith.constant 1 : i32
      %dma_wait3A_271 = arith.constant 512 : i32
      %dma_wait3A_272 = arith.constant 0 : i32
      %dma_wait3A_273 = tpu.memref_slice %arg9[%dma_wait3A_270, %dma_wait3A_271, %dma_wait3A_272] : memref<2x640x64xf32, #tpu.memory_space<vmem>> -> memref<1x128x64xf32, #tpu.memory_space<vmem>>
      %dma_wait3A_274 = tpu.memref_squeeze %dma_wait3A_273 : memref<1x128x64xf32, #tpu.memory_space<vmem>> -> memref<128x64xf32, #tpu.memory_space<vmem>>
      %dma_wait3A_275 = arith.constant 0 : i32
      %dma_wait3A_276 = tpu.memref_slice %arg8[%dma_wait3A_269, %dma_wait3A_275] : memref<80x128xi32, #tpu.memory_space<vmem>> -> memref<1x128xi32, #tpu.memory_space<vmem>>
      %dma_wait3A_277 = tpu.memref_squeeze %dma_wait3A_276 : memref<1x128xi32, #tpu.memory_space<vmem>> -> memref<128xi32, #tpu.memory_space<vmem>>
      %dma_wait3A_278 = arith.constant 0 : i32
      %dma_wait3A_279 = arith.constant 0 : i32
      %dma_wait3A_280 = tpu.memref_slice %arg2[%dma_wait3A_278, %dma_wait3A_279] : memref<16384x64xf32, #tpu.memory_space<hbm>> -> memref<16384x64xf32, #tpu.memory_space<hbm>>
      tpu.wait_indirect_dma semaphore(%arg15 : memref<!tpu.dma_semaphore, #tpu.memory_space<semaphore_mem>>) src(%dma_wait3A_280 : memref<16384x64xf32, #tpu.memory_space<hbm>>) dst(%dma_wait3A_274 : memref<128x64xf32, #tpu.memory_space<vmem>>)
      %add3A_281 = arith.constant 1 : i32
      %add3A_282 = arith.addi %mul3A_71, %add3A_281 : i32
      %scan3A_283 = arith.constant 0 : i32
      %scan3A_284 = arith.constant 0 : i32
      %scan3A_285 = arith.constant 32 : i32
      %scan3A_286 = arith.addi %scan3A_284, %scan3A_285 : i32
      %scan3A_287 = arith.constant 1 : i32
      scf.for %scan3A_292 = %scan3A_284 to %scan3A_286 step %scan3A_287  : i32 {
        %mul3A_293 = arith.constant 20 : i32
        %mul3A_294 = arith.muli %scan3A_292, %mul3A_293 : i32
        %get3A = arith.constant 1 : i32
        %get3A_295 = arith.index_cast %get3A : i32 to index
        %get3A_296 = arith.index_cast %mul3A_294 : i32 to index
        %get3A_297 = arith.constant 0 : index
        %get3A_298 = tpu.vector_load %arg9[%get3A_295, %get3A_296, %get3A_297] {strides = array<i32>} : memref<2x640x64xf32, #tpu.memory_space<vmem>>, vector<1x1x16xf32>,
        %get3A_299 = vector.shape_cast %get3A_298 : vector<1x1x16xf32> to vector<16xf32>
        %mul3A_300 = arith.mulf %get3A_299, %get3A_299 : vector<16xf32>
        %add3A_301 = arith.constant 1 : i32
        %add3A_302 = arith.addi %mul3A_294, %add3A_301 : i32
        %get3A_303 = arith.constant 1 : i32
        %get3A_304 = arith.index_cast %get3A_303 : i32 to index
        %get3A_305 = arith.index_cast %add3A_302 : i32 to index
        %get3A_306 = arith.constant 0 : index
        %get3A_307 = tpu.vector_load %arg9[%get3A_304, %get3A_305, %get3A_306] {strides = array<i32>} : memref<2x640x64xf32, #tpu.memory_space<vmem>>, vector<1x1x16xf32>,
        %get3A_308 = vector.shape_cast %get3A_307 : vector<1x1x16xf32> to vector<16xf32>
        %add3A_309 = arith.addf %get3A_299, %get3A_308 : vector<16xf32>
        %mul3A_310 = arith.mulf %get3A_308, %get3A_308 : vector<16xf32>
        %add3A_311 = arith.addf %mul3A_300, %mul3A_310 : vector<16xf32>
        %max3A = arith.maximumf %get3A_299, %get3A_308 : vector<16xf32>
        %min3A = arith.minimumf %get3A_299, %get3A_308 : vector<16xf32>
        %add3A_312 = arith.constant 2 : i32
        %add3A_313 = arith.addi %mul3A_294, %add3A_312 : i32
        %get3A_314 = arith.constant 1 : i32
        %get3A_315 = arith.index_cast %get3A_314 : i32 to index
        %get3A_316 = arith.index_cast %add3A_313 : i32 to index
        %get3A_317 = arith.constant 0 : index
        %get3A_318 = tpu.vector_load %arg9[%get3A_315, %get3A_316, %get3A_317] {strides = array<i32>} : memref<2x640x64xf32, #tpu.memory_space<vmem>>, vector<1x1x16xf32>,
        %get3A_319 = vector.shape_cast %get3A_318 : vector<1x1x16xf32> to vector<16xf32>
        %add3A_320 = arith.addf %add3A_309, %get3A_319 : vector<16xf32>
        %mul3A_321 = arith.mulf %get3A_319, %get3A_319 : vector<16xf32>
        %add3A_322 = arith.addf %add3A_311, %mul3A_321 : vector<16xf32>
        %max3A_323 = arith.maximumf %max3A, %get3A_319 : vector<16xf32>
        %min3A_324 = arith.minimumf %min3A, %get3A_319 : vector<16xf32>
        %add3A_325 = arith.constant 3 : i32
        %add3A_326 = arith.addi %mul3A_294, %add3A_325 : i32
        %get3A_327 = arith.constant 1 : i32
        %get3A_328 = arith.index_cast %get3A_327 : i32 to index
        %get3A_329 = arith.index_cast %add3A_326 : i32 to index
        %get3A_330 = arith.constant 0 : index
        %get3A_331 = tpu.vector_load %arg9[%get3A_328, %get3A_329, %get3A_330] {strides = array<i32>} : memref<2x640x64xf32, #tpu.memory_space<vmem>>, vector<1x1x16xf32>,
        %get3A_332 = vector.shape_cast %get3A_331 : vector<1x1x16xf32> to vector<16xf32>
        %add3A_333 = arith.addf %add3A_320, %get3A_332 : vector<16xf32>
        %mul3A_334 = arith.mulf %get3A_332, %get3A_332 : vector<16xf32>
        %add3A_335 = arith.addf %add3A_322, %mul3A_334 : vector<16xf32>
        %max3A_336 = arith.maximumf %max3A_323, %get3A_332 : vector<16xf32>
        %min3A_337 = arith.minimumf %min3A_324, %get3A_332 : vector<16xf32>
        %add3A_338 = arith.constant 4 : i32
        %add3A_339 = arith.addi %mul3A_294, %add3A_338 : i32
        %get3A_340 = arith.constant 1 : i32
        %get3A_341 = arith.index_cast %get3A_340 : i32 to index
        %get3A_342 = arith.index_cast %add3A_339 : i32 to index
        %get3A_343 = arith.constant 0 : index
        %get3A_344 = tpu.vector_load %arg9[%get3A_341, %get3A_342, %get3A_343] {strides = array<i32>} : memref<2x640x64xf32, #tpu.memory_space<vmem>>, vector<1x1x16xf32>,
        %get3A_345 = vector.shape_cast %get3A_344 : vector<1x1x16xf32> to vector<16xf32>
        %add3A_346 = arith.addf %add3A_333, %get3A_345 : vector<16xf32>
        %mul3A_347 = arith.mulf %get3A_345, %get3A_345 : vector<16xf32>
        %add3A_348 = arith.addf %add3A_335, %mul3A_347 : vector<16xf32>
        %max3A_349 = arith.maximumf %max3A_336, %get3A_345 : vector<16xf32>
        %min3A_350 = arith.minimumf %min3A_337, %get3A_345 : vector<16xf32>
        %add3A_351 = arith.constant 5 : i32
        %add3A_352 = arith.addi %mul3A_294, %add3A_351 : i32
        %get3A_353 = arith.constant 1 : i32
        %get3A_354 = arith.index_cast %get3A_353 : i32 to index
        %get3A_355 = arith.index_cast %add3A_352 : i32 to index
        %get3A_356 = arith.constant 0 : index
        %get3A_357 = tpu.vector_load %arg9[%get3A_354, %get3A_355, %get3A_356] {strides = array<i32>} : memref<2x640x64xf32, #tpu.memory_space<vmem>>, vector<1x1x16xf32>,
        %get3A_358 = vector.shape_cast %get3A_357 : vector<1x1x16xf32> to vector<16xf32>
        %add3A_359 = arith.addf %add3A_346, %get3A_358 : vector<16xf32>
        %mul3A_360 = arith.mulf %get3A_358, %get3A_358 : vector<16xf32>
        %add3A_361 = arith.addf %add3A_348, %mul3A_360 : vector<16xf32>
        %max3A_362 = arith.maximumf %max3A_349, %get3A_358 : vector<16xf32>
        %min3A_363 = arith.minimumf %min3A_350, %get3A_358 : vector<16xf32>
        %add3A_364 = arith.constant 6 : i32
        %add3A_365 = arith.addi %mul3A_294, %add3A_364 : i32
        %get3A_366 = arith.constant 1 : i32
        %get3A_367 = arith.index_cast %get3A_366 : i32 to index
        %get3A_368 = arith.index_cast %add3A_365 : i32 to index
        %get3A_369 = arith.constant 0 : index
        %get3A_370 = tpu.vector_load %arg9[%get3A_367, %get3A_368, %get3A_369] {strides = array<i32>} : memref<2x640x64xf32, #tpu.memory_space<vmem>>, vector<1x1x16xf32>,
        %get3A_371 = vector.shape_cast %get3A_370 : vector<1x1x16xf32> to vector<16xf32>
        %add3A_372 = arith.addf %add3A_359, %get3A_371 : vector<16xf32>
        %mul3A_373 = arith.mulf %get3A_371, %get3A_371 : vector<16xf32>
        %add3A_374 = arith.addf %add3A_361, %mul3A_373 : vector<16xf32>
        %max3A_375 = arith.maximumf %max3A_362, %get3A_371 : vector<16xf32>
        %min3A_376 = arith.minimumf %min3A_363, %get3A_371 : vector<16xf32>
        %add3A_377 = arith.constant 7 : i32
        %add3A_378 = arith.addi %mul3A_294, %add3A_377 : i32
        %get3A_379 = arith.constant 1 : i32
        %get3A_380 = arith.index_cast %get3A_379 : i32 to index
        %get3A_381 = arith.index_cast %add3A_378 : i32 to index
        %get3A_382 = arith.constant 0 : index
        %get3A_383 = tpu.vector_load %arg9[%get3A_380, %get3A_381, %get3A_382] {strides = array<i32>} : memref<2x640x64xf32, #tpu.memory_space<vmem>>, vector<1x1x16xf32>,
        %get3A_384 = vector.shape_cast %get3A_383 : vector<1x1x16xf32> to vector<16xf32>
        %add3A_385 = arith.addf %add3A_372, %get3A_384 : vector<16xf32>
        %mul3A_386 = arith.mulf %get3A_384, %get3A_384 : vector<16xf32>
        %add3A_387 = arith.addf %add3A_374, %mul3A_386 : vector<16xf32>
        %max3A_388 = arith.maximumf %max3A_375, %get3A_384 : vector<16xf32>
        %min3A_389 = arith.minimumf %min3A_376, %get3A_384 : vector<16xf32>
        %add3A_390 = arith.constant 8 : i32
        %add3A_391 = arith.addi %mul3A_294, %add3A_390 : i32
        %get3A_392 = arith.constant 1 : i32
        %get3A_393 = arith.index_cast %get3A_392 : i32 to index
        %get3A_394 = arith.index_cast %add3A_391 : i32 to index
        %get3A_395 = arith.constant 0 : index
        %get3A_396 = tpu.vector_load %arg9[%get3A_393, %get3A_394, %get3A_395] {strides = array<i32>} : memref<2x640x64xf32, #tpu.memory_space<vmem>>, vector<1x1x16xf32>,
        %get3A_397 = vector.shape_cast %get3A_396 : vector<1x1x16xf32> to vector<16xf32>
        %add3A_398 = arith.addf %add3A_385, %get3A_397 : vector<16xf32>
        %mul3A_399 = arith.mulf %get3A_397, %get3A_397 : vector<16xf32>
        %add3A_400 = arith.addf %add3A_387, %mul3A_399 : vector<16xf32>
        %max3A_401 = arith.maximumf %max3A_388, %get3A_397 : vector<16xf32>
        %min3A_402 = arith.minimumf %min3A_389, %get3A_397 : vector<16xf32>
        %add3A_403 = arith.constant 9 : i32
        %add3A_404 = arith.addi %mul3A_294, %add3A_403 : i32
        %get3A_405 = arith.constant 1 : i32
        %get3A_406 = arith.index_cast %get3A_405 : i32 to index
        %get3A_407 = arith.index_cast %add3A_404 : i32 to index
        %get3A_408 = arith.constant 0 : index
        %get3A_409 = tpu.vector_load %arg9[%get3A_406, %get3A_407, %get3A_408] {strides = array<i32>} : memref<2x640x64xf32, #tpu.memory_space<vmem>>, vector<1x1x16xf32>,
        %get3A_410 = vector.shape_cast %get3A_409 : vector<1x1x16xf32> to vector<16xf32>
        %add3A_411 = arith.addf %add3A_398, %get3A_410 : vector<16xf32>
        %mul3A_412 = arith.mulf %get3A_410, %get3A_410 : vector<16xf32>
        %add3A_413 = arith.addf %add3A_400, %mul3A_412 : vector<16xf32>
        %max3A_414 = arith.maximumf %max3A_401, %get3A_410 : vector<16xf32>
        %min3A_415 = arith.minimumf %min3A_402, %get3A_410 : vector<16xf32>
        %add3A_416 = arith.constant 10 : i32
        %add3A_417 = arith.addi %mul3A_294, %add3A_416 : i32
        %get3A_418 = arith.constant 1 : i32
        %get3A_419 = arith.index_cast %get3A_418 : i32 to index
        %get3A_420 = arith.index_cast %add3A_417 : i32 to index
        %get3A_421 = arith.constant 0 : index
        %get3A_422 = tpu.vector_load %arg9[%get3A_419, %get3A_420, %get3A_421] {strides = array<i32>} : memref<2x640x64xf32, #tpu.memory_space<vmem>>, vector<1x1x16xf32>,
        %get3A_423 = vector.shape_cast %get3A_422 : vector<1x1x16xf32> to vector<16xf32>
        %add3A_424 = arith.addf %add3A_411, %get3A_423 : vector<16xf32>
        %mul3A_425 = arith.mulf %get3A_423, %get3A_423 : vector<16xf32>
        %add3A_426 = arith.addf %add3A_413, %mul3A_425 : vector<16xf32>
        %max3A_427 = arith.maximumf %max3A_414, %get3A_423 : vector<16xf32>
        %min3A_428 = arith.minimumf %min3A_415, %get3A_423 : vector<16xf32>
        %add3A_429 = arith.constant 11 : i32
        %add3A_430 = arith.addi %mul3A_294, %add3A_429 : i32
        %get3A_431 = arith.constant 1 : i32
        %get3A_432 = arith.index_cast %get3A_431 : i32 to index
        %get3A_433 = arith.index_cast %add3A_430 : i32 to index
        %get3A_434 = arith.constant 0 : index
        %get3A_435 = tpu.vector_load %arg9[%get3A_432, %get3A_433, %get3A_434] {strides = array<i32>} : memref<2x640x64xf32, #tpu.memory_space<vmem>>, vector<1x1x16xf32>,
        %get3A_436 = vector.shape_cast %get3A_435 : vector<1x1x16xf32> to vector<16xf32>
        %add3A_437 = arith.addf %add3A_424, %get3A_436 : vector<16xf32>
        %mul3A_438 = arith.mulf %get3A_436, %get3A_436 : vector<16xf32>
        %add3A_439 = arith.addf %add3A_426, %mul3A_438 : vector<16xf32>
        %max3A_440 = arith.maximumf %max3A_427, %get3A_436 : vector<16xf32>
        %min3A_441 = arith.minimumf %min3A_428, %get3A_436 : vector<16xf32>
        %add3A_442 = arith.constant 12 : i32
        %add3A_443 = arith.addi %mul3A_294, %add3A_442 : i32
        %get3A_444 = arith.constant 1 : i32
        %get3A_445 = arith.index_cast %get3A_444 : i32 to index
        %get3A_446 = arith.index_cast %add3A_443 : i32 to index
        %get3A_447 = arith.constant 0 : index
        %get3A_448 = tpu.vector_load %arg9[%get3A_445, %get3A_446, %get3A_447] {strides = array<i32>} : memref<2x640x64xf32, #tpu.memory_space<vmem>>, vector<1x1x16xf32>,
        %get3A_449 = vector.shape_cast %get3A_448 : vector<1x1x16xf32> to vector<16xf32>
        %add3A_450 = arith.addf %add3A_437, %get3A_449 : vector<16xf32>
        %mul3A_451 = arith.mulf %get3A_449, %get3A_449 : vector<16xf32>
        %add3A_452 = arith.addf %add3A_439, %mul3A_451 : vector<16xf32>
        %max3A_453 = arith.maximumf %max3A_440, %get3A_449 : vector<16xf32>
        %min3A_454 = arith.minimumf %min3A_441, %get3A_449 : vector<16xf32>
        %add3A_455 = arith.constant 13 : i32
        %add3A_456 = arith.addi %mul3A_294, %add3A_455 : i32
        %get3A_457 = arith.constant 1 : i32
        %get3A_458 = arith.index_cast %get3A_457 : i32 to index
        %get3A_459 = arith.index_cast %add3A_456 : i32 to index
        %get3A_460 = arith.constant 0 : index
        %get3A_461 = tpu.vector_load %arg9[%get3A_458, %get3A_459, %get3A_460] {strides = array<i32>} : memref<2x640x64xf32, #tpu.memory_space<vmem>>, vector<1x1x16xf32>,
        %get3A_462 = vector.shape_cast %get3A_461 : vector<1x1x16xf32> to vector<16xf32>
        %add3A_463 = arith.addf %add3A_450, %get3A_462 : vector<16xf32>
        %mul3A_464 = arith.mulf %get3A_462, %get3A_462 : vector<16xf32>
        %add3A_465 = arith.addf %add3A_452, %mul3A_464 : vector<16xf32>
        %max3A_466 = arith.maximumf %max3A_453, %get3A_462 : vector<16xf32>
        %min3A_467 = arith.minimumf %min3A_454, %get3A_462 : vector<16xf32>
        %add3A_468 = arith.constant 14 : i32
        %add3A_469 = arith.addi %mul3A_294, %add3A_468 : i32
        %get3A_470 = arith.constant 1 : i32
        %get3A_471 = arith.index_cast %get3A_470 : i32 to index
        %get3A_472 = arith.index_cast %add3A_469 : i32 to index
        %get3A_473 = arith.constant 0 : index
        %get3A_474 = tpu.vector_load %arg9[%get3A_471, %get3A_472, %get3A_473] {strides = array<i32>} : memref<2x640x64xf32, #tpu.memory_space<vmem>>, vector<1x1x16xf32>,
        %get3A_475 = vector.shape_cast %get3A_474 : vector<1x1x16xf32> to vector<16xf32>
        %add3A_476 = arith.addf %add3A_463, %get3A_475 : vector<16xf32>
        %mul3A_477 = arith.mulf %get3A_475, %get3A_475 : vector<16xf32>
        %add3A_478 = arith.addf %add3A_465, %mul3A_477 : vector<16xf32>
        %max3A_479 = arith.maximumf %max3A_466, %get3A_475 : vector<16xf32>
        %min3A_480 = arith.minimumf %min3A_467, %get3A_475 : vector<16xf32>
        %add3A_481 = arith.constant 15 : i32
        %add3A_482 = arith.addi %mul3A_294, %add3A_481 : i32
        %get3A_483 = arith.constant 1 : i32
        %get3A_484 = arith.index_cast %get3A_483 : i32 to index
        %get3A_485 = arith.index_cast %add3A_482 : i32 to index
        %get3A_486 = arith.constant 0 : index
        %get3A_487 = tpu.vector_load %arg9[%get3A_484, %get3A_485, %get3A_486] {strides = array<i32>} : memref<2x640x64xf32, #tpu.memory_space<vmem>>, vector<1x1x16xf32>,
        %get3A_488 = vector.shape_cast %get3A_487 : vector<1x1x16xf32> to vector<16xf32>
        %add3A_489 = arith.addf %add3A_476, %get3A_488 : vector<16xf32>
        %mul3A_490 = arith.mulf %get3A_488, %get3A_488 : vector<16xf32>
        %add3A_491 = arith.addf %add3A_478, %mul3A_490 : vector<16xf32>
        %max3A_492 = arith.maximumf %max3A_479, %get3A_488 : vector<16xf32>
        %min3A_493 = arith.minimumf %min3A_480, %get3A_488 : vector<16xf32>
        %add3A_494 = arith.constant 16 : i32
        %add3A_495 = arith.addi %mul3A_294, %add3A_494 : i32
        %get3A_496 = arith.constant 1 : i32
        %get3A_497 = arith.index_cast %get3A_496 : i32 to index
        %get3A_498 = arith.index_cast %add3A_495 : i32 to index
        %get3A_499 = arith.constant 0 : index
        %get3A_500 = tpu.vector_load %arg9[%get3A_497, %get3A_498, %get3A_499] {strides = array<i32>} : memref<2x640x64xf32, #tpu.memory_space<vmem>>, vector<1x1x16xf32>,
        %get3A_501 = vector.shape_cast %get3A_500 : vector<1x1x16xf32> to vector<16xf32>
        %add3A_502 = arith.addf %add3A_489, %get3A_501 : vector<16xf32>
        %mul3A_503 = arith.mulf %get3A_501, %get3A_501 : vector<16xf32>
        %add3A_504 = arith.addf %add3A_491, %mul3A_503 : vector<16xf32>
        %max3A_505 = arith.maximumf %max3A_492, %get3A_501 : vector<16xf32>
        %min3A_506 = arith.minimumf %min3A_493, %get3A_501 : vector<16xf32>
        %add3A_507 = arith.constant 17 : i32
        %add3A_508 = arith.addi %mul3A_294, %add3A_507 : i32
        %get3A_509 = arith.constant 1 : i32
        %get3A_510 = arith.index_cast %get3A_509 : i32 to index
        %get3A_511 = arith.index_cast %add3A_508 : i32 to index
        %get3A_512 = arith.constant 0 : index
        %get3A_513 = tpu.vector_load %arg9[%get3A_510, %get3A_511, %get3A_512] {strides = array<i32>} : memref<2x640x64xf32, #tpu.memory_space<vmem>>, vector<1x1x16xf32>,
        %get3A_514 = vector.shape_cast %get3A_513 : vector<1x1x16xf32> to vector<16xf32>
        %add3A_515 = arith.addf %add3A_502, %get3A_514 : vector<16xf32>
        %mul3A_516 = arith.mulf %get3A_514, %get3A_514 : vector<16xf32>
        %add3A_517 = arith.addf %add3A_504, %mul3A_516 : vector<16xf32>
        %max3A_518 = arith.maximumf %max3A_505, %get3A_514 : vector<16xf32>
        %min3A_519 = arith.minimumf %min3A_506, %get3A_514 : vector<16xf32>
        %add3A_520 = arith.constant 18 : i32
        %add3A_521 = arith.addi %mul3A_294, %add3A_520 : i32
        %get3A_522 = arith.constant 1 : i32
        %get3A_523 = arith.index_cast %get3A_522 : i32 to index
        %get3A_524 = arith.index_cast %add3A_521 : i32 to index
        %get3A_525 = arith.constant 0 : index
        %get3A_526 = tpu.vector_load %arg9[%get3A_523, %get3A_524, %get3A_525] {strides = array<i32>} : memref<2x640x64xf32, #tpu.memory_space<vmem>>, vector<1x1x16xf32>,
        %get3A_527 = vector.shape_cast %get3A_526 : vector<1x1x16xf32> to vector<16xf32>
        %add3A_528 = arith.addf %add3A_515, %get3A_527 : vector<16xf32>
        %mul3A_529 = arith.mulf %get3A_527, %get3A_527 : vector<16xf32>
        %add3A_530 = arith.addf %add3A_517, %mul3A_529 : vector<16xf32>
        %max3A_531 = arith.maximumf %max3A_518, %get3A_527 : vector<16xf32>
        %min3A_532 = arith.minimumf %min3A_519, %get3A_527 : vector<16xf32>
        %add3A_533 = arith.constant 19 : i32
        %add3A_534 = arith.addi %mul3A_294, %add3A_533 : i32
        %get3A_535 = arith.constant 1 : i32
        %get3A_536 = arith.index_cast %get3A_535 : i32 to index
        %get3A_537 = arith.index_cast %add3A_534 : i32 to index
        %get3A_538 = arith.constant 0 : index
        %get3A_539 = tpu.vector_load %arg9[%get3A_536, %get3A_537, %get3A_538] {strides = array<i32>} : memref<2x640x64xf32, #tpu.memory_space<vmem>>, vector<1x1x16xf32>,
        %get3A_540 = vector.shape_cast %get3A_539 : vector<1x1x16xf32> to vector<16xf32>
        %add3A_541 = arith.addf %add3A_528, %get3A_540 : vector<16xf32>
        %mul3A_542 = arith.mulf %get3A_540, %get3A_540 : vector<16xf32>
        %add3A_543 = arith.addf %add3A_530, %mul3A_542 : vector<16xf32>
        %max3A_544 = arith.maximumf %max3A_531, %get3A_540 : vector<16xf32>
        %min3A_545 = arith.minimumf %min3A_532, %get3A_540 : vector<16xf32>
        %swap3A = arith.index_cast %scan3A_292 : i32 to index
        %swap3A_546 = arith.constant 0 : index
        %swap3A_547 = tpu.vector_load %arg10[%swap3A, %swap3A_546] {strides = array<i32>} : memref<32x64xf32, #tpu.memory_space<vmem>>, vector<1x16xf32>,
        %swap3A_548 = vector.shape_cast %swap3A_547 : vector<1x16xf32> to vector<16xf32>
        %swap3A_549 = vector.shape_cast %add3A_541 : vector<16xf32> to vector<1x16xf32>
        tpu.vector_store %arg10[%swap3A, %swap3A_546], %swap3A_549 {strides = array<i32>} : memref<32x64xf32, #tpu.memory_space<vmem>>, vector<1x16xf32>,
        %swap3A_550 = arith.index_cast %scan3A_292 : i32 to index
        %swap3A_551 = arith.constant 0 : index
        %swap3A_552 = tpu.vector_load %arg11[%swap3A_550, %swap3A_551] {strides = array<i32>} : memref<32x64xf32, #tpu.memory_space<vmem>>, vector<1x16xf32>,
        %swap3A_553 = vector.shape_cast %swap3A_552 : vector<1x16xf32> to vector<16xf32>
        %swap3A_554 = vector.shape_cast %add3A_543 : vector<16xf32> to vector<1x16xf32>
        tpu.vector_store %arg11[%swap3A_550, %swap3A_551], %swap3A_554 {strides = array<i32>} : memref<32x64xf32, #tpu.memory_space<vmem>>, vector<1x16xf32>,
        %swap3A_555 = arith.index_cast %scan3A_292 : i32 to index
        %swap3A_556 = arith.constant 0 : index
        %swap3A_557 = tpu.vector_load %arg12[%swap3A_555, %swap3A_556] {strides = array<i32>} : memref<32x64xf32, #tpu.memory_space<vmem>>, vector<1x16xf32>,
        %swap3A_558 = vector.shape_cast %swap3A_557 : vector<1x16xf32> to vector<16xf32>
        %swap3A_559 = vector.shape_cast %max3A_544 : vector<16xf32> to vector<1x16xf32>
        tpu.vector_store %arg12[%swap3A_555, %swap3A_556], %swap3A_559 {strides = array<i32>} : memref<32x64xf32, #tpu.memory_space<vmem>>, vector<1x16xf32>,
        %swap3A_560 = arith.index_cast %scan3A_292 : i32 to index
        %swap3A_561 = arith.constant 0 : index
        %swap3A_562 = tpu.vector_load %arg13[%swap3A_560, %swap3A_561] {strides = array<i32>} : memref<32x64xf32, #tpu.memory_space<vmem>>, vector<1x16xf32>,
        %swap3A_563 = vector.shape_cast %swap3A_562 : vector<1x16xf32> to vector<16xf32>
        %swap3A_564 = vector.shape_cast %min3A_545 : vector<16xf32> to vector<1x16xf32>
        tpu.vector_store %arg13[%swap3A_560, %swap3A_561], %swap3A_564 {strides = array<i32>} : memref<32x64xf32, #tpu.memory_space<vmem>>, vector<1x16xf32>,
        %get3A_565 = arith.constant 1 : i32
        %get3A_566 = arith.index_cast %get3A_565 : i32 to index
        %get3A_567 = arith.index_cast %mul3A_294 : i32 to index
        %get3A_568 = arith.constant 16 : index
        %get3A_569 = tpu.vector_load %arg9[%get3A_566, %get3A_567, %get3A_568] {strides = array<i32>} : memref<2x640x64xf32, #tpu.memory_space<vmem>>, vector<1x1x16xf32>,
        %get3A_570 = vector.shape_cast %get3A_569 : vector<1x1x16xf32> to vector<16xf32>
        %mul3A_571 = arith.mulf %get3A_570, %get3A_570 : vector<16xf32>
        %add3A_572 = arith.constant 1 : i32
        %add3A_573 = arith.addi %mul3A_294, %add3A_572 : i32
        %get3A_574 = arith.constant 1 : i32
        %get3A_575 = arith.index_cast %get3A_574 : i32 to index
        %get3A_576 = arith.index_cast %add3A_573 : i32 to index
        %get3A_577 = arith.constant 16 : index
        %get3A_578 = tpu.vector_load %arg9[%get3A_575, %get3A_576, %get3A_577] {strides = array<i32>} : memref<2x640x64xf32, #tpu.memory_space<vmem>>, vector<1x1x16xf32>,
        %get3A_579 = vector.shape_cast %get3A_578 : vector<1x1x16xf32> to vector<16xf32>
        %add3A_580 = arith.addf %get3A_570, %get3A_579 : vector<16xf32>
        %mul3A_581 = arith.mulf %get3A_579, %get3A_579 : vector<16xf32>
        %add3A_582 = arith.addf %mul3A_571, %mul3A_581 : vector<16xf32>
        %max3A_583 = arith.maximumf %get3A_570, %get3A_579 : vector<16xf32>
        %min3A_584 = arith.minimumf %get3A_570, %get3A_579 : vector<16xf32>
        %add3A_585 = arith.constant 2 : i32
        %add3A_586 = arith.addi %mul3A_294, %add3A_585 : i32
        %get3A_587 = arith.constant 1 : i32
        %get3A_588 = arith.index_cast %get3A_587 : i32 to index
        %get3A_589 = arith.index_cast %add3A_586 : i32 to index
        %get3A_590 = arith.constant 16 : index
        %get3A_591 = tpu.vector_load %arg9[%get3A_588, %get3A_589, %get3A_590] {strides = array<i32>} : memref<2x640x64xf32, #tpu.memory_space<vmem>>, vector<1x1x16xf32>,
        %get3A_592 = vector.shape_cast %get3A_591 : vector<1x1x16xf32> to vector<16xf32>
        %add3A_593 = arith.addf %add3A_580, %get3A_592 : vector<16xf32>
        %mul3A_594 = arith.mulf %get3A_592, %get3A_592 : vector<16xf32>
        %add3A_595 = arith.addf %add3A_582, %mul3A_594 : vector<16xf32>
        %max3A_596 = arith.maximumf %max3A_583, %get3A_592 : vector<16xf32>
        %min3A_597 = arith.minimumf %min3A_584, %get3A_592 : vector<16xf32>
        %add3A_598 = arith.constant 3 : i32
        %add3A_599 = arith.addi %mul3A_294, %add3A_598 : i32
        %get3A_600 = arith.constant 1 : i32
        %get3A_601 = arith.index_cast %get3A_600 : i32 to index
        %get3A_602 = arith.index_cast %add3A_599 : i32 to index
        %get3A_603 = arith.constant 16 : index
        %get3A_604 = tpu.vector_load %arg9[%get3A_601, %get3A_602, %get3A_603] {strides = array<i32>} : memref<2x640x64xf32, #tpu.memory_space<vmem>>, vector<1x1x16xf32>,
        %get3A_605 = vector.shape_cast %get3A_604 : vector<1x1x16xf32> to vector<16xf32>
        %add3A_606 = arith.addf %add3A_593, %get3A_605 : vector<16xf32>
        %mul3A_607 = arith.mulf %get3A_605, %get3A_605 : vector<16xf32>
        %add3A_608 = arith.addf %add3A_595, %mul3A_607 : vector<16xf32>
        %max3A_609 = arith.maximumf %max3A_596, %get3A_605 : vector<16xf32>
        %min3A_610 = arith.minimumf %min3A_597, %get3A_605 : vector<16xf32>
        %add3A_611 = arith.constant 4 : i32
        %add3A_612 = arith.addi %mul3A_294, %add3A_611 : i32
        %get3A_613 = arith.constant 1 : i32
        %get3A_614 = arith.index_cast %get3A_613 : i32 to index
        %get3A_615 = arith.index_cast %add3A_612 : i32 to index
        %get3A_616 = arith.constant 16 : index
        %get3A_617 = tpu.vector_load %arg9[%get3A_614, %get3A_615, %get3A_616] {strides = array<i32>} : memref<2x640x64xf32, #tpu.memory_space<vmem>>, vector<1x1x16xf32>,
        %get3A_618 = vector.shape_cast %get3A_617 : vector<1x1x16xf32> to vector<16xf32>
        %add3A_619 = arith.addf %add3A_606, %get3A_618 : vector<16xf32>
        %mul3A_620 = arith.mulf %get3A_618, %get3A_618 : vector<16xf32>
        %add3A_621 = arith.addf %add3A_608, %mul3A_620 : vector<16xf32>
        %max3A_622 = arith.maximumf %max3A_609, %get3A_618 : vector<16xf32>
        %min3A_623 = arith.minimumf %min3A_610, %get3A_618 : vector<16xf32>
        %add3A_624 = arith.constant 5 : i32
        %add3A_625 = arith.addi %mul3A_294, %add3A_624 : i32
        %get3A_626 = arith.constant 1 : i32
        %get3A_627 = arith.index_cast %get3A_626 : i32 to index
        %get3A_628 = arith.index_cast %add3A_625 : i32 to index
        %get3A_629 = arith.constant 16 : index
        %get3A_630 = tpu.vector_load %arg9[%get3A_627, %get3A_628, %get3A_629] {strides = array<i32>} : memref<2x640x64xf32, #tpu.memory_space<vmem>>, vector<1x1x16xf32>,
        %get3A_631 = vector.shape_cast %get3A_630 : vector<1x1x16xf32> to vector<16xf32>
        %add3A_632 = arith.addf %add3A_619, %get3A_631 : vector<16xf32>
        %mul3A_633 = arith.mulf %get3A_631, %get3A_631 : vector<16xf32>
        %add3A_634 = arith.addf %add3A_621, %mul3A_633 : vector<16xf32>
        %max3A_635 = arith.maximumf %max3A_622, %get3A_631 : vector<16xf32>
        %min3A_636 = arith.minimumf %min3A_623, %get3A_631 : vector<16xf32>
        %add3A_637 = arith.constant 6 : i32
        %add3A_638 = arith.addi %mul3A_294, %add3A_637 : i32
        %get3A_639 = arith.constant 1 : i32
        %get3A_640 = arith.index_cast %get3A_639 : i32 to index
        %get3A_641 = arith.index_cast %add3A_638 : i32 to index
        %get3A_642 = arith.constant 16 : index
        %get3A_643 = tpu.vector_load %arg9[%get3A_640, %get3A_641, %get3A_642] {strides = array<i32>} : memref<2x640x64xf32, #tpu.memory_space<vmem>>, vector<1x1x16xf32>,
        %get3A_644 = vector.shape_cast %get3A_643 : vector<1x1x16xf32> to vector<16xf32>
        %add3A_645 = arith.addf %add3A_632, %get3A_644 : vector<16xf32>
        %mul3A_646 = arith.mulf %get3A_644, %get3A_644 : vector<16xf32>
        %add3A_647 = arith.addf %add3A_634, %mul3A_646 : vector<16xf32>
        %max3A_648 = arith.maximumf %max3A_635, %get3A_644 : vector<16xf32>
        %min3A_649 = arith.minimumf %min3A_636, %get3A_644 : vector<16xf32>
        %add3A_650 = arith.constant 7 : i32
        %add3A_651 = arith.addi %mul3A_294, %add3A_650 : i32
        %get3A_652 = arith.constant 1 : i32
        %get3A_653 = arith.index_cast %get3A_652 : i32 to index
        %get3A_654 = arith.index_cast %add3A_651 : i32 to index
        %get3A_655 = arith.constant 16 : index
        %get3A_656 = tpu.vector_load %arg9[%get3A_653, %get3A_654, %get3A_655] {strides = array<i32>} : memref<2x640x64xf32, #tpu.memory_space<vmem>>, vector<1x1x16xf32>,
        %get3A_657 = vector.shape_cast %get3A_656 : vector<1x1x16xf32> to vector<16xf32>
        %add3A_658 = arith.addf %add3A_645, %get3A_657 : vector<16xf32>
        %mul3A_659 = arith.mulf %get3A_657, %get3A_657 : vector<16xf32>
        %add3A_660 = arith.addf %add3A_647, %mul3A_659 : vector<16xf32>
        %max3A_661 = arith.maximumf %max3A_648, %get3A_657 : vector<16xf32>
        %min3A_662 = arith.minimumf %min3A_649, %get3A_657 : vector<16xf32>
        %add3A_663 = arith.constant 8 : i32
        %add3A_664 = arith.addi %mul3A_294, %add3A_663 : i32
        %get3A_665 = arith.constant 1 : i32
        %get3A_666 = arith.index_cast %get3A_665 : i32 to index
        %get3A_667 = arith.index_cast %add3A_664 : i32 to index
        %get3A_668 = arith.constant 16 : index
        %get3A_669 = tpu.vector_load %arg9[%get3A_666, %get3A_667, %get3A_668] {strides = array<i32>} : memref<2x640x64xf32, #tpu.memory_space<vmem>>, vector<1x1x16xf32>,
        %get3A_670 = vector.shape_cast %get3A_669 : vector<1x1x16xf32> to vector<16xf32>
        %add3A_671 = arith.addf %add3A_658, %get3A_670 : vector<16xf32>
        %mul3A_672 = arith.mulf %get3A_670, %get3A_670 : vector<16xf32>
        %add3A_673 = arith.addf %add3A_660, %mul3A_672 : vector<16xf32>
        %max3A_674 = arith.maximumf %max3A_661, %get3A_670 : vector<16xf32>
        %min3A_675 = arith.minimumf %min3A_662, %get3A_670 : vector<16xf32>
        %add3A_676 = arith.constant 9 : i32
        %add3A_677 = arith.addi %mul3A_294, %add3A_676 : i32
        %get3A_678 = arith.constant 1 : i32
        %get3A_679 = arith.index_cast %get3A_678 : i32 to index
        %get3A_680 = arith.index_cast %add3A_677 : i32 to index
        %get3A_681 = arith.constant 16 : index
        %get3A_682 = tpu.vector_load %arg9[%get3A_679, %get3A_680, %get3A_681] {strides = array<i32>} : memref<2x640x64xf32, #tpu.memory_space<vmem>>, vector<1x1x16xf32>,
        %get3A_683 = vector.shape_cast %get3A_682 : vector<1x1x16xf32> to vector<16xf32>
        %add3A_684 = arith.addf %add3A_671, %get3A_683 : vector<16xf32>
        %mul3A_685 = arith.mulf %get3A_683, %get3A_683 : vector<16xf32>
        %add3A_686 = arith.addf %add3A_673, %mul3A_685 : vector<16xf32>
        %max3A_687 = arith.maximumf %max3A_674, %get3A_683 : vector<16xf32>
        %min3A_688 = arith.minimumf %min3A_675, %get3A_683 : vector<16xf32>
        %add3A_689 = arith.constant 10 : i32
        %add3A_690 = arith.addi %mul3A_294, %add3A_689 : i32
        %get3A_691 = arith.constant 1 : i32
        %get3A_692 = arith.index_cast %get3A_691 : i32 to index
        %get3A_693 = arith.index_cast %add3A_690 : i32 to index
        %get3A_694 = arith.constant 16 : index
        %get3A_695 = tpu.vector_load %arg9[%get3A_692, %get3A_693, %get3A_694] {strides = array<i32>} : memref<2x640x64xf32, #tpu.memory_space<vmem>>, vector<1x1x16xf32>,
        %get3A_696 = vector.shape_cast %get3A_695 : vector<1x1x16xf32> to vector<16xf32>
        %add3A_697 = arith.addf %add3A_684, %get3A_696 : vector<16xf32>
        %mul3A_698 = arith.mulf %get3A_696, %get3A_696 : vector<16xf32>
        %add3A_699 = arith.addf %add3A_686, %mul3A_698 : vector<16xf32>
        %max3A_700 = arith.maximumf %max3A_687, %get3A_696 : vector<16xf32>
        %min3A_701 = arith.minimumf %min3A_688, %get3A_696 : vector<16xf32>
        %add3A_702 = arith.constant 11 : i32
        %add3A_703 = arith.addi %mul3A_294, %add3A_702 : i32
        %get3A_704 = arith.constant 1 : i32
        %get3A_705 = arith.index_cast %get3A_704 : i32 to index
        %get3A_706 = arith.index_cast %add3A_703 : i32 to index
        %get3A_707 = arith.constant 16 : index
        %get3A_708 = tpu.vector_load %arg9[%get3A_705, %get3A_706, %get3A_707] {strides = array<i32>} : memref<2x640x64xf32, #tpu.memory_space<vmem>>, vector<1x1x16xf32>,
        %get3A_709 = vector.shape_cast %get3A_708 : vector<1x1x16xf32> to vector<16xf32>
        %add3A_710 = arith.addf %add3A_697, %get3A_709 : vector<16xf32>
        %mul3A_711 = arith.mulf %get3A_709, %get3A_709 : vector<16xf32>
        %add3A_712 = arith.addf %add3A_699, %mul3A_711 : vector<16xf32>
        %max3A_713 = arith.maximumf %max3A_700, %get3A_709 : vector<16xf32>
        %min3A_714 = arith.minimumf %min3A_701, %get3A_709 : vector<16xf32>
        %add3A_715 = arith.constant 12 : i32
        %add3A_716 = arith.addi %mul3A_294, %add3A_715 : i32
        %get3A_717 = arith.constant 1 : i32
        %get3A_718 = arith.index_cast %get3A_717 : i32 to index
        %get3A_719 = arith.index_cast %add3A_716 : i32 to index
        %get3A_720 = arith.constant 16 : index
        %get3A_721 = tpu.vector_load %arg9[%get3A_718, %get3A_719, %get3A_720] {strides = array<i32>} : memref<2x640x64xf32, #tpu.memory_space<vmem>>, vector<1x1x16xf32>,
        %get3A_722 = vector.shape_cast %get3A_721 : vector<1x1x16xf32> to vector<16xf32>
        %add3A_723 = arith.addf %add3A_710, %get3A_722 : vector<16xf32>
        %mul3A_724 = arith.mulf %get3A_722, %get3A_722 : vector<16xf32>
        %add3A_725 = arith.addf %add3A_712, %mul3A_724 : vector<16xf32>
        %max3A_726 = arith.maximumf %max3A_713, %get3A_722 : vector<16xf32>
        %min3A_727 = arith.minimumf %min3A_714, %get3A_722 : vector<16xf32>
        %add3A_728 = arith.constant 13 : i32
        %add3A_729 = arith.addi %mul3A_294, %add3A_728 : i32
        %get3A_730 = arith.constant 1 : i32
        %get3A_731 = arith.index_cast %get3A_730 : i32 to index
        %get3A_732 = arith.index_cast %add3A_729 : i32 to index
        %get3A_733 = arith.constant 16 : index
        %get3A_734 = tpu.vector_load %arg9[%get3A_731, %get3A_732, %get3A_733] {strides = array<i32>} : memref<2x640x64xf32, #tpu.memory_space<vmem>>, vector<1x1x16xf32>,
        %get3A_735 = vector.shape_cast %get3A_734 : vector<1x1x16xf32> to vector<16xf32>
        %add3A_736 = arith.addf %add3A_723, %get3A_735 : vector<16xf32>
        %mul3A_737 = arith.mulf %get3A_735, %get3A_735 : vector<16xf32>
        %add3A_738 = arith.addf %add3A_725, %mul3A_737 : vector<16xf32>
        %max3A_739 = arith.maximumf %max3A_726, %get3A_735 : vector<16xf32>
        %min3A_740 = arith.minimumf %min3A_727, %get3A_735 : vector<16xf32>
        %add3A_741 = arith.constant 14 : i32
        %add3A_742 = arith.addi %mul3A_294, %add3A_741 : i32
        %get3A_743 = arith.constant 1 : i32
        %get3A_744 = arith.index_cast %get3A_743 : i32 to index
        %get3A_745 = arith.index_cast %add3A_742 : i32 to index
        %get3A_746 = arith.constant 16 : index
        %get3A_747 = tpu.vector_load %arg9[%get3A_744, %get3A_745, %get3A_746] {strides = array<i32>} : memref<2x640x64xf32, #tpu.memory_space<vmem>>, vector<1x1x16xf32>,
        %get3A_748 = vector.shape_cast %get3A_747 : vector<1x1x16xf32> to vector<16xf32>
        %add3A_749 = arith.addf %add3A_736, %get3A_748 : vector<16xf32>
        %mul3A_750 = arith.mulf %get3A_748, %get3A_748 : vector<16xf32>
        %add3A_751 = arith.addf %add3A_738, %mul3A_750 : vector<16xf32>
        %max3A_752 = arith.maximumf %max3A_739, %get3A_748 : vector<16xf32>
        %min3A_753 = arith.minimumf %min3A_740, %get3A_748 : vector<16xf32>
        %add3A_754 = arith.constant 15 : i32
        %add3A_755 = arith.addi %mul3A_294, %add3A_754 : i32
        %get3A_756 = arith.constant 1 : i32
        %get3A_757 = arith.index_cast %get3A_756 : i32 to index
        %get3A_758 = arith.index_cast %add3A_755 : i32 to index
        %get3A_759 = arith.constant 16 : index
        %get3A_760 = tpu.vector_load %arg9[%get3A_757, %get3A_758, %get3A_759] {strides = array<i32>} : memref<2x640x64xf32, #tpu.memory_space<vmem>>, vector<1x1x16xf32>,
        %get3A_761 = vector.shape_cast %get3A_760 : vector<1x1x16xf32> to vector<16xf32>
        %add3A_762 = arith.addf %add3A_749, %get3A_761 : vector<16xf32>
        %mul3A_763 = arith.mulf %get3A_761, %get3A_761 : vector<16xf32>
        %add3A_764 = arith.addf %add3A_751, %mul3A_763 : vector<16xf32>
        %max3A_765 = arith.maximumf %max3A_752, %get3A_761 : vector<16xf32>
        %min3A_766 = arith.minimumf %min3A_753, %get3A_761 : vector<16xf32>
        %add3A_767 = arith.constant 16 : i32
        %add3A_768 = arith.addi %mul3A_294, %add3A_767 : i32
        %get3A_769 = arith.constant 1 : i32
        %get3A_770 = arith.index_cast %get3A_769 : i32 to index
        %get3A_771 = arith.index_cast %add3A_768 : i32 to index
        %get3A_772 = arith.constant 16 : index
        %get3A_773 = tpu.vector_load %arg9[%get3A_770, %get3A_771, %get3A_772] {strides = array<i32>} : memref<2x640x64xf32, #tpu.memory_space<vmem>>, vector<1x1x16xf32>,
        %get3A_774 = vector.shape_cast %get3A_773 : vector<1x1x16xf32> to vector<16xf32>
        %add3A_775 = arith.addf %add3A_762, %get3A_774 : vector<16xf32>
        %mul3A_776 = arith.mulf %get3A_774, %get3A_774 : vector<16xf32>
        %add3A_777 = arith.addf %add3A_764, %mul3A_776 : vector<16xf32>
        %max3A_778 = arith.maximumf %max3A_765, %get3A_774 : vector<16xf32>
        %min3A_779 = arith.minimumf %min3A_766, %get3A_774 : vector<16xf32>
        %add3A_780 = arith.constant 17 : i32
        %add3A_781 = arith.addi %mul3A_294, %add3A_780 : i32
        %get3A_782 = arith.constant 1 : i32
        %get3A_783 = arith.index_cast %get3A_782 : i32 to index
        %get3A_784 = arith.index_cast %add3A_781 : i32 to index
        %get3A_785 = arith.constant 16 : index
        %get3A_786 = tpu.vector_load %arg9[%get3A_783, %get3A_784, %get3A_785] {strides = array<i32>} : memref<2x640x64xf32, #tpu.memory_space<vmem>>, vector<1x1x16xf32>,
        %get3A_787 = vector.shape_cast %get3A_786 : vector<1x1x16xf32> to vector<16xf32>
        %add3A_788 = arith.addf %add3A_775, %get3A_787 : vector<16xf32>
        %mul3A_789 = arith.mulf %get3A_787, %get3A_787 : vector<16xf32>
        %add3A_790 = arith.addf %add3A_777, %mul3A_789 : vector<16xf32>
        %max3A_791 = arith.maximumf %max3A_778, %get3A_787 : vector<16xf32>
        %min3A_792 = arith.minimumf %min3A_779, %get3A_787 : vector<16xf32>
        %add3A_793 = arith.constant 18 : i32
        %add3A_794 = arith.addi %mul3A_294, %add3A_793 : i32
        %get3A_795 = arith.constant 1 : i32
        %get3A_796 = arith.index_cast %get3A_795 : i32 to index
        %get3A_797 = arith.index_cast %add3A_794 : i32 to index
        %get3A_798 = arith.constant 16 : index
        %get3A_799 = tpu.vector_load %arg9[%get3A_796, %get3A_797, %get3A_798] {strides = array<i32>} : memref<2x640x64xf32, #tpu.memory_space<vmem>>, vector<1x1x16xf32>,
        %get3A_800 = vector.shape_cast %get3A_799 : vector<1x1x16xf32> to vector<16xf32>
        %add3A_801 = arith.addf %add3A_788, %get3A_800 : vector<16xf32>
        %mul3A_802 = arith.mulf %get3A_800, %get3A_800 : vector<16xf32>
        %add3A_803 = arith.addf %add3A_790, %mul3A_802 : vector<16xf32>
        %max3A_804 = arith.maximumf %max3A_791, %get3A_800 : vector<16xf32>
        %min3A_805 = arith.minimumf %min3A_792, %get3A_800 : vector<16xf32>
        %add3A_806 = arith.constant 19 : i32
        %add3A_807 = arith.addi %mul3A_294, %add3A_806 : i32
        %get3A_808 = arith.constant 1 : i32
        %get3A_809 = arith.index_cast %get3A_808 : i32 to index
        %get3A_810 = arith.index_cast %add3A_807 : i32 to index
        %get3A_811 = arith.constant 16 : index
        %get3A_812 = tpu.vector_load %arg9[%get3A_809, %get3A_810, %get3A_811] {strides = array<i32>} : memref<2x640x64xf32, #tpu.memory_space<vmem>>, vector<1x1x16xf32>,
        %get3A_813 = vector.shape_cast %get3A_812 : vector<1x1x16xf32> to vector<16xf32>
        %add3A_814 = arith.addf %add3A_801, %get3A_813 : vector<16xf32>
        %mul3A_815 = arith.mulf %get3A_813, %get3A_813 : vector<16xf32>
        %add3A_816 = arith.addf %add3A_803, %mul3A_815 : vector<16xf32>
        %max3A_817 = arith.maximumf %max3A_804, %get3A_813 : vector<16xf32>
        %min3A_818 = arith.minimumf %min3A_805, %get3A_813 : vector<16xf32>
        %swap3A_819 = arith.index_cast %scan3A_292 : i32 to index
        %swap3A_820 = arith.constant 16 : index
        %swap3A_821 = tpu.vector_load %arg10[%swap3A_819, %swap3A_820] {strides = array<i32>} : memref<32x64xf32, #tpu.memory_space<vmem>>, vector<1x16xf32>,
        %swap3A_822 = vector.shape_cast %swap3A_821 : vector<1x16xf32> to vector<16xf32>
        %swap3A_823 = vector.shape_cast %add3A_814 : vector<16xf32> to vector<1x16xf32>
        tpu.vector_store %arg10[%swap3A_819, %swap3A_820], %swap3A_823 {strides = array<i32>} : memref<32x64xf32, #tpu.memory_space<vmem>>, vector<1x16xf32>,
        %swap3A_824 = arith.index_cast %scan3A_292 : i32 to index
        %swap3A_825 = arith.constant 16 : index
        %swap3A_826 = tpu.vector_load %arg11[%swap3A_824, %swap3A_825] {strides = array<i32>} : memref<32x64xf32, #tpu.memory_space<vmem>>, vector<1x16xf32>,
        %swap3A_827 = vector.shape_cast %swap3A_826 : vector<1x16xf32> to vector<16xf32>
        %swap3A_828 = vector.shape_cast %add3A_816 : vector<16xf32> to vector<1x16xf32>
        tpu.vector_store %arg11[%swap3A_824, %swap3A_825], %swap3A_828 {strides = array<i32>} : memref<32x64xf32, #tpu.memory_space<vmem>>, vector<1x16xf32>,
        %swap3A_829 = arith.index_cast %scan3A_292 : i32 to index
        %swap3A_830 = arith.constant 16 : index
        %swap3A_831 = tpu.vector_load %arg12[%swap3A_829, %swap3A_830] {strides = array<i32>} : memref<32x64xf32, #tpu.memory_space<vmem>>, vector<1x16xf32>,
        %swap3A_832 = vector.shape_cast %swap3A_831 : vector<1x16xf32> to vector<16xf32>
        %swap3A_833 = vector.shape_cast %max3A_817 : vector<16xf32> to vector<1x16xf32>
        tpu.vector_store %arg12[%swap3A_829, %swap3A_830], %swap3A_833 {strides = array<i32>} : memref<32x64xf32, #tpu.memory_space<vmem>>, vector<1x16xf32>,
        %swap3A_834 = arith.index_cast %scan3A_292 : i32 to index
        %swap3A_835 = arith.constant 16 : index
        %swap3A_836 = tpu.vector_load %arg13[%swap3A_834, %swap3A_835] {strides = array<i32>} : memref<32x64xf32, #tpu.memory_space<vmem>>, vector<1x16xf32>,
        %swap3A_837 = vector.shape_cast %swap3A_836 : vector<1x16xf32> to vector<16xf32>
        %swap3A_838 = vector.shape_cast %min3A_818 : vector<16xf32> to vector<1x16xf32>
        tpu.vector_store %arg13[%swap3A_834, %swap3A_835], %swap3A_838 {strides = array<i32>} : memref<32x64xf32, #tpu.memory_space<vmem>>, vector<1x16xf32>,
        %get3A_839 = arith.constant 1 : i32
        %get3A_840 = arith.index_cast %get3A_839 : i32 to index
        %get3A_841 = arith.index_cast %mul3A_294 : i32 to index
        %get3A_842 = arith.constant 32 : index
        %get3A_843 = tpu.vector_load %arg9[%get3A_840, %get3A_841, %get3A_842] {strides = array<i32>} : memref<2x640x64xf32, #tpu.memory_space<vmem>>, vector<1x1x16xf32>,
        %get3A_844 = vector.shape_cast %get3A_843 : vector<1x1x16xf32> to vector<16xf32>
        %mul3A_845 = arith.mulf %get3A_844, %get3A_844 : vector<16xf32>
        %add3A_846 = arith.constant 1 : i32
        %add3A_847 = arith.addi %mul3A_294, %add3A_846 : i32
        %get3A_848 = arith.constant 1 : i32
        %get3A_849 = arith.index_cast %get3A_848 : i32 to index
        %get3A_850 = arith.index_cast %add3A_847 : i32 to index
        %get3A_851 = arith.constant 32 : index
        %get3A_852 = tpu.vector_load %arg9[%get3A_849, %get3A_850, %get3A_851] {strides = array<i32>} : memref<2x640x64xf32, #tpu.memory_space<vmem>>, vector<1x1x16xf32>,
        %get3A_853 = vector.shape_cast %get3A_852 : vector<1x1x16xf32> to vector<16xf32>
        %add3A_854 = arith.addf %get3A_844, %get3A_853 : vector<16xf32>
        %mul3A_855 = arith.mulf %get3A_853, %get3A_853 : vector<16xf32>
        %add3A_856 = arith.addf %mul3A_845, %mul3A_855 : vector<16xf32>
        %max3A_857 = arith.maximumf %get3A_844, %get3A_853 : vector<16xf32>
        %min3A_858 = arith.minimumf %get3A_844, %get3A_853 : vector<16xf32>
        %add3A_859 = arith.constant 2 : i32
        %add3A_860 = arith.addi %mul3A_294, %add3A_859 : i32
        %get3A_861 = arith.constant 1 : i32
        %get3A_862 = arith.index_cast %get3A_861 : i32 to index
        %get3A_863 = arith.index_cast %add3A_860 : i32 to index
        %get3A_864 = arith.constant 32 : index
        %get3A_865 = tpu.vector_load %arg9[%get3A_862, %get3A_863, %get3A_864] {strides = array<i32>} : memref<2x640x64xf32, #tpu.memory_space<vmem>>, vector<1x1x16xf32>,
        %get3A_866 = vector.shape_cast %get3A_865 : vector<1x1x16xf32> to vector<16xf32>
        %add3A_867 = arith.addf %add3A_854, %get3A_866 : vector<16xf32>
        %mul3A_868 = arith.mulf %get3A_866, %get3A_866 : vector<16xf32>
        %add3A_869 = arith.addf %add3A_856, %mul3A_868 : vector<16xf32>
        %max3A_870 = arith.maximumf %max3A_857, %get3A_866 : vector<16xf32>
        %min3A_871 = arith.minimumf %min3A_858, %get3A_866 : vector<16xf32>
        %add3A_872 = arith.constant 3 : i32
        %add3A_873 = arith.addi %mul3A_294, %add3A_872 : i32
        %get3A_874 = arith.constant 1 : i32
        %get3A_875 = arith.index_cast %get3A_874 : i32 to index
        %get3A_876 = arith.index_cast %add3A_873 : i32 to index
        %get3A_877 = arith.constant 32 : index
        %get3A_878 = tpu.vector_load %arg9[%get3A_875, %get3A_876, %get3A_877] {strides = array<i32>} : memref<2x640x64xf32, #tpu.memory_space<vmem>>, vector<1x1x16xf32>,
        %get3A_879 = vector.shape_cast %get3A_878 : vector<1x1x16xf32> to vector<16xf32>
        %add3A_880 = arith.addf %add3A_867, %get3A_879 : vector<16xf32>
        %mul3A_881 = arith.mulf %get3A_879, %get3A_879 : vector<16xf32>
        %add3A_882 = arith.addf %add3A_869, %mul3A_881 : vector<16xf32>
        %max3A_883 = arith.maximumf %max3A_870, %get3A_879 : vector<16xf32>
        %min3A_884 = arith.minimumf %min3A_871, %get3A_879 : vector<16xf32>
        %add3A_885 = arith.constant 4 : i32
        %add3A_886 = arith.addi %mul3A_294, %add3A_885 : i32
        %get3A_887 = arith.constant 1 : i32
        %get3A_888 = arith.index_cast %get3A_887 : i32 to index
        %get3A_889 = arith.index_cast %add3A_886 : i32 to index
        %get3A_890 = arith.constant 32 : index
        %get3A_891 = tpu.vector_load %arg9[%get3A_888, %get3A_889, %get3A_890] {strides = array<i32>} : memref<2x640x64xf32, #tpu.memory_space<vmem>>, vector<1x1x16xf32>,
        %get3A_892 = vector.shape_cast %get3A_891 : vector<1x1x16xf32> to vector<16xf32>
        %add3A_893 = arith.addf %add3A_880, %get3A_892 : vector<16xf32>
        %mul3A_894 = arith.mulf %get3A_892, %get3A_892 : vector<16xf32>
        %add3A_895 = arith.addf %add3A_882, %mul3A_894 : vector<16xf32>
        %max3A_896 = arith.maximumf %max3A_883, %get3A_892 : vector<16xf32>
        %min3A_897 = arith.minimumf %min3A_884, %get3A_892 : vector<16xf32>
        %add3A_898 = arith.constant 5 : i32
        %add3A_899 = arith.addi %mul3A_294, %add3A_898 : i32
        %get3A_900 = arith.constant 1 : i32
        %get3A_901 = arith.index_cast %get3A_900 : i32 to index
        %get3A_902 = arith.index_cast %add3A_899 : i32 to index
        %get3A_903 = arith.constant 32 : index
        %get3A_904 = tpu.vector_load %arg9[%get3A_901, %get3A_902, %get3A_903] {strides = array<i32>} : memref<2x640x64xf32, #tpu.memory_space<vmem>>, vector<1x1x16xf32>,
        %get3A_905 = vector.shape_cast %get3A_904 : vector<1x1x16xf32> to vector<16xf32>
        %add3A_906 = arith.addf %add3A_893, %get3A_905 : vector<16xf32>
        %mul3A_907 = arith.mulf %get3A_905, %get3A_905 : vector<16xf32>
        %add3A_908 = arith.addf %add3A_895, %mul3A_907 : vector<16xf32>
        %max3A_909 = arith.maximumf %max3A_896, %get3A_905 : vector<16xf32>
        %min3A_910 = arith.minimumf %min3A_897, %get3A_905 : vector<16xf32>
        %add3A_911 = arith.constant 6 : i32
        %add3A_912 = arith.addi %mul3A_294, %add3A_911 : i32
        %get3A_913 = arith.constant 1 : i32
        %get3A_914 = arith.index_cast %get3A_913 : i32 to index
        %get3A_915 = arith.index_cast %add3A_912 : i32 to index
        %get3A_916 = arith.constant 32 : index
        %get3A_917 = tpu.vector_load %arg9[%get3A_914, %get3A_915, %get3A_916] {strides = array<i32>} : memref<2x640x64xf32, #tpu.memory_space<vmem>>, vector<1x1x16xf32>,
        %get3A_918 = vector.shape_cast %get3A_917 : vector<1x1x16xf32> to vector<16xf32>
        %add3A_919 = arith.addf %add3A_906, %get3A_918 : vector<16xf32>
        %mul3A_920 = arith.mulf %get3A_918, %get3A_918 : vector<16xf32>
        %add3A_921 = arith.addf %add3A_908, %mul3A_920 : vector<16xf32>
        %max3A_922 = arith.maximumf %max3A_909, %get3A_918 : vector<16xf32>
        %min3A_923 = arith.minimumf %min3A_910, %get3A_918 : vector<16xf32>
        %add3A_924 = arith.constant 7 : i32
        %add3A_925 = arith.addi %mul3A_294, %add3A_924 : i32
        %get3A_926 = arith.constant 1 : i32
        %get3A_927 = arith.index_cast %get3A_926 : i32 to index
        %get3A_928 = arith.index_cast %add3A_925 : i32 to index
        %get3A_929 = arith.constant 32 : index
        %get3A_930 = tpu.vector_load %arg9[%get3A_927, %get3A_928, %get3A_929] {strides = array<i32>} : memref<2x640x64xf32, #tpu.memory_space<vmem>>, vector<1x1x16xf32>,
        %get3A_931 = vector.shape_cast %get3A_930 : vector<1x1x16xf32> to vector<16xf32>
        %add3A_932 = arith.addf %add3A_919, %get3A_931 : vector<16xf32>
        %mul3A_933 = arith.mulf %get3A_931, %get3A_931 : vector<16xf32>
        %add3A_934 = arith.addf %add3A_921, %mul3A_933 : vector<16xf32>
        %max3A_935 = arith.maximumf %max3A_922, %get3A_931 : vector<16xf32>
        %min3A_936 = arith.minimumf %min3A_923, %get3A_931 : vector<16xf32>
        %add3A_937 = arith.constant 8 : i32
        %add3A_938 = arith.addi %mul3A_294, %add3A_937 : i32
        %get3A_939 = arith.constant 1 : i32
        %get3A_940 = arith.index_cast %get3A_939 : i32 to index
        %get3A_941 = arith.index_cast %add3A_938 : i32 to index
        %get3A_942 = arith.constant 32 : index
        %get3A_943 = tpu.vector_load %arg9[%get3A_940, %get3A_941, %get3A_942] {strides = array<i32>} : memref<2x640x64xf32, #tpu.memory_space<vmem>>, vector<1x1x16xf32>,
        %get3A_944 = vector.shape_cast %get3A_943 : vector<1x1x16xf32> to vector<16xf32>
        %add3A_945 = arith.addf %add3A_932, %get3A_944 : vector<16xf32>
        %mul3A_946 = arith.mulf %get3A_944, %get3A_944 : vector<16xf32>
        %add3A_947 = arith.addf %add3A_934, %mul3A_946 : vector<16xf32>
        %max3A_948 = arith.maximumf %max3A_935, %get3A_944 : vector<16xf32>
        %min3A_949 = arith.minimumf %min3A_936, %get3A_944 : vector<16xf32>
        %add3A_950 = arith.constant 9 : i32
        %add3A_951 = arith.addi %mul3A_294, %add3A_950 : i32
        %get3A_952 = arith.constant 1 : i32
        %get3A_953 = arith.index_cast %get3A_952 : i32 to index
        %get3A_954 = arith.index_cast %add3A_951 : i32 to index
        %get3A_955 = arith.constant 32 : index
        %get3A_956 = tpu.vector_load %arg9[%get3A_953, %get3A_954, %get3A_955] {strides = array<i32>} : memref<2x640x64xf32, #tpu.memory_space<vmem>>, vector<1x1x16xf32>,
        %get3A_957 = vector.shape_cast %get3A_956 : vector<1x1x16xf32> to vector<16xf32>
        %add3A_958 = arith.addf %add3A_945, %get3A_957 : vector<16xf32>
        %mul3A_959 = arith.mulf %get3A_957, %get3A_957 : vector<16xf32>
        %add3A_960 = arith.addf %add3A_947, %mul3A_959 : vector<16xf32>
        %max3A_961 = arith.maximumf %max3A_948, %get3A_957 : vector<16xf32>
        %min3A_962 = arith.minimumf %min3A_949, %get3A_957 : vector<16xf32>
        %add3A_963 = arith.constant 10 : i32
        %add3A_964 = arith.addi %mul3A_294, %add3A_963 : i32
        %get3A_965 = arith.constant 1 : i32
        %get3A_966 = arith.index_cast %get3A_965 : i32 to index
        %get3A_967 = arith.index_cast %add3A_964 : i32 to index
        %get3A_968 = arith.constant 32 : index
        %get3A_969 = tpu.vector_load %arg9[%get3A_966, %get3A_967, %get3A_968] {strides = array<i32>} : memref<2x640x64xf32, #tpu.memory_space<vmem>>, vector<1x1x16xf32>,
        %get3A_970 = vector.shape_cast %get3A_969 : vector<1x1x16xf32> to vector<16xf32>
        %add3A_971 = arith.addf %add3A_958, %get3A_970 : vector<16xf32>
        %mul3A_972 = arith.mulf %get3A_970, %get3A_970 : vector<16xf32>
        %add3A_973 = arith.addf %add3A_960, %mul3A_972 : vector<16xf32>
        %max3A_974 = arith.maximumf %max3A_961, %get3A_970 : vector<16xf32>
        %min3A_975 = arith.minimumf %min3A_962, %get3A_970 : vector<16xf32>
        %add3A_976 = arith.constant 11 : i32
        %add3A_977 = arith.addi %mul3A_294, %add3A_976 : i32
        %get3A_978 = arith.constant 1 : i32
        %get3A_979 = arith.index_cast %get3A_978 : i32 to index
        %get3A_980 = arith.index_cast %add3A_977 : i32 to index
        %get3A_981 = arith.constant 32 : index
        %get3A_982 = tpu.vector_load %arg9[%get3A_979, %get3A_980, %get3A_981] {strides = array<i32>} : memref<2x640x64xf32, #tpu.memory_space<vmem>>, vector<1x1x16xf32>,
        %get3A_983 = vector.shape_cast %get3A_982 : vector<1x1x16xf32> to vector<16xf32>
        %add3A_984 = arith.addf %add3A_971, %get3A_983 : vector<16xf32>
        %mul3A_985 = arith.mulf %get3A_983, %get3A_983 : vector<16xf32>
        %add3A_986 = arith.addf %add3A_973, %mul3A_985 : vector<16xf32>
        %max3A_987 = arith.maximumf %max3A_974, %get3A_983 : vector<16xf32>
        %min3A_988 = arith.minimumf %min3A_975, %get3A_983 : vector<16xf32>
        %add3A_989 = arith.constant 12 : i32
        %add3A_990 = arith.addi %mul3A_294, %add3A_989 : i32
        %get3A_991 = arith.constant 1 : i32
        %get3A_992 = arith.index_cast %get3A_991 : i32 to index
        %get3A_993 = arith.index_cast %add3A_990 : i32 to index
        %get3A_994 = arith.constant 32 : index
        %get3A_995 = tpu.vector_load %arg9[%get3A_992, %get3A_993, %get3A_994] {strides = array<i32>} : memref<2x640x64xf32, #tpu.memory_space<vmem>>, vector<1x1x16xf32>,
        %get3A_996 = vector.shape_cast %get3A_995 : vector<1x1x16xf32> to vector<16xf32>
        %add3A_997 = arith.addf %add3A_984, %get3A_996 : vector<16xf32>
        %mul3A_998 = arith.mulf %get3A_996, %get3A_996 : vector<16xf32>
        %add3A_999 = arith.addf %add3A_986, %mul3A_998 : vector<16xf32>
        %max3A_1000 = arith.maximumf %max3A_987, %get3A_996 : vector<16xf32>
        %min3A_1001 = arith.minimumf %min3A_988, %get3A_996 : vector<16xf32>
        %add3A_1002 = arith.constant 13 : i32
        %add3A_1003 = arith.addi %mul3A_294, %add3A_1002 : i32
        %get3A_1004 = arith.constant 1 : i32
        %get3A_1005 = arith.index_cast %get3A_1004 : i32 to index
        %get3A_1006 = arith.index_cast %add3A_1003 : i32 to index
        %get3A_1007 = arith.constant 32 : index
        %get3A_1008 = tpu.vector_load %arg9[%get3A_1005, %get3A_1006, %get3A_1007] {strides = array<i32>} : memref<2x640x64xf32, #tpu.memory_space<vmem>>, vector<1x1x16xf32>,
        %get3A_1009 = vector.shape_cast %get3A_1008 : vector<1x1x16xf32> to vector<16xf32>
        %add3A_1010 = arith.addf %add3A_997, %get3A_1009 : vector<16xf32>
        %mul3A_1011 = arith.mulf %get3A_1009, %get3A_1009 : vector<16xf32>
        %add3A_1012 = arith.addf %add3A_999, %mul3A_1011 : vector<16xf32>
        %max3A_1013 = arith.maximumf %max3A_1000, %get3A_1009 : vector<16xf32>
        %min3A_1014 = arith.minimumf %min3A_1001, %get3A_1009 : vector<16xf32>
        %add3A_1015 = arith.constant 14 : i32
        %add3A_1016 = arith.addi %mul3A_294, %add3A_1015 : i32
        %get3A_1017 = arith.constant 1 : i32
        %get3A_1018 = arith.index_cast %get3A_1017 : i32 to index
        %get3A_1019 = arith.index_cast %add3A_1016 : i32 to index
        %get3A_1020 = arith.constant 32 : index
        %get3A_1021 = tpu.vector_load %arg9[%get3A_1018, %get3A_1019, %get3A_1020] {strides = array<i32>} : memref<2x640x64xf32, #tpu.memory_space<vmem>>, vector<1x1x16xf32>,
        %get3A_1022 = vector.shape_cast %get3A_1021 : vector<1x1x16xf32> to vector<16xf32>
        %add3A_1023 = arith.addf %add3A_1010, %get3A_1022 : vector<16xf32>
        %mul3A_1024 = arith.mulf %get3A_1022, %get3A_1022 : vector<16xf32>
        %add3A_1025 = arith.addf %add3A_1012, %mul3A_1024 : vector<16xf32>
        %max3A_1026 = arith.maximumf %max3A_1013, %get3A_1022 : vector<16xf32>
        %min3A_1027 = arith.minimumf %min3A_1014, %get3A_1022 : vector<16xf32>
        %add3A_1028 = arith.constant 15 : i32
        %add3A_1029 = arith.addi %mul3A_294, %add3A_1028 : i32
        %get3A_1030 = arith.constant 1 : i32
        %get3A_1031 = arith.index_cast %get3A_1030 : i32 to index
        %get3A_1032 = arith.index_cast %add3A_1029 : i32 to index
        %get3A_1033 = arith.constant 32 : index
        %get3A_1034 = tpu.vector_load %arg9[%get3A_1031, %get3A_1032, %get3A_1033] {strides = array<i32>} : memref<2x640x64xf32, #tpu.memory_space<vmem>>, vector<1x1x16xf32>,
        %get3A_1035 = vector.shape_cast %get3A_1034 : vector<1x1x16xf32> to vector<16xf32>
        %add3A_1036 = arith.addf %add3A_1023, %get3A_1035 : vector<16xf32>
        %mul3A_1037 = arith.mulf %get3A_1035, %get3A_1035 : vector<16xf32>
        %add3A_1038 = arith.addf %add3A_1025, %mul3A_1037 : vector<16xf32>
        %max3A_1039 = arith.maximumf %max3A_1026, %get3A_1035 : vector<16xf32>
        %min3A_1040 = arith.minimumf %min3A_1027, %get3A_1035 : vector<16xf32>
        %add3A_1041 = arith.constant 16 : i32
        %add3A_1042 = arith.addi %mul3A_294, %add3A_1041 : i32
        %get3A_1043 = arith.constant 1 : i32
        %get3A_1044 = arith.index_cast %get3A_1043 : i32 to index
        %get3A_1045 = arith.index_cast %add3A_1042 : i32 to index
        %get3A_1046 = arith.constant 32 : index
        %get3A_1047 = tpu.vector_load %arg9[%get3A_1044, %get3A_1045, %get3A_1046] {strides = array<i32>} : memref<2x640x64xf32, #tpu.memory_space<vmem>>, vector<1x1x16xf32>,
        %get3A_1048 = vector.shape_cast %get3A_1047 : vector<1x1x16xf32> to vector<16xf32>
        %add3A_1049 = arith.addf %add3A_1036, %get3A_1048 : vector<16xf32>
        %mul3A_1050 = arith.mulf %get3A_1048, %get3A_1048 : vector<16xf32>
        %add3A_1051 = arith.addf %add3A_1038, %mul3A_1050 : vector<16xf32>
        %max3A_1052 = arith.maximumf %max3A_1039, %get3A_1048 : vector<16xf32>
        %min3A_1053 = arith.minimumf %min3A_1040, %get3A_1048 : vector<16xf32>
        %add3A_1054 = arith.constant 17 : i32
        %add3A_1055 = arith.addi %mul3A_294, %add3A_1054 : i32
        %get3A_1056 = arith.constant 1 : i32
        %get3A_1057 = arith.index_cast %get3A_1056 : i32 to index
        %get3A_1058 = arith.index_cast %add3A_1055 : i32 to index
        %get3A_1059 = arith.constant 32 : index
        %get3A_1060 = tpu.vector_load %arg9[%get3A_1057, %get3A_1058, %get3A_1059] {strides = array<i32>} : memref<2x640x64xf32, #tpu.memory_space<vmem>>, vector<1x1x16xf32>,
        %get3A_1061 = vector.shape_cast %get3A_1060 : vector<1x1x16xf32> to vector<16xf32>
        %add3A_1062 = arith.addf %add3A_1049, %get3A_1061 : vector<16xf32>
        %mul3A_1063 = arith.mulf %get3A_1061, %get3A_1061 : vector<16xf32>
        %add3A_1064 = arith.addf %add3A_1051, %mul3A_1063 : vector<16xf32>
        %max3A_1065 = arith.maximumf %max3A_1052, %get3A_1061 : vector<16xf32>
        %min3A_1066 = arith.minimumf %min3A_1053, %get3A_1061 : vector<16xf32>
        %add3A_1067 = arith.constant 18 : i32
        %add3A_1068 = arith.addi %mul3A_294, %add3A_1067 : i32
        %get3A_1069 = arith.constant 1 : i32
        %get3A_1070 = arith.index_cast %get3A_1069 : i32 to index
        %get3A_1071 = arith.index_cast %add3A_1068 : i32 to index
        %get3A_1072 = arith.constant 32 : index
        %get3A_1073 = tpu.vector_load %arg9[%get3A_1070, %get3A_1071, %get3A_1072] {strides = array<i32>} : memref<2x640x64xf32, #tpu.memory_space<vmem>>, vector<1x1x16xf32>,
        %get3A_1074 = vector.shape_cast %get3A_1073 : vector<1x1x16xf32> to vector<16xf32>
        %add3A_1075 = arith.addf %add3A_1062, %get3A_1074 : vector<16xf32>
        %mul3A_1076 = arith.mulf %get3A_1074, %get3A_1074 : vector<16xf32>
        %add3A_1077 = arith.addf %add3A_1064, %mul3A_1076 : vector<16xf32>
        %max3A_1078 = arith.maximumf %max3A_1065, %get3A_1074 : vector<16xf32>
        %min3A_1079 = arith.minimumf %min3A_1066, %get3A_1074 : vector<16xf32>
        %add3A_1080 = arith.constant 19 : i32
        %add3A_1081 = arith.addi %mul3A_294, %add3A_1080 : i32
        %get3A_1082 = arith.constant 1 : i32
        %get3A_1083 = arith.index_cast %get3A_1082 : i32 to index
        %get3A_1084 = arith.index_cast %add3A_1081 : i32 to index
        %get3A_1085 = arith.constant 32 : index
        %get3A_1086 = tpu.vector_load %arg9[%get3A_1083, %get3A_1084, %get3A_1085] {strides = array<i32>} : memref<2x640x64xf32, #tpu.memory_space<vmem>>, vector<1x1x16xf32>,
        %get3A_1087 = vector.shape_cast %get3A_1086 : vector<1x1x16xf32> to vector<16xf32>
        %add3A_1088 = arith.addf %add3A_1075, %get3A_1087 : vector<16xf32>
        %mul3A_1089 = arith.mulf %get3A_1087, %get3A_1087 : vector<16xf32>
        %add3A_1090 = arith.addf %add3A_1077, %mul3A_1089 : vector<16xf32>
        %max3A_1091 = arith.maximumf %max3A_1078, %get3A_1087 : vector<16xf32>
        %min3A_1092 = arith.minimumf %min3A_1079, %get3A_1087 : vector<16xf32>
        %swap3A_1093 = arith.index_cast %scan3A_292 : i32 to index
        %swap3A_1094 = arith.constant 32 : index
        %swap3A_1095 = tpu.vector_load %arg10[%swap3A_1093, %swap3A_1094] {strides = array<i32>} : memref<32x64xf32, #tpu.memory_space<vmem>>, vector<1x16xf32>,
        %swap3A_1096 = vector.shape_cast %swap3A_1095 : vector<1x16xf32> to vector<16xf32>
        %swap3A_1097 = vector.shape_cast %add3A_1088 : vector<16xf32> to vector<1x16xf32>
        tpu.vector_store %arg10[%swap3A_1093, %swap3A_1094], %swap3A_1097 {strides = array<i32>} : memref<32x64xf32, #tpu.memory_space<vmem>>, vector<1x16xf32>,
        %swap3A_1098 = arith.index_cast %scan3A_292 : i32 to index
        %swap3A_1099 = arith.constant 32 : index
        %swap3A_1100 = tpu.vector_load %arg11[%swap3A_1098, %swap3A_1099] {strides = array<i32>} : memref<32x64xf32, #tpu.memory_space<vmem>>, vector<1x16xf32>,
        %swap3A_1101 = vector.shape_cast %swap3A_1100 : vector<1x16xf32> to vector<16xf32>
        %swap3A_1102 = vector.shape_cast %add3A_1090 : vector<16xf32> to vector<1x16xf32>
        tpu.vector_store %arg11[%swap3A_1098, %swap3A_1099], %swap3A_1102 {strides = array<i32>} : memref<32x64xf32, #tpu.memory_space<vmem>>, vector<1x16xf32>,
        %swap3A_1103 = arith.index_cast %scan3A_292 : i32 to index
        %swap3A_1104 = arith.constant 32 : index
        %swap3A_1105 = tpu.vector_load %arg12[%swap3A_1103, %swap3A_1104] {strides = array<i32>} : memref<32x64xf32, #tpu.memory_space<vmem>>, vector<1x16xf32>,
        %swap3A_1106 = vector.shape_cast %swap3A_1105 : vector<1x16xf32> to vector<16xf32>
        %swap3A_1107 = vector.shape_cast %max3A_1091 : vector<16xf32> to vector<1x16xf32>
        tpu.vector_store %arg12[%swap3A_1103, %swap3A_1104], %swap3A_1107 {strides = array<i32>} : memref<32x64xf32, #tpu.memory_space<vmem>>, vector<1x16xf32>,
        %swap3A_1108 = arith.index_cast %scan3A_292 : i32 to index
        %swap3A_1109 = arith.constant 32 : index
        %swap3A_1110 = tpu.vector_load %arg13[%swap3A_1108, %swap3A_1109] {strides = array<i32>} : memref<32x64xf32, #tpu.memory_space<vmem>>, vector<1x16xf32>,
        %swap3A_1111 = vector.shape_cast %swap3A_1110 : vector<1x16xf32> to vector<16xf32>
        %swap3A_1112 = vector.shape_cast %min3A_1092 : vector<16xf32> to vector<1x16xf32>
        tpu.vector_store %arg13[%swap3A_1108, %swap3A_1109], %swap3A_1112 {strides = array<i32>} : memref<32x64xf32, #tpu.memory_space<vmem>>, vector<1x16xf32>,
        %get3A_1113 = arith.constant 1 : i32
        %get3A_1114 = arith.index_cast %get3A_1113 : i32 to index
        %get3A_1115 = arith.index_cast %mul3A_294 : i32 to index
        %get3A_1116 = arith.constant 48 : index
        %get3A_1117 = tpu.vector_load %arg9[%get3A_1114, %get3A_1115, %get3A_1116] {strides = array<i32>} : memref<2x640x64xf32, #tpu.memory_space<vmem>>, vector<1x1x16xf32>,
        %get3A_1118 = vector.shape_cast %get3A_1117 : vector<1x1x16xf32> to vector<16xf32>
        %mul3A_1119 = arith.mulf %get3A_1118, %get3A_1118 : vector<16xf32>
        %add3A_1120 = arith.constant 1 : i32
        %add3A_1121 = arith.addi %mul3A_294, %add3A_1120 : i32
        %get3A_1122 = arith.constant 1 : i32
        %get3A_1123 = arith.index_cast %get3A_1122 : i32 to index
        %get3A_1124 = arith.index_cast %add3A_1121 : i32 to index
        %get3A_1125 = arith.constant 48 : index
        %get3A_1126 = tpu.vector_load %arg9[%get3A_1123, %get3A_1124, %get3A_1125] {strides = array<i32>} : memref<2x640x64xf32, #tpu.memory_space<vmem>>, vector<1x1x16xf32>,
        %get3A_1127 = vector.shape_cast %get3A_1126 : vector<1x1x16xf32> to vector<16xf32>
        %add3A_1128 = arith.addf %get3A_1118, %get3A_1127 : vector<16xf32>
        %mul3A_1129 = arith.mulf %get3A_1127, %get3A_1127 : vector<16xf32>
        %add3A_1130 = arith.addf %mul3A_1119, %mul3A_1129 : vector<16xf32>
        %max3A_1131 = arith.maximumf %get3A_1118, %get3A_1127 : vector<16xf32>
        %min3A_1132 = arith.minimumf %get3A_1118, %get3A_1127 : vector<16xf32>
        %add3A_1133 = arith.constant 2 : i32
        %add3A_1134 = arith.addi %mul3A_294, %add3A_1133 : i32
        %get3A_1135 = arith.constant 1 : i32
        %get3A_1136 = arith.index_cast %get3A_1135 : i32 to index
        %get3A_1137 = arith.index_cast %add3A_1134 : i32 to index
        %get3A_1138 = arith.constant 48 : index
        %get3A_1139 = tpu.vector_load %arg9[%get3A_1136, %get3A_1137, %get3A_1138] {strides = array<i32>} : memref<2x640x64xf32, #tpu.memory_space<vmem>>, vector<1x1x16xf32>,
        %get3A_1140 = vector.shape_cast %get3A_1139 : vector<1x1x16xf32> to vector<16xf32>
        %add3A_1141 = arith.addf %add3A_1128, %get3A_1140 : vector<16xf32>
        %mul3A_1142 = arith.mulf %get3A_1140, %get3A_1140 : vector<16xf32>
        %add3A_1143 = arith.addf %add3A_1130, %mul3A_1142 : vector<16xf32>
        %max3A_1144 = arith.maximumf %max3A_1131, %get3A_1140 : vector<16xf32>
        %min3A_1145 = arith.minimumf %min3A_1132, %get3A_1140 : vector<16xf32>
        %add3A_1146 = arith.constant 3 : i32
        %add3A_1147 = arith.addi %mul3A_294, %add3A_1146 : i32
        %get3A_1148 = arith.constant 1 : i32
        %get3A_1149 = arith.index_cast %get3A_1148 : i32 to index
        %get3A_1150 = arith.index_cast %add3A_1147 : i32 to index
        %get3A_1151 = arith.constant 48 : index
        %get3A_1152 = tpu.vector_load %arg9[%get3A_1149, %get3A_1150, %get3A_1151] {strides = array<i32>} : memref<2x640x64xf32, #tpu.memory_space<vmem>>, vector<1x1x16xf32>,
        %get3A_1153 = vector.shape_cast %get3A_1152 : vector<1x1x16xf32> to vector<16xf32>
        %add3A_1154 = arith.addf %add3A_1141, %get3A_1153 : vector<16xf32>
        %mul3A_1155 = arith.mulf %get3A_1153, %get3A_1153 : vector<16xf32>
        %add3A_1156 = arith.addf %add3A_1143, %mul3A_1155 : vector<16xf32>
        %max3A_1157 = arith.maximumf %max3A_1144, %get3A_1153 : vector<16xf32>
        %min3A_1158 = arith.minimumf %min3A_1145, %get3A_1153 : vector<16xf32>
        %add3A_1159 = arith.constant 4 : i32
        %add3A_1160 = arith.addi %mul3A_294, %add3A_1159 : i32
        %get3A_1161 = arith.constant 1 : i32
        %get3A_1162 = arith.index_cast %get3A_1161 : i32 to index
        %get3A_1163 = arith.index_cast %add3A_1160 : i32 to index
        %get3A_1164 = arith.constant 48 : index
        %get3A_1165 = tpu.vector_load %arg9[%get3A_1162, %get3A_1163, %get3A_1164] {strides = array<i32>} : memref<2x640x64xf32, #tpu.memory_space<vmem>>, vector<1x1x16xf32>,
        %get3A_1166 = vector.shape_cast %get3A_1165 : vector<1x1x16xf32> to vector<16xf32>
        %add3A_1167 = arith.addf %add3A_1154, %get3A_1166 : vector<16xf32>
        %mul3A_1168 = arith.mulf %get3A_1166, %get3A_1166 : vector<16xf32>
        %add3A_1169 = arith.addf %add3A_1156, %mul3A_1168 : vector<16xf32>
        %max3A_1170 = arith.maximumf %max3A_1157, %get3A_1166 : vector<16xf32>
        %min3A_1171 = arith.minimumf %min3A_1158, %get3A_1166 : vector<16xf32>
        %add3A_1172 = arith.constant 5 : i32
        %add3A_1173 = arith.addi %mul3A_294, %add3A_1172 : i32
        %get3A_1174 = arith.constant 1 : i32
        %get3A_1175 = arith.index_cast %get3A_1174 : i32 to index
        %get3A_1176 = arith.index_cast %add3A_1173 : i32 to index
        %get3A_1177 = arith.constant 48 : index
        %get3A_1178 = tpu.vector_load %arg9[%get3A_1175, %get3A_1176, %get3A_1177] {strides = array<i32>} : memref<2x640x64xf32, #tpu.memory_space<vmem>>, vector<1x1x16xf32>,
        %get3A_1179 = vector.shape_cast %get3A_1178 : vector<1x1x16xf32> to vector<16xf32>
        %add3A_1180 = arith.addf %add3A_1167, %get3A_1179 : vector<16xf32>
        %mul3A_1181 = arith.mulf %get3A_1179, %get3A_1179 : vector<16xf32>
        %add3A_1182 = arith.addf %add3A_1169, %mul3A_1181 : vector<16xf32>
        %max3A_1183 = arith.maximumf %max3A_1170, %get3A_1179 : vector<16xf32>
        %min3A_1184 = arith.minimumf %min3A_1171, %get3A_1179 : vector<16xf32>
        %add3A_1185 = arith.constant 6 : i32
        %add3A_1186 = arith.addi %mul3A_294, %add3A_1185 : i32
        %get3A_1187 = arith.constant 1 : i32
        %get3A_1188 = arith.index_cast %get3A_1187 : i32 to index
        %get3A_1189 = arith.index_cast %add3A_1186 : i32 to index
        %get3A_1190 = arith.constant 48 : index
        %get3A_1191 = tpu.vector_load %arg9[%get3A_1188, %get3A_1189, %get3A_1190] {strides = array<i32>} : memref<2x640x64xf32, #tpu.memory_space<vmem>>, vector<1x1x16xf32>,
        %get3A_1192 = vector.shape_cast %get3A_1191 : vector<1x1x16xf32> to vector<16xf32>
        %add3A_1193 = arith.addf %add3A_1180, %get3A_1192 : vector<16xf32>
        %mul3A_1194 = arith.mulf %get3A_1192, %get3A_1192 : vector<16xf32>
        %add3A_1195 = arith.addf %add3A_1182, %mul3A_1194 : vector<16xf32>
        %max3A_1196 = arith.maximumf %max3A_1183, %get3A_1192 : vector<16xf32>
        %min3A_1197 = arith.minimumf %min3A_1184, %get3A_1192 : vector<16xf32>
        %add3A_1198 = arith.constant 7 : i32
        %add3A_1199 = arith.addi %mul3A_294, %add3A_1198 : i32
        %get3A_1200 = arith.constant 1 : i32
        %get3A_1201 = arith.index_cast %get3A_1200 : i32 to index
        %get3A_1202 = arith.index_cast %add3A_1199 : i32 to index
        %get3A_1203 = arith.constant 48 : index
        %get3A_1204 = tpu.vector_load %arg9[%get3A_1201, %get3A_1202, %get3A_1203] {strides = array<i32>} : memref<2x640x64xf32, #tpu.memory_space<vmem>>, vector<1x1x16xf32>,
        %get3A_1205 = vector.shape_cast %get3A_1204 : vector<1x1x16xf32> to vector<16xf32>
        %add3A_1206 = arith.addf %add3A_1193, %get3A_1205 : vector<16xf32>
        %mul3A_1207 = arith.mulf %get3A_1205, %get3A_1205 : vector<16xf32>
        %add3A_1208 = arith.addf %add3A_1195, %mul3A_1207 : vector<16xf32>
        %max3A_1209 = arith.maximumf %max3A_1196, %get3A_1205 : vector<16xf32>
        %min3A_1210 = arith.minimumf %min3A_1197, %get3A_1205 : vector<16xf32>
        %add3A_1211 = arith.constant 8 : i32
        %add3A_1212 = arith.addi %mul3A_294, %add3A_1211 : i32
        %get3A_1213 = arith.constant 1 : i32
        %get3A_1214 = arith.index_cast %get3A_1213 : i32 to index
        %get3A_1215 = arith.index_cast %add3A_1212 : i32 to index
        %get3A_1216 = arith.constant 48 : index
        %get3A_1217 = tpu.vector_load %arg9[%get3A_1214, %get3A_1215, %get3A_1216] {strides = array<i32>} : memref<2x640x64xf32, #tpu.memory_space<vmem>>, vector<1x1x16xf32>,
        %get3A_1218 = vector.shape_cast %get3A_1217 : vector<1x1x16xf32> to vector<16xf32>
        %add3A_1219 = arith.addf %add3A_1206, %get3A_1218 : vector<16xf32>
        %mul3A_1220 = arith.mulf %get3A_1218, %get3A_1218 : vector<16xf32>
        %add3A_1221 = arith.addf %add3A_1208, %mul3A_1220 : vector<16xf32>
        %max3A_1222 = arith.maximumf %max3A_1209, %get3A_1218 : vector<16xf32>
        %min3A_1223 = arith.minimumf %min3A_1210, %get3A_1218 : vector<16xf32>
        %add3A_1224 = arith.constant 9 : i32
        %add3A_1225 = arith.addi %mul3A_294, %add3A_1224 : i32
        %get3A_1226 = arith.constant 1 : i32
        %get3A_1227 = arith.index_cast %get3A_1226 : i32 to index
        %get3A_1228 = arith.index_cast %add3A_1225 : i32 to index
        %get3A_1229 = arith.constant 48 : index
        %get3A_1230 = tpu.vector_load %arg9[%get3A_1227, %get3A_1228, %get3A_1229] {strides = array<i32>} : memref<2x640x64xf32, #tpu.memory_space<vmem>>, vector<1x1x16xf32>,
        %get3A_1231 = vector.shape_cast %get3A_1230 : vector<1x1x16xf32> to vector<16xf32>
        %add3A_1232 = arith.addf %add3A_1219, %get3A_1231 : vector<16xf32>
        %mul3A_1233 = arith.mulf %get3A_1231, %get3A_1231 : vector<16xf32>
        %add3A_1234 = arith.addf %add3A_1221, %mul3A_1233 : vector<16xf32>
        %max3A_1235 = arith.maximumf %max3A_1222, %get3A_1231 : vector<16xf32>
        %min3A_1236 = arith.minimumf %min3A_1223, %get3A_1231 : vector<16xf32>
        %add3A_1237 = arith.constant 10 : i32
        %add3A_1238 = arith.addi %mul3A_294, %add3A_1237 : i32
        %get3A_1239 = arith.constant 1 : i32
        %get3A_1240 = arith.index_cast %get3A_1239 : i32 to index
        %get3A_1241 = arith.index_cast %add3A_1238 : i32 to index
        %get3A_1242 = arith.constant 48 : index
        %get3A_1243 = tpu.vector_load %arg9[%get3A_1240, %get3A_1241, %get3A_1242] {strides = array<i32>} : memref<2x640x64xf32, #tpu.memory_space<vmem>>, vector<1x1x16xf32>,
        %get3A_1244 = vector.shape_cast %get3A_1243 : vector<1x1x16xf32> to vector<16xf32>
        %add3A_1245 = arith.addf %add3A_1232, %get3A_1244 : vector<16xf32>
        %mul3A_1246 = arith.mulf %get3A_1244, %get3A_1244 : vector<16xf32>
        %add3A_1247 = arith.addf %add3A_1234, %mul3A_1246 : vector<16xf32>
        %max3A_1248 = arith.maximumf %max3A_1235, %get3A_1244 : vector<16xf32>
        %min3A_1249 = arith.minimumf %min3A_1236, %get3A_1244 : vector<16xf32>
        %add3A_1250 = arith.constant 11 : i32
        %add3A_1251 = arith.addi %mul3A_294, %add3A_1250 : i32
        %get3A_1252 = arith.constant 1 : i32
        %get3A_1253 = arith.index_cast %get3A_1252 : i32 to index
        %get3A_1254 = arith.index_cast %add3A_1251 : i32 to index
        %get3A_1255 = arith.constant 48 : index
        %get3A_1256 = tpu.vector_load %arg9[%get3A_1253, %get3A_1254, %get3A_1255] {strides = array<i32>} : memref<2x640x64xf32, #tpu.memory_space<vmem>>, vector<1x1x16xf32>,
        %get3A_1257 = vector.shape_cast %get3A_1256 : vector<1x1x16xf32> to vector<16xf32>
        %add3A_1258 = arith.addf %add3A_1245, %get3A_1257 : vector<16xf32>
        %mul3A_1259 = arith.mulf %get3A_1257, %get3A_1257 : vector<16xf32>
        %add3A_1260 = arith.addf %add3A_1247, %mul3A_1259 : vector<16xf32>
        %max3A_1261 = arith.maximumf %max3A_1248, %get3A_1257 : vector<16xf32>
        %min3A_1262 = arith.minimumf %min3A_1249, %get3A_1257 : vector<16xf32>
        %add3A_1263 = arith.constant 12 : i32
        %add3A_1264 = arith.addi %mul3A_294, %add3A_1263 : i32
        %get3A_1265 = arith.constant 1 : i32
        %get3A_1266 = arith.index_cast %get3A_1265 : i32 to index
        %get3A_1267 = arith.index_cast %add3A_1264 : i32 to index
        %get3A_1268 = arith.constant 48 : index
        %get3A_1269 = tpu.vector_load %arg9[%get3A_1266, %get3A_1267, %get3A_1268] {strides = array<i32>} : memref<2x640x64xf32, #tpu.memory_space<vmem>>, vector<1x1x16xf32>,
        %get3A_1270 = vector.shape_cast %get3A_1269 : vector<1x1x16xf32> to vector<16xf32>
        %add3A_1271 = arith.addf %add3A_1258, %get3A_1270 : vector<16xf32>
        %mul3A_1272 = arith.mulf %get3A_1270, %get3A_1270 : vector<16xf32>
        %add3A_1273 = arith.addf %add3A_1260, %mul3A_1272 : vector<16xf32>
        %max3A_1274 = arith.maximumf %max3A_1261, %get3A_1270 : vector<16xf32>
        %min3A_1275 = arith.minimumf %min3A_1262, %get3A_1270 : vector<16xf32>
        %add3A_1276 = arith.constant 13 : i32
        %add3A_1277 = arith.addi %mul3A_294, %add3A_1276 : i32
        %get3A_1278 = arith.constant 1 : i32
        %get3A_1279 = arith.index_cast %get3A_1278 : i32 to index
        %get3A_1280 = arith.index_cast %add3A_1277 : i32 to index
        %get3A_1281 = arith.constant 48 : index
        %get3A_1282 = tpu.vector_load %arg9[%get3A_1279, %get3A_1280, %get3A_1281] {strides = array<i32>} : memref<2x640x64xf32, #tpu.memory_space<vmem>>, vector<1x1x16xf32>,
        %get3A_1283 = vector.shape_cast %get3A_1282 : vector<1x1x16xf32> to vector<16xf32>
        %add3A_1284 = arith.addf %add3A_1271, %get3A_1283 : vector<16xf32>
        %mul3A_1285 = arith.mulf %get3A_1283, %get3A_1283 : vector<16xf32>
        %add3A_1286 = arith.addf %add3A_1273, %mul3A_1285 : vector<16xf32>
        %max3A_1287 = arith.maximumf %max3A_1274, %get3A_1283 : vector<16xf32>
        %min3A_1288 = arith.minimumf %min3A_1275, %get3A_1283 : vector<16xf32>
        %add3A_1289 = arith.constant 14 : i32
        %add3A_1290 = arith.addi %mul3A_294, %add3A_1289 : i32
        %get3A_1291 = arith.constant 1 : i32
        %get3A_1292 = arith.index_cast %get3A_1291 : i32 to index
        %get3A_1293 = arith.index_cast %add3A_1290 : i32 to index
        %get3A_1294 = arith.constant 48 : index
        %get3A_1295 = tpu.vector_load %arg9[%get3A_1292, %get3A_1293, %get3A_1294] {strides = array<i32>} : memref<2x640x64xf32, #tpu.memory_space<vmem>>, vector<1x1x16xf32>,
        %get3A_1296 = vector.shape_cast %get3A_1295 : vector<1x1x16xf32> to vector<16xf32>
        %add3A_1297 = arith.addf %add3A_1284, %get3A_1296 : vector<16xf32>
        %mul3A_1298 = arith.mulf %get3A_1296, %get3A_1296 : vector<16xf32>
        %add3A_1299 = arith.addf %add3A_1286, %mul3A_1298 : vector<16xf32>
        %max3A_1300 = arith.maximumf %max3A_1287, %get3A_1296 : vector<16xf32>
        %min3A_1301 = arith.minimumf %min3A_1288, %get3A_1296 : vector<16xf32>
        %add3A_1302 = arith.constant 15 : i32
        %add3A_1303 = arith.addi %mul3A_294, %add3A_1302 : i32
        %get3A_1304 = arith.constant 1 : i32
        %get3A_1305 = arith.index_cast %get3A_1304 : i32 to index
        %get3A_1306 = arith.index_cast %add3A_1303 : i32 to index
        %get3A_1307 = arith.constant 48 : index
        %get3A_1308 = tpu.vector_load %arg9[%get3A_1305, %get3A_1306, %get3A_1307] {strides = array<i32>} : memref<2x640x64xf32, #tpu.memory_space<vmem>>, vector<1x1x16xf32>,
        %get3A_1309 = vector.shape_cast %get3A_1308 : vector<1x1x16xf32> to vector<16xf32>
        %add3A_1310 = arith.addf %add3A_1297, %get3A_1309 : vector<16xf32>
        %mul3A_1311 = arith.mulf %get3A_1309, %get3A_1309 : vector<16xf32>
        %add3A_1312 = arith.addf %add3A_1299, %mul3A_1311 : vector<16xf32>
        %max3A_1313 = arith.maximumf %max3A_1300, %get3A_1309 : vector<16xf32>
        %min3A_1314 = arith.minimumf %min3A_1301, %get3A_1309 : vector<16xf32>
        %add3A_1315 = arith.constant 16 : i32
        %add3A_1316 = arith.addi %mul3A_294, %add3A_1315 : i32
        %get3A_1317 = arith.constant 1 : i32
        %get3A_1318 = arith.index_cast %get3A_1317 : i32 to index
        %get3A_1319 = arith.index_cast %add3A_1316 : i32 to index
        %get3A_1320 = arith.constant 48 : index
        %get3A_1321 = tpu.vector_load %arg9[%get3A_1318, %get3A_1319, %get3A_1320] {strides = array<i32>} : memref<2x640x64xf32, #tpu.memory_space<vmem>>, vector<1x1x16xf32>,
        %get3A_1322 = vector.shape_cast %get3A_1321 : vector<1x1x16xf32> to vector<16xf32>
        %add3A_1323 = arith.addf %add3A_1310, %get3A_1322 : vector<16xf32>
        %mul3A_1324 = arith.mulf %get3A_1322, %get3A_1322 : vector<16xf32>
        %add3A_1325 = arith.addf %add3A_1312, %mul3A_1324 : vector<16xf32>
        %max3A_1326 = arith.maximumf %max3A_1313, %get3A_1322 : vector<16xf32>
        %min3A_1327 = arith.minimumf %min3A_1314, %get3A_1322 : vector<16xf32>
        %add3A_1328 = arith.constant 17 : i32
        %add3A_1329 = arith.addi %mul3A_294, %add3A_1328 : i32
        %get3A_1330 = arith.constant 1 : i32
        %get3A_1331 = arith.index_cast %get3A_1330 : i32 to index
        %get3A_1332 = arith.index_cast %add3A_1329 : i32 to index
        %get3A_1333 = arith.constant 48 : index
        %get3A_1334 = tpu.vector_load %arg9[%get3A_1331, %get3A_1332, %get3A_1333] {strides = array<i32>} : memref<2x640x64xf32, #tpu.memory_space<vmem>>, vector<1x1x16xf32>,
        %get3A_1335 = vector.shape_cast %get3A_1334 : vector<1x1x16xf32> to vector<16xf32>
        %add3A_1336 = arith.addf %add3A_1323, %get3A_1335 : vector<16xf32>
        %mul3A_1337 = arith.mulf %get3A_1335, %get3A_1335 : vector<16xf32>
        %add3A_1338 = arith.addf %add3A_1325, %mul3A_1337 : vector<16xf32>
        %max3A_1339 = arith.maximumf %max3A_1326, %get3A_1335 : vector<16xf32>
        %min3A_1340 = arith.minimumf %min3A_1327, %get3A_1335 : vector<16xf32>
        %add3A_1341 = arith.constant 18 : i32
        %add3A_1342 = arith.addi %mul3A_294, %add3A_1341 : i32
        %get3A_1343 = arith.constant 1 : i32
        %get3A_1344 = arith.index_cast %get3A_1343 : i32 to index
        %get3A_1345 = arith.index_cast %add3A_1342 : i32 to index
        %get3A_1346 = arith.constant 48 : index
        %get3A_1347 = tpu.vector_load %arg9[%get3A_1344, %get3A_1345, %get3A_1346] {strides = array<i32>} : memref<2x640x64xf32, #tpu.memory_space<vmem>>, vector<1x1x16xf32>,
        %get3A_1348 = vector.shape_cast %get3A_1347 : vector<1x1x16xf32> to vector<16xf32>
        %add3A_1349 = arith.addf %add3A_1336, %get3A_1348 : vector<16xf32>
        %mul3A_1350 = arith.mulf %get3A_1348, %get3A_1348 : vector<16xf32>
        %add3A_1351 = arith.addf %add3A_1338, %mul3A_1350 : vector<16xf32>
        %max3A_1352 = arith.maximumf %max3A_1339, %get3A_1348 : vector<16xf32>
        %min3A_1353 = arith.minimumf %min3A_1340, %get3A_1348 : vector<16xf32>
        %add3A_1354 = arith.constant 19 : i32
        %add3A_1355 = arith.addi %mul3A_294, %add3A_1354 : i32
        %get3A_1356 = arith.constant 1 : i32
        %get3A_1357 = arith.index_cast %get3A_1356 : i32 to index
        %get3A_1358 = arith.index_cast %add3A_1355 : i32 to index
        %get3A_1359 = arith.constant 48 : index
        %get3A_1360 = tpu.vector_load %arg9[%get3A_1357, %get3A_1358, %get3A_1359] {strides = array<i32>} : memref<2x640x64xf32, #tpu.memory_space<vmem>>, vector<1x1x16xf32>,
        %get3A_1361 = vector.shape_cast %get3A_1360 : vector<1x1x16xf32> to vector<16xf32>
        %add3A_1362 = arith.addf %add3A_1349, %get3A_1361 : vector<16xf32>
        %mul3A_1363 = arith.mulf %get3A_1361, %get3A_1361 : vector<16xf32>
        %add3A_1364 = arith.addf %add3A_1351, %mul3A_1363 : vector<16xf32>
        %max3A_1365 = arith.maximumf %max3A_1352, %get3A_1361 : vector<16xf32>
        %min3A_1366 = arith.minimumf %min3A_1353, %get3A_1361 : vector<16xf32>
        %swap3A_1367 = arith.index_cast %scan3A_292 : i32 to index
        %swap3A_1368 = arith.constant 48 : index
        %swap3A_1369 = tpu.vector_load %arg10[%swap3A_1367, %swap3A_1368] {strides = array<i32>} : memref<32x64xf32, #tpu.memory_space<vmem>>, vector<1x16xf32>,
        %swap3A_1370 = vector.shape_cast %swap3A_1369 : vector<1x16xf32> to vector<16xf32>
        %swap3A_1371 = vector.shape_cast %add3A_1362 : vector<16xf32> to vector<1x16xf32>
        tpu.vector_store %arg10[%swap3A_1367, %swap3A_1368], %swap3A_1371 {strides = array<i32>} : memref<32x64xf32, #tpu.memory_space<vmem>>, vector<1x16xf32>,
        %swap3A_1372 = arith.index_cast %scan3A_292 : i32 to index
        %swap3A_1373 = arith.constant 48 : index
        %swap3A_1374 = tpu.vector_load %arg11[%swap3A_1372, %swap3A_1373] {strides = array<i32>} : memref<32x64xf32, #tpu.memory_space<vmem>>, vector<1x16xf32>,
        %swap3A_1375 = vector.shape_cast %swap3A_1374 : vector<1x16xf32> to vector<16xf32>
        %swap3A_1376 = vector.shape_cast %add3A_1364 : vector<16xf32> to vector<1x16xf32>
        tpu.vector_store %arg11[%swap3A_1372, %swap3A_1373], %swap3A_1376 {strides = array<i32>} : memref<32x64xf32, #tpu.memory_space<vmem>>, vector<1x16xf32>,
        %swap3A_1377 = arith.index_cast %scan3A_292 : i32 to index
        %swap3A_1378 = arith.constant 48 : index
        %swap3A_1379 = tpu.vector_load %arg12[%swap3A_1377, %swap3A_1378] {strides = array<i32>} : memref<32x64xf32, #tpu.memory_space<vmem>>, vector<1x16xf32>,
        %swap3A_1380 = vector.shape_cast %swap3A_1379 : vector<1x16xf32> to vector<16xf32>
        %swap3A_1381 = vector.shape_cast %max3A_1365 : vector<16xf32> to vector<1x16xf32>
        tpu.vector_store %arg12[%swap3A_1377, %swap3A_1378], %swap3A_1381 {strides = array<i32>} : memref<32x64xf32, #tpu.memory_space<vmem>>, vector<1x16xf32>,
        %swap3A_1382 = arith.index_cast %scan3A_292 : i32 to index
        %swap3A_1383 = arith.constant 48 : index
        %swap3A_1384 = tpu.vector_load %arg13[%swap3A_1382, %swap3A_1383] {strides = array<i32>} : memref<32x64xf32, #tpu.memory_space<vmem>>, vector<1x16xf32>,
        %swap3A_1385 = vector.shape_cast %swap3A_1384 : vector<1x16xf32> to vector<16xf32>
        %swap3A_1386 = vector.shape_cast %min3A_1366 : vector<16xf32> to vector<1x16xf32>
        tpu.vector_store %arg13[%swap3A_1382, %swap3A_1383], %swap3A_1386 {strides = array<i32>} : memref<32x64xf32, #tpu.memory_space<vmem>>, vector<1x16xf32>,
      }
      %scan3A_288 = arith.constant 32 : i32
      %mul3A_289 = arith.constant 32 : i32
      %mul3A_290 = arith.muli %add3A_282, %mul3A_289 : i32
      %add3A_291 = arith.addi %mul3A_2, %mul3A_290 : i32
      "tpu.region"() ({
        %run_scoped3A = tpu.sem_alloc : memref<!tpu.dma_semaphore, #tpu.memory_space<semaphore_mem>>
        %dma_start3A_292 = arith.constant 0 : i32
        %dma_start3A_293 = tpu.memref_slice %arg4[%add3A_291, %dma_start3A_292] : memref<16384x64xf32, #tpu.memory_space<hbm>> -> memref<32x64xf32, #tpu.memory_space<hbm>>
        %dma_start3A_294 = arith.constant 0 : i32
        %dma_start3A_295 = tpu.memref_slice %arg4[%add3A_291, %dma_start3A_294] : memref<16384x64xf32, #tpu.memory_space<hbm>> -> memref<32x64xf32, #tpu.memory_space<hbm>>
        tpu.enqueue_dma source(%arg10 : memref<32x64xf32, #tpu.memory_space<vmem>>) target(%dma_start3A_295 : memref<32x64xf32, #tpu.memory_space<hbm>>) target_semaphore(%run_scoped3A : memref<!tpu.dma_semaphore, #tpu.memory_space<semaphore_mem>>)
        %dma_wait3A_296 = arith.constant 0 : i32
        %dma_wait3A_297 = tpu.memref_slice %arg4[%add3A_291, %dma_wait3A_296] : memref<16384x64xf32, #tpu.memory_space<hbm>> -> memref<32x64xf32, #tpu.memory_space<hbm>>
        %dma_wait3A_298 = arith.constant 0 : i32
        %dma_wait3A_299 = tpu.memref_slice %arg4[%add3A_291, %dma_wait3A_298] : memref<16384x64xf32, #tpu.memory_space<hbm>> -> memref<32x64xf32, #tpu.memory_space<hbm>>
        tpu.wait_dma2 semaphore(%run_scoped3A : memref<!tpu.dma_semaphore, #tpu.memory_space<semaphore_mem>>) src(%arg10 : memref<32x64xf32, #tpu.memory_space<vmem>>) dst(%dma_wait3A_299 : memref<32x64xf32, #tpu.memory_space<hbm>>)
        tpu.yield
      }) : () -> ()
      "tpu.region"() ({
        %run_scoped3A = tpu.sem_alloc : memref<!tpu.dma_semaphore, #tpu.memory_space<semaphore_mem>>
        %dma_start3A_292 = arith.constant 0 : i32
        %dma_start3A_293 = tpu.memref_slice %arg5[%add3A_291, %dma_start3A_292] : memref<16384x64xf32, #tpu.memory_space<hbm>> -> memref<32x64xf32, #tpu.memory_space<hbm>>
        %dma_start3A_294 = arith.constant 0 : i32
        %dma_start3A_295 = tpu.memref_slice %arg5[%add3A_291, %dma_start3A_294] : memref<16384x64xf32, #tpu.memory_space<hbm>> -> memref<32x64xf32, #tpu.memory_space<hbm>>
        tpu.enqueue_dma source(%arg11 : memref<32x64xf32, #tpu.memory_space<vmem>>) target(%dma_start3A_295 : memref<32x64xf32, #tpu.memory_space<hbm>>) target_semaphore(%run_scoped3A : memref<!tpu.dma_semaphore, #tpu.memory_space<semaphore_mem>>)
        %dma_wait3A_296 = arith.constant 0 : i32
        %dma_wait3A_297 = tpu.memref_slice %arg5[%add3A_291, %dma_wait3A_296] : memref<16384x64xf32, #tpu.memory_space<hbm>> -> memref<32x64xf32, #tpu.memory_space<hbm>>
        %dma_wait3A_298 = arith.constant 0 : i32
        %dma_wait3A_299 = tpu.memref_slice %arg5[%add3A_291, %dma_wait3A_298] : memref<16384x64xf32, #tpu.memory_space<hbm>> -> memref<32x64xf32, #tpu.memory_space<hbm>>
        tpu.wait_dma2 semaphore(%run_scoped3A : memref<!tpu.dma_semaphore, #tpu.memory_space<semaphore_mem>>) src(%arg11 : memref<32x64xf32, #tpu.memory_space<vmem>>) dst(%dma_wait3A_299 : memref<32x64xf32, #tpu.memory_space<hbm>>)
        tpu.yield
      }) : () -> ()
      "tpu.region"() ({
        %run_scoped3A = tpu.sem_alloc : memref<!tpu.dma_semaphore, #tpu.memory_space<semaphore_mem>>
        %dma_start3A_292 = arith.constant 0 : i32
        %dma_start3A_293 = tpu.memref_slice %arg6[%add3A_291, %dma_start3A_292] : memref<16384x64xf32, #tpu.memory_space<hbm>> -> memref<32x64xf32, #tpu.memory_space<hbm>>
        %dma_start3A_294 = arith.constant 0 : i32
        %dma_start3A_295 = tpu.memref_slice %arg6[%add3A_291, %dma_start3A_294] : memref<16384x64xf32, #tpu.memory_space<hbm>> -> memref<32x64xf32, #tpu.memory_space<hbm>>
        tpu.enqueue_dma source(%arg12 : memref<32x64xf32, #tpu.memory_space<vmem>>) target(%dma_start3A_295 : memref<32x64xf32, #tpu.memory_space<hbm>>) target_semaphore(%run_scoped3A : memref<!tpu.dma_semaphore, #tpu.memory_space<semaphore_mem>>)
        %dma_wait3A_296 = arith.constant 0 : i32
        %dma_wait3A_297 = tpu.memref_slice %arg6[%add3A_291, %dma_wait3A_296] : memref<16384x64xf32, #tpu.memory_space<hbm>> -> memref<32x64xf32, #tpu.memory_space<hbm>>
        %dma_wait3A_298 = arith.constant 0 : i32
        %dma_wait3A_299 = tpu.memref_slice %arg6[%add3A_291, %dma_wait3A_298] : memref<16384x64xf32, #tpu.memory_space<hbm>> -> memref<32x64xf32, #tpu.memory_space<hbm>>
        tpu.wait_dma2 semaphore(%run_scoped3A : memref<!tpu.dma_semaphore, #tpu.memory_space<semaphore_mem>>) src(%arg12 : memref<32x64xf32, #tpu.memory_space<vmem>>) dst(%dma_wait3A_299 : memref<32x64xf32, #tpu.memory_space<hbm>>)
        tpu.yield
      }) : () -> ()
      "tpu.region"() ({
        %run_scoped3A = tpu.sem_alloc : memref<!tpu.dma_semaphore, #tpu.memory_space<semaphore_mem>>
        %dma_start3A_292 = arith.constant 0 : i32
        %dma_start3A_293 = tpu.memref_slice %arg7[%add3A_291, %dma_start3A_292] : memref<16384x64xf32, #tpu.memory_space<hbm>> -> memref<32x64xf32, #tpu.memory_space<hbm>>
        %dma_start3A_294 = arith.constant 0 : i32
        %dma_start3A_295 = tpu.memref_slice %arg7[%add3A_291, %dma_start3A_294] : memref<16384x64xf32, #tpu.memory_space<hbm>> -> memref<32x64xf32, #tpu.memory_space<hbm>>
        tpu.enqueue_dma source(%arg13 : memref<32x64xf32, #tpu.memory_space<vmem>>) target(%dma_start3A_295 : memref<32x64xf32, #tpu.memory_space<hbm>>) target_semaphore(%run_scoped3A : memref<!tpu.dma_semaphore, #tpu.memory_space<semaphore_mem>>)
        %dma_wait3A_296 = arith.constant 0 : i32
        %dma_wait3A_297 = tpu.memref_slice %arg7[%add3A_291, %dma_wait3A_296] : memref<16384x64xf32, #tpu.memory_space<hbm>> -> memref<32x64xf32, #tpu.memory_space<hbm>>
        %dma_wait3A_298 = arith.constant 0 : i32
        %dma_wait3A_299 = tpu.memref_slice %arg7[%add3A_291, %dma_wait3A_298] : memref<16384x64xf32, #tpu.memory_space<hbm>> -> memref<32x64xf32, #tpu.memory_space<hbm>>
        tpu.wait_dma2 semaphore(%run_scoped3A : memref<!tpu.dma_semaphore, #tpu.memory_space<semaphore_mem>>) src(%arg13 : memref<32x64xf32, #tpu.memory_space<vmem>>) dst(%dma_wait3A_299 : memref<32x64xf32, #tpu.memory_space<hbm>>)
        tpu.yield
      }) : () -> ()
    }
    %scan3A_68 = arith.constant 8 : i32
    return
  }
}

module attributes {stable_mosaic.version = 14 : i64} {
  func.func @_phase_a_body(%arg0: i32, %arg1: i32, %arg2: memref<1x64x256xf32, #tpu.memory_space<vmem>>, %arg3: memref<1x64x2048xf32, #tpu.memory_space<vmem>>, %arg4: memref<64x128xf32, #tpu.memory_space<vmem>>, %arg5: memref<2048x128xf32, #tpu.memory_space<vmem>>, %arg6: memref<1x256x20xi32, #tpu.memory_space<vmem>>, %arg7: memref<1x256x64xf32, #tpu.memory_space<vmem>>, %arg8: memref<1x256x64xf32, #tpu.memory_space<vmem>>) attributes {dimension_semantics = [#tpu.dimension_semantics<arbitrary>, #tpu.dimension_semantics<arbitrary>], iteration_bounds = array<i64: 8, 8>, scalar_prefetch = 0 : i64, scratch_operands = 0 : i64, tpu.core_type = #tpu.core_type<tc>, window_params = [{transform_indices = @transform_0, window_bounds = array<i64: 1, 64, 256>}, {transform_indices = @transform_1, window_bounds = array<i64: 1, 64, 2048>}, {pipeline_mode = #tpu.pipeline_mode<synchronous>, transform_indices = @transform_2, window_bounds = array<i64: 64, 128>}, {pipeline_mode = #tpu.pipeline_mode<synchronous>, transform_indices = @transform_3, window_bounds = array<i64: 2048, 128>}, {transform_indices = @transform_4, window_bounds = array<i64: 1, 256, 20>}, {transform_indices = @transform_5, window_bounds = array<i64: 1, 256, 64>}, {transform_indices = @transform_6, window_bounds = array<i64: 1, 256, 64>}]} {
    %get3A = arith.constant 0 : index
    %get3A_0 = arith.constant 0 : index
    %get3A_1 = arith.constant 0 : index
    %get3A_2 = vector.load %arg2[%get3A, %get3A_0, %get3A_1] : memref<1x64x256xf32, #tpu.memory_space<vmem>>, vector<1x64x256xf32>
    %get3A_3 = vector.shape_cast %get3A_2 : vector<1x64x256xf32> to vector<64x256xf32>
    %transpose3A = tpu.transpose %get3A_3, [1, 0] : vector<64x256xf32> -> vector<256x64xf32>
    %get3A_4 = arith.constant 0 : index
    %get3A_5 = arith.constant 0 : index
    %get3A_6 = arith.constant 0 : index
    %get3A_7 = vector.load %arg3[%get3A_4, %get3A_5, %get3A_6] : memref<1x64x2048xf32, #tpu.memory_space<vmem>>, vector<1x64x2048xf32>
    %get3A_8 = vector.shape_cast %get3A_7 : vector<1x64x2048xf32> to vector<64x2048xf32>
    %dot_general3A = arith.constant dense<0.000000e+00> : vector<256x2048xf32>
    %dot_general3A_9 = tpu.matmul %transpose3A, %get3A_8, %dot_general3A {dimension_numbers = #tpu.dot_dimension_numbers<[1], [0], [0], [1], [0, 0, 1, 1], [], []>, transpose_lhs_hint = false} : vector<256x64xf32>, vector<64x2048xf32>, vector<256x2048xf32> -> vector<256x2048xf32>
    %mul3A = arith.constant 2.000000e+00 : f32
    %mul3A_10 = vector.broadcast %mul3A : f32 to vector<256x2048xf32>
    %mul3A_11 = arith.mulf %mul3A_10, %dot_general3A_9 : vector<256x2048xf32>
    %mul3A_12 = arith.mulf %get3A_8, %get3A_8 : vector<64x2048xf32>
    %reduce_sum3A = arith.constant dense<0.000000e+00> : vector<2048xf32>
    %reduce_sum3A_13 = vector.multi_reduction <add>, %mul3A_12, %reduce_sum3A [0] : vector<64x2048xf32> to vector<2048xf32>
    %broadcast_in_dim3A = vector.shape_cast %reduce_sum3A_13 : vector<2048xf32> to vector<1x2048xf32>
    %sub3A = vector.broadcast %broadcast_in_dim3A : vector<1x2048xf32> to vector<256x2048xf32>
    %sub3A_14 = arith.subf %mul3A_11, %sub3A : vector<256x2048xf32>
    %get3A_15 = arith.constant 0 : index
    %get3A_16 = arith.constant 0 : index
    %get3A_17 = vector.load %arg4[%get3A_15, %get3A_16] : memref<64x128xf32, #tpu.memory_space<vmem>>, vector<64x64xf32>
    %get3A_18 = arith.constant 0 : index
    %get3A_19 = arith.constant 64 : index
    %get3A_20 = vector.load %arg4[%get3A_18, %get3A_19] : memref<64x128xf32, #tpu.memory_space<vmem>>, vector<64x64xf32>
    %dot_general3A_21 = arith.constant dense<0.000000e+00> : vector<256x64xf32>
    %dot_general3A_22 = tpu.matmul %transpose3A, %get3A_17, %dot_general3A_21 {dimension_numbers = #tpu.dot_dimension_numbers<[1], [1], [0], [0], [0, 0, 1, 0], [], []>, transpose_lhs_hint = false} : vector<256x64xf32>, vector<64x64xf32>, vector<256x64xf32> -> vector<256x64xf32>
    %swap3A = arith.constant 0 : index
    %swap3A_23 = arith.constant 0 : index
    %swap3A_24 = arith.constant 0 : index
    %swap3A_25 = vector.load %arg7[%swap3A, %swap3A_23, %swap3A_24] : memref<1x256x64xf32, #tpu.memory_space<vmem>>, vector<1x256x64xf32>
    %swap3A_26 = vector.shape_cast %swap3A_25 : vector<1x256x64xf32> to vector<256x64xf32>
    %swap3A_27 = vector.shape_cast %dot_general3A_22 : vector<256x64xf32> to vector<1x256x64xf32>
    tpu.vector_store %arg7[%swap3A, %swap3A_23, %swap3A_24], %swap3A_27 {strides = array<i32>} : memref<1x256x64xf32, #tpu.memory_space<vmem>>, vector<1x256x64xf32>,
    %sub3A_28 = arith.subf %get3A_20, %get3A_17 : vector<64x64xf32>
    %dot_general3A_29 = arith.constant dense<0.000000e+00> : vector<256x64xf32>
    %dot_general3A_30 = tpu.matmul %transpose3A, %sub3A_28, %dot_general3A_29 {dimension_numbers = #tpu.dot_dimension_numbers<[1], [1], [0], [0], [0, 0, 1, 0], [], []>, transpose_lhs_hint = false} : vector<256x64xf32>, vector<64x64xf32>, vector<256x64xf32> -> vector<256x64xf32>
    %swap3A_31 = arith.constant 0 : index
    %swap3A_32 = arith.constant 0 : index
    %swap3A_33 = arith.constant 0 : index
    %swap3A_34 = vector.load %arg8[%swap3A_31, %swap3A_32, %swap3A_33] : memref<1x256x64xf32, #tpu.memory_space<vmem>>, vector<1x256x64xf32>
    %swap3A_35 = vector.shape_cast %swap3A_34 : vector<1x256x64xf32> to vector<256x64xf32>
    %swap3A_36 = vector.shape_cast %dot_general3A_30 : vector<256x64xf32> to vector<1x256x64xf32>
    tpu.vector_store %arg8[%swap3A_31, %swap3A_32, %swap3A_33], %swap3A_36 {strides = array<i32>} : memref<1x256x64xf32, #tpu.memory_space<vmem>>, vector<1x256x64xf32>,
    %mul3A_37 = arith.constant 256 : i32
    %mul3A_38 = arith.muli %arg1, %mul3A_37 : i32
    %iota3A = tpu.iota {dimensions = array<i32: 0>} : vector<256x1xi32>
    %add3A = vector.broadcast %mul3A_38 : i32 to vector<256x1xi32>
    %add3A_39 = arith.addi %iota3A, %add3A : vector<256x1xi32>
    %iota3A_40 = tpu.iota {dimensions = array<i32: 1>} : vector<256x2048xi32>
    %eq3A = vector.broadcast %add3A_39 : vector<256x1xi32> to vector<256x2048xi32>
    %eq3A_41 = arith.cmpi eq, %iota3A_40, %eq3A : vector<256x2048xi32>
    %jit3A = arith.constant -3.000000e+38 : f32
    %broadcast_in_dim3A_42 = vector.broadcast %jit3A : f32 to vector<256x2048xf32>
    %select_n3A = arith.select %eq3A_41, %broadcast_in_dim3A_42, %sub3A_14 : vector<256x2048xi1>, vector<256x2048xf32>
    %convert_element_type3A = arith.sitofp %add3A_39 : vector<256x1xi32> to vector<256x1xf32>
    %reduce_max3A = arith.constant dense<0xFF800000> : vector<256xf32>
    %reduce_max3A_43 = vector.multi_reduction <maximumf>, %select_n3A, %reduce_max3A [1] : vector<256x2048xf32> to vector<256xf32>
    %broadcast_in_dim3A_44 = vector.shape_cast %reduce_max3A_43 : vector<256xf32> to vector<256x1xf32>
    %eq3A_45 = vector.broadcast %broadcast_in_dim3A_44 : vector<256x1xf32> to vector<256x2048xf32>
    %eq3A_46 = arith.cmpf oeq, %select_n3A, %eq3A_45 : vector<256x2048xf32>
    %jit3A_47 = arith.constant 1.000000e+00 : f32
    %jit3A_48 = arith.constant 0.000000e+00 : f32
    %broadcast_in_dim3A_49 = vector.broadcast %jit3A_47 : f32 to vector<256x2048xf32>
    %broadcast_in_dim3A_50 = vector.broadcast %jit3A_48 : f32 to vector<256x2048xf32>
    %select_n3A_51 = arith.select %eq3A_46, %broadcast_in_dim3A_49, %broadcast_in_dim3A_50 : vector<256x2048xi1>, vector<256x2048xf32>
    %get3A_52 = arith.constant 0 : index
    %get3A_53 = arith.constant 0 : index
    %get3A_54 = vector.load %arg5[%get3A_52, %get3A_53] : memref<2048x128xf32, #tpu.memory_space<vmem>>, vector<2048x128xf32>
    %dot_general3A_55 = arith.constant dense<0.000000e+00> : vector<256x128xf32>
    %dot_general3A_56 = tpu.matmul %select_n3A_51, %get3A_54, %dot_general3A_55 {dimension_numbers = #tpu.dot_dimension_numbers<[1], [0], [0], [1], [0, 0, 1, 1], [], []>, transpose_lhs_hint = false} : vector<256x2048xf32>, vector<2048x128xf32>, vector<256x128xf32> -> vector<256x128xf32>
    %slice3A = vector.extract_strided_slice %dot_general3A_56 {offsets = [0, 0], sizes = [256, 1], strides = [1, 1]} : vector<256x128xf32> to vector<256x1xf32>
    %slice3A_57 = vector.extract_strided_slice %dot_general3A_56 {offsets = [0, 1], sizes = [256, 1], strides = [1, 1]} : vector<256x128xf32> to vector<256x1xf32>
    %mul3A_58 = arith.constant 6.400000e+01 : f32
    %mul3A_59 = vector.broadcast %mul3A_58 : f32 to vector<256x1xf32>
    %mul3A_60 = arith.mulf %mul3A_59, %slice3A_57 : vector<256x1xf32>
    %add3A_61 = arith.addf %slice3A, %mul3A_60 : vector<256x1xf32>
    %jit3A_62 = arith.constant -3.000000e+38 : f32
    %broadcast_in_dim3A_63 = vector.broadcast %jit3A_62 : f32 to vector<256x2048xf32>
    %select_n3A_64 = arith.select %eq3A_46, %broadcast_in_dim3A_63, %select_n3A : vector<256x2048xi1>, vector<256x2048xf32>
    %reduce_max3A_65 = arith.constant dense<0xFF800000> : vector<256xf32>
    %reduce_max3A_66 = vector.multi_reduction <maximumf>, %select_n3A_64, %reduce_max3A_65 [1] : vector<256x2048xf32> to vector<256xf32>
    %broadcast_in_dim3A_67 = vector.shape_cast %reduce_max3A_66 : vector<256xf32> to vector<256x1xf32>
    %eq3A_68 = vector.broadcast %broadcast_in_dim3A_67 : vector<256x1xf32> to vector<256x2048xf32>
    %eq3A_69 = arith.cmpf oeq, %select_n3A_64, %eq3A_68 : vector<256x2048xf32>
    %jit3A_70 = arith.constant 1.000000e+00 : f32
    %jit3A_71 = arith.constant 0.000000e+00 : f32
    %broadcast_in_dim3A_72 = vector.broadcast %jit3A_70 : f32 to vector<256x2048xf32>
    %broadcast_in_dim3A_73 = vector.broadcast %jit3A_71 : f32 to vector<256x2048xf32>
    %select_n3A_74 = arith.select %eq3A_69, %broadcast_in_dim3A_72, %broadcast_in_dim3A_73 : vector<256x2048xi1>, vector<256x2048xf32>
    %get3A_75 = arith.constant 0 : index
    %get3A_76 = arith.constant 0 : index
    %get3A_77 = vector.load %arg5[%get3A_75, %get3A_76] : memref<2048x128xf32, #tpu.memory_space<vmem>>, vector<2048x128xf32>
    %dot_general3A_78 = arith.constant dense<0.000000e+00> : vector<256x128xf32>
    %dot_general3A_79 = tpu.matmul %select_n3A_74, %get3A_77, %dot_general3A_78 {dimension_numbers = #tpu.dot_dimension_numbers<[1], [0], [0], [1], [0, 0, 1, 1], [], []>, transpose_lhs_hint = false} : vector<256x2048xf32>, vector<2048x128xf32>, vector<256x128xf32> -> vector<256x128xf32>
    %slice3A_80 = vector.extract_strided_slice %dot_general3A_79 {offsets = [0, 0], sizes = [256, 1], strides = [1, 1]} : vector<256x128xf32> to vector<256x1xf32>
    %slice3A_81 = vector.extract_strided_slice %dot_general3A_79 {offsets = [0, 1], sizes = [256, 1], strides = [1, 1]} : vector<256x128xf32> to vector<256x1xf32>
    %mul3A_82 = arith.constant 6.400000e+01 : f32
    %mul3A_83 = vector.broadcast %mul3A_82 : f32 to vector<256x1xf32>
    %mul3A_84 = arith.mulf %mul3A_83, %slice3A_81 : vector<256x1xf32>
    %add3A_85 = arith.addf %slice3A_80, %mul3A_84 : vector<256x1xf32>
    %jit3A_86 = arith.constant -3.000000e+38 : f32
    %broadcast_in_dim3A_87 = vector.broadcast %jit3A_86 : f32 to vector<256x2048xf32>
    %select_n3A_88 = arith.select %eq3A_69, %broadcast_in_dim3A_87, %select_n3A_64 : vector<256x2048xi1>, vector<256x2048xf32>
    %reduce_max3A_89 = arith.constant dense<0xFF800000> : vector<256xf32>
    %reduce_max3A_90 = vector.multi_reduction <maximumf>, %select_n3A_88, %reduce_max3A_89 [1] : vector<256x2048xf32> to vector<256xf32>
    %broadcast_in_dim3A_91 = vector.shape_cast %reduce_max3A_90 : vector<256xf32> to vector<256x1xf32>
    %eq3A_92 = vector.broadcast %broadcast_in_dim3A_91 : vector<256x1xf32> to vector<256x2048xf32>
    %eq3A_93 = arith.cmpf oeq, %select_n3A_88, %eq3A_92 : vector<256x2048xf32>
    %jit3A_94 = arith.constant 1.000000e+00 : f32
    %jit3A_95 = arith.constant 0.000000e+00 : f32
    %broadcast_in_dim3A_96 = vector.broadcast %jit3A_94 : f32 to vector<256x2048xf32>
    %broadcast_in_dim3A_97 = vector.broadcast %jit3A_95 : f32 to vector<256x2048xf32>
    %select_n3A_98 = arith.select %eq3A_93, %broadcast_in_dim3A_96, %broadcast_in_dim3A_97 : vector<256x2048xi1>, vector<256x2048xf32>
    %get3A_99 = arith.constant 0 : index
    %get3A_100 = arith.constant 0 : index
    %get3A_101 = vector.load %arg5[%get3A_99, %get3A_100] : memref<2048x128xf32, #tpu.memory_space<vmem>>, vector<2048x128xf32>
    %dot_general3A_102 = arith.constant dense<0.000000e+00> : vector<256x128xf32>
    %dot_general3A_103 = tpu.matmul %select_n3A_98, %get3A_101, %dot_general3A_102 {dimension_numbers = #tpu.dot_dimension_numbers<[1], [0], [0], [1], [0, 0, 1, 1], [], []>, transpose_lhs_hint = false} : vector<256x2048xf32>, vector<2048x128xf32>, vector<256x128xf32> -> vector<256x128xf32>
    %slice3A_104 = vector.extract_strided_slice %dot_general3A_103 {offsets = [0, 0], sizes = [256, 1], strides = [1, 1]} : vector<256x128xf32> to vector<256x1xf32>
    %slice3A_105 = vector.extract_strided_slice %dot_general3A_103 {offsets = [0, 1], sizes = [256, 1], strides = [1, 1]} : vector<256x128xf32> to vector<256x1xf32>
    %mul3A_106 = arith.constant 6.400000e+01 : f32
    %mul3A_107 = vector.broadcast %mul3A_106 : f32 to vector<256x1xf32>
    %mul3A_108 = arith.mulf %mul3A_107, %slice3A_105 : vector<256x1xf32>
    %add3A_109 = arith.addf %slice3A_104, %mul3A_108 : vector<256x1xf32>
    %jit3A_110 = arith.constant -3.000000e+38 : f32
    %broadcast_in_dim3A_111 = vector.broadcast %jit3A_110 : f32 to vector<256x2048xf32>
    %select_n3A_112 = arith.select %eq3A_93, %broadcast_in_dim3A_111, %select_n3A_88 : vector<256x2048xi1>, vector<256x2048xf32>
    %reduce_max3A_113 = arith.constant dense<0xFF800000> : vector<256xf32>
    %reduce_max3A_114 = vector.multi_reduction <maximumf>, %select_n3A_112, %reduce_max3A_113 [1] : vector<256x2048xf32> to vector<256xf32>
    %broadcast_in_dim3A_115 = vector.shape_cast %reduce_max3A_114 : vector<256xf32> to vector<256x1xf32>
    %eq3A_116 = vector.broadcast %broadcast_in_dim3A_115 : vector<256x1xf32> to vector<256x2048xf32>
    %eq3A_117 = arith.cmpf oeq, %select_n3A_112, %eq3A_116 : vector<256x2048xf32>
    %jit3A_118 = arith.constant 1.000000e+00 : f32
    %jit3A_119 = arith.constant 0.000000e+00 : f32
    %broadcast_in_dim3A_120 = vector.broadcast %jit3A_118 : f32 to vector<256x2048xf32>
    %broadcast_in_dim3A_121 = vector.broadcast %jit3A_119 : f32 to vector<256x2048xf32>
    %select_n3A_122 = arith.select %eq3A_117, %broadcast_in_dim3A_120, %broadcast_in_dim3A_121 : vector<256x2048xi1>, vector<256x2048xf32>
    %get3A_123 = arith.constant 0 : index
    %get3A_124 = arith.constant 0 : index
    %get3A_125 = vector.load %arg5[%get3A_123, %get3A_124] : memref<2048x128xf32, #tpu.memory_space<vmem>>, vector<2048x128xf32>
    %dot_general3A_126 = arith.constant dense<0.000000e+00> : vector<256x128xf32>
    %dot_general3A_127 = tpu.matmul %select_n3A_122, %get3A_125, %dot_general3A_126 {dimension_numbers = #tpu.dot_dimension_numbers<[1], [0], [0], [1], [0, 0, 1, 1], [], []>, transpose_lhs_hint = false} : vector<256x2048xf32>, vector<2048x128xf32>, vector<256x128xf32> -> vector<256x128xf32>
    %slice3A_128 = vector.extract_strided_slice %dot_general3A_127 {offsets = [0, 0], sizes = [256, 1], strides = [1, 1]} : vector<256x128xf32> to vector<256x1xf32>
    %slice3A_129 = vector.extract_strided_slice %dot_general3A_127 {offsets = [0, 1], sizes = [256, 1], strides = [1, 1]} : vector<256x128xf32> to vector<256x1xf32>
    %mul3A_130 = arith.constant 6.400000e+01 : f32
    %mul3A_131 = vector.broadcast %mul3A_130 : f32 to vector<256x1xf32>
    %mul3A_132 = arith.mulf %mul3A_131, %slice3A_129 : vector<256x1xf32>
    %add3A_133 = arith.addf %slice3A_128, %mul3A_132 : vector<256x1xf32>
    %jit3A_134 = arith.constant -3.000000e+38 : f32
    %broadcast_in_dim3A_135 = vector.broadcast %jit3A_134 : f32 to vector<256x2048xf32>
    %select_n3A_136 = arith.select %eq3A_117, %broadcast_in_dim3A_135, %select_n3A_112 : vector<256x2048xi1>, vector<256x2048xf32>
    %reduce_max3A_137 = arith.constant dense<0xFF800000> : vector<256xf32>
    %reduce_max3A_138 = vector.multi_reduction <maximumf>, %select_n3A_136, %reduce_max3A_137 [1] : vector<256x2048xf32> to vector<256xf32>
    %broadcast_in_dim3A_139 = vector.shape_cast %reduce_max3A_138 : vector<256xf32> to vector<256x1xf32>
    %eq3A_140 = vector.broadcast %broadcast_in_dim3A_139 : vector<256x1xf32> to vector<256x2048xf32>
    %eq3A_141 = arith.cmpf oeq, %select_n3A_136, %eq3A_140 : vector<256x2048xf32>
    %jit3A_142 = arith.constant 1.000000e+00 : f32
    %jit3A_143 = arith.constant 0.000000e+00 : f32
    %broadcast_in_dim3A_144 = vector.broadcast %jit3A_142 : f32 to vector<256x2048xf32>
    %broadcast_in_dim3A_145 = vector.broadcast %jit3A_143 : f32 to vector<256x2048xf32>
    %select_n3A_146 = arith.select %eq3A_141, %broadcast_in_dim3A_144, %broadcast_in_dim3A_145 : vector<256x2048xi1>, vector<256x2048xf32>
    %get3A_147 = arith.constant 0 : index
    %get3A_148 = arith.constant 0 : index
    %get3A_149 = vector.load %arg5[%get3A_147, %get3A_148] : memref<2048x128xf32, #tpu.memory_space<vmem>>, vector<2048x128xf32>
    %dot_general3A_150 = arith.constant dense<0.000000e+00> : vector<256x128xf32>
    %dot_general3A_151 = tpu.matmul %select_n3A_146, %get3A_149, %dot_general3A_150 {dimension_numbers = #tpu.dot_dimension_numbers<[1], [0], [0], [1], [0, 0, 1, 1], [], []>, transpose_lhs_hint = false} : vector<256x2048xf32>, vector<2048x128xf32>, vector<256x128xf32> -> vector<256x128xf32>
    %slice3A_152 = vector.extract_strided_slice %dot_general3A_151 {offsets = [0, 0], sizes = [256, 1], strides = [1, 1]} : vector<256x128xf32> to vector<256x1xf32>
    %slice3A_153 = vector.extract_strided_slice %dot_general3A_151 {offsets = [0, 1], sizes = [256, 1], strides = [1, 1]} : vector<256x128xf32> to vector<256x1xf32>
    %mul3A_154 = arith.constant 6.400000e+01 : f32
    %mul3A_155 = vector.broadcast %mul3A_154 : f32 to vector<256x1xf32>
    %mul3A_156 = arith.mulf %mul3A_155, %slice3A_153 : vector<256x1xf32>
    %add3A_157 = arith.addf %slice3A_152, %mul3A_156 : vector<256x1xf32>
    %jit3A_158 = arith.constant -3.000000e+38 : f32
    %broadcast_in_dim3A_159 = vector.broadcast %jit3A_158 : f32 to vector<256x2048xf32>
    %select_n3A_160 = arith.select %eq3A_141, %broadcast_in_dim3A_159, %select_n3A_136 : vector<256x2048xi1>, vector<256x2048xf32>
    %reduce_max3A_161 = arith.constant dense<0xFF800000> : vector<256xf32>
    %reduce_max3A_162 = vector.multi_reduction <maximumf>, %select_n3A_160, %reduce_max3A_161 [1] : vector<256x2048xf32> to vector<256xf32>
    %broadcast_in_dim3A_163 = vector.shape_cast %reduce_max3A_162 : vector<256xf32> to vector<256x1xf32>
    %eq3A_164 = vector.broadcast %broadcast_in_dim3A_163 : vector<256x1xf32> to vector<256x2048xf32>
    %eq3A_165 = arith.cmpf oeq, %select_n3A_160, %eq3A_164 : vector<256x2048xf32>
    %jit3A_166 = arith.constant 1.000000e+00 : f32
    %jit3A_167 = arith.constant 0.000000e+00 : f32
    %broadcast_in_dim3A_168 = vector.broadcast %jit3A_166 : f32 to vector<256x2048xf32>
    %broadcast_in_dim3A_169 = vector.broadcast %jit3A_167 : f32 to vector<256x2048xf32>
    %select_n3A_170 = arith.select %eq3A_165, %broadcast_in_dim3A_168, %broadcast_in_dim3A_169 : vector<256x2048xi1>, vector<256x2048xf32>
    %get3A_171 = arith.constant 0 : index
    %get3A_172 = arith.constant 0 : index
    %get3A_173 = vector.load %arg5[%get3A_171, %get3A_172] : memref<2048x128xf32, #tpu.memory_space<vmem>>, vector<2048x128xf32>
    %dot_general3A_174 = arith.constant dense<0.000000e+00> : vector<256x128xf32>
    %dot_general3A_175 = tpu.matmul %select_n3A_170, %get3A_173, %dot_general3A_174 {dimension_numbers = #tpu.dot_dimension_numbers<[1], [0], [0], [1], [0, 0, 1, 1], [], []>, transpose_lhs_hint = false} : vector<256x2048xf32>, vector<2048x128xf32>, vector<256x128xf32> -> vector<256x128xf32>
    %slice3A_176 = vector.extract_strided_slice %dot_general3A_175 {offsets = [0, 0], sizes = [256, 1], strides = [1, 1]} : vector<256x128xf32> to vector<256x1xf32>
    %slice3A_177 = vector.extract_strided_slice %dot_general3A_175 {offsets = [0, 1], sizes = [256, 1], strides = [1, 1]} : vector<256x128xf32> to vector<256x1xf32>
    %mul3A_178 = arith.constant 6.400000e+01 : f32
    %mul3A_179 = vector.broadcast %mul3A_178 : f32 to vector<256x1xf32>
    %mul3A_180 = arith.mulf %mul3A_179, %slice3A_177 : vector<256x1xf32>
    %add3A_181 = arith.addf %slice3A_176, %mul3A_180 : vector<256x1xf32>
    %jit3A_182 = arith.constant -3.000000e+38 : f32
    %broadcast_in_dim3A_183 = vector.broadcast %jit3A_182 : f32 to vector<256x2048xf32>
    %select_n3A_184 = arith.select %eq3A_165, %broadcast_in_dim3A_183, %select_n3A_160 : vector<256x2048xi1>, vector<256x2048xf32>
    %reduce_max3A_185 = arith.constant dense<0xFF800000> : vector<256xf32>
    %reduce_max3A_186 = vector.multi_reduction <maximumf>, %select_n3A_184, %reduce_max3A_185 [1] : vector<256x2048xf32> to vector<256xf32>
    %broadcast_in_dim3A_187 = vector.shape_cast %reduce_max3A_186 : vector<256xf32> to vector<256x1xf32>
    %eq3A_188 = vector.broadcast %broadcast_in_dim3A_187 : vector<256x1xf32> to vector<256x2048xf32>
    %eq3A_189 = arith.cmpf oeq, %select_n3A_184, %eq3A_188 : vector<256x2048xf32>
    %jit3A_190 = arith.constant 1.000000e+00 : f32
    %jit3A_191 = arith.constant 0.000000e+00 : f32
    %broadcast_in_dim3A_192 = vector.broadcast %jit3A_190 : f32 to vector<256x2048xf32>
    %broadcast_in_dim3A_193 = vector.broadcast %jit3A_191 : f32 to vector<256x2048xf32>
    %select_n3A_194 = arith.select %eq3A_189, %broadcast_in_dim3A_192, %broadcast_in_dim3A_193 : vector<256x2048xi1>, vector<256x2048xf32>
    %get3A_195 = arith.constant 0 : index
    %get3A_196 = arith.constant 0 : index
    %get3A_197 = vector.load %arg5[%get3A_195, %get3A_196] : memref<2048x128xf32, #tpu.memory_space<vmem>>, vector<2048x128xf32>
    %dot_general3A_198 = arith.constant dense<0.000000e+00> : vector<256x128xf32>
    %dot_general3A_199 = tpu.matmul %select_n3A_194, %get3A_197, %dot_general3A_198 {dimension_numbers = #tpu.dot_dimension_numbers<[1], [0], [0], [1], [0, 0, 1, 1], [], []>, transpose_lhs_hint = false} : vector<256x2048xf32>, vector<2048x128xf32>, vector<256x128xf32> -> vector<256x128xf32>
    %slice3A_200 = vector.extract_strided_slice %dot_general3A_199 {offsets = [0, 0], sizes = [256, 1], strides = [1, 1]} : vector<256x128xf32> to vector<256x1xf32>
    %slice3A_201 = vector.extract_strided_slice %dot_general3A_199 {offsets = [0, 1], sizes = [256, 1], strides = [1, 1]} : vector<256x128xf32> to vector<256x1xf32>
    %mul3A_202 = arith.constant 6.400000e+01 : f32
    %mul3A_203 = vector.broadcast %mul3A_202 : f32 to vector<256x1xf32>
    %mul3A_204 = arith.mulf %mul3A_203, %slice3A_201 : vector<256x1xf32>
    %add3A_205 = arith.addf %slice3A_200, %mul3A_204 : vector<256x1xf32>
    %jit3A_206 = arith.constant -3.000000e+38 : f32
    %broadcast_in_dim3A_207 = vector.broadcast %jit3A_206 : f32 to vector<256x2048xf32>
    %select_n3A_208 = arith.select %eq3A_189, %broadcast_in_dim3A_207, %select_n3A_184 : vector<256x2048xi1>, vector<256x2048xf32>
    %reduce_max3A_209 = arith.constant dense<0xFF800000> : vector<256xf32>
    %reduce_max3A_210 = vector.multi_reduction <maximumf>, %select_n3A_208, %reduce_max3A_209 [1] : vector<256x2048xf32> to vector<256xf32>
    %broadcast_in_dim3A_211 = vector.shape_cast %reduce_max3A_210 : vector<256xf32> to vector<256x1xf32>
    %eq3A_212 = vector.broadcast %broadcast_in_dim3A_211 : vector<256x1xf32> to vector<256x2048xf32>
    %eq3A_213 = arith.cmpf oeq, %select_n3A_208, %eq3A_212 : vector<256x2048xf32>
    %jit3A_214 = arith.constant 1.000000e+00 : f32
    %jit3A_215 = arith.constant 0.000000e+00 : f32
    %broadcast_in_dim3A_216 = vector.broadcast %jit3A_214 : f32 to vector<256x2048xf32>
    %broadcast_in_dim3A_217 = vector.broadcast %jit3A_215 : f32 to vector<256x2048xf32>
    %select_n3A_218 = arith.select %eq3A_213, %broadcast_in_dim3A_216, %broadcast_in_dim3A_217 : vector<256x2048xi1>, vector<256x2048xf32>
    %get3A_219 = arith.constant 0 : index
    %get3A_220 = arith.constant 0 : index
    %get3A_221 = vector.load %arg5[%get3A_219, %get3A_220] : memref<2048x128xf32, #tpu.memory_space<vmem>>, vector<2048x128xf32>
    %dot_general3A_222 = arith.constant dense<0.000000e+00> : vector<256x128xf32>
    %dot_general3A_223 = tpu.matmul %select_n3A_218, %get3A_221, %dot_general3A_222 {dimension_numbers = #tpu.dot_dimension_numbers<[1], [0], [0], [1], [0, 0, 1, 1], [], []>, transpose_lhs_hint = false} : vector<256x2048xf32>, vector<2048x128xf32>, vector<256x128xf32> -> vector<256x128xf32>
    %slice3A_224 = vector.extract_strided_slice %dot_general3A_223 {offsets = [0, 0], sizes = [256, 1], strides = [1, 1]} : vector<256x128xf32> to vector<256x1xf32>
    %slice3A_225 = vector.extract_strided_slice %dot_general3A_223 {offsets = [0, 1], sizes = [256, 1], strides = [1, 1]} : vector<256x128xf32> to vector<256x1xf32>
    %mul3A_226 = arith.constant 6.400000e+01 : f32
    %mul3A_227 = vector.broadcast %mul3A_226 : f32 to vector<256x1xf32>
    %mul3A_228 = arith.mulf %mul3A_227, %slice3A_225 : vector<256x1xf32>
    %add3A_229 = arith.addf %slice3A_224, %mul3A_228 : vector<256x1xf32>
    %jit3A_230 = arith.constant -3.000000e+38 : f32
    %broadcast_in_dim3A_231 = vector.broadcast %jit3A_230 : f32 to vector<256x2048xf32>
    %select_n3A_232 = arith.select %eq3A_213, %broadcast_in_dim3A_231, %select_n3A_208 : vector<256x2048xi1>, vector<256x2048xf32>
    %reduce_max3A_233 = arith.constant dense<0xFF800000> : vector<256xf32>
    %reduce_max3A_234 = vector.multi_reduction <maximumf>, %select_n3A_232, %reduce_max3A_233 [1] : vector<256x2048xf32> to vector<256xf32>
    %broadcast_in_dim3A_235 = vector.shape_cast %reduce_max3A_234 : vector<256xf32> to vector<256x1xf32>
    %eq3A_236 = vector.broadcast %broadcast_in_dim3A_235 : vector<256x1xf32> to vector<256x2048xf32>
    %eq3A_237 = arith.cmpf oeq, %select_n3A_232, %eq3A_236 : vector<256x2048xf32>
    %jit3A_238 = arith.constant 1.000000e+00 : f32
    %jit3A_239 = arith.constant 0.000000e+00 : f32
    %broadcast_in_dim3A_240 = vector.broadcast %jit3A_238 : f32 to vector<256x2048xf32>
    %broadcast_in_dim3A_241 = vector.broadcast %jit3A_239 : f32 to vector<256x2048xf32>
    %select_n3A_242 = arith.select %eq3A_237, %broadcast_in_dim3A_240, %broadcast_in_dim3A_241 : vector<256x2048xi1>, vector<256x2048xf32>
    %get3A_243 = arith.constant 0 : index
    %get3A_244 = arith.constant 0 : index
    %get3A_245 = vector.load %arg5[%get3A_243, %get3A_244] : memref<2048x128xf32, #tpu.memory_space<vmem>>, vector<2048x128xf32>
    %dot_general3A_246 = arith.constant dense<0.000000e+00> : vector<256x128xf32>
    %dot_general3A_247 = tpu.matmul %select_n3A_242, %get3A_245, %dot_general3A_246 {dimension_numbers = #tpu.dot_dimension_numbers<[1], [0], [0], [1], [0, 0, 1, 1], [], []>, transpose_lhs_hint = false} : vector<256x2048xf32>, vector<2048x128xf32>, vector<256x128xf32> -> vector<256x128xf32>
    %slice3A_248 = vector.extract_strided_slice %dot_general3A_247 {offsets = [0, 0], sizes = [256, 1], strides = [1, 1]} : vector<256x128xf32> to vector<256x1xf32>
    %slice3A_249 = vector.extract_strided_slice %dot_general3A_247 {offsets = [0, 1], sizes = [256, 1], strides = [1, 1]} : vector<256x128xf32> to vector<256x1xf32>
    %mul3A_250 = arith.constant 6.400000e+01 : f32
    %mul3A_251 = vector.broadcast %mul3A_250 : f32 to vector<256x1xf32>
    %mul3A_252 = arith.mulf %mul3A_251, %slice3A_249 : vector<256x1xf32>
    %add3A_253 = arith.addf %slice3A_248, %mul3A_252 : vector<256x1xf32>
    %jit3A_254 = arith.constant -3.000000e+38 : f32
    %broadcast_in_dim3A_255 = vector.broadcast %jit3A_254 : f32 to vector<256x2048xf32>
    %select_n3A_256 = arith.select %eq3A_237, %broadcast_in_dim3A_255, %select_n3A_232 : vector<256x2048xi1>, vector<256x2048xf32>
    %reduce_max3A_257 = arith.constant dense<0xFF800000> : vector<256xf32>
    %reduce_max3A_258 = vector.multi_reduction <maximumf>, %select_n3A_256, %reduce_max3A_257 [1] : vector<256x2048xf32> to vector<256xf32>
    %broadcast_in_dim3A_259 = vector.shape_cast %reduce_max3A_258 : vector<256xf32> to vector<256x1xf32>
    %eq3A_260 = vector.broadcast %broadcast_in_dim3A_259 : vector<256x1xf32> to vector<256x2048xf32>
    %eq3A_261 = arith.cmpf oeq, %select_n3A_256, %eq3A_260 : vector<256x2048xf32>
    %jit3A_262 = arith.constant 1.000000e+00 : f32
    %jit3A_263 = arith.constant 0.000000e+00 : f32
    %broadcast_in_dim3A_264 = vector.broadcast %jit3A_262 : f32 to vector<256x2048xf32>
    %broadcast_in_dim3A_265 = vector.broadcast %jit3A_263 : f32 to vector<256x2048xf32>
    %select_n3A_266 = arith.select %eq3A_261, %broadcast_in_dim3A_264, %broadcast_in_dim3A_265 : vector<256x2048xi1>, vector<256x2048xf32>
    %get3A_267 = arith.constant 0 : index
    %get3A_268 = arith.constant 0 : index
    %get3A_269 = vector.load %arg5[%get3A_267, %get3A_268] : memref<2048x128xf32, #tpu.memory_space<vmem>>, vector<2048x128xf32>
    %dot_general3A_270 = arith.constant dense<0.000000e+00> : vector<256x128xf32>
    %dot_general3A_271 = tpu.matmul %select_n3A_266, %get3A_269, %dot_general3A_270 {dimension_numbers = #tpu.dot_dimension_numbers<[1], [0], [0], [1], [0, 0, 1, 1], [], []>, transpose_lhs_hint = false} : vector<256x2048xf32>, vector<2048x128xf32>, vector<256x128xf32> -> vector<256x128xf32>
    %slice3A_272 = vector.extract_strided_slice %dot_general3A_271 {offsets = [0, 0], sizes = [256, 1], strides = [1, 1]} : vector<256x128xf32> to vector<256x1xf32>
    %slice3A_273 = vector.extract_strided_slice %dot_general3A_271 {offsets = [0, 1], sizes = [256, 1], strides = [1, 1]} : vector<256x128xf32> to vector<256x1xf32>
    %mul3A_274 = arith.constant 6.400000e+01 : f32
    %mul3A_275 = vector.broadcast %mul3A_274 : f32 to vector<256x1xf32>
    %mul3A_276 = arith.mulf %mul3A_275, %slice3A_273 : vector<256x1xf32>
    %add3A_277 = arith.addf %slice3A_272, %mul3A_276 : vector<256x1xf32>
    %jit3A_278 = arith.constant -3.000000e+38 : f32
    %broadcast_in_dim3A_279 = vector.broadcast %jit3A_278 : f32 to vector<256x2048xf32>
    %select_n3A_280 = arith.select %eq3A_261, %broadcast_in_dim3A_279, %select_n3A_256 : vector<256x2048xi1>, vector<256x2048xf32>
    %reduce_max3A_281 = arith.constant dense<0xFF800000> : vector<256xf32>
    %reduce_max3A_282 = vector.multi_reduction <maximumf>, %select_n3A_280, %reduce_max3A_281 [1] : vector<256x2048xf32> to vector<256xf32>
    %broadcast_in_dim3A_283 = vector.shape_cast %reduce_max3A_282 : vector<256xf32> to vector<256x1xf32>
    %eq3A_284 = vector.broadcast %broadcast_in_dim3A_283 : vector<256x1xf32> to vector<256x2048xf32>
    %eq3A_285 = arith.cmpf oeq, %select_n3A_280, %eq3A_284 : vector<256x2048xf32>
    %jit3A_286 = arith.constant 1.000000e+00 : f32
    %jit3A_287 = arith.constant 0.000000e+00 : f32
    %broadcast_in_dim3A_288 = vector.broadcast %jit3A_286 : f32 to vector<256x2048xf32>
    %broadcast_in_dim3A_289 = vector.broadcast %jit3A_287 : f32 to vector<256x2048xf32>
    %select_n3A_290 = arith.select %eq3A_285, %broadcast_in_dim3A_288, %broadcast_in_dim3A_289 : vector<256x2048xi1>, vector<256x2048xf32>
    %get3A_291 = arith.constant 0 : index
    %get3A_292 = arith.constant 0 : index
    %get3A_293 = vector.load %arg5[%get3A_291, %get3A_292] : memref<2048x128xf32, #tpu.memory_space<vmem>>, vector<2048x128xf32>
    %dot_general3A_294 = arith.constant dense<0.000000e+00> : vector<256x128xf32>
    %dot_general3A_295 = tpu.matmul %select_n3A_290, %get3A_293, %dot_general3A_294 {dimension_numbers = #tpu.dot_dimension_numbers<[1], [0], [0], [1], [0, 0, 1, 1], [], []>, transpose_lhs_hint = false} : vector<256x2048xf32>, vector<2048x128xf32>, vector<256x128xf32> -> vector<256x128xf32>
    %slice3A_296 = vector.extract_strided_slice %dot_general3A_295 {offsets = [0, 0], sizes = [256, 1], strides = [1, 1]} : vector<256x128xf32> to vector<256x1xf32>
    %slice3A_297 = vector.extract_strided_slice %dot_general3A_295 {offsets = [0, 1], sizes = [256, 1], strides = [1, 1]} : vector<256x128xf32> to vector<256x1xf32>
    %mul3A_298 = arith.constant 6.400000e+01 : f32
    %mul3A_299 = vector.broadcast %mul3A_298 : f32 to vector<256x1xf32>
    %mul3A_300 = arith.mulf %mul3A_299, %slice3A_297 : vector<256x1xf32>
    %add3A_301 = arith.addf %slice3A_296, %mul3A_300 : vector<256x1xf32>
    %jit3A_302 = arith.constant -3.000000e+38 : f32
    %broadcast_in_dim3A_303 = vector.broadcast %jit3A_302 : f32 to vector<256x2048xf32>
    %select_n3A_304 = arith.select %eq3A_285, %broadcast_in_dim3A_303, %select_n3A_280 : vector<256x2048xi1>, vector<256x2048xf32>
    %reduce_max3A_305 = arith.constant dense<0xFF800000> : vector<256xf32>
    %reduce_max3A_306 = vector.multi_reduction <maximumf>, %select_n3A_304, %reduce_max3A_305 [1] : vector<256x2048xf32> to vector<256xf32>
    %broadcast_in_dim3A_307 = vector.shape_cast %reduce_max3A_306 : vector<256xf32> to vector<256x1xf32>
    %eq3A_308 = vector.broadcast %broadcast_in_dim3A_307 : vector<256x1xf32> to vector<256x2048xf32>
    %eq3A_309 = arith.cmpf oeq, %select_n3A_304, %eq3A_308 : vector<256x2048xf32>
    %jit3A_310 = arith.constant 1.000000e+00 : f32
    %jit3A_311 = arith.constant 0.000000e+00 : f32
    %broadcast_in_dim3A_312 = vector.broadcast %jit3A_310 : f32 to vector<256x2048xf32>
    %broadcast_in_dim3A_313 = vector.broadcast %jit3A_311 : f32 to vector<256x2048xf32>
    %select_n3A_314 = arith.select %eq3A_309, %broadcast_in_dim3A_312, %broadcast_in_dim3A_313 : vector<256x2048xi1>, vector<256x2048xf32>
    %get3A_315 = arith.constant 0 : index
    %get3A_316 = arith.constant 0 : index
    %get3A_317 = vector.load %arg5[%get3A_315, %get3A_316] : memref<2048x128xf32, #tpu.memory_space<vmem>>, vector<2048x128xf32>
    %dot_general3A_318 = arith.constant dense<0.000000e+00> : vector<256x128xf32>
    %dot_general3A_319 = tpu.matmul %select_n3A_314, %get3A_317, %dot_general3A_318 {dimension_numbers = #tpu.dot_dimension_numbers<[1], [0], [0], [1], [0, 0, 1, 1], [], []>, transpose_lhs_hint = false} : vector<256x2048xf32>, vector<2048x128xf32>, vector<256x128xf32> -> vector<256x128xf32>
    %slice3A_320 = vector.extract_strided_slice %dot_general3A_319 {offsets = [0, 0], sizes = [256, 1], strides = [1, 1]} : vector<256x128xf32> to vector<256x1xf32>
    %slice3A_321 = vector.extract_strided_slice %dot_general3A_319 {offsets = [0, 1], sizes = [256, 1], strides = [1, 1]} : vector<256x128xf32> to vector<256x1xf32>
    %mul3A_322 = arith.constant 6.400000e+01 : f32
    %mul3A_323 = vector.broadcast %mul3A_322 : f32 to vector<256x1xf32>
    %mul3A_324 = arith.mulf %mul3A_323, %slice3A_321 : vector<256x1xf32>
    %add3A_325 = arith.addf %slice3A_320, %mul3A_324 : vector<256x1xf32>
    %jit3A_326 = arith.constant -3.000000e+38 : f32
    %broadcast_in_dim3A_327 = vector.broadcast %jit3A_326 : f32 to vector<256x2048xf32>
    %select_n3A_328 = arith.select %eq3A_309, %broadcast_in_dim3A_327, %select_n3A_304 : vector<256x2048xi1>, vector<256x2048xf32>
    %reduce_max3A_329 = arith.constant dense<0xFF800000> : vector<256xf32>
    %reduce_max3A_330 = vector.multi_reduction <maximumf>, %select_n3A_328, %reduce_max3A_329 [1] : vector<256x2048xf32> to vector<256xf32>
    %broadcast_in_dim3A_331 = vector.shape_cast %reduce_max3A_330 : vector<256xf32> to vector<256x1xf32>
    %eq3A_332 = vector.broadcast %broadcast_in_dim3A_331 : vector<256x1xf32> to vector<256x2048xf32>
    %eq3A_333 = arith.cmpf oeq, %select_n3A_328, %eq3A_332 : vector<256x2048xf32>
    %jit3A_334 = arith.constant 1.000000e+00 : f32
    %jit3A_335 = arith.constant 0.000000e+00 : f32
    %broadcast_in_dim3A_336 = vector.broadcast %jit3A_334 : f32 to vector<256x2048xf32>
    %broadcast_in_dim3A_337 = vector.broadcast %jit3A_335 : f32 to vector<256x2048xf32>
    %select_n3A_338 = arith.select %eq3A_333, %broadcast_in_dim3A_336, %broadcast_in_dim3A_337 : vector<256x2048xi1>, vector<256x2048xf32>
    %get3A_339 = arith.constant 0 : index
    %get3A_340 = arith.constant 0 : index
    %get3A_341 = vector.load %arg5[%get3A_339, %get3A_340] : memref<2048x128xf32, #tpu.memory_space<vmem>>, vector<2048x128xf32>
    %dot_general3A_342 = arith.constant dense<0.000000e+00> : vector<256x128xf32>
    %dot_general3A_343 = tpu.matmul %select_n3A_338, %get3A_341, %dot_general3A_342 {dimension_numbers = #tpu.dot_dimension_numbers<[1], [0], [0], [1], [0, 0, 1, 1], [], []>, transpose_lhs_hint = false} : vector<256x2048xf32>, vector<2048x128xf32>, vector<256x128xf32> -> vector<256x128xf32>
    %slice3A_344 = vector.extract_strided_slice %dot_general3A_343 {offsets = [0, 0], sizes = [256, 1], strides = [1, 1]} : vector<256x128xf32> to vector<256x1xf32>
    %slice3A_345 = vector.extract_strided_slice %dot_general3A_343 {offsets = [0, 1], sizes = [256, 1], strides = [1, 1]} : vector<256x128xf32> to vector<256x1xf32>
    %mul3A_346 = arith.constant 6.400000e+01 : f32
    %mul3A_347 = vector.broadcast %mul3A_346 : f32 to vector<256x1xf32>
    %mul3A_348 = arith.mulf %mul3A_347, %slice3A_345 : vector<256x1xf32>
    %add3A_349 = arith.addf %slice3A_344, %mul3A_348 : vector<256x1xf32>
    %jit3A_350 = arith.constant -3.000000e+38 : f32
    %broadcast_in_dim3A_351 = vector.broadcast %jit3A_350 : f32 to vector<256x2048xf32>
    %select_n3A_352 = arith.select %eq3A_333, %broadcast_in_dim3A_351, %select_n3A_328 : vector<256x2048xi1>, vector<256x2048xf32>
    %reduce_max3A_353 = arith.constant dense<0xFF800000> : vector<256xf32>
    %reduce_max3A_354 = vector.multi_reduction <maximumf>, %select_n3A_352, %reduce_max3A_353 [1] : vector<256x2048xf32> to vector<256xf32>
    %broadcast_in_dim3A_355 = vector.shape_cast %reduce_max3A_354 : vector<256xf32> to vector<256x1xf32>
    %eq3A_356 = vector.broadcast %broadcast_in_dim3A_355 : vector<256x1xf32> to vector<256x2048xf32>
    %eq3A_357 = arith.cmpf oeq, %select_n3A_352, %eq3A_356 : vector<256x2048xf32>
    %jit3A_358 = arith.constant 1.000000e+00 : f32
    %jit3A_359 = arith.constant 0.000000e+00 : f32
    %broadcast_in_dim3A_360 = vector.broadcast %jit3A_358 : f32 to vector<256x2048xf32>
    %broadcast_in_dim3A_361 = vector.broadcast %jit3A_359 : f32 to vector<256x2048xf32>
    %select_n3A_362 = arith.select %eq3A_357, %broadcast_in_dim3A_360, %broadcast_in_dim3A_361 : vector<256x2048xi1>, vector<256x2048xf32>
    %get3A_363 = arith.constant 0 : index
    %get3A_364 = arith.constant 0 : index
    %get3A_365 = vector.load %arg5[%get3A_363, %get3A_364] : memref<2048x128xf32, #tpu.memory_space<vmem>>, vector<2048x128xf32>
    %dot_general3A_366 = arith.constant dense<0.000000e+00> : vector<256x128xf32>
    %dot_general3A_367 = tpu.matmul %select_n3A_362, %get3A_365, %dot_general3A_366 {dimension_numbers = #tpu.dot_dimension_numbers<[1], [0], [0], [1], [0, 0, 1, 1], [], []>, transpose_lhs_hint = false} : vector<256x2048xf32>, vector<2048x128xf32>, vector<256x128xf32> -> vector<256x128xf32>
    %slice3A_368 = vector.extract_strided_slice %dot_general3A_367 {offsets = [0, 0], sizes = [256, 1], strides = [1, 1]} : vector<256x128xf32> to vector<256x1xf32>
    %slice3A_369 = vector.extract_strided_slice %dot_general3A_367 {offsets = [0, 1], sizes = [256, 1], strides = [1, 1]} : vector<256x128xf32> to vector<256x1xf32>
    %mul3A_370 = arith.constant 6.400000e+01 : f32
    %mul3A_371 = vector.broadcast %mul3A_370 : f32 to vector<256x1xf32>
    %mul3A_372 = arith.mulf %mul3A_371, %slice3A_369 : vector<256x1xf32>
    %add3A_373 = arith.addf %slice3A_368, %mul3A_372 : vector<256x1xf32>
    %jit3A_374 = arith.constant -3.000000e+38 : f32
    %broadcast_in_dim3A_375 = vector.broadcast %jit3A_374 : f32 to vector<256x2048xf32>
    %select_n3A_376 = arith.select %eq3A_357, %broadcast_in_dim3A_375, %select_n3A_352 : vector<256x2048xi1>, vector<256x2048xf32>
    %reduce_max3A_377 = arith.constant dense<0xFF800000> : vector<256xf32>
    %reduce_max3A_378 = vector.multi_reduction <maximumf>, %select_n3A_376, %reduce_max3A_377 [1] : vector<256x2048xf32> to vector<256xf32>
    %broadcast_in_dim3A_379 = vector.shape_cast %reduce_max3A_378 : vector<256xf32> to vector<256x1xf32>
    %eq3A_380 = vector.broadcast %broadcast_in_dim3A_379 : vector<256x1xf32> to vector<256x2048xf32>
    %eq3A_381 = arith.cmpf oeq, %select_n3A_376, %eq3A_380 : vector<256x2048xf32>
    %jit3A_382 = arith.constant 1.000000e+00 : f32
    %jit3A_383 = arith.constant 0.000000e+00 : f32
    %broadcast_in_dim3A_384 = vector.broadcast %jit3A_382 : f32 to vector<256x2048xf32>
    %broadcast_in_dim3A_385 = vector.broadcast %jit3A_383 : f32 to vector<256x2048xf32>
    %select_n3A_386 = arith.select %eq3A_381, %broadcast_in_dim3A_384, %broadcast_in_dim3A_385 : vector<256x2048xi1>, vector<256x2048xf32>
    %get3A_387 = arith.constant 0 : index
    %get3A_388 = arith.constant 0 : index
    %get3A_389 = vector.load %arg5[%get3A_387, %get3A_388] : memref<2048x128xf32, #tpu.memory_space<vmem>>, vector<2048x128xf32>
    %dot_general3A_390 = arith.constant dense<0.000000e+00> : vector<256x128xf32>
    %dot_general3A_391 = tpu.matmul %select_n3A_386, %get3A_389, %dot_general3A_390 {dimension_numbers = #tpu.dot_dimension_numbers<[1], [0], [0], [1], [0, 0, 1, 1], [], []>, transpose_lhs_hint = false} : vector<256x2048xf32>, vector<2048x128xf32>, vector<256x128xf32> -> vector<256x128xf32>
    %slice3A_392 = vector.extract_strided_slice %dot_general3A_391 {offsets = [0, 0], sizes = [256, 1], strides = [1, 1]} : vector<256x128xf32> to vector<256x1xf32>
    %slice3A_393 = vector.extract_strided_slice %dot_general3A_391 {offsets = [0, 1], sizes = [256, 1], strides = [1, 1]} : vector<256x128xf32> to vector<256x1xf32>
    %mul3A_394 = arith.constant 6.400000e+01 : f32
    %mul3A_395 = vector.broadcast %mul3A_394 : f32 to vector<256x1xf32>
    %mul3A_396 = arith.mulf %mul3A_395, %slice3A_393 : vector<256x1xf32>
    %add3A_397 = arith.addf %slice3A_392, %mul3A_396 : vector<256x1xf32>
    %jit3A_398 = arith.constant -3.000000e+38 : f32
    %broadcast_in_dim3A_399 = vector.broadcast %jit3A_398 : f32 to vector<256x2048xf32>
    %select_n3A_400 = arith.select %eq3A_381, %broadcast_in_dim3A_399, %select_n3A_376 : vector<256x2048xi1>, vector<256x2048xf32>
    %reduce_max3A_401 = arith.constant dense<0xFF800000> : vector<256xf32>
    %reduce_max3A_402 = vector.multi_reduction <maximumf>, %select_n3A_400, %reduce_max3A_401 [1] : vector<256x2048xf32> to vector<256xf32>
    %broadcast_in_dim3A_403 = vector.shape_cast %reduce_max3A_402 : vector<256xf32> to vector<256x1xf32>
    %eq3A_404 = vector.broadcast %broadcast_in_dim3A_403 : vector<256x1xf32> to vector<256x2048xf32>
    %eq3A_405 = arith.cmpf oeq, %select_n3A_400, %eq3A_404 : vector<256x2048xf32>
    %jit3A_406 = arith.constant 1.000000e+00 : f32
    %jit3A_407 = arith.constant 0.000000e+00 : f32
    %broadcast_in_dim3A_408 = vector.broadcast %jit3A_406 : f32 to vector<256x2048xf32>
    %broadcast_in_dim3A_409 = vector.broadcast %jit3A_407 : f32 to vector<256x2048xf32>
    %select_n3A_410 = arith.select %eq3A_405, %broadcast_in_dim3A_408, %broadcast_in_dim3A_409 : vector<256x2048xi1>, vector<256x2048xf32>
    %get3A_411 = arith.constant 0 : index
    %get3A_412 = arith.constant 0 : index
    %get3A_413 = vector.load %arg5[%get3A_411, %get3A_412] : memref<2048x128xf32, #tpu.memory_space<vmem>>, vector<2048x128xf32>
    %dot_general3A_414 = arith.constant dense<0.000000e+00> : vector<256x128xf32>
    %dot_general3A_415 = tpu.matmul %select_n3A_410, %get3A_413, %dot_general3A_414 {dimension_numbers = #tpu.dot_dimension_numbers<[1], [0], [0], [1], [0, 0, 1, 1], [], []>, transpose_lhs_hint = false} : vector<256x2048xf32>, vector<2048x128xf32>, vector<256x128xf32> -> vector<256x128xf32>
    %slice3A_416 = vector.extract_strided_slice %dot_general3A_415 {offsets = [0, 0], sizes = [256, 1], strides = [1, 1]} : vector<256x128xf32> to vector<256x1xf32>
    %slice3A_417 = vector.extract_strided_slice %dot_general3A_415 {offsets = [0, 1], sizes = [256, 1], strides = [1, 1]} : vector<256x128xf32> to vector<256x1xf32>
    %mul3A_418 = arith.constant 6.400000e+01 : f32
    %mul3A_419 = vector.broadcast %mul3A_418 : f32 to vector<256x1xf32>
    %mul3A_420 = arith.mulf %mul3A_419, %slice3A_417 : vector<256x1xf32>
    %add3A_421 = arith.addf %slice3A_416, %mul3A_420 : vector<256x1xf32>
    %jit3A_422 = arith.constant -3.000000e+38 : f32
    %broadcast_in_dim3A_423 = vector.broadcast %jit3A_422 : f32 to vector<256x2048xf32>
    %select_n3A_424 = arith.select %eq3A_405, %broadcast_in_dim3A_423, %select_n3A_400 : vector<256x2048xi1>, vector<256x2048xf32>
    %reduce_max3A_425 = arith.constant dense<0xFF800000> : vector<256xf32>
    %reduce_max3A_426 = vector.multi_reduction <maximumf>, %select_n3A_424, %reduce_max3A_425 [1] : vector<256x2048xf32> to vector<256xf32>
    %broadcast_in_dim3A_427 = vector.shape_cast %reduce_max3A_426 : vector<256xf32> to vector<256x1xf32>
    %eq3A_428 = vector.broadcast %broadcast_in_dim3A_427 : vector<256x1xf32> to vector<256x2048xf32>
    %eq3A_429 = arith.cmpf oeq, %select_n3A_424, %eq3A_428 : vector<256x2048xf32>
    %jit3A_430 = arith.constant 1.000000e+00 : f32
    %jit3A_431 = arith.constant 0.000000e+00 : f32
    %broadcast_in_dim3A_432 = vector.broadcast %jit3A_430 : f32 to vector<256x2048xf32>
    %broadcast_in_dim3A_433 = vector.broadcast %jit3A_431 : f32 to vector<256x2048xf32>
    %select_n3A_434 = arith.select %eq3A_429, %broadcast_in_dim3A_432, %broadcast_in_dim3A_433 : vector<256x2048xi1>, vector<256x2048xf32>
    %get3A_435 = arith.constant 0 : index
    %get3A_436 = arith.constant 0 : index
    %get3A_437 = vector.load %arg5[%get3A_435, %get3A_436] : memref<2048x128xf32, #tpu.memory_space<vmem>>, vector<2048x128xf32>
    %dot_general3A_438 = arith.constant dense<0.000000e+00> : vector<256x128xf32>
    %dot_general3A_439 = tpu.matmul %select_n3A_434, %get3A_437, %dot_general3A_438 {dimension_numbers = #tpu.dot_dimension_numbers<[1], [0], [0], [1], [0, 0, 1, 1], [], []>, transpose_lhs_hint = false} : vector<256x2048xf32>, vector<2048x128xf32>, vector<256x128xf32> -> vector<256x128xf32>
    %slice3A_440 = vector.extract_strided_slice %dot_general3A_439 {offsets = [0, 0], sizes = [256, 1], strides = [1, 1]} : vector<256x128xf32> to vector<256x1xf32>
    %slice3A_441 = vector.extract_strided_slice %dot_general3A_439 {offsets = [0, 1], sizes = [256, 1], strides = [1, 1]} : vector<256x128xf32> to vector<256x1xf32>
    %mul3A_442 = arith.constant 6.400000e+01 : f32
    %mul3A_443 = vector.broadcast %mul3A_442 : f32 to vector<256x1xf32>
    %mul3A_444 = arith.mulf %mul3A_443, %slice3A_441 : vector<256x1xf32>
    %add3A_445 = arith.addf %slice3A_440, %mul3A_444 : vector<256x1xf32>
    %jit3A_446 = arith.constant -3.000000e+38 : f32
    %broadcast_in_dim3A_447 = vector.broadcast %jit3A_446 : f32 to vector<256x2048xf32>
    %select_n3A_448 = arith.select %eq3A_429, %broadcast_in_dim3A_447, %select_n3A_424 : vector<256x2048xi1>, vector<256x2048xf32>
    %reduce_max3A_449 = arith.constant dense<0xFF800000> : vector<256xf32>
    %reduce_max3A_450 = vector.multi_reduction <maximumf>, %select_n3A_448, %reduce_max3A_449 [1] : vector<256x2048xf32> to vector<256xf32>
    %broadcast_in_dim3A_451 = vector.shape_cast %reduce_max3A_450 : vector<256xf32> to vector<256x1xf32>
    %eq3A_452 = vector.broadcast %broadcast_in_dim3A_451 : vector<256x1xf32> to vector<256x2048xf32>
    %eq3A_453 = arith.cmpf oeq, %select_n3A_448, %eq3A_452 : vector<256x2048xf32>
    %jit3A_454 = arith.constant 1.000000e+00 : f32
    %jit3A_455 = arith.constant 0.000000e+00 : f32
    %broadcast_in_dim3A_456 = vector.broadcast %jit3A_454 : f32 to vector<256x2048xf32>
    %broadcast_in_dim3A_457 = vector.broadcast %jit3A_455 : f32 to vector<256x2048xf32>
    %select_n3A_458 = arith.select %eq3A_453, %broadcast_in_dim3A_456, %broadcast_in_dim3A_457 : vector<256x2048xi1>, vector<256x2048xf32>
    %get3A_459 = arith.constant 0 : index
    %get3A_460 = arith.constant 0 : index
    %get3A_461 = vector.load %arg5[%get3A_459, %get3A_460] : memref<2048x128xf32, #tpu.memory_space<vmem>>, vector<2048x128xf32>
    %dot_general3A_462 = arith.constant dense<0.000000e+00> : vector<256x128xf32>
    %dot_general3A_463 = tpu.matmul %select_n3A_458, %get3A_461, %dot_general3A_462 {dimension_numbers = #tpu.dot_dimension_numbers<[1], [0], [0], [1], [0, 0, 1, 1], [], []>, transpose_lhs_hint = false} : vector<256x2048xf32>, vector<2048x128xf32>, vector<256x128xf32> -> vector<256x128xf32>
    %slice3A_464 = vector.extract_strided_slice %dot_general3A_463 {offsets = [0, 0], sizes = [256, 1], strides = [1, 1]} : vector<256x128xf32> to vector<256x1xf32>
    %slice3A_465 = vector.extract_strided_slice %dot_general3A_463 {offsets = [0, 1], sizes = [256, 1], strides = [1, 1]} : vector<256x128xf32> to vector<256x1xf32>
    %mul3A_466 = arith.constant 6.400000e+01 : f32
    %mul3A_467 = vector.broadcast %mul3A_466 : f32 to vector<256x1xf32>
    %mul3A_468 = arith.mulf %mul3A_467, %slice3A_465 : vector<256x1xf32>
    %add3A_469 = arith.addf %slice3A_464, %mul3A_468 : vector<256x1xf32>
    %jit3A_470 = arith.constant -3.000000e+38 : f32
    %broadcast_in_dim3A_471 = vector.broadcast %jit3A_470 : f32 to vector<256x2048xf32>
    %select_n3A_472 = arith.select %eq3A_453, %broadcast_in_dim3A_471, %select_n3A_448 : vector<256x2048xi1>, vector<256x2048xf32>
    %reduce_max3A_473 = arith.constant dense<0xFF800000> : vector<256xf32>
    %reduce_max3A_474 = vector.multi_reduction <maximumf>, %select_n3A_472, %reduce_max3A_473 [1] : vector<256x2048xf32> to vector<256xf32>
    %broadcast_in_dim3A_475 = vector.shape_cast %reduce_max3A_474 : vector<256xf32> to vector<256x1xf32>
    %eq3A_476 = vector.broadcast %broadcast_in_dim3A_475 : vector<256x1xf32> to vector<256x2048xf32>
    %eq3A_477 = arith.cmpf oeq, %select_n3A_472, %eq3A_476 : vector<256x2048xf32>
    %jit3A_478 = arith.constant 1.000000e+00 : f32
    %jit3A_479 = arith.constant 0.000000e+00 : f32
    %broadcast_in_dim3A_480 = vector.broadcast %jit3A_478 : f32 to vector<256x2048xf32>
    %broadcast_in_dim3A_481 = vector.broadcast %jit3A_479 : f32 to vector<256x2048xf32>
    %select_n3A_482 = arith.select %eq3A_477, %broadcast_in_dim3A_480, %broadcast_in_dim3A_481 : vector<256x2048xi1>, vector<256x2048xf32>
    %get3A_483 = arith.constant 0 : index
    %get3A_484 = arith.constant 0 : index
    %get3A_485 = vector.load %arg5[%get3A_483, %get3A_484] : memref<2048x128xf32, #tpu.memory_space<vmem>>, vector<2048x128xf32>
    %dot_general3A_486 = arith.constant dense<0.000000e+00> : vector<256x128xf32>
    %dot_general3A_487 = tpu.matmul %select_n3A_482, %get3A_485, %dot_general3A_486 {dimension_numbers = #tpu.dot_dimension_numbers<[1], [0], [0], [1], [0, 0, 1, 1], [], []>, transpose_lhs_hint = false} : vector<256x2048xf32>, vector<2048x128xf32>, vector<256x128xf32> -> vector<256x128xf32>
    %slice3A_488 = vector.extract_strided_slice %dot_general3A_487 {offsets = [0, 0], sizes = [256, 1], strides = [1, 1]} : vector<256x128xf32> to vector<256x1xf32>
    %slice3A_489 = vector.extract_strided_slice %dot_general3A_487 {offsets = [0, 1], sizes = [256, 1], strides = [1, 1]} : vector<256x128xf32> to vector<256x1xf32>
    %mul3A_490 = arith.constant 6.400000e+01 : f32
    %mul3A_491 = vector.broadcast %mul3A_490 : f32 to vector<256x1xf32>
    %mul3A_492 = arith.mulf %mul3A_491, %slice3A_489 : vector<256x1xf32>
    %add3A_493 = arith.addf %slice3A_488, %mul3A_492 : vector<256x1xf32>
    %concatenate3A = tpu.concatenate %convert_element_type3A, %add3A_61, %add3A_85, %add3A_109, %add3A_133, %add3A_157, %add3A_181, %add3A_205, %add3A_229, %add3A_253, %add3A_277, %add3A_301, %add3A_325, %add3A_349, %add3A_373, %add3A_397, %add3A_421, %add3A_445, %add3A_469, %add3A_493 in 1 : vector<256x1xf32>, vector<256x1xf32>, vector<256x1xf32>, vector<256x1xf32>, vector<256x1xf32>, vector<256x1xf32>, vector<256x1xf32>, vector<256x1xf32>, vector<256x1xf32>, vector<256x1xf32>, vector<256x1xf32>, vector<256x1xf32>, vector<256x1xf32>, vector<256x1xf32>, vector<256x1xf32>, vector<256x1xf32>, vector<256x1xf32>, vector<256x1xf32>, vector<256x1xf32>, vector<256x1xf32> -> vector<256x20xf32>
    %convert_element_type3A_494 = arith.fptosi %concatenate3A : vector<256x20xf32> to vector<256x20xi32>
    %min3A = arith.constant 2047 : i32
    %min3A_495 = vector.broadcast %min3A : i32 to vector<256x20xi32>
    %min3A_496 = arith.minsi %convert_element_type3A_494, %min3A_495 : vector<256x20xi32>
    %mul3A_497 = arith.constant 2048 : i32
    %mul3A_498 = arith.muli %arg0, %mul3A_497 : i32
    %add3A_499 = vector.broadcast %mul3A_498 : i32 to vector<256x20xi32>
    %add3A_500 = arith.addi %min3A_496, %add3A_499 : vector<256x20xi32>
    %swap3A_501 = arith.constant 0 : index
    %swap3A_502 = arith.constant 0 : index
    %swap3A_503 = arith.constant 0 : index
    %swap3A_504 = vector.load %arg6[%swap3A_501, %swap3A_502, %swap3A_503] : memref<1x256x20xi32, #tpu.memory_space<vmem>>, vector<1x256x20xi32>
    %swap3A_505 = vector.shape_cast %swap3A_504 : vector<1x256x20xi32> to vector<256x20xi32>
    %swap3A_506 = vector.shape_cast %add3A_500 : vector<256x20xi32> to vector<1x256x20xi32>
    tpu.vector_store %arg6[%swap3A_501, %swap3A_502, %swap3A_503], %swap3A_506 {strides = array<i32>} : memref<1x256x20xi32, #tpu.memory_space<vmem>>, vector<1x256x20xi32>,
    return
  }
  func.func @transform_0(%arg0: i32, %arg1: i32) -> (i32, i32, i32) {
    %c0_i32 = arith.constant 0 : i32
    %c0_i32_0 = arith.constant 0 : i32
    return %arg0, %c0_i32, %arg1 : i32, i32, i32
  }
  func.func @transform_1(%arg0: i32, %arg1: i32) -> (i32, i32, i32) {
    %c0_i32 = arith.constant 0 : i32
    %c0_i32_0 = arith.constant 0 : i32
    %c0_i32_1 = arith.constant 0 : i32
    return %arg0, %c0_i32, %c0_i32_0 : i32, i32, i32
  }
  func.func @transform_2(%arg0: i32, %arg1: i32) -> (i32, i32) {
    %c0_i32 = arith.constant 0 : i32
    %c0_i32_0 = arith.constant 0 : i32
    %c0_i32_1 = arith.constant 0 : i32
    return %c0_i32, %c0_i32_0 : i32, i32
  }
  func.func @transform_3(%arg0: i32, %arg1: i32) -> (i32, i32) {
    %c0_i32 = arith.constant 0 : i32
    %c0_i32_0 = arith.constant 0 : i32
    %c0_i32_1 = arith.constant 0 : i32
    return %c0_i32, %c0_i32_0 : i32, i32
  }
  func.func @transform_4(%arg0: i32, %arg1: i32) -> (i32, i32, i32) {
    %c0_i32 = arith.constant 0 : i32
    %c0_i32_0 = arith.constant 0 : i32
    return %arg0, %arg1, %c0_i32 : i32, i32, i32
  }
  func.func @transform_5(%arg0: i32, %arg1: i32) -> (i32, i32, i32) {
    %c0_i32 = arith.constant 0 : i32
    %c0_i32_0 = arith.constant 0 : i32
    return %arg0, %arg1, %c0_i32 : i32, i32, i32
  }
  func.func @transform_6(%arg0: i32, %arg1: i32) -> (i32, i32, i32) {
    %c0_i32 = arith.constant 0 : i32
    %c0_i32_0 = arith.constant 0 : i32
    return %arg0, %arg1, %c0_i32 : i32, i32, i32
  }
}

module attributes {stable_mosaic.version = 14 : i64} {
  func.func @_phase_c_body(%arg0: i32, %arg1: i32, %arg2: memref<1x2048x64xf32, #tpu.memory_space<vmem>>, %arg3: memref<1x2048x64xf32, #tpu.memory_space<vmem>>, %arg4: memref<1x2048x64xf32, #tpu.memory_space<vmem>>, %arg5: memref<1x2048x64xf32, #tpu.memory_space<vmem>>, %arg6: memref<1x2048x64xf32, #tpu.memory_space<vmem>>, %arg7: memref<1x64xf32, #tpu.memory_space<vmem>>, %arg8: memref<1x64xf32, #tpu.memory_space<vmem>>, %arg9: memref<1x64x2048xf32, #tpu.memory_space<vmem>>, %arg10: memref<8x64xf32, #tpu.memory_space<vmem>>) attributes {dimension_semantics = [#tpu.dimension_semantics<arbitrary>, #tpu.dimension_semantics<arbitrary>], iteration_bounds = array<i64: 2, 8>, scalar_prefetch = 0 : i64, scratch_operands = 1 : i64, tpu.core_type = #tpu.core_type<tc>, window_params = [{transform_indices = @transform_0, window_bounds = array<i64: 1, 2048, 64>}, {transform_indices = @transform_1, window_bounds = array<i64: 1, 2048, 64>}, {transform_indices = @transform_2, window_bounds = array<i64: 1, 2048, 64>}, {transform_indices = @transform_3, window_bounds = array<i64: 1, 2048, 64>}, {transform_indices = @transform_4, window_bounds = array<i64: 1, 2048, 64>}, {pipeline_mode = #tpu.pipeline_mode<synchronous>, transform_indices = @transform_5, window_bounds = array<i64: 1, 64>}, {pipeline_mode = #tpu.pipeline_mode<synchronous>, transform_indices = @transform_6, window_bounds = array<i64: 1, 64>}, {transform_indices = @transform_7, window_bounds = array<i64: 1, 64, 2048>}]} {
    %eq3A = arith.constant 0 : i32
    %eq3A_0 = arith.cmpi eq, %arg0, %eq3A : i32
    %convert_element_type3A = arith.extui %eq3A_0 : i1 to i32
    %cond3A = arith.constant 0 : i32
    %cond3A_1 = arith.cmpi ne, %convert_element_type3A, %cond3A : i32
    scf.if %cond3A_1 {
      %eq3A_7 = arith.constant 0 : i32
      %eq3A_8 = arith.cmpi eq, %arg1, %eq3A_7 : i32
      %convert_element_type3A_9 = arith.extui %eq3A_8 : i1 to i32
      %cond3A_10 = arith.constant 0 : i32
      %cond3A_11 = arith.cmpi ne, %convert_element_type3A_9, %cond3A_10 : i32
      scf.if %cond3A_11 {
        %broadcast_in_dim3A_78 = arith.constant 0.000000e+00 : f32
        %broadcast_in_dim3A_79 = vector.broadcast %broadcast_in_dim3A_78 : f32 to vector<8x64xf32>
        %swap3A_80 = arith.constant 0 : index
        %swap3A_81 = arith.constant 0 : index
        %swap3A_82 = vector.load %arg10[%swap3A_80, %swap3A_81] : memref<8x64xf32, #tpu.memory_space<vmem>>, vector<8x64xf32>
        tpu.vector_store %arg10[%swap3A_80, %swap3A_81], %broadcast_in_dim3A_79 {strides = array<i32>} : memref<8x64xf32, #tpu.memory_space<vmem>>, vector<8x64xf32>,
      } else {
      }
      %get3A = arith.constant 0 : index
      %get3A_12 = arith.constant 0 : index
      %get3A_13 = arith.constant 0 : index
      %get3A_14 = vector.load %arg2[%get3A, %get3A_12, %get3A_13] : memref<1x2048x64xf32, #tpu.memory_space<vmem>>, vector<1x2048x64xf32>
      %get3A_15 = vector.shape_cast %get3A_14 : vector<1x2048x64xf32> to vector<2048x64xf32>
      %get3A_16 = arith.constant 0 : index
      %get3A_17 = arith.constant 0 : index
      %get3A_18 = arith.constant 0 : index
      %get3A_19 = vector.load %arg4[%get3A_16, %get3A_17, %get3A_18] : memref<1x2048x64xf32, #tpu.memory_space<vmem>>, vector<1x2048x64xf32>
      %get3A_20 = vector.shape_cast %get3A_19 : vector<1x2048x64xf32> to vector<2048x64xf32>
      %get3A_21 = arith.constant 0 : index
      %get3A_22 = arith.constant 0 : index
      %get3A_23 = vector.load %arg10[%get3A_21, %get3A_22] : memref<8x64xf32, #tpu.memory_space<vmem>>, vector<1x64xf32>
      %reduce_sum3A = arith.constant dense<0.000000e+00> : vector<64xf32>
      %reduce_sum3A_24 = vector.multi_reduction <add>, %get3A_15, %reduce_sum3A [0] : vector<2048x64xf32> to vector<64xf32>
      %broadcast_in_dim3A = vector.shape_cast %reduce_sum3A_24 : vector<64xf32> to vector<1x64xf32>
      %add3A = arith.addf %get3A_23, %broadcast_in_dim3A : vector<1x64xf32>
      %swap3A = arith.constant 0 : index
      %swap3A_25 = arith.constant 0 : index
      %swap3A_26 = vector.load %arg10[%swap3A, %swap3A_25] : memref<8x64xf32, #tpu.memory_space<vmem>>, vector<1x64xf32>
      tpu.vector_store %arg10[%swap3A, %swap3A_25], %add3A {strides = array<i32>} : memref<8x64xf32, #tpu.memory_space<vmem>>, vector<1x64xf32>,
      %get3A_27 = arith.constant 1 : index
      %get3A_28 = arith.constant 0 : index
      %get3A_29 = vector.load %arg10[%get3A_27, %get3A_28] : memref<8x64xf32, #tpu.memory_space<vmem>>, vector<1x64xf32>
      %get3A_30 = arith.constant 0 : index
      %get3A_31 = arith.constant 0 : index
      %get3A_32 = arith.constant 0 : index
      %get3A_33 = vector.load %arg3[%get3A_30, %get3A_31, %get3A_32] : memref<1x2048x64xf32, #tpu.memory_space<vmem>>, vector<1x2048x64xf32>
      %get3A_34 = vector.shape_cast %get3A_33 : vector<1x2048x64xf32> to vector<2048x64xf32>
      %reduce_sum3A_35 = arith.constant dense<0.000000e+00> : vector<64xf32>
      %reduce_sum3A_36 = vector.multi_reduction <add>, %get3A_34, %reduce_sum3A_35 [0] : vector<2048x64xf32> to vector<64xf32>
      %broadcast_in_dim3A_37 = vector.shape_cast %reduce_sum3A_36 : vector<64xf32> to vector<1x64xf32>
      %add3A_38 = arith.addf %get3A_29, %broadcast_in_dim3A_37 : vector<1x64xf32>
      %swap3A_39 = arith.constant 1 : index
      %swap3A_40 = arith.constant 0 : index
      %swap3A_41 = vector.load %arg10[%swap3A_39, %swap3A_40] : memref<8x64xf32, #tpu.memory_space<vmem>>, vector<1x64xf32>
      tpu.vector_store %arg10[%swap3A_39, %swap3A_40], %add3A_38 {strides = array<i32>} : memref<8x64xf32, #tpu.memory_space<vmem>>, vector<1x64xf32>,
      %get3A_42 = arith.constant 2 : index
      %get3A_43 = arith.constant 0 : index
      %get3A_44 = vector.load %arg10[%get3A_42, %get3A_43] : memref<8x64xf32, #tpu.memory_space<vmem>>, vector<1x64xf32>
      %reduce_sum3A_45 = arith.constant dense<0.000000e+00> : vector<64xf32>
      %reduce_sum3A_46 = vector.multi_reduction <add>, %get3A_20, %reduce_sum3A_45 [0] : vector<2048x64xf32> to vector<64xf32>
      %broadcast_in_dim3A_47 = vector.shape_cast %reduce_sum3A_46 : vector<64xf32> to vector<1x64xf32>
      %add3A_48 = arith.addf %get3A_44, %broadcast_in_dim3A_47 : vector<1x64xf32>
      %swap3A_49 = arith.constant 2 : index
      %swap3A_50 = arith.constant 0 : index
      %swap3A_51 = vector.load %arg10[%swap3A_49, %swap3A_50] : memref<8x64xf32, #tpu.memory_space<vmem>>, vector<1x64xf32>
      tpu.vector_store %arg10[%swap3A_49, %swap3A_50], %add3A_48 {strides = array<i32>} : memref<8x64xf32, #tpu.memory_space<vmem>>, vector<1x64xf32>,
      %get3A_52 = arith.constant 3 : index
      %get3A_53 = arith.constant 0 : index
      %get3A_54 = vector.load %arg10[%get3A_52, %get3A_53] : memref<8x64xf32, #tpu.memory_space<vmem>>, vector<1x64xf32>
      %mul3A = arith.mulf %get3A_20, %get3A_20 : vector<2048x64xf32>
      %reduce_sum3A_55 = arith.constant dense<0.000000e+00> : vector<64xf32>
      %reduce_sum3A_56 = vector.multi_reduction <add>, %mul3A, %reduce_sum3A_55 [0] : vector<2048x64xf32> to vector<64xf32>
      %broadcast_in_dim3A_57 = vector.shape_cast %reduce_sum3A_56 : vector<64xf32> to vector<1x64xf32>
      %add3A_58 = arith.addf %get3A_54, %broadcast_in_dim3A_57 : vector<1x64xf32>
      %swap3A_59 = arith.constant 3 : index
      %swap3A_60 = arith.constant 0 : index
      %swap3A_61 = vector.load %arg10[%swap3A_59, %swap3A_60] : memref<8x64xf32, #tpu.memory_space<vmem>>, vector<1x64xf32>
      tpu.vector_store %arg10[%swap3A_59, %swap3A_60], %add3A_58 {strides = array<i32>} : memref<8x64xf32, #tpu.memory_space<vmem>>, vector<1x64xf32>,
      %get3A_62 = arith.constant 4 : index
      %get3A_63 = arith.constant 0 : index
      %get3A_64 = vector.load %arg10[%get3A_62, %get3A_63] : memref<8x64xf32, #tpu.memory_space<vmem>>, vector<1x64xf32>
      %mul3A_65 = arith.mulf %get3A_20, %get3A_15 : vector<2048x64xf32>
      %reduce_sum3A_66 = arith.constant dense<0.000000e+00> : vector<64xf32>
      %reduce_sum3A_67 = vector.multi_reduction <add>, %mul3A_65, %reduce_sum3A_66 [0] : vector<2048x64xf32> to vector<64xf32>
      %broadcast_in_dim3A_68 = vector.shape_cast %reduce_sum3A_67 : vector<64xf32> to vector<1x64xf32>
      %add3A_69 = arith.addf %get3A_64, %broadcast_in_dim3A_68 : vector<1x64xf32>
      %swap3A_70 = arith.constant 4 : index
      %swap3A_71 = arith.constant 0 : index
      %swap3A_72 = vector.load %arg10[%swap3A_70, %swap3A_71] : memref<8x64xf32, #tpu.memory_space<vmem>>, vector<1x64xf32>
      tpu.vector_store %arg10[%swap3A_70, %swap3A_71], %add3A_69 {strides = array<i32>} : memref<8x64xf32, #tpu.memory_space<vmem>>, vector<1x64xf32>,
      %eq3A_73 = arith.constant 7 : i32
      %eq3A_74 = arith.cmpi eq, %arg1, %eq3A_73 : i32
      %convert_element_type3A_75 = arith.extui %eq3A_74 : i1 to i32
      %cond3A_76 = arith.constant 0 : i32
      %cond3A_77 = arith.cmpi ne, %convert_element_type3A_75, %cond3A_76 : i32
      scf.if %cond3A_77 {
        %get3A_78 = arith.constant 0 : index
        %get3A_79 = arith.constant 0 : index
        %get3A_80 = vector.load %arg10[%get3A_78, %get3A_79] : memref<8x64xf32, #tpu.memory_space<vmem>>, vector<1x64xf32>
        %get3A_81 = arith.constant 1 : index
        %get3A_82 = arith.constant 0 : index
        %get3A_83 = vector.load %arg10[%get3A_81, %get3A_82] : memref<8x64xf32, #tpu.memory_space<vmem>>, vector<1x64xf32>
        %get3A_84 = arith.constant 2 : index
        %get3A_85 = arith.constant 0 : index
        %get3A_86 = vector.load %arg10[%get3A_84, %get3A_85] : memref<8x64xf32, #tpu.memory_space<vmem>>, vector<1x64xf32>
        %get3A_87 = arith.constant 3 : index
        %get3A_88 = arith.constant 0 : index
        %get3A_89 = vector.load %arg10[%get3A_87, %get3A_88] : memref<8x64xf32, #tpu.memory_space<vmem>>, vector<1x64xf32>
        %get3A_90 = arith.constant 4 : index
        %get3A_91 = arith.constant 0 : index
        %get3A_92 = vector.load %arg10[%get3A_90, %get3A_91] : memref<8x64xf32, #tpu.memory_space<vmem>>, vector<1x64xf32>
        %mul3A_93 = arith.constant 2.000000e+01 : f32
        %mul3A_94 = vector.broadcast %mul3A_93 : f32 to vector<1x64xf32>
        %mul3A_95 = arith.mulf %mul3A_94, %get3A_86 : vector<1x64xf32>
        %add3A_96 = arith.addf %get3A_80, %mul3A_95 : vector<1x64xf32>
        %div3A = arith.constant 3.276800e+05 : f32
        %div3A_97 = vector.broadcast %div3A : f32 to vector<1x64xf32>
        %div3A_98 = arith.divf %add3A_96, %div3A_97 : vector<1x64xf32>
        %mul3A_99 = arith.constant 2.000000e+00 : f32
        %mul3A_100 = vector.broadcast %mul3A_99 : f32 to vector<1x64xf32>
        %mul3A_101 = arith.mulf %mul3A_100, %get3A_92 : vector<1x64xf32>
        %add3A_102 = arith.addf %get3A_83, %mul3A_101 : vector<1x64xf32>
        %mul3A_103 = arith.constant 2.000000e+01 : f32
        %mul3A_104 = vector.broadcast %mul3A_103 : f32 to vector<1x64xf32>
        %mul3A_105 = arith.mulf %mul3A_104, %get3A_89 : vector<1x64xf32>
        %add3A_106 = arith.addf %add3A_102, %mul3A_105 : vector<1x64xf32>
        %div3A_107 = arith.constant 3.276800e+05 : f32
        %div3A_108 = vector.broadcast %div3A_107 : f32 to vector<1x64xf32>
        %div3A_109 = arith.divf %add3A_106, %div3A_108 : vector<1x64xf32>
        %mul3A_110 = arith.mulf %div3A_98, %div3A_98 : vector<1x64xf32>
        %sub3A = arith.subf %div3A_109, %mul3A_110 : vector<1x64xf32>
        %get3A_111 = arith.constant 0 : index
        %get3A_112 = arith.constant 0 : index
        %get3A_113 = vector.load %arg7[%get3A_111, %get3A_112] : memref<1x64xf32, #tpu.memory_space<vmem>>, vector<1x64xf32>
        %add3A_114 = arith.constant 9.99999974E-6 : f32
        %add3A_115 = vector.broadcast %add3A_114 : f32 to vector<1x64xf32>
        %add3A_116 = arith.addf %sub3A, %add3A_115 : vector<1x64xf32>
        %rsqrt3A = math.rsqrt %add3A_116 : vector<1x64xf32>
        %mul3A_117 = arith.mulf %get3A_113, %rsqrt3A : vector<1x64xf32>
        %swap3A_118 = arith.constant 5 : index
        %swap3A_119 = arith.constant 0 : index
        %swap3A_120 = vector.load %arg10[%swap3A_118, %swap3A_119] : memref<8x64xf32, #tpu.memory_space<vmem>>, vector<1x64xf32>
        tpu.vector_store %arg10[%swap3A_118, %swap3A_119], %div3A_98 {strides = array<i32>} : memref<8x64xf32, #tpu.memory_space<vmem>>, vector<1x64xf32>,
        %swap3A_121 = arith.constant 6 : index
        %swap3A_122 = arith.constant 0 : index
        %swap3A_123 = vector.load %arg10[%swap3A_121, %swap3A_122] : memref<8x64xf32, #tpu.memory_space<vmem>>, vector<1x64xf32>
        tpu.vector_store %arg10[%swap3A_121, %swap3A_122], %mul3A_117 {strides = array<i32>} : memref<8x64xf32, #tpu.memory_space<vmem>>, vector<1x64xf32>,
      } else {
      }
    } else {
    }
    %eq3A_2 = arith.constant 1 : i32
    %eq3A_3 = arith.cmpi eq, %arg0, %eq3A_2 : i32
    %convert_element_type3A_4 = arith.extui %eq3A_3 : i1 to i32
    %cond3A_5 = arith.constant 0 : i32
    %cond3A_6 = arith.cmpi ne, %convert_element_type3A_4, %cond3A_5 : i32
    scf.if %cond3A_6 {
      %get3A = arith.constant 5 : index
      %get3A_7 = arith.constant 0 : index
      %get3A_8 = vector.load %arg10[%get3A, %get3A_7] : memref<8x64xf32, #tpu.memory_space<vmem>>, vector<1x64xf32>
      %get3A_9 = arith.constant 6 : index
      %get3A_10 = arith.constant 0 : index
      %get3A_11 = vector.load %arg10[%get3A_9, %get3A_10] : memref<8x64xf32, #tpu.memory_space<vmem>>, vector<1x64xf32>
      %ge3A = arith.constant 0.000000e+00 : f32
      %ge3A_12 = vector.broadcast %ge3A : f32 to vector<1x64xf32>
      %ge3A_13 = arith.cmpf oge, %get3A_11, %ge3A_12 : vector<1x64xf32>
      %get3A_14 = arith.constant 0 : index
      %get3A_15 = arith.constant 0 : index
      %get3A_16 = arith.constant 0 : index
      %get3A_17 = vector.load %arg5[%get3A_14, %get3A_15, %get3A_16] : memref<1x2048x64xf32, #tpu.memory_space<vmem>>, vector<1x2048x64xf32>
      %get3A_18 = vector.shape_cast %get3A_17 : vector<1x2048x64xf32> to vector<2048x64xf32>
      %get3A_19 = arith.constant 0 : index
      %get3A_20 = arith.constant 0 : index
      %get3A_21 = arith.constant 0 : index
      %get3A_22 = vector.load %arg6[%get3A_19, %get3A_20, %get3A_21] : memref<1x2048x64xf32, #tpu.memory_space<vmem>>, vector<1x2048x64xf32>
      %get3A_23 = vector.shape_cast %get3A_22 : vector<1x2048x64xf32> to vector<2048x64xf32>
      %broadcast_in_dim3A = vector.shape_cast %ge3A_13 : vector<1x64xi1> to vector<1x64xi1>
      %broadcast_in_dim3A_24 = vector.broadcast %broadcast_in_dim3A : vector<1x64xi1> to vector<2048x64xi1>
      %select_n3A = arith.select %broadcast_in_dim3A_24, %get3A_18, %get3A_23 : vector<2048x64xi1>, vector<2048x64xf32>
      %get3A_25 = arith.constant 0 : index
      %get3A_26 = arith.constant 0 : index
      %get3A_27 = arith.constant 0 : index
      %get3A_28 = vector.load %arg4[%get3A_25, %get3A_26, %get3A_27] : memref<1x2048x64xf32, #tpu.memory_space<vmem>>, vector<1x2048x64xf32>
      %get3A_29 = vector.shape_cast %get3A_28 : vector<1x2048x64xf32> to vector<2048x64xf32>
      %add3A = arith.addf %get3A_29, %select_n3A : vector<2048x64xf32>
      %sub3A = vector.broadcast %get3A_8 : vector<1x64xf32> to vector<2048x64xf32>
      %sub3A_30 = arith.subf %add3A, %sub3A : vector<2048x64xf32>
      %mul3A = vector.broadcast %get3A_11 : vector<1x64xf32> to vector<2048x64xf32>
      %mul3A_31 = arith.mulf %sub3A_30, %mul3A : vector<2048x64xf32>
      %get3A_32 = arith.constant 0 : index
      %get3A_33 = arith.constant 0 : index
      %get3A_34 = vector.load %arg8[%get3A_32, %get3A_33] : memref<1x64xf32, #tpu.memory_space<vmem>>, vector<1x64xf32>
      %add3A_35 = vector.broadcast %get3A_34 : vector<1x64xf32> to vector<2048x64xf32>
      %add3A_36 = arith.addf %mul3A_31, %add3A_35 : vector<2048x64xf32>
      %gt3A = arith.constant 0.000000e+00 : f32
      %gt3A_37 = vector.broadcast %gt3A : f32 to vector<2048x64xf32>
      %gt3A_38 = arith.cmpf ogt, %add3A_36, %gt3A_37 : vector<2048x64xf32>
      %mul3A_39 = arith.constant 2.000000e-01 : f32
      %mul3A_40 = vector.broadcast %mul3A_39 : f32 to vector<2048x64xf32>
      %mul3A_41 = arith.mulf %mul3A_40, %add3A_36 : vector<2048x64xf32>
      %select_n3A_42 = arith.select %gt3A_38, %add3A_36, %mul3A_41 : vector<2048x64xi1>, vector<2048x64xf32>
      %transpose3A = tpu.transpose %select_n3A_42, [1, 0] : vector<2048x64xf32> -> vector<64x2048xf32>
      %swap3A = arith.constant 0 : index
      %swap3A_43 = arith.constant 0 : index
      %swap3A_44 = arith.constant 0 : index
      %swap3A_45 = vector.load %arg9[%swap3A, %swap3A_43, %swap3A_44] : memref<1x64x2048xf32, #tpu.memory_space<vmem>>, vector<1x64x2048xf32>
      %swap3A_46 = vector.shape_cast %swap3A_45 : vector<1x64x2048xf32> to vector<64x2048xf32>
      %swap3A_47 = vector.shape_cast %transpose3A : vector<64x2048xf32> to vector<1x64x2048xf32>
      tpu.vector_store %arg9[%swap3A, %swap3A_43, %swap3A_44], %swap3A_47 {strides = array<i32>} : memref<1x64x2048xf32, #tpu.memory_space<vmem>>, vector<1x64x2048xf32>,
    } else {
    }
    return
  }
  func.func @transform_0(%arg0: i32, %arg1: i32) -> (i32, i32, i32) {
    %c0_i32 = arith.constant 0 : i32
    %c0_i32_0 = arith.constant 0 : i32
    %c0_i32_1 = arith.constant 0 : i32
    return %arg1, %c0_i32, %c0_i32_0 : i32, i32, i32
  }
  func.func @transform_1(%arg0: i32, %arg1: i32) -> (i32, i32, i32) {
    %c0_i32 = arith.constant 0 : i32
    %c0_i32_0 = arith.constant 0 : i32
    %c0_i32_1 = arith.constant 0 : i32
    return %arg1, %c0_i32, %c0_i32_0 : i32, i32, i32
  }
  func.func @transform_2(%arg0: i32, %arg1: i32) -> (i32, i32, i32) {
    %c0_i32 = arith.constant 0 : i32
    %c0_i32_0 = arith.constant 0 : i32
    %c0_i32_1 = arith.constant 0 : i32
    return %arg1, %c0_i32, %c0_i32_0 : i32, i32, i32
  }
  func.func @transform_3(%arg0: i32, %arg1: i32) -> (i32, i32, i32) {
    %c0_i32 = arith.constant 0 : i32
    %c0_i32_0 = arith.constant 0 : i32
    %c0_i32_1 = arith.constant 0 : i32
    return %arg1, %c0_i32, %c0_i32_0 : i32, i32, i32
  }
  func.func @transform_4(%arg0: i32, %arg1: i32) -> (i32, i32, i32) {
    %c0_i32 = arith.constant 0 : i32
    %c0_i32_0 = arith.constant 0 : i32
    %c0_i32_1 = arith.constant 0 : i32
    return %arg1, %c0_i32, %c0_i32_0 : i32, i32, i32
  }
  func.func @transform_5(%arg0: i32, %arg1: i32) -> (i32, i32) {
    %c0_i32 = arith.constant 0 : i32
    %c0_i32_0 = arith.constant 0 : i32
    %c0_i32_1 = arith.constant 0 : i32
    return %c0_i32, %c0_i32_0 : i32, i32
  }
  func.func @transform_6(%arg0: i32, %arg1: i32) -> (i32, i32) {
    %c0_i32 = arith.constant 0 : i32
    %c0_i32_0 = arith.constant 0 : i32
    %c0_i32_1 = arith.constant 0 : i32
    return %c0_i32, %c0_i32_0 : i32, i32
  }
  func.func @transform_7(%arg0: i32, %arg1: i32) -> (i32, i32, i32) {
    %c0_i32 = arith.constant 0 : i32
    %c0_i32_0 = arith.constant 0 : i32
    %c0_i32_1 = arith.constant 0 : i32
    return %arg1, %c0_i32, %c0_i32_0 : i32, i32, i32
  }
}

</mosaic_0001>

<sc_bundles>
// kernel: kernel.5.cloned.1.call-start
scs
__scs_entry_jumppad:
0x0: {  	(pc) =	sbr.rel $0x88, $3  }
0x1: {  	(tag) =	ssettag $0x0;
	lr =	simm.s32 $0x1  }
0x2: {  	[smem:$0x3F9D] =	sst lr;
	_ =	strace $0xD0000000  }
0x3: {  	_ = 	snop  }
0x4: {  	_ = 	snop  }
0x5: {  	_ = 	snop  }
0x6: {  	_ = 	snop  }
0x7: {  	_ = 	snop  }
__scs_overlays_trampoline_lowered:
0x8: {  	[smem:$0x3FAC] =	sst s0  }
0x9: {  	[smem:$0x3FAD] =	sst s1  }
0xa: {  	[smem:$0x3FAE] =	sst s2  }
0xb: {  	[smem:$0x3FAF] =	sst s3  }
0xc: {  	[smem:$0x3FB0] =	sst s4  }
0xd: {  	[smem:$0x3FB1] =	sst s5  }
0xe: {  	[smem:$0x3FB2] =	sst s6  }
0xf: {  	[smem:$0x3FB3] =	sst s7  }
0x10: {  	[smem:$0x3FB4] =	sst s8  }
0x11: {  	[smem:$0x3FB5] =	sst s9;
	s0 =	simm.s32 @!p0 $0x0  }
0x12: {  	s1 =	sld [smem:$0x3F9B];
	s0 =	simm.s32 @p0 $0x1  }
0x13: {  	[smem:$0x3FB6] =	sst s0;
	s0 =	simm.s32 @!p1 $0x0  }
0x14: {  	s2 =	sld [smem:$0x3F9A];
	s0 =	simm.s32 @p1 $0x1  }
0x15: {  	[smem:$0x3FB7] =	sst s0;
	s0 =	simm.s32 @!p2 $0x0  }
0x16: {  	s3 =	sld [smem:$0x3FDB];
	s0 =	simm.s32 @p2 $0x1  }
0x17: {  	s4 =	simm.s32 $0x1BF5;
	[smem:$0x3FB9] =	sst s0  }
0x18: {  	s0 =	sld [smem:$0x3F9C];
	_ =	swait.ge [sflag:s4], $0x0  }
0x19: {  	s7 =	sld [smem:$0x3F9D]  }
0x1a: {  	s8 =	sadd.s32 $0xFFFFE003, lr  }
0x1b: {  	s9 =	sadd.s32 $0xFFFFFEF7, lr;
	s5 =	simm.s32 $0xFFFFFFFF;
	p2 =	slt.u32 s8, $0xFFFFF086  }
0x1c: {  	p1 =	slt.u32 s9, $0xF7A;
	s5 =	simm.s32 @!p2 $0x0  }
0x1d: {  	s5 =	simm.s32 @p1 $0x1;
	p0 =	seq.s32 s7, s2  }
0x1e: {  	s7 =	smul.u32 @!p0 $0xF7A, s2;
	p2 =	seq.s32 @!p0 s5, $0x0  }
0x1f: {  	s9 =	smul.u32 $0xF7A, s1;
	s8 =	simm.s32 @!p0 $0x1BF5;
	p2 =	por !p2, p0  }
0x20: {  	[sflag:s8] =	ssyncset.s32 @!p0 $0xFFFFF086;
	s6 =	sadd.s32 @!p0 s3, s7;
	s7 =	simm.s32 @!p0 $0x108  }
0x21: {  	s3 =	sadd.s32 s3, s9;
	s6 =	sadd.s32 @!p0 $0x88, s6;
	s7 =	simm.s32 @p2 $0x1082  }
0x22: {  	[simem:s7], [sflag:s8] =	dma.local @!p0 [hbm:s6], $0xF7A  }
0x23: {  	s9 =	sor.u32 $0xD0000000, s2;
	s6 =	simm.s32 $0x108;
	_ =	swait.ge @!p0 [sflag:s8], $0x0  }
0x24: {  	s3 =	sadd.s32 $0x88, s3;
	s6 =	simm.s32 @!p1 $0x1082;
	[sflag:s4] =	ssyncset.s32 $0xFFFFF086  }
0x25: {  	[simem:s6], [sflag:s4] =	dma.local [hbm:s3], $0xF7A  }
0x26: {  	[smem:$0x3F9D] =	sst s1;
	(tag) =	ssettag s2;
	_ =	strace s9  }
0x27: {  	s1 =	sld [smem:$0x3FAD]  }
0x28: {  	s2 =	sld [smem:$0x3FAE]  }
0x29: {  	s4 =	sld [smem:$0x3FB0]  }
0x2a: {  	p0 =	seq.s32 s5, $0x0;
	s5 =	sld [smem:$0x3FB1]  }
0x2b: {  	s6 =	sld [smem:$0x3FB2]  }
0x2c: {  	s7 =	sld [smem:$0x3FB3]  }
0x2d: {  	s3 =	simm.s32 $0x108;
	s8 =	sld [smem:$0x3FB4]  }
0x2e: {  	s3 =	simm.s32 @!p0 $0x1082;
	s9 =	sld [smem:$0x3FB5]  }
0x2f: {  	lr =	sadd.s32 s0, s3;
	s0 =	sld [smem:$0x3FAC]  }
0x30: {  	s3 =	sld [smem:$0x3FAF]  }
0x31: {  	[smem:$0x3FB8] =	sst s10  }
0x32: {  	s10 =	sld [smem:$0x3FB6];
	_ =	sdelay $0x3  }
0x33: {  	p0 =	seq.s32 s10, $0x1;
	s10 =	sld [smem:$0x3FB8];
	_ =	sdelay $0x3  }
0x34: {  	[smem:$0x3FB8] =	sst s10  }
0x35: {  	s10 =	sld [smem:$0x3FB7];
	_ =	sdelay $0x3  }
0x36: {  	p1 =	seq.s32 s10, $0x1;
	s10 =	sld [smem:$0x3FB8];
	_ =	sdelay $0x3  }
0x37: {  	[smem:$0x3FB8] =	sst s10  }
0x38: {  	s10 =	sld [smem:$0x3FB9]  }
0x39: {  	_ = 	snop;
	(pc) =	sbr.ind lr, $3  }
0x3a: {  	_ = 	snop  }
0x3b: {  	_ = 	snop  }
0x3c: {  	p2 =	seq.s32 s10, $0x1;
	s10 =	sld [smem:$0x3FB8]  }
0x3d: {  	_ =	shalt  }
0x3e: {  	_ =	shalt  }
0x3f: {  	_ =	shalt  }
0x40: {  	_ =	shalt  }
0x41: {  	_ =	shalt  }
0x42: {  	_ =	shalt  }
0x43: {  	_ =	shalt  }
0x44: {  	_ =	shalt  }
0x45: {  	_ =	shalt  }
0x46: {  	_ =	shalt  }
0x47: {  	_ =	shalt  }
0x48: {  	_ =	shalt  }
0x49: {  	_ =	shalt  }
0x4a: {  	_ =	shalt  }
0x4b: {  	_ =	shalt  }
0x4c: {  	_ =	shalt  }
0x4d: {  	_ =	shalt  }
0x4e: {  	_ =	shalt  }
0x4f: {  	_ =	shalt  }
0x50: {  	_ =	shalt  }
0x51: {  	_ =	shalt  }
0x52: {  	_ =	shalt  }
0x53: {  	_ =	shalt  }
0x54: {  	_ =	shalt  }
0x55: {  	_ =	shalt  }
0x56: {  	_ =	shalt  }
0x57: {  	_ =	shalt  }
0x58: {  	_ =	shalt  }
0x59: {  	_ =	shalt  }
0x5a: {  	_ =	shalt  }
0x5b: {  	_ =	shalt  }
0x5c: {  	_ =	shalt  }
0x5d: {  	_ =	shalt  }
0x5e: {  	_ =	shalt  }
0x5f: {  	_ =	shalt  }
0x60: {  	_ =	shalt  }
0x61: {  	_ =	shalt  }
0x62: {  	_ =	shalt  }
0x63: {  	_ =	shalt  }
0x64: {  	_ =	shalt  }
0x65: {  	_ =	shalt  }
0x66: {  	_ =	shalt  }
0x67: {  	_ =	shalt  }
0x68: {  	_ =	shalt  }
0x69: {  	_ =	shalt  }
0x6a: {  	_ =	shalt  }
0x6b: {  	_ =	shalt  }
0x6c: {  	_ =	shalt  }
0x6d: {  	_ =	shalt  }
0x6e: {  	_ =	shalt  }
0x6f: {  	_ =	shalt  }
0x70: {  	_ =	shalt  }
0x71: {  	_ =	shalt  }
0x72: {  	_ =	shalt  }
0x73: {  	_ =	shalt  }
0x74: {  	_ =	shalt  }
0x75: {  	_ =	shalt  }
0x76: {  	_ =	shalt  }
0x77: {  	_ =	shalt  }
0x78: {  	_ =	shalt  }
0x79: {  	_ =	shalt  }
0x7a: {  	_ =	shalt  }
0x7b: {  	_ =	shalt  }
0x7c: {  	_ =	shalt  }
0x7d: {  	_ =	shalt  }
0x7e: {  	_ =	shalt  }
0x7f: {  	_ =	shalt  }
0x80: {  	_ =	shalt  }
0x81: {  	_ =	shalt  }
0x82: {  	_ =	shalt  }
0x83: {  	_ =	shalt  }
0x84: {  	_ =	shalt  }
0x85: {  	_ =	shalt  }
0x86: {  	_ =	shalt  }
0x87: {  	_ =	shalt  }
.Lfunc_end0:
.L_simem_size_0:
called_computation_lowered:
.L_overlay_start_0:
0x88: {  	s2 =	sld [smem:$0x3FD9]  }
0x89: {  	s3 =	sld [smem:$0x3FFE];
	_ =	sdelay $0x1  }
0x8a: {  	s1 =	srdreg.scid  }
0x8b: {  	s0 =	sand.u32 $0x1, s1  }
0x8c: {  	s17 =	sshll.u32 s0, $0xA;
	s2 =	sadd.s32 s3, s2  }
0x8d: {  	s2 =	sadd.s32 s2, s17  }
0x8e: {  	[smem:$0x3FC4] =	sst s2  }
0x8f: {  	_ = 	snop  }
0x90: {  	s2 =	sld [smem:$0x3FD0];
	(tm) =	ssettm $0x1  }
0x91: {  	s18 =	sld [smem:$0x3FFB];
	_ =	sdelay $0x3  }
0x92: {  	_ =	strace s18  }
0x93: {  	s3 =	sld [smem:$0x3FFC];
	_ =	sdelay $0x3  }
0x94: {  	_ =	strace s3  }
0x95: {  	s3 =	sld [smem:$0x3FFD];
	_ =	sdelay $0x3  }
0x96: {  	_ =	strace s3  }
0x97: {  	_ =	strace $0x8FFFFFFF  }
0x98: {  	s19 =	sld [smem:$0x3FDB];
	_ =	sdelay $0x1  }
0x99: {  	s4 =	simm.s32 $_scs_section_size  }
0x9a: {  	s5 =	simm.s32 $_size__tile_overlayer_lowered;
	s6 =	simm.s32 $_tile_overlayer_lowered  }
0x9b: {  	s22 =	simm.s32 $0x1BFF;
	s21 =	sshll.u32 s6, $0x1;
	s3 =	sadd.s32 s4, s19  }
0x9c: {  	s7 =	simm.s32 $0x0;
	s20 =	sshll.u32 s5, $0x1;
	s5 =	sadd.s32 s21, s3  }
0x9d: {  	[timem:s7], [sflag:s22] =	dma.local [hbm:s5], s20  }
0x9e: {  	_ =	swait.ge [sflag:s22], s20  }
0x9f: {  	s4 =	ssub.s32 $0x0, s20;
	[sflag:s22] =	ssyncset.done $0x0  }
0xa0: {  	[sflag:s22] =	ssyncadd.s32 s4;
	_ =	sdelay $0x1  }
0xa1: {  	s23 =	simm.s32 $0x1B8B  }
0xa2: {  	_ =	swait.ge [sflag:s23], $0x1  }
0xa3: {  	[sflag:s23] =	ssyncset.done $0x0  }
0xa4: {  	s25 =	simm.s32 $0x1B8E;
	s24 =	sld [smem:$0x3FFE];
	[sflag:s23] =	ssyncadd.s32 $0xFFFFFFFF  }
0xa5: {  	s26 =	simm.s32 $execute0_lowered;
	[smem:$0x3FD2] =	sst s25  }
0xa6: {  	s5 =	sshll.u32 s26, $0x1;
	_ =	strace $0x80000046;
	[dreg:$0x1] =	wrdreg $0xFFFFFFFF  }
0xa7: {  	s28 =	simm.s32 $_size_execute0_lowered;
	s3 =	sadd.s32 s3, s5;
	[dreg:$0x0] =	wrdreg $0x0  }
0xa8: {  	s5 =	sshll.u32 s28, $0x1;
	[dreg:$0x2] =	wrdreg s3  }
0xa9: {  	[dreg:$0x3] =	wrdreg s5  }
0xaa: {  	[dreg:$0x4] =	wrdreg $0xC0  }
0xab: {  	_ =	task [dreg:s7], $0x5FFFF  }
0xac: {  	[dreg:$0x1] =	wrdreg $0xFFFFFFFF  }
0xad: {  	[dreg:$0x0] =	wrdreg $0x60  }
0xae: {  	[dreg:$0x2] =	wrdreg s2  }
0xaf: {  	[dreg:$0x3] =	wrdreg s24  }
0xb0: {  	[dreg:$0x4] =	wrdreg $0x9  }
0xb1: {  	_ =	task.clear_ibuf [dreg:s7], $0x5FFFF;
	_ =	strace $0x90000046  }
0xb2: {  	s29 =	simm.s32 $0x9;
	_ =	strace $0x80000048  }
0xb3: {  	_ =	swait.ge [sflag:s29], $0x1  }
0xb4: {  	[sflag:s29] =	ssyncadd.s32 $0xFFFFFFFF  }
0xb5: {  	_ =	strace $0x90000048  }
0xb6: {  	_ =	sfence  }
0xb7: {  	s30 =	sld [smem:$0x0];
	_ =	sdelay $0x2  }
0xb8: {  	s31 =	sshll.u32 s1, $0xD;
	s1 =	sshrl.u32 s1, $0x2  }
0xb9: {  	s3 =	sand.u32 $0x4000, s31;
	s1 =	sadd.s32 s1, s30  }
0xba: {  	s0 =	sor.u32 s3, s0;
	s1 =	sshll.u32 s1, $0x11  }
0xbb: {  	s0 =	sor.u32 s1, s0  }
0xbc: {  	s0 =	sadd.s32 $0x8F2B, s0  }
0xbd: {  	[sflag:s0] =	ssyncadd.remote.s32 $0x1  }
0xbe: {  	_ =	sfence.sel $0xFFFF  }
0xbf: {  	[dreg:$0x0] =	wrdreg $0xFFFFFFFF;
	(pc) =	sbr.abs _section_cstart, $3  }
0xc0: {  	[dreg:$0x1] =	wrdreg $0xFFFFFFFF  }
0xc1: {  	_ =	task.clear_ibuf [dreg:s7], $0x2FFFF;
	_ =	strace $0x9FFFFFFF  }
0xc2: {  	(tm) =	ssettm $0x7FFFFFFF  }
0xc3: {  	_ =	shalt  }
tec
execute0_lowered:
.L_overlay_start_1:
0x0: {  	(tag) =	ssettag $0x1  }
0x1: {  	s2 =	rddreg [dreg:$0x0];
	s0 =	srdreg.scid  }
0x2: {  	s3 =	stileid.u32;
	s1 =	rddreg [dreg:$0x1]  }
0x3: {  	s11 =	simm.s32 $0x3;
	s12 =	simm.s32 $0x80;
	s22 =	simm.s32 $0xE800  }
0x4: {  	s23 =	simm.s32 $0x10800;
	s24 =	simm.s32 $0x12800;
	s25 =	simm.s32 $0x14800  }
0x5: {  	s28 =	simm.s32 $0x16800;
	s29 =	simm.s32 $0x17000;
	s30 =	simm.s32 $0x17800  }
0x6: {  	s31 =	simm.s32 $0x18000;
	s0 =	sand.u32 $0x1, s0;
	s4 =	sshll.u32 s3, $0x1  }
0x7: {  	s3 =	simm.s32 $0x0;
	s5 =	sadd.s32 $0x4AE00, s1;
	s6 =	sadd.s32 $0x8AE00, s1  }
0x8: {  	s7 =	sadd.s32 $0xAAE00, s1;
	s8 =	sor.u32 s0, s4;
	s0 =	ssub.s32 $0x2, s0  }
0x9: {  	[smem:$0x7FF] =	sst s3;
	s4 =	smul.u32 $0x500, s8;
	s10 =	sshrl.u32 s0, $0x1  }
0xa: {  	_ =	strace $0x80000047;
	s8 =	sshll.u32 s8, $0xC;
	s0 =	ssub.s32 s0, s10  }
0xb: {  	s9 =	sadd.s32 s4, s1;
	s4 =	sadd.s32 $0x6AE00, s1;
	s0 =	smax.u32 s0, $0x1  }
0xc: {  	s1 =	simm.s32 $0x2;
	s26 =	sadd.s32 $0x40E00, s9;
	[dreg:$0x4] =	wrdreg s0  }
0xd: {  	s9 =	simm.s32 $0x0;
	[dreg:$0x3] =	wrdreg s26;
	s26 =	simm.s32 $0x1  }
.LBB2_1:
0xe: {  	[dreg:$0x5] =	wrdreg s9  }
0xf: {  	s0 =	rddreg [dreg:$0x3]  }
0x10: {  	[tilespmem:s3], [sflag:$0x3] =	stream.linear.gather [hbm4b:s0+s3], $0x2800, $0x38;
	[tilespmem:$0x18800] =	vst v63  }
0x11: {  	_ =	swait.ge [sflag:s11], $0x2800  }
0x12: {  	[sflag:s11] =	ssyncset.done $0x0  }
0x13: {  	s14 =	simm.s32 $0x2800;
	[sflag:s11] =	ssyncadd.s32 $0xFFFFD800  }
0x14: {  	[tilespmem:s14], [sflag:$0x1] =	stream.indirect.gather [hbm4b:s2+s12], $0x40, s3, s12, $0xb8;
	[tilespmem:$0x18800] =	vst v63  }
0x15: {  	s15 =	simm.s32 $0x4800  }
0x16: {  	[tilespmem:s15], [sflag:$0x1] =	stream.indirect.gather [hbm4b:s2+s12], $0x40, s12, s12, $0xb8;
	[tilespmem:$0x18800] =	vst v63  }
0x17: {  	s16 =	simm.s32 $0x100;
	s17 =	simm.s32 $0x6800  }
0x18: {  	[tilespmem:s17], [sflag:$0x1] =	stream.indirect.gather [hbm4b:s2+s12], $0x40, s16, s12, $0xb8;
	[tilespmem:$0x18800] =	vst v63  }
0x19: {  	s18 =	simm.s32 $0x180;
	s19 =	simm.s32 $0x8800  }
0x1a: {  	[tilespmem:s19], [sflag:$0x1] =	stream.indirect.gather [hbm4b:s2+s12], $0x40, s18, s12, $0xb8;
	[tilespmem:$0x18800] =	vst v63  }
0x1b: {  	s20 =	simm.s32 $0x200;
	s21 =	simm.s32 $0xA800;
	s13 =	simm.s32 $0x0  }
0x1c: {  	[tilespmem:s21], [sflag:$0x1] =	stream.indirect.gather [hbm4b:s2+s12], $0x40, s20, s12, $0xb8;
	[tilespmem:$0x18800] =	vst v63  }
.LBB2_2:
0x1d: {  	s14 =	sshllo.u32 s13, $0x1  }
0x1e: {  	s0 =	smul.u32 $0xA00, s14;
	_ =	sdelay $0x1  }
0x1f: {  	s9 =	simm.s32 $0xC800;
	s0 =	sshra.s32 s0, $0x2  }
0x20: {  	[tilespmem:s9], [sflag:$0x2] =	stream.indirect.gather [hbm4b:s2+s12], $0x40, s0, s12, $0xb8;
	[tilespmem:$0x18800] =	vst v63  }
0x21: {  	s19 =	sadd.s32 $0x80, s0  }
0x22: {  	[tilespmem:s22], [sflag:$0x2] =	stream.indirect.gather [hbm4b:s2+s12], $0x40, s19, s12, $0xb8;
	[tilespmem:$0x18800] =	vst v63  }
0x23: {  	s20 =	sadd.s32 $0x100, s0  }
0x24: {  	[tilespmem:s23], [sflag:$0x2] =	stream.indirect.gather [hbm4b:s2+s12], $0x40, s20, s12, $0xb8;
	[tilespmem:$0x18800] =	vst v63  }
0x25: {  	s21 =	sadd.s32 $0x180, s0  }
0x26: {  	[tilespmem:s24], [sflag:$0x2] =	stream.indirect.gather [hbm4b:s2+s12], $0x40, s21, s12, $0xb8;
	[tilespmem:$0x18800] =	vst v63  }
0x27: {  	s0 =	sadd.s32 $0x200, s0  }
0x28: {  	[tilespmem:s25], [sflag:$0x2] =	stream.indirect.gather [hbm4b:s2+s12], $0x40, s0, s12, $0xb8;
	[tilespmem:$0x18800] =	vst v63  }
0x29: {  	_ =	swait.ge [sflag:s26], $0x2000  }
0x2a: {  	[sflag:s26] =	ssyncset.done $0x0  }
0x2b: {  	[sflag:s26] =	ssyncadd.s32 $0xFFFFE000  }
0x2c: {  	_ =	swait.ge [sflag:s26], $0x2000  }
0x2d: {  	[sflag:s26] =	ssyncset.done $0x0  }
0x2e: {  	[sflag:s26] =	ssyncadd.s32 $0xFFFFE000  }
0x2f: {  	_ =	swait.ge [sflag:s26], $0x2000  }
0x30: {  	[sflag:s26] =	ssyncset.done $0x0  }
0x31: {  	[sflag:s26] =	ssyncadd.s32 $0xFFFFE000  }
0x32: {  	_ =	swait.ge [sflag:s26], $0x2000  }
0x33: {  	[sflag:s26] =	ssyncset.done $0x0  }
0x34: {  	[sflag:s26] =	ssyncadd.s32 $0xFFFFE000  }
0x35: {  	_ =	swait.ge [sflag:s26], $0x2000  }
0x36: {  	[sflag:s26] =	ssyncset.done $0x0  }
0x37: {  	s15 =	simm.s32 $0x2A80;
	[sflag:s26] =	ssyncadd.s32 $0xFFFFE000  }
0x38: {  	v0 =	vld [tilespmem:s15+$0xFFFFFD80]  }
0x39: {  	v1 =	vld [tilespmem:s15+$0xFFFFFDC0];
	_ =	sdelay $0x1  }
0x3a: {  	v2 =	vld [tilespmem:s15+$0xFFFFFE00];
	_ =	sdelay $0x1  }
0x3b: {  	v3 =	vld [tilespmem:s15+$0xFFFFFE40]  }
0x3c: {  	v4 =	vmul.f32 v0, v0;
	v5 =	vadd.f32 v1, v0;
	v6 =	vmul.f32 v1, v1  }
0x3d: {  	v8 =	vld [tilespmem:s15+$0xFFFFFE80]  }
0x3e: {  	v27 =	vmul.f32 v2, v2;
	v4 =	vadd.f32 v6, v4;
	v5 =	vadd.f32 v2, v5  }
0x3f: {  	v28 =	vld [tilespmem:s15+$0xFFFFFEC0];
	v7 =	vmin.f32 v0, v1;
	v0 =	vmax.f32 v0, v1  }
0x40: {  	v29 =	vmul.f32 v3, v3;
	v4 =	vadd.f32 v27, v4;
	v5 =	vadd.f32 v3, v5  }
0x41: {  	v1 =	vmin.f32 v7, v2;
	v0 =	vmax.f32 v0, v2;
	v2 =	vld [tilespmem:s15+$0xFFFFFF00]  }
0x42: {  	v30 =	vmul.f32 v8, v8;
	v4 =	vadd.f32 v29, v4;
	v5 =	vadd.f32 v8, v5  }
0x43: {  	v1 =	vmin.f32 v1, v3;
	v0 =	vmax.f32 v0, v3;
	v3 =	vld [tilespmem:s15+$0xFFFFFF40]  }
0x44: {  	v32 =	vld [tilespmem:s15+$0xFFFFFF80];
	v31 =	vmul.f32 v28, v28;
	v4 =	vadd.f32 v30, v4;
	v5 =	vadd.f32 v28, v5  }
0x45: {  	v1 =	vmin.f32 v1, v8  }
0x46: {  	v33 =	vmul.f32 v2, v2;
	v4 =	vadd.f32 v31, v4;
	v5 =	vadd.f32 v2, v5  }
0x47: {  	v9 =	vld [tilespmem:s15+$0xFFFFFFC0];
	v0 =	vmax.f32 v0, v8;
	v1 =	vmin.f32 v1, v28  }
0x48: {  	v35 =	vmul.f32 v3, v3;
	v4 =	vadd.f32 v33, v4;
	v5 =	vadd.f32 v3, v5  }
0x49: {  	v34 =	vld [tilespmem:s15+$0x0];
	v10 =	vmul.f32 v32, v32;
	v0 =	vmax.f32 v0, v28;
	v1 =	vmin.f32 v1, v2  }
0x4a: {  	v0 =	vmax.f32 v0, v2;
	v4 =	vadd.f32 v35, v4;
	v5 =	vadd.f32 v32, v5  }
0x4b: {  	v1 =	vmin.f32 v1, v3;
	v0 =	vmax.f32 v0, v3;
	v2 =	vld [tilespmem:s15+$0x40]  }
0x4c: {  	v36 =	vld [tilespmem:s15+$0x80];
	v3 =	vmul.f32 v9, v9;
	v4 =	vadd.f32 v10, v4;
	v5 =	vadd.f32 v9, v5;
	_ =	sdelay $0x1  }
0x4d: {  	v37 =	vld [tilespmem:s15+$0xC0];
	v38 =	vmul.f32 v34, v34;
	v3 =	vadd.f32 v3, v4;
	v4 =	vadd.f32 v34, v5  }
0x4e: {  	v1 =	vmin.f32 v1, v32;
	v0 =	vmax.f32 v0, v32  }
0x4f: {  	v39 =	vmul.f32 v2, v2;
	v3 =	vadd.f32 v38, v3;
	v4 =	vadd.f32 v2, v4  }
0x50: {  	v41 =	vmul.f32 v36, v36;
	v1 =	vmin.f32 v1, v9;
	v0 =	vmax.f32 v0, v9;
	v5 =	vld [tilespmem:s15+$0x100]  }
0x51: {  	v40 =	vld [tilespmem:s15+$0x140];
	v1 =	vmin.f32 v1, v34;
	v3 =	vadd.f32 v39, v3;
	v4 =	vadd.f32 v36, v4  }
0x52: {  	v42 =	vmul.f32 v37, v37;
	v0 =	vmax.f32 v0, v34;
	v1 =	vmin.f32 v1, v2  }
0x53: {  	v0 =	vmax.f32 v0, v2;
	v3 =	vadd.f32 v41, v3;
	v4 =	vadd.f32 v37, v4  }
0x54: {  	v1 =	vmin.f32 v1, v36;
	v0 =	vmax.f32 v0, v36;
	v2 =	vld [tilespmem:s15+$0x180]  }
0x55: {  	v43 =	vld [tilespmem:s15+$0x1C0];
	v44 =	vmul.f32 v5, v5;
	v3 =	vadd.f32 v42, v3;
	v4 =	vadd.f32 v5, v4  }
0x56: {  	v46 =	vmul.f32 v40, v40;
	v1 =	vmin.f32 v1, v37;
	v0 =	vmax.f32 v0, v37  }
0x57: {  	v1 =	vmin.f32 v1, v5;
	v3 =	vadd.f32 v44, v3;
	v4 =	vadd.f32 v40, v4  }
0x58: {  	v45 =	vld [tilespmem:s15+$0x200];
	v0 =	vmax.f32 v0, v5;
	v1 =	vmin.f32 v1, v40  }
0x59: {  	v47 =	vmul.f32 v2, v2;
	v3 =	vadd.f32 v46, v3;
	v4 =	vadd.f32 v2, v4  }
0x5a: {  	v48 =	vmul.f32 v43, v43;
	v0 =	vmax.f32 v0, v40;
	v1 =	vmin.f32 v1, v2;
	v5 =	vld [tilespmem:s15+$0x240]  }
0x5b: {  	v0 =	vmax.f32 v0, v2;
	v3 =	vadd.f32 v47, v3;
	v4 =	vadd.f32 v43, v4  }
0x5c: {  	v1 =	vmin.f32 v1, v43;
	v0 =	vmax.f32 v0, v43  }
0x5d: {  	v2 =	vadd.f32 v48, v3;
	v3 =	vadd.f32 v45, v4;
	v4 =	vmul.f32 v45, v45  }
0x5e: {  	v1 =	vmin.f32 v1, v45;
	v0 =	vmax.f32 v0, v45  }
0x5f: {  	s16 =	simm.s32 $0x0;
	v1 =	vmin.f32 v1, v5;
	v2 =	vadd.f32 v4, v2;
	v4 =	vmul.f32 v5, v5  }
0x60: {  	v0 =	vmax.f32 v0, v5;
	[tilespmem:s16+$0x18000] =	vst v1;
	v3 =	vadd.f32 v5, v3  }
0x61: {  	[tilespmem:s16+$0x17800] =	vst v0;
	v1 =	vadd.f32 v4, v2  }
0x62: {  	[tilespmem:s16+$0x16800] =	vst v3  }
0x63: {  	[tilespmem:s16+$0x17000] =	vst v1  }
0x64: {  	v0 =	vld [tilespmem:s15+$0xFFFFFD90]  }
0x65: {  	v1 =	vld [tilespmem:s15+$0xFFFFFDD0];
	_ =	sdelay $0x1  }
0x66: {  	v2 =	vld [tilespmem:s15+$0xFFFFFE10];
	_ =	sdelay $0x1  }
0x67: {  	v3 =	vld [tilespmem:s15+$0xFFFFFE50]  }
0x68: {  	v4 =	vmul.f32 v0, v0;
	v5 =	vmul.f32 v1, v1  }
0x69: {  	v50 =	vld [tilespmem:s15+$0xFFFFFE90];
	v49 =	vadd.f32 v1, v0  }
0x6a: {  	v4 =	vadd.f32 v5, v4;
	v5 =	vmul.f32 v2, v2  }
0x6b: {  	v51 =	vld [tilespmem:s15+$0xFFFFFED0];
	v6 =	vadd.f32 v2, v49  }
0x6c: {  	v4 =	vadd.f32 v5, v4;
	v5 =	vmul.f32 v3, v3  }
0x6d: {  	v52 =	vld [tilespmem:s15+$0xFFFFFF10];
	v6 =	vadd.f32 v3, v6  }
0x6e: {  	v4 =	vadd.f32 v5, v4;
	v5 =	vmul.f32 v50, v50  }
0x6f: {  	v53 =	vld [tilespmem:s15+$0xFFFFFF50];
	v6 =	vadd.f32 v50, v6  }
0x70: {  	v11 =	vld [tilespmem:s15+$0xFFFFFF90];
	v4 =	vadd.f32 v5, v4;
	v5 =	vmul.f32 v51, v51  }
0x71: {  	v12 =	vld [tilespmem:s15+$0xFFFFFFD0];
	v6 =	vadd.f32 v51, v6  }
0x72: {  	v54 =	vld [tilespmem:s15+$0x10];
	v4 =	vadd.f32 v5, v4;
	v5 =	vmul.f32 v52, v52  }
0x73: {  	v57 =	vld [tilespmem:s15+$0xD0];
	v6 =	vadd.f32 v52, v6  }
0x74: {  	v59 =	vld [tilespmem:s15+$0x110];
	v13 =	vmax.f32 v0, v1;
	v4 =	vadd.f32 v5, v4;
	v5 =	vmul.f32 v53, v53  }
0x75: {  	v0 =	vmin.f32 v0, v1;
	v1 =	vmax.f32 v13, v2;
	v6 =	vadd.f32 v53, v6  }
0x76: {  	v0 =	vmin.f32 v0, v2;
	v2 =	vadd.f32 v5, v4;
	v4 =	vmul.f32 v11, v11  }
0x77: {  	v1 =	vmax.f32 v1, v3;
	v0 =	vmin.f32 v0, v3;
	v3 =	vld [tilespmem:s15+$0x50];
	v5 =	vadd.f32 v11, v6  }
0x78: {  	v55 =	vmul.f32 v12, v12;
	v56 =	vmul.f32 v54, v54;
	v2 =	vadd.f32 v4, v2  }
0x79: {  	v62 =	vmul.f32 v57, v57;
	v17 =	vmul.f32 v59, v59;
	v4 =	vld [tilespmem:s15+$0x90];
	v5 =	vadd.f32 v12, v5  }
0x7a: {  	v1 =	vmax.f32 v1, v50;
	v0 =	vmin.f32 v0, v50;
	v2 =	vadd.f32 v55, v2  }
0x7b: {  	v1 =	vmax.f32 v1, v51;
	v0 =	vmin.f32 v0, v51;
	v5 =	vadd.f32 v54, v5  }
0x7c: {  	v0 =	vmin.f32 v0, v52;
	v58 =	vmul.f32 v3, v3;
	v2 =	vadd.f32 v56, v2  }
0x7d: {  	v1 =	vmax.f32 v1, v52;
	v0 =	vmin.f32 v0, v53;
	v5 =	vadd.f32 v3, v5  }
0x7e: {  	v61 =	vld [tilespmem:s15+$0x150];
	v1 =	vmax.f32 v1, v53;
	v60 =	vmul.f32 v4, v4;
	v2 =	vadd.f32 v58, v2  }
0x7f: {  	v0 =	vmin.f32 v0, v11;
	v1 =	vmax.f32 v1, v11;
	v5 =	vadd.f32 v4, v5  }
0x80: {  	v0 =	vmin.f32 v0, v12;
	v1 =	vmax.f32 v1, v12;
	v2 =	vadd.f32 v60, v2  }
0x81: {  	v63 =	vld [tilespmem:s15+$0x190];
	v0 =	vmin.f32 v0, v54;
	v1 =	vmax.f32 v1, v54;
	v5 =	vadd.f32 v57, v5  }
0x82: {  	v0 =	vmin.f32 v0, v3;
	v1 =	vmax.f32 v1, v3;
	v2 =	vadd.f32 v62, v2  }
0x83: {  	v16 =	vld [tilespmem:s15+$0x1D0];
	v3 =	vmul.f32 v61, v61;
	v0 =	vmin.f32 v0, v4;
	v5 =	vadd.f32 v59, v5  }
0x84: {  	v1 =	vmax.f32 v1, v4;
	v0 =	vmin.f32 v0, v57;
	v2 =	vadd.f32 v17, v2  }
0x85: {  	v18 =	vld [tilespmem:s15+$0x210];
	v1 =	vmax.f32 v1, v57;
	v0 =	vmin.f32 v0, v59;
	v4 =	vadd.f32 v61, v5  }
0x86: {  	v1 =	vmax.f32 v1, v59;
	v2 =	vadd.f32 v3, v2;
	v3 =	vmul.f32 v63, v63  }
0x87: {  	v0 =	vmin.f32 v0, v61;
	v1 =	vmax.f32 v1, v61;
	v5 =	vld [tilespmem:s15+$0x250];
	v4 =	vadd.f32 v63, v4  }
0x88: {  	v0 =	vmin.f32 v0, v63;
	v2 =	vadd.f32 v3, v2;
	v3 =	vmul.f32 v16, v16  }
0x89: {  	v1 =	vmax.f32 v1, v63;
	v0 =	vmin.f32 v0, v16;
	v4 =	vadd.f32 v16, v4  }
0x8a: {  	v1 =	vmax.f32 v1, v16;
	v2 =	vadd.f32 v3, v2;
	v3 =	vmul.f32 v18, v18  }
0x8b: {  	v0 =	vmin.f32 v0, v18;
	v1 =	vmax.f32 v1, v18;
	v4 =	vadd.f32 v18, v4  }
0x8c: {  	v0 =	vmin.f32 v0, v5;
	v2 =	vadd.f32 v3, v2;
	v3 =	vmul.f32 v5, v5  }
0x8d: {  	[tilespmem:s16+$0x18010] =	vst v0;
	v0 =	vmax.f32 v1, v5;
	v1 =	vadd.f32 v5, v4  }
0x8e: {  	[tilespmem:s16+$0x17810] =	vst v0;
	v0 =	vadd.f32 v3, v2  }
0x8f: {  	[tilespmem:s16+$0x16810] =	vst v1  }
0x90: {  	[tilespmem:s16+$0x17010] =	vst v0  }
0x91: {  	v0 =	vld [tilespmem:s15+$0xFFFFFDA0]  }
0x92: {  	v1 =	vld [tilespmem:s15+$0xFFFFFDE0];
	_ =	sdelay $0x1  }
0x93: {  	v2 =	vld [tilespmem:s15+$0xFFFFFE20];
	_ =	sdelay $0x1  }
0x94: {  	v3 =	vld [tilespmem:s15+$0xFFFFFE60]  }
0x95: {  	v4 =	vmul.f32 v0, v0;
	v5 =	vmul.f32 v1, v1  }
0x96: {  	v19 =	vld [tilespmem:s15+$0xFFFFFEA0];
	v20 =	vadd.f32 v1, v0  }
0x97: {  	v4 =	vadd.f32 v5, v4;
	v5 =	vmul.f32 v2, v2  }
0x98: {  	v21 =	vld [tilespmem:s15+$0xFFFFFEE0];
	v7 =	vadd.f32 v2, v20  }
0x99: {  	v4 =	vadd.f32 v5, v4;
	v5 =	vmul.f32 v3, v3  }
0x9a: {  	v22 =	vld [tilespmem:s15+$0xFFFFFF20];
	v7 =	vadd.f32 v3, v7  }
0x9b: {  	v4 =	vadd.f32 v5, v4;
	v5 =	vmul.f32 v19, v19  }
0x9c: {  	v23 =	vld [tilespmem:s15+$0xFFFFFF60];
	v7 =	vadd.f32 v19, v7  }
0x9d: {  	v4 =	vadd.f32 v5, v4;
	v5 =	vmul.f32 v21, v21  }
0x9e: {  	v24 =	vld [tilespmem:s15+$0xFFFFFFA0];
	v7 =	vadd.f32 v21, v7  }
0x9f: {  	v25 =	vld [tilespmem:s15+$0xFFFFFFE0];
	v4 =	vadd.f32 v5, v4;
	v5 =	vmul.f32 v22, v22  }
0xa0: {  	v28 =	vld [tilespmem:s15+$0xA0];
	v7 =	vadd.f32 v22, v7  }
0xa1: {  	v29 =	vld [tilespmem:s15+$0xE0];
	v26 =	vmax.f32 v0, v1;
	v4 =	vadd.f32 v5, v4;
	v5 =	vmul.f32 v23, v23  }
0xa2: {  	v27 =	vld [tilespmem:s15+$0x20];
	v0 =	vmin.f32 v0, v1;
	v1 =	vmax.f32 v26, v2;
	v7 =	vadd.f32 v23, v7  }
0xa3: {  	v0 =	vmin.f32 v0, v2;
	v2 =	vmul.f32 v24, v24;
	v4 =	vadd.f32 v5, v4  }
0xa4: {  	v1 =	vmax.f32 v1, v3;
	v0 =	vmin.f32 v0, v3;
	v3 =	vld [tilespmem:s15+$0x60];
	v5 =	vadd.f32 v24, v7  }
0xa5: {  	v31 =	vmul.f32 v28, v28;
	v2 =	vadd.f32 v2, v4;
	v4 =	vmul.f32 v25, v25  }
0xa6: {  	v32 =	vmul.f32 v29, v29;
	v1 =	vmax.f32 v1, v19;
	v5 =	vadd.f32 v25, v5  }
0xa7: {  	v0 =	vmin.f32 v0, v19;
	v2 =	vadd.f32 v4, v2;
	v4 =	vmul.f32 v27, v27  }
0xa8: {  	v1 =	vmax.f32 v1, v21;
	v0 =	vmin.f32 v0, v21;
	v5 =	vadd.f32 v27, v5  }
0xa9: {  	v30 =	vld [tilespmem:s15+$0x120];
	v1 =	vmax.f32 v1, v22;
	v2 =	vadd.f32 v4, v2;
	v4 =	vmul.f32 v3, v3  }
0xaa: {  	v33 =	vld [tilespmem:s15+$0x1A0];
	v0 =	vmin.f32 v0, v22;
	v1 =	vmax.f32 v1, v23;
	v5 =	vadd.f32 v3, v5  }
0xab: {  	v34 =	vld [tilespmem:s15+$0x1E0];
	v0 =	vmin.f32 v0, v23;
	v1 =	vmax.f32 v1, v24;
	v2 =	vadd.f32 v4, v2  }
0xac: {  	v0 =	vmin.f32 v0, v24;
	v1 =	vmax.f32 v1, v25;
	v4 =	vld [tilespmem:s15+$0x160];
	v5 =	vadd.f32 v28, v5  }
0xad: {  	v0 =	vmin.f32 v0, v25;
	v1 =	vmax.f32 v1, v27;
	v2 =	vadd.f32 v31, v2  }
0xae: {  	v0 =	vmin.f32 v0, v27;
	v1 =	vmax.f32 v1, v3;
	v5 =	vadd.f32 v29, v5  }
0xaf: {  	v0 =	vmin.f32 v0, v3;
	v3 =	vmul.f32 v30, v30;
	v2 =	vadd.f32 v32, v2  }
0xb0: {  	v37 =	vmul.f32 v33, v33;
	v38 =	vmul.f32 v34, v34;
	v5 =	vadd.f32 v30, v5  }
0xb1: {  	v35 =	vld [tilespmem:s15+$0x220];
	v0 =	vmin.f32 v0, v28;
	v36 =	vmul.f32 v4, v4;
	v2 =	vadd.f32 v3, v2  }
0xb2: {  	v1 =	vmax.f32 v1, v28;
	v0 =	vmin.f32 v0, v29;
	v3 =	vadd.f32 v4, v5  }
0xb3: {  	v1 =	vmax.f32 v1, v29;
	v0 =	vmin.f32 v0, v30;
	v2 =	vadd.f32 v36, v2  }
0xb4: {  	v1 =	vmax.f32 v1, v30;
	v0 =	vmin.f32 v0, v4;
	v5 =	vld [tilespmem:s15+$0x260];
	v3 =	vadd.f32 v33, v3  }
0xb5: {  	v1 =	vmax.f32 v1, v4;
	v0 =	vmin.f32 v0, v33;
	v2 =	vadd.f32 v37, v2  }
0xb6: {  	v1 =	vmax.f32 v1, v33;
	v4 =	vmul.f32 v35, v35;
	v3 =	vadd.f32 v34, v3  }
0xb7: {  	v0 =	vmin.f32 v0, v34;
	v1 =	vmax.f32 v1, v34;
	v2 =	vadd.f32 v38, v2  }
0xb8: {  	v0 =	vmin.f32 v0, v35;
	v1 =	vmax.f32 v1, v35;
	v3 =	vadd.f32 v35, v3  }
0xb9: {  	v0 =	vmin.f32 v0, v5;
	v2 =	vadd.f32 v4, v2;
	v4 =	vmul.f32 v5, v5  }
0xba: {  	[tilespmem:s16+$0x18020] =	vst v0;
	v0 =	vmax.f32 v1, v5;
	v1 =	vadd.f32 v5, v3  }
0xbb: {  	[tilespmem:s16+$0x17820] =	vst v0;
	v0 =	vadd.f32 v4, v2  }
0xbc: {  	[tilespmem:s16+$0x16820] =	vst v1  }
0xbd: {  	[tilespmem:s16+$0x17020] =	vst v0  }
0xbe: {  	v0 =	vld [tilespmem:s15+$0xFFFFFDB0]  }
0xbf: {  	v1 =	vld [tilespmem:s15+$0xFFFFFDF0];
	_ =	sdelay $0x1  }
0xc0: {  	v2 =	vld [tilespmem:s15+$0xFFFFFE30]  }
0xc1: {  	v3 =	vld [tilespmem:s15+$0xFFFFFE70];
	_ =	sdelay $0x1  }
0xc2: {  	v40 =	vld [tilespmem:s15+$0xFFFFFEB0];
	v4 =	vmul.f32 v0, v0;
	v5 =	vadd.f32 v1, v0;
	v39 =	vmul.f32 v1, v1  }
0xc3: {  	v41 =	vmax.f32 v0, v1;
	v0 =	vmin.f32 v0, v1  }
0xc4: {  	v1 =	vld [tilespmem:s15+$0xFFFFFEF0];
	v42 =	vmul.f32 v2, v2;
	v4 =	vadd.f32 v39, v4;
	v5 =	vadd.f32 v2, v5  }
0xc5: {  	v43 =	vmul.f32 v3, v3;
	v8 =	vmax.f32 v41, v2  }
0xc6: {  	v0 =	vmin.f32 v0, v2;
	v2 =	vld [tilespmem:s15+$0xFFFFFF30];
	v4 =	vadd.f32 v42, v4;
	v5 =	vadd.f32 v3, v5  }
0xc7: {  	v44 =	vld [tilespmem:s15+$0xFFFFFF70];
	v45 =	vmul.f32 v40, v40;
	v8 =	vmax.f32 v8, v3  }
0xc8: {  	v0 =	vmin.f32 v0, v3;
	v3 =	vld [tilespmem:s15+$0xFFFFFFB0];
	v4 =	vadd.f32 v43, v4;
	v5 =	vadd.f32 v40, v5  }
0xc9: {  	v8 =	vmax.f32 v8, v40;
	v0 =	vmin.f32 v0, v40;
	v47 =	vmul.f32 v1, v1  }
0xca: {  	v46 =	vld [tilespmem:s15+$0xFFFFFFF0];
	v8 =	vmax.f32 v8, v1;
	v4 =	vadd.f32 v45, v4;
	v5 =	vadd.f32 v1, v5  }
0xcb: {  	v48 =	vld [tilespmem:s15+$0x30];
	v0 =	vmin.f32 v0, v1;
	v8 =	vmax.f32 v8, v2;
	v1 =	vmul.f32 v2, v2  }
0xcc: {  	v49 =	vld [tilespmem:s15+$0x70];
	v8 =	vmax.f32 v8, v44;
	v4 =	vadd.f32 v47, v4;
	v5 =	vadd.f32 v2, v5  }
0xcd: {  	v0 =	vmin.f32 v0, v2;
	v50 =	vmax.f32 v8, v3  }
0xce: {  	v2 =	vmul.f32 v44, v44;
	v1 =	vadd.f32 v1, v4;
	v4 =	vadd.f32 v44, v5  }
0xcf: {  	v53 =	vmul.f32 v3, v3;
	v7 =	vmax.f32 v50, v46  }
0xd0: {  	v5 =	vmax.f32 v7, v48;
	v1 =	vadd.f32 v2, v1;
	v2 =	vadd.f32 v3, v4  }
0xd1: {  	v0 =	vmin.f32 v0, v44;
	v4 =	vmax.f32 v5, v49  }
0xd2: {  	v51 =	vld [tilespmem:s15+$0xB0];
	v5 =	vmul.f32 v46, v46;
	v1 =	vadd.f32 v53, v1;
	v2 =	vadd.f32 v46, v2  }
0xd3: {  	v0 =	vmin.f32 v0, v3  }
0xd4: {  	v52 =	vld [tilespmem:s15+$0xF0];
	v1 =	vadd.f32 v5, v1;
	v2 =	vadd.f32 v48, v2;
	v5 =	vmul.f32 v48, v48  }
0xd5: {  	v56 =	vmul.f32 v49, v49;
	v0 =	vmin.f32 v0, v46;
	v3 =	vld [tilespmem:s15+$0x130]  }
0xd6: {  	v54 =	vld [tilespmem:s15+$0x170];
	v0 =	vmin.f32 v0, v48;
	v1 =	vadd.f32 v5, v1;
	v2 =	vadd.f32 v49, v2  }
0xd7: {  	v55 =	vld [tilespmem:s15+$0x1B0];
	v57 =	vmul.f32 v51, v51;
	v0 =	vmin.f32 v0, v49  }
0xd8: {  	v4 =	vmax.f32 v4, v51;
	v5 =	vld [tilespmem:s15+$0x1F0];
	v1 =	vadd.f32 v56, v1;
	v2 =	vadd.f32 v51, v2  }
0xd9: {  	v59 =	vmul.f32 v52, v52;
	v0 =	vmin.f32 v0, v51;
	v4 =	vmax.f32 v4, v52  }
0xda: {  	v58 =	vld [tilespmem:s15+$0x230];
	v4 =	vmax.f32 v4, v3;
	v1 =	vadd.f32 v57, v1;
	v2 =	vadd.f32 v52, v2  }
0xdb: {  	v6 =	vmin.f32 v0, v52;
	v60 =	vmul.f32 v3, v3;
	v4 =	vmax.f32 v4, v54  }
0xdc: {  	v0 =	vld [tilespmem:s15+$0x270];
	v4 =	vmax.f32 v4, v55;
	v1 =	vadd.f32 v59, v1;
	v2 =	vadd.f32 v3, v2  }
0xdd: {  	v61 =	vmul.f32 v54, v54;
	v6 =	vmin.f32 v6, v3;
	v3 =	vmax.f32 v4, v5  }
0xde: {  	v4 =	vmin.f32 v6, v54;
	v1 =	vadd.f32 v60, v1;
	v2 =	vadd.f32 v54, v2  }
0xdf: {  	v62 =	vmul.f32 v55, v55;
	v4 =	vmin.f32 v4, v55;
	v3 =	vmax.f32 v3, v58  }
0xe0: {  	v4 =	vmin.f32 v4, v5;
	v1 =	vadd.f32 v61, v1;
	v2 =	vadd.f32 v55, v2  }
0xe1: {  	v3 =	vmax.f32 v3, v0;
	v4 =	vmin.f32 v4, v58  }
0xe2: {  	v1 =	vadd.f32 v62, v1;
	v63 =	vadd.f32 v5, v2;
	v2 =	vmul.f32 v5, v5  }
0xe3: {  	[tilespmem:s16+$0x17830] =	vst v3;
	v3 =	vmin.f32 v4, v0  }
0xe4: {  	s0 =	simm.s32 $0x100;
	[tilespmem:s16+$0x18030] =	vst v3;
	v3 =	vmul.f32 v58, v58;
	v2 =	vadd.f32 v2, v1;
	v1 =	vadd.f32 v58, v63  }
.LBB2_3:
0xe5: {  	p0 =	sne.s32 s0, $0x1F00  }
0xe6: {  	s15 =	sadd.s32 $0x500, s15;
	s9 =	smov.u32 s0;
	s0 =	sadd.s32 $0x100, s0  }
0xe7: {  	v2 =	vadd.f32 v3, v2;
	v1 =	vadd.f32 v0, v1;
	v0 =	vmul.f32 v0, v0;
	_ =	sdelay $0x1  }
0xe8: {  	v0 =	vadd.f32 v0, v2;
	[tilespmem:s16+$0x16830] =	vst v1;
	_ =	sdelay $0x1  }
0xe9: {  	[tilespmem:s16+$0x17030] =	vst v0  }
0xea: {  	v0 =	vld [tilespmem:s15+$0xFFFFFD80]  }
0xeb: {  	v1 =	vld [tilespmem:s15+$0xFFFFFDC0];
	_ =	sdelay $0x1  }
0xec: {  	v2 =	vld [tilespmem:s15+$0xFFFFFE00];
	_ =	sdelay $0x1  }
0xed: {  	v3 =	vld [tilespmem:s15+$0xFFFFFE40]  }
0xee: {  	v4 =	vmul.f32 v0, v0;
	v5 =	vadd.f32 v1, v0;
	v6 =	vmul.f32 v1, v1  }
0xef: {  	v7 =	vmax.f32 v0, v1;
	v0 =	vmin.f32 v0, v1;
	v1 =	vld [tilespmem:s15+$0xFFFFFE80]  }
0xf0: {  	v4 =	vadd.f32 v6, v4;
	v5 =	vadd.f32 v2, v5;
	v6 =	vmul.f32 v2, v2  }
0xf1: {  	v7 =	vmax.f32 v7, v2;
	v0 =	vmin.f32 v0, v2;
	v2 =	vld [tilespmem:s15+$0xFFFFFEC0]  }
0xf2: {  	v4 =	vadd.f32 v6, v4;
	v5 =	vadd.f32 v3, v5;
	v6 =	vmul.f32 v3, v3  }
0xf3: {  	v7 =	vmax.f32 v7, v3;
	v0 =	vmin.f32 v0, v3;
	v3 =	vld [tilespmem:s15+$0xFFFFFF00]  }
0xf4: {  	v4 =	vadd.f32 v6, v4;
	v5 =	vadd.f32 v1, v5;
	v6 =	vmul.f32 v1, v1  }
0xf5: {  	v7 =	vmax.f32 v7, v1;
	v0 =	vmin.f32 v0, v1;
	v1 =	vld [tilespmem:s15+$0xFFFFFF40]  }
0xf6: {  	v4 =	vadd.f32 v6, v4;
	v5 =	vadd.f32 v2, v5;
	v6 =	vmul.f32 v2, v2;
	v8 =	vld [tilespmem:s15+$0xFFFFFF80]  }
0xf7: {  	v7 =	vmax.f32 v7, v2;
	v0 =	vmin.f32 v0, v2  }
0xf8: {  	v2 =	vadd.f32 v6, v4;
	v4 =	vadd.f32 v3, v5;
	v5 =	vmul.f32 v3, v3;
	v6 =	vld [tilespmem:s15+$0xFFFFFFC0]  }
0xf9: {  	v7 =	vmax.f32 v7, v3;
	v0 =	vmin.f32 v0, v3;
	v3 =	vld [tilespmem:s15+$0x0]  }
0xfa: {  	v2 =	vadd.f32 v5, v2;
	v4 =	vadd.f32 v1, v4;
	v5 =	vmul.f32 v1, v1;
	v9 =	vld [tilespmem:s15+$0x40]  }
0xfb: {  	v7 =	vmax.f32 v7, v1;
	v0 =	vmin.f32 v0, v1;
	v1 =	vmul.f32 v8, v8;
	v10 =	vld [tilespmem:s15+$0x80]  }
0xfc: {  	v0 =	vmin.f32 v0, v8;
	v2 =	vadd.f32 v5, v2;
	v4 =	vadd.f32 v8, v4;
	v5 =	vld [tilespmem:s15+$0xC0]  }
0xfd: {  	v7 =	vmax.f32 v7, v8;
	v8 =	vmul.f32 v6, v6;
	v0 =	vmin.f32 v0, v6;
	v11 =	vld [tilespmem:s15+$0x100]  }
0xfe: {  	v1 =	vadd.f32 v1, v2;
	v2 =	vadd.f32 v6, v4;
	v0 =	vmin.f32 v0, v3;
	v4 =	vld [tilespmem:s15+$0x140]  }
0xff: {  	v6 =	vmax.f32 v7, v6;
	v7 =	vmul.f32 v3, v3;
	v0 =	vmin.f32 v0, v9;
	v12 =	vld [tilespmem:s15+$0x180]  }
0x100: {  	v1 =	vadd.f32 v8, v1;
	v2 =	vadd.f32 v3, v2;
	v0 =	vmin.f32 v0, v10;
	v8 =	vld [tilespmem:s15+$0x1C0]  }
0x101: {  	v3 =	vmax.f32 v6, v3;
	v6 =	vmul.f32 v9, v9;
	v0 =	vmin.f32 v0, v5;
	v13 =	vld [tilespmem:s15+$0x200]  }
0x102: {  	v1 =	vadd.f32 v7, v1;
	v2 =	vadd.f32 v9, v2;
	v0 =	vmin.f32 v0, v11;
	v7 =	vld [tilespmem:s15+$0x240]  }
0x103: {  	v3 =	vmax.f32 v3, v9;
	v9 =	vmul.f32 v10, v10;
	v0 =	vmin.f32 v0, v4  }
0x104: {  	v1 =	vadd.f32 v6, v1;
	v2 =	vadd.f32 v10, v2;
	v0 =	vmin.f32 v0, v12  }
0x105: {  	v3 =	vmax.f32 v3, v10;
	v6 =	vmul.f32 v5, v5;
	v0 =	vmin.f32 v0, v8  }
0x106: {  	v1 =	vadd.f32 v9, v1;
	v2 =	vadd.f32 v5, v2;
	v0 =	vmin.f32 v0, v13  }
0x107: {  	v3 =	vmax.f32 v3, v5;
	v5 =	vmul.f32 v11, v11;
	v0 =	vmin.f32 v0, v7  }
0x108: {  	v3 =	vmax.f32 v3, v11;
	v1 =	vadd.f32 v6, v1;
	v2 =	vadd.f32 v11, v2  }
0x109: {  	v3 =	vmax.f32 v3, v4;
	v6 =	vmul.f32 v4, v4  }
0x10a: {  	v3 =	vmax.f32 v3, v12;
	v1 =	vadd.f32 v5, v1;
	v2 =	vadd.f32 v4, v2  }
0x10b: {  	v3 =	vmax.f32 v3, v8;
	v4 =	vmul.f32 v12, v12  }
0x10c: {  	v3 =	vmax.f32 v3, v13;
	v1 =	vadd.f32 v6, v1;
	v2 =	vadd.f32 v12, v2  }
0x10d: {  	v3 =	vmax.f32 v3, v7  }
0x10e: {  	v1 =	vadd.f32 v4, v1;
	v2 =	vadd.f32 v8, v2;
	v4 =	vmul.f32 v8, v8;
	_ =	sdelay $0x1  }
0x10f: {  	v1 =	vadd.f32 v4, v1;
	v2 =	vadd.f32 v13, v2;
	v4 =	vmul.f32 v13, v13;
	_ =	sdelay $0x1  }
0x110: {  	s16 =	sshra.s32 s9, $0x2;
	v1 =	vadd.f32 v4, v1;
	v2 =	vadd.f32 v7, v2;
	v4 =	vmul.f32 v7, v7  }
0x111: {  	[tilespmem:s16+$0x18000] =	vst v0  }
0x112: {  	v0 =	vadd.f32 v4, v1;
	[tilespmem:s16+$0x16800] =	vst v2  }
0x113: {  	[tilespmem:s16+$0x17800] =	vst v3  }
0x114: {  	[tilespmem:s16+$0x17000] =	vst v0  }
0x115: {  	v0 =	vld [tilespmem:s15+$0xFFFFFD90]  }
0x116: {  	v1 =	vld [tilespmem:s15+$0xFFFFFDD0];
	_ =	sdelay $0x1  }
0x117: {  	v2 =	vld [tilespmem:s15+$0xFFFFFE10];
	_ =	sdelay $0x1  }
0x118: {  	v3 =	vmul.f32 v0, v0;
	v4 =	vld [tilespmem:s15+$0xFFFFFE50]  }
0x119: {  	v5 =	vadd.f32 v1, v0;
	v6 =	vmul.f32 v1, v1;
	v7 =	vmin.f32 v0, v1  }
0x11a: {  	v0 =	vmax.f32 v0, v1;
	v1 =	vld [tilespmem:s15+$0xFFFFFE90]  }
0x11b: {  	v3 =	vadd.f32 v6, v3;
	v5 =	vadd.f32 v2, v5;
	v6 =	vmul.f32 v2, v2  }
0x11c: {  	v0 =	vmax.f32 v0, v2;
	v2 =	vmin.f32 v7, v2;
	v7 =	vld [tilespmem:s15+$0xFFFFFED0]  }
0x11d: {  	v3 =	vadd.f32 v6, v3;
	v5 =	vadd.f32 v4, v5;
	v6 =	vmul.f32 v4, v4  }
0x11e: {  	v0 =	vmax.f32 v0, v4;
	v2 =	vmin.f32 v2, v4;
	v4 =	vld [tilespmem:s15+$0xFFFFFF10]  }
0x11f: {  	v3 =	vadd.f32 v6, v3;
	v5 =	vadd.f32 v1, v5;
	v6 =	vmul.f32 v1, v1  }
0x120: {  	v0 =	vmax.f32 v0, v1;
	v1 =	vmin.f32 v2, v1;
	v2 =	vld [tilespmem:s15+$0xFFFFFF50]  }
0x121: {  	v3 =	vadd.f32 v6, v3;
	v5 =	vadd.f32 v7, v5;
	v6 =	vmul.f32 v7, v7  }
0x122: {  	v0 =	vmax.f32 v0, v7;
	v1 =	vmin.f32 v1, v7;
	v7 =	vld [tilespmem:s15+$0xFFFFFF90]  }
0x123: {  	v3 =	vadd.f32 v6, v3;
	v5 =	vadd.f32 v4, v5;
	v6 =	vmul.f32 v4, v4;
	v8 =	vld [tilespmem:s15+$0xFFFFFFD0]  }
0x124: {  	v0 =	vmax.f32 v0, v4;
	v1 =	vmin.f32 v1, v4;
	v4 =	vld [tilespmem:s15+$0x10]  }
0x125: {  	v3 =	vadd.f32 v6, v3;
	v5 =	vadd.f32 v2, v5;
	v6 =	vmul.f32 v2, v2;
	v9 =	vld [tilespmem:s15+$0x50]  }
0x126: {  	v0 =	vmax.f32 v0, v2;
	v1 =	vmin.f32 v1, v2;
	v2 =	vld [tilespmem:s15+$0x90]  }
0x127: {  	v3 =	vadd.f32 v6, v3;
	v5 =	vadd.f32 v7, v5;
	v1 =	vmin.f32 v1, v7;
	v6 =	vld [tilespmem:s15+$0xD0]  }
0x128: {  	v0 =	vmax.f32 v0, v7;
	v10 =	vmul.f32 v8, v8;
	v1 =	vmin.f32 v1, v8;
	v11 =	vld [tilespmem:s15+$0x110]  }
0x129: {  	v7 =	vmul.f32 v7, v7;
	v5 =	vadd.f32 v8, v5;
	v1 =	vmin.f32 v1, v4;
	v12 =	vld [tilespmem:s15+$0x150]  }
0x12a: {  	v0 =	vmax.f32 v0, v8;
	v8 =	vmul.f32 v9, v9;
	v1 =	vmin.f32 v1, v9;
	v13 =	vld [tilespmem:s15+$0x190]  }
0x12b: {  	v3 =	vadd.f32 v7, v3;
	v5 =	vadd.f32 v4, v5;
	v1 =	vmin.f32 v1, v2;
	v7 =	vld [tilespmem:s15+$0x1D0]  }
0x12c: {  	v0 =	vmax.f32 v0, v4;
	v14 =	vmul.f32 v2, v2;
	v1 =	vmin.f32 v1, v6;
	v15 =	vld [tilespmem:s15+$0x210]  }
0x12d: {  	v3 =	vadd.f32 v10, v3;
	v4 =	vmul.f32 v4, v4;
	v1 =	vmin.f32 v1, v11;
	v10 =	vld [tilespmem:s15+$0x250]  }
0x12e: {  	v0 =	vmax.f32 v0, v9;
	v5 =	vadd.f32 v9, v5;
	v1 =	vmin.f32 v1, v12  }
0x12f: {  	v0 =	vmax.f32 v0, v2;
	v3 =	vadd.f32 v4, v3;
	v1 =	vmin.f32 v1, v13  }
0x130: {  	v0 =	vmax.f32 v0, v6;
	v2 =	vadd.f32 v2, v5;
	v1 =	vmin.f32 v1, v7  }
0x131: {  	v0 =	vmax.f32 v0, v11;
	v3 =	vadd.f32 v8, v3;
	v1 =	vmin.f32 v1, v15  }
0x132: {  	v0 =	vmax.f32 v0, v12;
	v2 =	vadd.f32 v6, v2;
	v1 =	vmin.f32 v1, v10  }
0x133: {  	v4 =	vmul.f32 v6, v6;
	v0 =	vmax.f32 v0, v13;
	v3 =	vadd.f32 v14, v3;
	[tilespmem:s16+$0x18010] =	vst v1  }
0x134: {  	v0 =	vmax.f32 v0, v7;
	v1 =	vadd.f32 v11, v2  }
0x135: {  	v0 =	vmax.f32 v0, v15;
	v2 =	vadd.f32 v4, v3;
	v3 =	vmul.f32 v11, v11  }
0x136: {  	v0 =	vmax.f32 v0, v10;
	v1 =	vadd.f32 v12, v1  }
0x137: {  	v2 =	vadd.f32 v3, v2;
	v3 =	vmul.f32 v12, v12;
	[tilespmem:s16+$0x17810] =	vst v0  }
0x138: {  	v0 =	vadd.f32 v13, v1  }
0x139: {  	v1 =	vadd.f32 v3, v2;
	v2 =	vmul.f32 v13, v13  }
0x13a: {  	v0 =	vadd.f32 v7, v0  }
0x13b: {  	v1 =	vadd.f32 v2, v1;
	v2 =	vmul.f32 v7, v7  }
0x13c: {  	v0 =	vadd.f32 v15, v0  }
0x13d: {  	v1 =	vadd.f32 v2, v1;
	v2 =	vmul.f32 v15, v15  }
0x13e: {  	v0 =	vadd.f32 v10, v0  }
0x13f: {  	v1 =	vadd.f32 v2, v1;
	v2 =	vmul.f32 v10, v10  }
0x140: {  	[tilespmem:s16+$0x16810] =	vst v0  }
0x141: {  	v0 =	vadd.f32 v2, v1;
	_ =	sdelay $0x1  }
0x142: {  	[tilespmem:s16+$0x17010] =	vst v0  }
0x143: {  	v0 =	vld [tilespmem:s15+$0xFFFFFDA0]  }
0x144: {  	v1 =	vld [tilespmem:s15+$0xFFFFFDE0]  }
0x145: {  	v2 =	vld [tilespmem:s15+$0xFFFFFE20]  }
0x146: {  	v3 =	vld [tilespmem:s15+$0xFFFFFE60]  }
0x147: {  	v4 =	vld [tilespmem:s15+$0xFFFFFEA0]  }
0x148: {  	v5 =	vmul.f32 v0, v0;
	v6 =	vld [tilespmem:s15+$0xFFFFFEE0]  }
0x149: {  	v7 =	vadd.f32 v1, v0;
	v8 =	vmul.f32 v1, v1;
	v9 =	vmax.f32 v0, v1;
	v10 =	vld [tilespmem:s15+$0xFFFFFF20]  }
0x14a: {  	v0 =	vmin.f32 v0, v1;
	v1 =	vmax.f32 v9, v2;
	v9 =	vld [tilespmem:s15+$0xFFFFFF60]  }
0x14b: {  	v5 =	vadd.f32 v8, v5;
	v7 =	vadd.f32 v2, v7;
	v8 =	vmul.f32 v2, v2;
	v11 =	vld [tilespmem:s15+$0xFFFFFFA0]  }
0x14c: {  	v0 =	vmin.f32 v0, v2;
	v1 =	vmax.f32 v1, v3;
	v2 =	vld [tilespmem:s15+$0xFFFFFFE0]  }
0x14d: {  	v5 =	vadd.f32 v8, v5;
	v7 =	vadd.f32 v3, v7;
	v8 =	vmul.f32 v3, v3;
	v12 =	vld [tilespmem:s15+$0x20]  }
0x14e: {  	v0 =	vmin.f32 v0, v3;
	v1 =	vmax.f32 v1, v4;
	v3 =	vld [tilespmem:s15+$0x60]  }
0x14f: {  	v5 =	vadd.f32 v8, v5;
	v7 =	vadd.f32 v4, v7;
	v8 =	vmul.f32 v4, v4  }
0x150: {  	v0 =	vmin.f32 v0, v4;
	v1 =	vmax.f32 v1, v6  }
0x151: {  	v4 =	vadd.f32 v8, v5;
	v5 =	vadd.f32 v6, v7;
	v7 =	vmul.f32 v6, v6  }
0x152: {  	v0 =	vmin.f32 v0, v6;
	v1 =	vmax.f32 v1, v10  }
0x153: {  	v6 =	vmul.f32 v10, v10;
	v4 =	vadd.f32 v7, v4;
	v5 =	vadd.f32 v10, v5  }
0x154: {  	v0 =	vmin.f32 v0, v10;
	v1 =	vmax.f32 v1, v9  }
0x155: {  	v4 =	vadd.f32 v6, v4;
	v5 =	vadd.f32 v9, v5;
	v6 =	vmul.f32 v9, v9  }
0x156: {  	v0 =	vmin.f32 v0, v9;
	v1 =	vmax.f32 v1, v11;
	v7 =	vmul.f32 v11, v11  }
0x157: {  	v0 =	vmin.f32 v0, v11;
	v4 =	vadd.f32 v6, v4;
	v5 =	vadd.f32 v11, v5  }
0x158: {  	v1 =	vmax.f32 v1, v2;
	v0 =	vmin.f32 v0, v2  }
0x159: {  	v4 =	vadd.f32 v7, v4;
	v5 =	vadd.f32 v2, v5;
	v2 =	vmul.f32 v2, v2;
	v6 =	vld [tilespmem:s15+$0xA0]  }
0x15a: {  	v1 =	vmax.f32 v1, v12;
	v0 =	vmin.f32 v0, v12;
	v7 =	vld [tilespmem:s15+$0xE0]  }
0x15b: {  	v2 =	vadd.f32 v2, v4;
	v4 =	vadd.f32 v12, v5;
	v5 =	vmul.f32 v12, v12;
	v8 =	vld [tilespmem:s15+$0x120]  }
0x15c: {  	v1 =	vmax.f32 v1, v3;
	v0 =	vmin.f32 v0, v3;
	v9 =	vld [tilespmem:s15+$0x160]  }
0x15d: {  	v2 =	vadd.f32 v5, v2;
	v4 =	vadd.f32 v3, v4;
	v3 =	vmul.f32 v3, v3;
	v5 =	vld [tilespmem:s15+$0x1A0]  }
0x15e: {  	v10 =	vmul.f32 v6, v6;
	v1 =	vmax.f32 v1, v6;
	v0 =	vmin.f32 v0, v6;
	v11 =	vld [tilespmem:s15+$0x1E0]  }
0x15f: {  	v2 =	vadd.f32 v3, v2;
	v3 =	vadd.f32 v6, v4;
	v0 =	vmin.f32 v0, v7;
	v4 =	vld [tilespmem:s15+$0x220]  }
0x160: {  	v6 =	vmul.f32 v7, v7;
	v1 =	vmax.f32 v1, v7;
	v0 =	vmin.f32 v0, v8;
	v12 =	vld [tilespmem:s15+$0x260]  }
0x161: {  	v2 =	vadd.f32 v10, v2;
	v3 =	vadd.f32 v7, v3;
	v0 =	vmin.f32 v0, v9  }
0x162: {  	v1 =	vmax.f32 v1, v8;
	v7 =	vmul.f32 v8, v8;
	v0 =	vmin.f32 v0, v5  }
0x163: {  	v2 =	vadd.f32 v6, v2;
	v3 =	vadd.f32 v8, v3;
	v0 =	vmin.f32 v0, v11  }
0x164: {  	v1 =	vmax.f32 v1, v9;
	v6 =	vmul.f32 v9, v9;
	v0 =	vmin.f32 v0, v4  }
0x165: {  	v2 =	vadd.f32 v7, v2;
	v3 =	vadd.f32 v9, v3;
	v0 =	vmin.f32 v0, v12  }
0x166: {  	v1 =	vmax.f32 v1, v5;
	v7 =	vmul.f32 v5, v5;
	[tilespmem:s16+$0x18020] =	vst v0  }
0x167: {  	v1 =	vmax.f32 v1, v11;
	v0 =	vadd.f32 v6, v2;
	v2 =	vadd.f32 v5, v3  }
0x168: {  	v1 =	vmax.f32 v1, v4;
	v3 =	vmul.f32 v11, v11  }
0x169: {  	v1 =	vmax.f32 v1, v12;
	v0 =	vadd.f32 v7, v0;
	v2 =	vadd.f32 v11, v2  }
0x16a: {  	[tilespmem:s16+$0x17820] =	vst v1  }
0x16b: {  	v0 =	vadd.f32 v3, v0;
	v1 =	vadd.f32 v4, v2;
	v2 =	vmul.f32 v4, v4;
	_ =	sdelay $0x1  }
0x16c: {  	v0 =	vadd.f32 v2, v0;
	v1 =	vadd.f32 v12, v1;
	v2 =	vmul.f32 v12, v12;
	_ =	sdelay $0x1  }
0x16d: {  	v0 =	vadd.f32 v2, v0;
	[tilespmem:s16+$0x16820] =	vst v1;
	_ =	sdelay $0x1  }
0x16e: {  	[tilespmem:s16+$0x17020] =	vst v0  }
0x16f: {  	v0 =	vld [tilespmem:s15+$0xFFFFFDB0]  }
0x170: {  	v1 =	vld [tilespmem:s15+$0xFFFFFDF0]  }
0x171: {  	v2 =	vld [tilespmem:s15+$0xFFFFFE30]  }
0x172: {  	v3 =	vld [tilespmem:s15+$0xFFFFFE70]  }
0x173: {  	v4 =	vld [tilespmem:s15+$0xFFFFFEB0]  }
0x174: {  	v5 =	vld [tilespmem:s15+$0xFFFFFEF0]  }
0x175: {  	v6 =	vmul.f32 v0, v0;
	v7 =	vadd.f32 v1, v0;
	v8 =	vmul.f32 v1, v1;
	v9 =	vld [tilespmem:s15+$0xFFFFFF30]  }
0x176: {  	v10 =	vmax.f32 v0, v1;
	v0 =	vmin.f32 v0, v1;
	v1 =	vld [tilespmem:s15+$0xFFFFFF70]  }
0x177: {  	v6 =	vadd.f32 v8, v6;
	v7 =	vadd.f32 v2, v7;
	v8 =	vmul.f32 v2, v2;
	v11 =	vld [tilespmem:s15+$0xFFFFFFB0]  }
0x178: {  	v10 =	vmax.f32 v10, v2;
	v0 =	vmin.f32 v0, v2;
	v2 =	vmul.f32 v3, v3;
	v12 =	vld [tilespmem:s15+$0xFFFFFFF0]  }
0x179: {  	v6 =	vadd.f32 v8, v6;
	v7 =	vadd.f32 v3, v7;
	v8 =	vmax.f32 v10, v3;
	v10 =	vld [tilespmem:s15+$0x30]  }
0x17a: {  	v0 =	vmin.f32 v0, v3;
	v3 =	vmax.f32 v8, v4;
	v8 =	vld [tilespmem:s15+$0x70]  }
0x17b: {  	v2 =	vadd.f32 v2, v6;
	v6 =	vadd.f32 v4, v7;
	v7 =	vmul.f32 v4, v4;
	v13 =	vld [tilespmem:s15+$0xB0]  }
0x17c: {  	v0 =	vmin.f32 v0, v4;
	v4 =	vmul.f32 v5, v5;
	v3 =	vmax.f32 v3, v5;
	v14 =	vld [tilespmem:s15+$0xF0]  }
0x17d: {  	v3 =	vmax.f32 v3, v9;
	v2 =	vadd.f32 v7, v2;
	v6 =	vadd.f32 v5, v6;
	v7 =	vld [tilespmem:s15+$0x130]  }
0x17e: {  	v0 =	vmin.f32 v0, v5;
	v5 =	vmul.f32 v9, v9;
	v3 =	vmax.f32 v3, v1;
	v15 =	vld [tilespmem:s15+$0x170]  }
0x17f: {  	v3 =	vmax.f32 v3, v11;
	v2 =	vadd.f32 v4, v2;
	v4 =	vadd.f32 v9, v6;
	v6 =	vld [tilespmem:s15+$0x1B0]  }
0x180: {  	v0 =	vmin.f32 v0, v9;
	v9 =	vmul.f32 v1, v1;
	v3 =	vmax.f32 v3, v12;
	v16 =	vld [tilespmem:s15+$0x1F0]  }
0x181: {  	v3 =	vmax.f32 v3, v10;
	v2 =	vadd.f32 v5, v2;
	v4 =	vadd.f32 v1, v4;
	v5 =	vld [tilespmem:s15+$0x230]  }
0x182: {  	v17 =	vmul.f32 v11, v11;
	v1 =	vmin.f32 v0, v1;
	v3 =	vmax.f32 v3, v8;
	v0 =	vld [tilespmem:s15+$0x270]  }
0x183: {  	v3 =	vmax.f32 v3, v13;
	v2 =	vadd.f32 v9, v2;
	v4 =	vadd.f32 v11, v4  }
0x184: {  	v1 =	vmin.f32 v1, v11;
	v3 =	vmax.f32 v3, v14  }
0x185: {  	v9 =	vmul.f32 v12, v12;
	v2 =	vadd.f32 v17, v2;
	v4 =	vadd.f32 v12, v4  }
0x186: {  	v1 =	vmin.f32 v1, v12;
	v3 =	vmax.f32 v3, v7  }
0x187: {  	v2 =	vadd.f32 v9, v2;
	v4 =	vadd.f32 v10, v4;
	v9 =	vmul.f32 v10, v10  }
0x188: {  	v1 =	vmin.f32 v1, v10;
	v3 =	vmax.f32 v3, v15;
	v10 =	vmul.f32 v8, v8  }
0x189: {  	v3 =	vmax.f32 v3, v6;
	v2 =	vadd.f32 v9, v2;
	v4 =	vadd.f32 v8, v4  }
0x18a: {  	v1 =	vmin.f32 v1, v8;
	v3 =	vmax.f32 v3, v16;
	v8 =	vmul.f32 v13, v13  }
0x18b: {  	v3 =	vmax.f32 v3, v5;
	v2 =	vadd.f32 v10, v2;
	v4 =	vadd.f32 v13, v4  }
0x18c: {  	v1 =	vmin.f32 v1, v13;
	v9 =	vmul.f32 v14, v14;
	v3 =	vmax.f32 v3, v0  }
0x18d: {  	v1 =	vmin.f32 v1, v14;
	v2 =	vadd.f32 v8, v2;
	v4 =	vadd.f32 v14, v4;
	[tilespmem:s16+$0x17830] =	vst v3  }
0x18e: {  	v1 =	vmin.f32 v1, v7;
	v3 =	vmul.f32 v7, v7  }
0x18f: {  	v1 =	vmin.f32 v1, v15;
	v2 =	vadd.f32 v9, v2;
	v4 =	vadd.f32 v7, v4  }
0x190: {  	v1 =	vmin.f32 v1, v6;
	v7 =	vmul.f32 v15, v15  }
0x191: {  	v1 =	vmin.f32 v1, v16;
	v2 =	vadd.f32 v3, v2;
	v3 =	vadd.f32 v15, v4  }
0x192: {  	v1 =	vmin.f32 v1, v5;
	v4 =	vmul.f32 v6, v6  }
.Ltmp0:
0x193: {  	v1 =	vmin.f32 v1, v0;
	v2 =	vadd.f32 v7, v2;
	v3 =	vadd.f32 v6, v3;
	(pc) =	sbr.rel @p0 .LBB2_3-.Ltmp0, $3  }
0x194: {  	[tilespmem:s16+$0x18030] =	vst v1  }
0x195: {  	v1 =	vadd.f32 v4, v2;
	v3 =	vadd.f32 v16, v3;
	v2 =	vmul.f32 v16, v16;
	_ =	sdelay $0x1  }
0x196: {  	v2 =	vadd.f32 v2, v1;
	v1 =	vadd.f32 v5, v3;
	v3 =	vmul.f32 v5, v5  }
0x197: {  	_ = 	snop  }
0x198: {  	v2 =	vadd.f32 v3, v2;
	v3 =	vmul.f32 v0, v0  }
0x199: {  	v0 =	vadd.f32 v0, v1  }
0x19a: {  	s0 =	sshll.u32 s13, $0x9;
	v1 =	vadd.f32 v3, v2  }
0x19b: {  	s0 =	sadd.s32 s8, s0;
	[tilespmem:s16+$0x16830] =	vst v0  }
0x19c: {  	s9 =	sadd.s32 s4, s0;
	[tilespmem:s16+$0x17030] =	vst v1  }
0x19d: {  	[hbm4b:s9+s3] =	stream.linear.scatter [tilespmem:s28], [sflag:$0x3], $0x800, $0x38;
	[tilespmem:$0x18800] =	vst v63  }
0x19e: {  	_ =	swait.ge [sflag:s11], $0x800  }
0x19f: {  	[sflag:s11] =	ssyncset.done $0x0  }
0x1a0: {  	s19 =	sadd.s32 s5, s0;
	[sflag:s11] =	ssyncadd.s32 $0xFFFFF800  }
0x1a1: {  	[hbm4b:s19+s3] =	stream.linear.scatter [tilespmem:s29], [sflag:$0x3], $0x800, $0x38;
	[tilespmem:$0x18800] =	vst v63  }
0x1a2: {  	_ =	swait.ge [sflag:s11], $0x800  }
0x1a3: {  	[sflag:s11] =	ssyncset.done $0x0  }
0x1a4: {  	s20 =	sadd.s32 s6, s0;
	[sflag:s11] =	ssyncadd.s32 $0xFFFFF800  }
0x1a5: {  	[hbm4b:s20+s3] =	stream.linear.scatter [tilespmem:s30], [sflag:$0x3], $0x800, $0x38;
	[tilespmem:$0x18800] =	vst v63  }
0x1a6: {  	_ =	swait.ge [sflag:s11], $0x800  }
0x1a7: {  	[sflag:s11] =	ssyncset.done $0x0  }
0x1a8: {  	p0 =	seq.s32 s13, $0x7;
	s0 =	sadd.s32 s7, s0;
	[sflag:s11] =	ssyncadd.s32 $0xFFFFF800  }
0x1a9: {  	[hbm4b:s0+s3] =	stream.linear.scatter [tilespmem:s31], [sflag:$0x3], $0x800, $0x38;
	[tilespmem:$0x18800] =	vst v63  }
0x1aa: {  	s0 =	smul.u32 @!p0 $0x1400, s13  }
0x1ab: {  	_ =	swait.ge [sflag:s11], $0x800  }
0x1ac: {  	s10 =	simm.s32 @!p0 $0x80;
	[sflag:s11] =	ssyncset.done $0x0;
	s0 =	sshra.s32 @!p0 s0, $0x2  }
0x1ad: {  	s15 =	simm.s32 @!p0 $0x2800;
	[sflag:s11] =	ssyncadd.s32 $0xFFFFF800;
	s9 =	sadd.s32 @!p0 $0x500, s0  }
0x1ae: {  	[tilespmem:s15], [sflag:$0x1] =	stream.indirect.gather @!p0 [hbm4b:s2+s10], $0x40, s9, s10, $0xb8;
	[tilespmem:$0x18800] =	vst v63  }
0x1af: {  	s9 =	sadd.s32 @!p0 $0x580, s0;
	s15 =	simm.s32 @!p0 $0x4800  }
0x1b0: {  	[tilespmem:s15], [sflag:$0x1] =	stream.indirect.gather @!p0 [hbm4b:s2+s10], $0x40, s9, s10, $0xb8;
	[tilespmem:$0x18800] =	vst v63  }
0x1b1: {  	s9 =	sadd.s32 @!p0 $0x600, s0;
	s15 =	simm.s32 @!p0 $0x6800  }
0x1b2: {  	[tilespmem:s15], [sflag:$0x1] =	stream.indirect.gather @!p0 [hbm4b:s2+s10], $0x40, s9, s10, $0xb8;
	[tilespmem:$0x18800] =	vst v63  }
0x1b3: {  	s9 =	sadd.s32 @!p0 $0x680, s0;
	s15 =	simm.s32 @!p0 $0x8800  }
0x1b4: {  	[tilespmem:s15], [sflag:$0x1] =	stream.indirect.gather @!p0 [hbm4b:s2+s10], $0x40, s9, s10, $0xb8;
	[tilespmem:$0x18800] =	vst v63  }
0x1b5: {  	s0 =	sadd.s32 @!p0 $0x700, s0;
	s9 =	simm.s32 @!p0 $0xA800  }
0x1b6: {  	[tilespmem:s9], [sflag:$0x1] =	stream.indirect.gather @!p0 [hbm4b:s2+s10], $0x40, s0, s10, $0xb8;
	[tilespmem:$0x18800] =	vst v63  }
0x1b7: {  	_ =	swait.ge [sflag:s1], $0x2000  }
0x1b8: {  	[sflag:s1] =	ssyncset.done $0x0  }
0x1b9: {  	[sflag:s1] =	ssyncadd.s32 $0xFFFFE000  }
0x1ba: {  	_ =	swait.ge [sflag:s1], $0x2000  }
0x1bb: {  	[sflag:s1] =	ssyncset.done $0x0  }
0x1bc: {  	[sflag:s1] =	ssyncadd.s32 $0xFFFFE000  }
0x1bd: {  	_ =	swait.ge [sflag:s1], $0x2000  }
0x1be: {  	[sflag:s1] =	ssyncset.done $0x0  }
0x1bf: {  	[sflag:s1] =	ssyncadd.s32 $0xFFFFE000  }
0x1c0: {  	_ =	swait.ge [sflag:s1], $0x2000  }
0x1c1: {  	[sflag:s1] =	ssyncset.done $0x0  }
0x1c2: {  	[sflag:s1] =	ssyncadd.s32 $0xFFFFE000  }
0x1c3: {  	_ =	swait.ge [sflag:s1], $0x2000  }
0x1c4: {  	[sflag:s1] =	ssyncset.done $0x0  }
0x1c5: {  	s21 =	simm.s32 $0x0;
	[sflag:s1] =	ssyncadd.s32 $0xFFFFE000  }
0x1c6: {  	v0 =	vld [tilespmem:s21+$0xC800]  }
0x1c7: {  	v1 =	vld [tilespmem:s21+$0xC840];
	_ =	sdelay $0x1  }
0x1c8: {  	v2 =	vld [tilespmem:s21+$0xC880];
	_ =	sdelay $0x1  }
0x1c9: {  	v3 =	vld [tilespmem:s21+$0xC8C0]  }
0x1ca: {  	v4 =	vmul.f32 v0, v0;
	v5 =	vmul.f32 v1, v1  }
0x1cb: {  	v7 =	vld [tilespmem:s21+$0xC900];
	v6 =	vadd.f32 v1, v0  }
0x1cc: {  	v8 =	vmul.f32 v2, v2;
	v4 =	vadd.f32 v5, v4  }
0x1cd: {  	v5 =	vadd.f32 v2, v6;
	v6 =	vld [tilespmem:s21+$0xC940]  }
0x1ce: {  	v9 =	vmul.f32 v3, v3;
	v4 =	vadd.f32 v8, v4  }
0x1cf: {  	v54 =	vld [tilespmem:s21+$0xC980];
	v5 =	vadd.f32 v3, v5  }
0x1d0: {  	v10 =	vmul.f32 v7, v7;
	v4 =	vadd.f32 v9, v4  }
0x1d1: {  	v55 =	vld [tilespmem:s21+$0xC9C0];
	v5 =	vadd.f32 v7, v5  }
0x1d2: {  	v11 =	vmul.f32 v6, v6;
	v4 =	vadd.f32 v10, v4  }
0x1d3: {  	v56 =	vld [tilespmem:s21+$0xCA00];
	v5 =	vadd.f32 v6, v5  }
0x1d4: {  	v12 =	vmul.f32 v54, v54;
	v4 =	vadd.f32 v11, v4  }
0x1d5: {  	v57 =	vld [tilespmem:s21+$0xCA40];
	v5 =	vadd.f32 v54, v5  }
0x1d6: {  	v13 =	vmul.f32 v55, v55;
	v4 =	vadd.f32 v12, v4  }
0x1d7: {  	v58 =	vld [tilespmem:s21+$0xCA80];
	v5 =	vadd.f32 v55, v5  }
0x1d8: {  	v14 =	vmul.f32 v56, v56;
	v4 =	vadd.f32 v13, v4  }
0x1d9: {  	v59 =	vld [tilespmem:s21+$0xCAC0];
	v5 =	vadd.f32 v56, v5  }
0x1da: {  	v15 =	vmul.f32 v57, v57;
	v4 =	vadd.f32 v14, v4  }
0x1db: {  	v16 =	vld [tilespmem:s21+$0xCB00];
	v60 =	vmax.f32 v0, v1;
	v0 =	vmin.f32 v0, v1;
	v5 =	vadd.f32 v57, v5  }
0x1dc: {  	v61 =	vmul.f32 v58, v58;
	v0 =	vmin.f32 v0, v2;
	v4 =	vadd.f32 v15, v4  }
0x1dd: {  	v62 =	vld [tilespmem:s21+$0xCB40];
	v0 =	vmin.f32 v0, v3;
	v5 =	vadd.f32 v58, v5  }
0x1de: {  	v18 =	vld [tilespmem:s21+$0xCC80];
	v63 =	vmul.f32 v59, v59;
	v0 =	vmin.f32 v0, v7;
	v4 =	vadd.f32 v61, v4  }
0x1df: {  	v0 =	vmin.f32 v0, v6;
	v14 =	vmax.f32 v60, v2;
	v2 =	vld [tilespmem:s21+$0xCB80];
	v5 =	vadd.f32 v59, v5  }
0x1e0: {  	v1 =	vmax.f32 v14, v3;
	v3 =	vmul.f32 v16, v16;
	v4 =	vadd.f32 v63, v4  }
0x1e1: {  	v0 =	vmin.f32 v0, v54;
	v1 =	vmax.f32 v1, v7;
	v7 =	vld [tilespmem:s21+$0xCBC0];
	v5 =	vadd.f32 v16, v5  }
0x1e2: {  	v1 =	vmax.f32 v1, v6;
	v6 =	vmul.f32 v62, v62;
	v3 =	vadd.f32 v3, v4  }
0x1e3: {  	v22 =	vmul.f32 v18, v18;
	v0 =	vmin.f32 v0, v55;
	v4 =	vld [tilespmem:s21+$0xCC00];
	v5 =	vadd.f32 v62, v5  }
0x1e4: {  	v0 =	vmin.f32 v0, v56;
	v15 =	vmul.f32 v2, v2;
	v3 =	vadd.f32 v6, v3  }
0x1e5: {  	v0 =	vmin.f32 v0, v57;
	v1 =	vmax.f32 v1, v54;
	v6 =	vld [tilespmem:s21+$0xCC40];
	v5 =	vadd.f32 v2, v5  }
0x1e6: {  	v1 =	vmax.f32 v1, v55;
	v17 =	vmul.f32 v7, v7;
	v3 =	vadd.f32 v15, v3  }
0x1e7: {  	v0 =	vmin.f32 v0, v58;
	v1 =	vmax.f32 v1, v56;
	v5 =	vadd.f32 v7, v5  }
0x1e8: {  	v1 =	vmax.f32 v1, v57;
	v19 =	vmul.f32 v4, v4;
	v3 =	vadd.f32 v17, v3  }
0x1e9: {  	v20 =	vld [tilespmem:s21+$0xCCC0];
	v0 =	vmin.f32 v0, v59;
	v1 =	vmax.f32 v1, v58;
	v5 =	vadd.f32 v4, v5  }
0x1ea: {  	v1 =	vmax.f32 v1, v59;
	v21 =	vmul.f32 v6, v6;
	v3 =	vadd.f32 v19, v3  }
0x1eb: {  	v0 =	vmin.f32 v0, v16;
	v1 =	vmax.f32 v1, v16;
	v5 =	vadd.f32 v6, v5  }
0x1ec: {  	v0 =	vmin.f32 v0, v62;
	v1 =	vmax.f32 v1, v62;
	v3 =	vadd.f32 v21, v3  }
0x1ed: {  	v0 =	vmin.f32 v0, v2;
	v1 =	vmax.f32 v1, v2;
	v5 =	vadd.f32 v18, v5  }
0x1ee: {  	v2 =	vmul.f32 v20, v20;
	v1 =	vmax.f32 v1, v7;
	v3 =	vadd.f32 v22, v3  }
0x1ef: {  	v0 =	vmin.f32 v0, v7;
	v1 =	vmax.f32 v1, v4;
	v5 =	vadd.f32 v20, v5  }
0x1f0: {  	s15 =	simm.s32 $0x16820;
	v0 =	vmin.f32 v0, v4;
	v1 =	vmax.f32 v1, v6;
	v2 =	vadd.f32 v2, v3  }
0x1f1: {  	s17 =	simm.s32 $0x17020;
	v0 =	vmin.f32 v0, v6;
	v1 =	vmax.f32 v1, v18;
	[tilespmem:s15+$0xFFFFFFE0] =	vst v5  }
0x1f2: {  	s18 =	simm.s32 $0x17820;
	v0 =	vmin.f32 v0, v18;
	v1 =	vmax.f32 v1, v20;
	[tilespmem:s17+$0xFFFFFFE0] =	vst v2  }
0x1f3: {  	s16 =	simm.s32 $0x18020;
	v0 =	vmin.f32 v0, v20;
	[tilespmem:s18+$0xFFFFFFE0] =	vst v1  }
0x1f4: {  	[tilespmem:s16+$0xFFFFFFE0] =	vst v0  }
0x1f5: {  	v0 =	vld [tilespmem:s21+$0xC810]  }
0x1f6: {  	v1 =	vld [tilespmem:s21+$0xC850];
	_ =	sdelay $0x1  }
0x1f7: {  	v2 =	vld [tilespmem:s21+$0xC890];
	_ =	sdelay $0x1  }
0x1f8: {  	v3 =	vld [tilespmem:s21+$0xC8D0]  }
0x1f9: {  	v4 =	vmul.f32 v0, v0;
	v5 =	vmul.f32 v1, v1  }
0x1fa: {  	v7 =	vld [tilespmem:s21+$0xC910];
	v6 =	vadd.f32 v1, v0  }
0x1fb: {  	v4 =	vadd.f32 v5, v4;
	v5 =	vmul.f32 v2, v2  }
0x1fc: {  	v23 =	vld [tilespmem:s21+$0xC950];
	v6 =	vadd.f32 v2, v6  }
0x1fd: {  	v4 =	vadd.f32 v5, v4;
	v5 =	vmul.f32 v3, v3  }
0x1fe: {  	v24 =	vld [tilespmem:s21+$0xC990];
	v6 =	vadd.f32 v3, v6  }
0x1ff: {  	v4 =	vadd.f32 v5, v4;
	v5 =	vmul.f32 v7, v7  }
0x200: {  	v25 =	vld [tilespmem:s21+$0xC9D0];
	v6 =	vadd.f32 v7, v6  }
0x201: {  	v4 =	vadd.f32 v5, v4;
	v5 =	vmul.f32 v23, v23  }
0x202: {  	v26 =	vld [tilespmem:s21+$0xCA10];
	v6 =	vadd.f32 v23, v6  }
0x203: {  	v4 =	vadd.f32 v5, v4;
	v5 =	vmul.f32 v24, v24  }
0x204: {  	v27 =	vld [tilespmem:s21+$0xCA50];
	v6 =	vadd.f32 v24, v6  }
0x205: {  	v4 =	vadd.f32 v5, v4;
	v5 =	vmul.f32 v25, v25  }
0x206: {  	v28 =	vld [tilespmem:s21+$0xCA90];
	v6 =	vadd.f32 v25, v6  }
0x207: {  	v4 =	vadd.f32 v5, v4;
	v5 =	vmul.f32 v26, v26  }
0x208: {  	v29 =	vld [tilespmem:s21+$0xCAD0];
	v6 =	vadd.f32 v26, v6  }
0x209: {  	v31 =	vld [tilespmem:s21+$0xCB10];
	v30 =	vmul.f32 v27, v27;
	v4 =	vadd.f32 v5, v4  }
0x20a: {  	v35 =	vld [tilespmem:s21+$0xCC50];
	v5 =	vmax.f32 v0, v1;
	v6 =	vadd.f32 v27, v6  }
0x20b: {  	v37 =	vld [tilespmem:s21+$0xCC90];
	v0 =	vmin.f32 v0, v1;
	v1 =	vmul.f32 v28, v28;
	v4 =	vadd.f32 v30, v4  }
0x20c: {  	v5 =	vmax.f32 v5, v2;
	v0 =	vmin.f32 v0, v2;
	v2 =	vld [tilespmem:s21+$0xCB50];
	v6 =	vadd.f32 v28, v6  }
0x20d: {  	v32 =	vmul.f32 v29, v29;
	v5 =	vmax.f32 v5, v3;
	v1 =	vadd.f32 v1, v4  }
0x20e: {  	v0 =	vmin.f32 v0, v3;
	v3 =	vmax.f32 v5, v7;
	v4 =	vld [tilespmem:s21+$0xCB90];
	v5 =	vadd.f32 v29, v6  }
0x20f: {  	v40 =	vmul.f32 v35, v35;
	v6 =	vmul.f32 v31, v31;
	v1 =	vadd.f32 v32, v1  }
0x210: {  	v41 =	vmul.f32 v37, v37;
	v0 =	vmin.f32 v0, v7;
	v7 =	vld [tilespmem:s21+$0xCBD0];
	v5 =	vadd.f32 v31, v5  }
0x211: {  	v3 =	vmax.f32 v3, v23;
	v33 =	vmul.f32 v2, v2;
	v1 =	vadd.f32 v6, v1  }
0x212: {  	v0 =	vmin.f32 v0, v23;
	v3 =	vmax.f32 v3, v24;
	v6 =	vld [tilespmem:s21+$0xCC10];
	v5 =	vadd.f32 v2, v5  }
0x213: {  	v0 =	vmin.f32 v0, v24;
	v34 =	vmul.f32 v4, v4;
	v1 =	vadd.f32 v33, v1  }
0x214: {  	v3 =	vmax.f32 v3, v25;
	v0 =	vmin.f32 v0, v25;
	v5 =	vadd.f32 v4, v5  }
0x215: {  	v3 =	vmax.f32 v3, v26;
	v36 =	vmul.f32 v7, v7;
	v1 =	vadd.f32 v34, v1  }
0x216: {  	v0 =	vmin.f32 v0, v26;
	v3 =	vmax.f32 v3, v27;
	v5 =	vadd.f32 v7, v5  }
0x217: {  	v0 =	vmin.f32 v0, v27;
	v38 =	vmul.f32 v6, v6;
	v1 =	vadd.f32 v36, v1  }
0x218: {  	v39 =	vld [tilespmem:s21+$0xCCD0];
	v3 =	vmax.f32 v3, v28;
	v0 =	vmin.f32 v0, v28;
	v5 =	vadd.f32 v6, v5  }
0x219: {  	v3 =	vmax.f32 v3, v29;
	v0 =	vmin.f32 v0, v29;
	v1 =	vadd.f32 v38, v1  }
0x21a: {  	v3 =	vmax.f32 v3, v31;
	v0 =	vmin.f32 v0, v31;
	v5 =	vadd.f32 v35, v5  }
0x21b: {  	v3 =	vmax.f32 v3, v2;
	v0 =	vmin.f32 v0, v2;
	v1 =	vadd.f32 v40, v1  }
0x21c: {  	v3 =	vmax.f32 v3, v4;
	v0 =	vmin.f32 v0, v4;
	v2 =	vadd.f32 v37, v5  }
0x21d: {  	v4 =	vmul.f32 v39, v39;
	v3 =	vmax.f32 v3, v7;
	v1 =	vadd.f32 v41, v1  }
0x21e: {  	v0 =	vmin.f32 v0, v7;
	v3 =	vmax.f32 v3, v6;
	v2 =	vadd.f32 v39, v2  }
0x21f: {  	v0 =	vmin.f32 v0, v6;
	v3 =	vmax.f32 v3, v35;
	v1 =	vadd.f32 v4, v1  }
0x220: {  	v0 =	vmin.f32 v0, v35;
	v3 =	vmax.f32 v3, v37;
	[tilespmem:s15+$0xFFFFFFF0] =	vst v2  }
0x221: {  	v0 =	vmin.f32 v0, v37;
	v2 =	vmax.f32 v3, v39;
	[tilespmem:s17+$0xFFFFFFF0] =	vst v1  }
0x222: {  	v0 =	vmin.f32 v0, v39;
	[tilespmem:s18+$0xFFFFFFF0] =	vst v2  }
0x223: {  	[tilespmem:s16+$0xFFFFFFF0] =	vst v0  }
0x224: {  	v0 =	vld [tilespmem:s21+$0xC820]  }
0x225: {  	v1 =	vld [tilespmem:s21+$0xC860];
	_ =	sdelay $0x1  }
0x226: {  	v2 =	vld [tilespmem:s21+$0xC8A0];
	_ =	sdelay $0x1  }
0x227: {  	v3 =	vld [tilespmem:s21+$0xC8E0]  }
0x228: {  	v4 =	vmul.f32 v0, v0;
	v5 =	vmul.f32 v1, v1  }
0x229: {  	v7 =	vld [tilespmem:s21+$0xC920];
	v6 =	vadd.f32 v1, v0  }
0x22a: {  	v4 =	vadd.f32 v5, v4;
	v5 =	vmul.f32 v2, v2  }
0x22b: {  	v42 =	vld [tilespmem:s21+$0xC960];
	v6 =	vadd.f32 v2, v6  }
0x22c: {  	v4 =	vadd.f32 v5, v4;
	v5 =	vmul.f32 v3, v3  }
0x22d: {  	v43 =	vld [tilespmem:s21+$0xC9A0];
	v6 =	vadd.f32 v3, v6  }
0x22e: {  	v4 =	vadd.f32 v5, v4;
	v5 =	vmul.f32 v7, v7  }
0x22f: {  	v44 =	vld [tilespmem:s21+$0xC9E0];
	v6 =	vadd.f32 v7, v6  }
0x230: {  	v4 =	vadd.f32 v5, v4;
	v5 =	vmul.f32 v42, v42  }
0x231: {  	v45 =	vld [tilespmem:s21+$0xCA20];
	v6 =	vadd.f32 v42, v6  }
0x232: {  	v4 =	vadd.f32 v5, v4;
	v5 =	vmul.f32 v43, v43  }
0x233: {  	v46 =	vld [tilespmem:s21+$0xCA60];
	v6 =	vadd.f32 v43, v6  }
0x234: {  	v4 =	vadd.f32 v5, v4;
	v5 =	vmul.f32 v44, v44  }
0x235: {  	v47 =	vld [tilespmem:s21+$0xCAA0];
	v6 =	vadd.f32 v44, v6  }
0x236: {  	v4 =	vadd.f32 v5, v4;
	v5 =	vmul.f32 v45, v45  }
0x237: {  	v48 =	vld [tilespmem:s21+$0xCAE0];
	v6 =	vadd.f32 v45, v6  }
0x238: {  	v4 =	vadd.f32 v5, v4;
	v5 =	vmul.f32 v46, v46  }
0x239: {  	v50 =	vld [tilespmem:s21+$0xCB20];
	v49 =	vmax.f32 v0, v1;
	v6 =	vadd.f32 v46, v6  }
0x23a: {  	v54 =	vld [tilespmem:s21+$0xCC60];
	v0 =	vmin.f32 v0, v1;
	v1 =	vadd.f32 v5, v4;
	v4 =	vmul.f32 v47, v47  }
0x23b: {  	v0 =	vmin.f32 v0, v2;
	v5 =	vmax.f32 v49, v2;
	v2 =	vld [tilespmem:s21+$0xCB60];
	v6 =	vadd.f32 v47, v6  }
0x23c: {  	v56 =	vld [tilespmem:s21+$0xCCA0];
	v51 =	vmul.f32 v48, v48;
	v5 =	vmax.f32 v5, v3;
	v1 =	vadd.f32 v4, v1  }
0x23d: {  	v0 =	vmin.f32 v0, v3;
	v3 =	vmax.f32 v5, v7;
	v4 =	vld [tilespmem:s21+$0xCBA0];
	v5 =	vadd.f32 v48, v6  }
0x23e: {  	v0 =	vmin.f32 v0, v7;
	v6 =	vmul.f32 v50, v50;
	v1 =	vadd.f32 v51, v1  }
0x23f: {  	v59 =	vmul.f32 v54, v54;
	v0 =	vmin.f32 v0, v42;
	v7 =	vld [tilespmem:s21+$0xCBE0];
	v5 =	vadd.f32 v50, v5  }
0x240: {  	v0 =	vmin.f32 v0, v43;
	v52 =	vmul.f32 v2, v2;
	v1 =	vadd.f32 v6, v1  }
0x241: {  	v60 =	vmul.f32 v56, v56;
	v0 =	vmin.f32 v0, v44;
	v6 =	vld [tilespmem:s21+$0xCC20];
	v5 =	vadd.f32 v2, v5  }
0x242: {  	v3 =	vmax.f32 v3, v42;
	v53 =	vmul.f32 v4, v4;
	v1 =	vadd.f32 v52, v1  }
0x243: {  	v0 =	vmin.f32 v0, v45;
	v3 =	vmax.f32 v3, v43;
	v5 =	vadd.f32 v4, v5  }
0x244: {  	v3 =	vmax.f32 v3, v44;
	v55 =	vmul.f32 v7, v7;
	v1 =	vadd.f32 v53, v1  }
0x245: {  	v0 =	vmin.f32 v0, v46;
	v3 =	vmax.f32 v3, v45;
	v5 =	vadd.f32 v7, v5  }
0x246: {  	v3 =	vmax.f32 v3, v46;
	v57 =	vmul.f32 v6, v6;
	v1 =	vadd.f32 v55, v1  }
0x247: {  	v58 =	vld [tilespmem:s21+$0xCCE0];
	v0 =	vmin.f32 v0, v47;
	v3 =	vmax.f32 v3, v47;
	v5 =	vadd.f32 v6, v5  }
0x248: {  	v0 =	vmin.f32 v0, v48;
	v3 =	vmax.f32 v3, v48;
	v1 =	vadd.f32 v57, v1  }
0x249: {  	v0 =	vmin.f32 v0, v50;
	v3 =	vmax.f32 v3, v50;
	v5 =	vadd.f32 v54, v5  }
0x24a: {  	v0 =	vmin.f32 v0, v2;
	v3 =	vmax.f32 v3, v2;
	v1 =	vadd.f32 v59, v1  }
0x24b: {  	v0 =	vmin.f32 v0, v4;
	v3 =	vmax.f32 v3, v4;
	v2 =	vadd.f32 v56, v5  }
0x24c: {  	v4 =	vmul.f32 v58, v58;
	v3 =	vmax.f32 v3, v7;
	v1 =	vadd.f32 v60, v1  }
0x24d: {  	v0 =	vmin.f32 v0, v7;
	v3 =	vmax.f32 v3, v6;
	v2 =	vadd.f32 v58, v2  }
0x24e: {  	v0 =	vmin.f32 v0, v6;
	v3 =	vmax.f32 v3, v54;
	v1 =	vadd.f32 v4, v1  }
0x24f: {  	v0 =	vmin.f32 v0, v54;
	v3 =	vmax.f32 v3, v56;
	[tilespmem:s15+$0x0] =	vst v2  }
0x250: {  	v0 =	vmin.f32 v0, v56;
	v2 =	vmax.f32 v3, v58;
	[tilespmem:s17+$0x0] =	vst v1  }
0x251: {  	v0 =	vmin.f32 v0, v58;
	[tilespmem:s18+$0x0] =	vst v2  }
0x252: {  	[tilespmem:s16+$0x0] =	vst v0  }
0x253: {  	v0 =	vld [tilespmem:s21+$0xC830]  }
0x254: {  	v1 =	vld [tilespmem:s21+$0xC870];
	_ =	sdelay $0x1  }
0x255: {  	v2 =	vld [tilespmem:s21+$0xC8B0];
	_ =	sdelay $0x1  }
0x256: {  	v3 =	vld [tilespmem:s21+$0xC8F0]  }
0x257: {  	v4 =	vmul.f32 v0, v0;
	v5 =	vadd.f32 v1, v0;
	v6 =	vmul.f32 v1, v1  }
0x258: {  	v7 =	vld [tilespmem:s21+$0xC930];
	v61 =	vmax.f32 v0, v1;
	v0 =	vmin.f32 v0, v1  }
0x259: {  	v1 =	vadd.f32 v6, v4;
	v4 =	vadd.f32 v2, v5;
	v5 =	vmul.f32 v2, v2  }
0x25a: {  	v8 =	vmax.f32 v61, v2;
	v0 =	vmin.f32 v0, v2;
	v6 =	vld [tilespmem:s21+$0xC970]  }
0x25b: {  	v1 =	vadd.f32 v5, v1;
	v2 =	vadd.f32 v3, v4;
	v4 =	vmul.f32 v3, v3  }
0x25c: {  	v8 =	vmax.f32 v8, v3;
	v0 =	vmin.f32 v0, v3;
	v5 =	vld [tilespmem:s21+$0xC9B0]  }
0x25d: {  	v3 =	vmul.f32 v7, v7;
	v1 =	vadd.f32 v4, v1;
	v2 =	vadd.f32 v7, v2  }
0x25e: {  	v8 =	vmax.f32 v8, v7;
	v0 =	vmin.f32 v0, v7;
	v4 =	vld [tilespmem:s21+$0xC9F0]  }
0x25f: {  	v7 =	vmul.f32 v6, v6;
	v1 =	vadd.f32 v3, v1;
	v2 =	vadd.f32 v6, v2  }
0x260: {  	v8 =	vmax.f32 v8, v6;
	v0 =	vmin.f32 v0, v6;
	v3 =	vld [tilespmem:s21+$0xCA30]  }
0x261: {  	v6 =	vmul.f32 v5, v5;
	v1 =	vadd.f32 v7, v1;
	v2 =	vadd.f32 v5, v2  }
0x262: {  	v8 =	vmax.f32 v8, v5;
	v0 =	vmin.f32 v0, v5;
	v7 =	vld [tilespmem:s21+$0xCA70]  }
0x263: {  	v5 =	vmul.f32 v4, v4;
	v1 =	vadd.f32 v6, v1;
	v2 =	vadd.f32 v4, v2  }
0x264: {  	v8 =	vmax.f32 v8, v4;
	v0 =	vmin.f32 v0, v4;
	v6 =	vld [tilespmem:s21+$0xCAB0]  }
0x265: {  	v4 =	vmul.f32 v3, v3;
	v1 =	vadd.f32 v5, v1;
	v2 =	vadd.f32 v3, v2  }
0x266: {  	v8 =	vmax.f32 v8, v3;
	v0 =	vmin.f32 v0, v3;
	v5 =	vld [tilespmem:s21+$0xCAF0]  }
0x267: {  	v3 =	vmul.f32 v7, v7;
	v1 =	vadd.f32 v4, v1;
	v2 =	vadd.f32 v7, v2  }
0x268: {  	v8 =	vmax.f32 v8, v7;
	v0 =	vmin.f32 v0, v7;
	v4 =	vld [tilespmem:s21+$0xCB30]  }
0x269: {  	v1 =	vadd.f32 v3, v1;
	v2 =	vadd.f32 v6, v2;
	v3 =	vmul.f32 v6, v6  }
0x26a: {  	v7 =	vld [tilespmem:s21+$0xCB70];
	v8 =	vmax.f32 v8, v6;
	v0 =	vmin.f32 v0, v6  }
0x26b: {  	v1 =	vadd.f32 v3, v1;
	v2 =	vadd.f32 v5, v2;
	v3 =	vmul.f32 v5, v5  }
0x26c: {  	v6 =	vld [tilespmem:s21+$0xCBB0];
	v8 =	vmax.f32 v8, v5;
	v0 =	vmin.f32 v0, v5  }
0x26d: {  	v5 =	vmul.f32 v4, v4;
	v1 =	vadd.f32 v3, v1;
	v2 =	vadd.f32 v4, v2  }
0x26e: {  	v8 =	vmax.f32 v8, v4;
	v0 =	vmin.f32 v0, v4;
	v3 =	vld [tilespmem:s21+$0xCBF0]  }
0x26f: {  	v4 =	vmul.f32 v7, v7;
	v1 =	vadd.f32 v5, v1;
	v2 =	vadd.f32 v7, v2  }
0x270: {  	v8 =	vmax.f32 v8, v7;
	v0 =	vmin.f32 v0, v7;
	v5 =	vld [tilespmem:s21+$0xCC30]  }
0x271: {  	v7 =	vmul.f32 v6, v6;
	v1 =	vadd.f32 v4, v1;
	v2 =	vadd.f32 v6, v2  }
0x272: {  	v8 =	vmax.f32 v8, v6;
	v0 =	vmin.f32 v0, v6;
	v4 =	vld [tilespmem:s21+$0xCC70]  }
0x273: {  	v6 =	vmul.f32 v3, v3;
	v1 =	vadd.f32 v7, v1;
	v2 =	vadd.f32 v3, v2  }
0x274: {  	v8 =	vmax.f32 v8, v3;
	v7 =	vld [tilespmem:s21+$0xCCB0];
	v3 =	vmin.f32 v0, v3  }
0x275: {  	v62 =	vmul.f32 v5, v5;
	v1 =	vadd.f32 v6, v1;
	v2 =	vadd.f32 v5, v2  }
0x276: {  	v0 =	vld [tilespmem:s21+$0xCCF0];
	v3 =	vmin.f32 v3, v5;
	v6 =	vmax.f32 v8, v5  }
0x277: {  	v5 =	vmul.f32 v4, v4;
	v1 =	vadd.f32 v62, v1;
	v2 =	vadd.f32 v4, v2  }
0x278: {  	v6 =	vmax.f32 v6, v4;
	v3 =	vmin.f32 v3, v4  }
0x279: {  	v63 =	vmul.f32 v7, v7;
	v4 =	vadd.f32 v5, v1;
	v5 =	vadd.f32 v7, v2  }
0x27a: {  	s19 =	simm.s32 $0x1400;
	s20 =	simm.s32 $0x17820;
	v1 =	vmax.f32 v6, v7;
	v2 =	vmin.f32 v3, v7  }
0x27b: {  	s9 =	simm.s32 $0x18060;
	s0 =	simm.s32 $0x16820;
	s10 =	simm.s32 $0x17020;
	v3 =	vadd.f32 v63, v4;
	v4 =	vadd.f32 v0, v5;
	v5 =	vmul.f32 v0, v0  }
.LBB2_5:
0x27c: {  	s15 =	sadd.s32 $0x40, s15  }
0x27d: {  	s17 =	sadd.s32 $0x40, s17;
	s18 =	sadd.s32 $0x40, s18;
	s21 =	smov.u32 s19  }
0x27e: {  	p0 =	sne.s32 s19, $0x26C00;
	s19 =	sadd.s32 $0x1400, s19;
	v3 =	vadd.f32 v5, v3;
	[tilespmem:s0+$0x10] =	vst v4;
	s0 =	smov.u32 s15  }
0x27f: {  	_ = 	snop  }
0x280: {  	v1 =	vmax.f32 v1, v0;
	[tilespmem:s10+$0x10] =	vst v3;
	s10 =	smov.u32 s17  }
0x281: {  	v0 =	vmin.f32 v2, v0;
	[tilespmem:s20+$0x10] =	vst v1;
	s20 =	smov.u32 s18  }
0x282: {  	[tilespmem:s16+$0x10] =	vst v0;
	s16 =	smov.u32 s9;
	_ =	sdelay $0x2  }
0x283: {  	s21 =	sshra.s32 s21, $0x2  }
0x284: {  	v0 =	vld [tilespmem:s21+$0xC800]  }
0x285: {  	v1 =	vld [tilespmem:s21+$0xC840]  }
0x286: {  	v2 =	vld [tilespmem:s21+$0xC880];
	_ =	sdelay $0x1  }
0x287: {  	v3 =	vld [tilespmem:s21+$0xC8C0]  }
0x288: {  	v4 =	vmul.f32 v0, v0  }
0x289: {  	v5 =	vadd.f32 v1, v0;
	v6 =	vmul.f32 v1, v1;
	v7 =	vmax.f32 v0, v1;
	v8 =	vld [tilespmem:s21+$0xC900]  }
0x28a: {  	v0 =	vmin.f32 v0, v1;
	v1 =	vmul.f32 v2, v2;
	v7 =	vmax.f32 v7, v2  }
0x28b: {  	v0 =	vmin.f32 v0, v2;
	v4 =	vadd.f32 v6, v4;
	v5 =	vadd.f32 v2, v5;
	v2 =	vld [tilespmem:s21+$0xC940]  }
0x28c: {  	v6 =	vmul.f32 v3, v3;
	v7 =	vmax.f32 v7, v3  }
0x28d: {  	v1 =	vadd.f32 v1, v4;
	v4 =	vadd.f32 v3, v5;
	v5 =	vld [tilespmem:s21+$0xC980]  }
0x28e: {  	v9 =	vmul.f32 v8, v8  }
0x28f: {  	v1 =	vadd.f32 v6, v1;
	v4 =	vadd.f32 v8, v4;
	v6 =	vmax.f32 v7, v8;
	v7 =	vld [tilespmem:s21+$0xC9C0]  }
0x290: {  	v10 =	vmul.f32 v2, v2;
	v6 =	vmax.f32 v6, v2  }
0x291: {  	v0 =	vmin.f32 v0, v3;
	v1 =	vadd.f32 v9, v1;
	v3 =	vadd.f32 v2, v4;
	v4 =	vld [tilespmem:s21+$0xCA00]  }
0x292: {  	v0 =	vmin.f32 v0, v8;
	v8 =	vmul.f32 v5, v5;
	v6 =	vmax.f32 v6, v5;
	v9 =	vld [tilespmem:s21+$0xCA40]  }
0x293: {  	v0 =	vmin.f32 v0, v2;
	v1 =	vadd.f32 v10, v1;
	v2 =	vadd.f32 v5, v3;
	v3 =	vld [tilespmem:s21+$0xCA80]  }
0x294: {  	v0 =	vmin.f32 v0, v5;
	v5 =	vmul.f32 v7, v7;
	v6 =	vmax.f32 v6, v7;
	v10 =	vld [tilespmem:s21+$0xCAC0]  }
0x295: {  	v0 =	vmin.f32 v0, v7;
	v1 =	vadd.f32 v8, v1;
	v2 =	vadd.f32 v7, v2;
	v7 =	vld [tilespmem:s21+$0xCB00]  }
0x296: {  	v8 =	vmul.f32 v4, v4;
	v6 =	vmax.f32 v6, v4;
	v0 =	vmin.f32 v0, v4;
	v11 =	vld [tilespmem:s21+$0xCB40]  }
0x297: {  	v1 =	vadd.f32 v5, v1;
	v2 =	vadd.f32 v4, v2;
	v4 =	vmax.f32 v6, v9;
	v5 =	vld [tilespmem:s21+$0xCB80]  }
0x298: {  	v6 =	vmul.f32 v9, v9;
	v0 =	vmin.f32 v0, v9;
	v4 =	vmax.f32 v4, v3;
	v12 =	vld [tilespmem:s21+$0xCBC0]  }
0x299: {  	v1 =	vadd.f32 v8, v1;
	v2 =	vadd.f32 v9, v2;
	v4 =	vmax.f32 v4, v10;
	v8 =	vld [tilespmem:s21+$0xCC00]  }
0x29a: {  	v0 =	vmin.f32 v0, v3;
	v9 =	vmul.f32 v3, v3;
	v4 =	vmax.f32 v4, v7;
	v13 =	vld [tilespmem:s21+$0xCC40]  }
0x29b: {  	v1 =	vadd.f32 v6, v1;
	v2 =	vadd.f32 v3, v2;
	v3 =	vmax.f32 v4, v11;
	v4 =	vld [tilespmem:s21+$0xCC80]  }
0x29c: {  	v0 =	vmin.f32 v0, v10;
	v6 =	vmul.f32 v10, v10;
	v3 =	vmax.f32 v3, v5  }
0x29d: {  	v1 =	vadd.f32 v9, v1;
	v2 =	vadd.f32 v10, v2;
	v3 =	vmax.f32 v3, v12  }
0x29e: {  	v0 =	vmin.f32 v0, v7;
	v9 =	vmul.f32 v7, v7;
	v3 =	vmax.f32 v3, v8  }
0x29f: {  	v1 =	vadd.f32 v6, v1;
	v2 =	vadd.f32 v7, v2;
	v3 =	vmax.f32 v3, v13  }
0x2a0: {  	v0 =	vmin.f32 v0, v11;
	v6 =	vmul.f32 v11, v11;
	v3 =	vmax.f32 v3, v4  }
0x2a1: {  	v0 =	vmin.f32 v0, v5;
	v1 =	vadd.f32 v9, v1;
	v2 =	vadd.f32 v11, v2  }
0x2a2: {  	v0 =	vmin.f32 v0, v12;
	v7 =	vmul.f32 v5, v5  }
0x2a3: {  	v0 =	vmin.f32 v0, v8;
	v1 =	vadd.f32 v6, v1;
	v2 =	vadd.f32 v5, v2  }
0x2a4: {  	v0 =	vmin.f32 v0, v13;
	v5 =	vmul.f32 v12, v12  }
0x2a5: {  	v0 =	vmin.f32 v0, v4;
	v1 =	vadd.f32 v7, v1;
	v2 =	vadd.f32 v12, v2  }
0x2a6: {  	v6 =	vmul.f32 v8, v8  }
0x2a7: {  	v1 =	vadd.f32 v5, v1;
	v2 =	vadd.f32 v8, v2;
	v5 =	vld [tilespmem:s21+$0xCCC0]  }
0x2a8: {  	v7 =	vmul.f32 v13, v13  }
0x2a9: {  	v1 =	vadd.f32 v6, v1;
	v2 =	vadd.f32 v13, v2  }
0x2aa: {  	v6 =	vmul.f32 v4, v4  }
0x2ab: {  	v1 =	vadd.f32 v7, v1;
	v2 =	vadd.f32 v4, v2  }
0x2ac: {  	v4 =	vmul.f32 v5, v5  }
0x2ad: {  	v1 =	vadd.f32 v6, v1;
	v2 =	vadd.f32 v5, v2;
	_ =	sdelay $0x1  }
0x2ae: {  	v1 =	vadd.f32 v4, v1;
	[tilespmem:s15+$0xFFFFFFE0] =	vst v2;
	_ =	sdelay $0x1  }
0x2af: {  	v2 =	vmax.f32 v3, v5;
	[tilespmem:s17+$0xFFFFFFE0] =	vst v1  }
0x2b0: {  	v0 =	vmin.f32 v0, v5;
	[tilespmem:s18+$0xFFFFFFE0] =	vst v2  }
0x2b1: {  	[tilespmem:s9+$0xFFFFFFE0] =	vst v0  }
0x2b2: {  	v0 =	vld [tilespmem:s21+$0xC810]  }
0x2b3: {  	v1 =	vld [tilespmem:s21+$0xC850];
	_ =	sdelay $0x1  }
0x2b4: {  	v2 =	vld [tilespmem:s21+$0xC890];
	_ =	sdelay $0x1  }
0x2b5: {  	v3 =	vmul.f32 v0, v0;
	v4 =	vld [tilespmem:s21+$0xC8D0]  }
0x2b6: {  	v5 =	vadd.f32 v1, v0;
	v6 =	vmul.f32 v1, v1;
	v7 =	vmax.f32 v0, v1  }
0x2b7: {  	v0 =	vmin.f32 v0, v1;
	v1 =	vld [tilespmem:s21+$0xC910]  }
0x2b8: {  	v3 =	vadd.f32 v6, v3;
	v5 =	vadd.f32 v2, v5;
	v6 =	vmul.f32 v2, v2  }
0x2b9: {  	v7 =	vmax.f32 v7, v2;
	v0 =	vmin.f32 v0, v2;
	v2 =	vld [tilespmem:s21+$0xC950]  }
0x2ba: {  	v3 =	vadd.f32 v6, v3;
	v5 =	vadd.f32 v4, v5;
	v6 =	vmul.f32 v4, v4  }
0x2bb: {  	v7 =	vmax.f32 v7, v4;
	v0 =	vmin.f32 v0, v4;
	v4 =	vld [tilespmem:s21+$0xC990]  }
0x2bc: {  	v3 =	vadd.f32 v6, v3;
	v5 =	vadd.f32 v1, v5;
	v6 =	vmul.f32 v1, v1  }
0x2bd: {  	v7 =	vmax.f32 v7, v1;
	v0 =	vmin.f32 v0, v1;
	v1 =	vld [tilespmem:s21+$0xC9D0]  }
0x2be: {  	v3 =	vadd.f32 v6, v3;
	v5 =	vadd.f32 v2, v5;
	v6 =	vmul.f32 v2, v2  }
0x2bf: {  	v7 =	vmax.f32 v7, v2;
	v0 =	vmin.f32 v0, v2;
	v2 =	vld [tilespmem:s21+$0xCA10]  }
0x2c0: {  	v3 =	vadd.f32 v6, v3;
	v5 =	vadd.f32 v4, v5;
	v6 =	vmul.f32 v4, v4;
	v8 =	vld [tilespmem:s21+$0xCA50]  }
0x2c1: {  	v7 =	vmax.f32 v7, v4;
	v0 =	vmin.f32 v0, v4;
	v4 =	vld [tilespmem:s21+$0xCA90]  }
0x2c2: {  	v3 =	vadd.f32 v6, v3;
	v5 =	vadd.f32 v1, v5;
	v6 =	vmul.f32 v1, v1  }
0x2c3: {  	v7 =	vmax.f32 v7, v1;
	v0 =	vmin.f32 v0, v1;
	v1 =	vld [tilespmem:s21+$0xCAD0]  }
0x2c4: {  	v3 =	vadd.f32 v6, v3;
	v5 =	vadd.f32 v2, v5;
	v6 =	vmul.f32 v2, v2;
	v9 =	vld [tilespmem:s21+$0xCB10]  }
0x2c5: {  	v7 =	vmax.f32 v7, v2;
	v0 =	vmin.f32 v0, v2;
	v2 =	vmul.f32 v8, v8;
	v10 =	vld [tilespmem:s21+$0xCB50]  }
0x2c6: {  	v3 =	vadd.f32 v6, v3;
	v5 =	vadd.f32 v8, v5;
	v6 =	vmax.f32 v7, v8;
	v7 =	vld [tilespmem:s21+$0xCB90]  }
0x2c7: {  	v0 =	vmin.f32 v0, v8;
	v8 =	vmul.f32 v4, v4;
	v6 =	vmax.f32 v6, v4;
	v11 =	vld [tilespmem:s21+$0xCBD0]  }
0x2c8: {  	v2 =	vadd.f32 v2, v3;
	v3 =	vadd.f32 v4, v5;
	v5 =	vmax.f32 v6, v1;
	v6 =	vld [tilespmem:s21+$0xCC10]  }
0x2c9: {  	v0 =	vmin.f32 v0, v4;
	v4 =	vmul.f32 v1, v1;
	v5 =	vmax.f32 v5, v9;
	v12 =	vld [tilespmem:s21+$0xCC50]  }
0x2ca: {  	v2 =	vadd.f32 v8, v2;
	v3 =	vadd.f32 v1, v3;
	v5 =	vmax.f32 v5, v10;
	v8 =	vld [tilespmem:s21+$0xCC90]  }
0x2cb: {  	v0 =	vmin.f32 v0, v1;
	v1 =	vmul.f32 v9, v9;
	v5 =	vmax.f32 v5, v7  }
0x2cc: {  	v2 =	vadd.f32 v4, v2;
	v3 =	vadd.f32 v9, v3;
	v4 =	vmax.f32 v5, v11  }
0x2cd: {  	v0 =	vmin.f32 v0, v9;
	v5 =	vmul.f32 v10, v10;
	v4 =	vmax.f32 v4, v6  }
0x2ce: {  	v1 =	vadd.f32 v1, v2;
	v2 =	vadd.f32 v10, v3;
	v3 =	vmax.f32 v4, v12  }
0x2cf: {  	v0 =	vmin.f32 v0, v10;
	v4 =	vmul.f32 v7, v7;
	v3 =	vmax.f32 v3, v8  }
0x2d0: {  	v0 =	vmin.f32 v0, v7;
	v1 =	vadd.f32 v5, v1;
	v2 =	vadd.f32 v7, v2  }
0x2d1: {  	v0 =	vmin.f32 v0, v11;
	v5 =	vmul.f32 v11, v11  }
0x2d2: {  	v0 =	vmin.f32 v0, v6;
	v1 =	vadd.f32 v4, v1;
	v2 =	vadd.f32 v11, v2  }
0x2d3: {  	v0 =	vmin.f32 v0, v12;
	v4 =	vmul.f32 v6, v6  }
0x2d4: {  	v0 =	vmin.f32 v0, v8;
	v1 =	vadd.f32 v5, v1;
	v2 =	vadd.f32 v6, v2  }
0x2d5: {  	v5 =	vld [tilespmem:s21+$0xCCD0]  }
0x2d6: {  	v1 =	vadd.f32 v4, v1;
	v2 =	vadd.f32 v12, v2;
	v4 =	vmul.f32 v12, v12;
	_ =	sdelay $0x1  }
0x2d7: {  	v1 =	vadd.f32 v4, v1;
	v2 =	vadd.f32 v8, v2;
	v4 =	vmul.f32 v8, v8;
	_ =	sdelay $0x1  }
0x2d8: {  	v1 =	vadd.f32 v4, v1;
	v2 =	vadd.f32 v5, v2;
	v4 =	vmul.f32 v5, v5;
	_ =	sdelay $0x1  }
0x2d9: {  	v1 =	vadd.f32 v4, v1;
	[tilespmem:s15+$0xFFFFFFF0] =	vst v2;
	_ =	sdelay $0x1  }
0x2da: {  	v2 =	vmax.f32 v3, v5;
	[tilespmem:s17+$0xFFFFFFF0] =	vst v1  }
0x2db: {  	v0 =	vmin.f32 v0, v5;
	[tilespmem:s18+$0xFFFFFFF0] =	vst v2  }
0x2dc: {  	[tilespmem:s9+$0xFFFFFFF0] =	vst v0  }
0x2dd: {  	v0 =	vld [tilespmem:s21+$0xC820]  }
0x2de: {  	v1 =	vld [tilespmem:s21+$0xC860]  }
0x2df: {  	v2 =	vld [tilespmem:s21+$0xC8A0];
	_ =	sdelay $0x2  }
0x2e0: {  	v3 =	vmul.f32 v0, v0;
	v4 =	vld [tilespmem:s21+$0xC8E0]  }
0x2e1: {  	v5 =	vadd.f32 v1, v0;
	v6 =	vmul.f32 v1, v1;
	v7 =	vmax.f32 v0, v1  }
0x2e2: {  	v0 =	vmin.f32 v0, v1;
	v1 =	vmax.f32 v7, v2;
	v7 =	vld [tilespmem:s21+$0xC920]  }
0x2e3: {  	v3 =	vadd.f32 v6, v3;
	v5 =	vadd.f32 v2, v5;
	v6 =	vmul.f32 v2, v2  }
0x2e4: {  	v0 =	vmin.f32 v0, v2;
	v2 =	vld [tilespmem:s21+$0xC960]  }
0x2e5: {  	v3 =	vadd.f32 v6, v3;
	v5 =	vadd.f32 v4, v5;
	v6 =	vmul.f32 v4, v4  }
0x2e6: {  	v1 =	vmax.f32 v1, v4;
	v0 =	vmin.f32 v0, v4;
	v4 =	vld [tilespmem:s21+$0xC9A0]  }
0x2e7: {  	v3 =	vadd.f32 v6, v3;
	v5 =	vadd.f32 v7, v5;
	v6 =	vmul.f32 v7, v7  }
0x2e8: {  	v1 =	vmax.f32 v1, v7;
	v0 =	vmin.f32 v0, v7;
	v7 =	vld [tilespmem:s21+$0xC9E0]  }
0x2e9: {  	v3 =	vadd.f32 v6, v3;
	v5 =	vadd.f32 v2, v5;
	v6 =	vmul.f32 v2, v2  }
0x2ea: {  	v1 =	vmax.f32 v1, v2;
	v0 =	vmin.f32 v0, v2;
	v2 =	vld [tilespmem:s21+$0xCA20]  }
0x2eb: {  	v3 =	vadd.f32 v6, v3;
	v5 =	vadd.f32 v4, v5;
	v6 =	vmul.f32 v4, v4  }
0x2ec: {  	v1 =	vmax.f32 v1, v4;
	v0 =	vmin.f32 v0, v4;
	v4 =	vld [tilespmem:s21+$0xCA60]  }
0x2ed: {  	v3 =	vadd.f32 v6, v3;
	v5 =	vadd.f32 v7, v5;
	v6 =	vmul.f32 v7, v7  }
0x2ee: {  	v1 =	vmax.f32 v1, v7;
	v0 =	vmin.f32 v0, v7;
	v7 =	vld [tilespmem:s21+$0xCAA0]  }
0x2ef: {  	v3 =	vadd.f32 v6, v3;
	v5 =	vadd.f32 v2, v5;
	v6 =	vmul.f32 v2, v2;
	v8 =	vld [tilespmem:s21+$0xCAE0]  }
0x2f0: {  	v1 =	vmax.f32 v1, v2;
	v0 =	vmin.f32 v0, v2;
	v2 =	vld [tilespmem:s21+$0xCB20]  }
0x2f1: {  	v3 =	vadd.f32 v6, v3;
	v5 =	vadd.f32 v4, v5;
	v6 =	vmul.f32 v4, v4;
	v9 =	vld [tilespmem:s21+$0xCB60]  }
0x2f2: {  	v1 =	vmax.f32 v1, v4;
	v0 =	vmin.f32 v0, v4;
	v4 =	vld [tilespmem:s21+$0xCBA0]  }
0x2f3: {  	v3 =	vadd.f32 v6, v3;
	v5 =	vadd.f32 v7, v5;
	v1 =	vmax.f32 v1, v7;
	v6 =	vld [tilespmem:s21+$0xCBE0]  }
0x2f4: {  	v10 =	vmul.f32 v7, v7;
	v0 =	vmin.f32 v0, v7;
	v1 =	vmax.f32 v1, v8;
	v7 =	vld [tilespmem:s21+$0xCC20]  }
0x2f5: {  	v11 =	vmul.f32 v8, v8;
	v5 =	vadd.f32 v8, v5;
	v1 =	vmax.f32 v1, v2;
	v12 =	vld [tilespmem:s21+$0xCC60]  }
0x2f6: {  	v0 =	vmin.f32 v0, v8;
	v3 =	vadd.f32 v10, v3;
	v1 =	vmax.f32 v1, v9;
	v8 =	vld [tilespmem:s21+$0xCCA0]  }
0x2f7: {  	v10 =	vmul.f32 v2, v2;
	v5 =	vadd.f32 v2, v5;
	v1 =	vmax.f32 v1, v4  }
0x2f8: {  	v0 =	vmin.f32 v0, v2;
	v3 =	vadd.f32 v11, v3;
	v1 =	vmax.f32 v1, v6  }
0x2f9: {  	v2 =	vadd.f32 v9, v5;
	v5 =	vmul.f32 v9, v9;
	v1 =	vmax.f32 v1, v7  }
0x2fa: {  	v0 =	vmin.f32 v0, v9;
	v3 =	vadd.f32 v10, v3;
	v1 =	vmax.f32 v1, v12  }
0x2fb: {  	v2 =	vadd.f32 v4, v2;
	v1 =	vmax.f32 v1, v8  }
0x2fc: {  	v0 =	vmin.f32 v0, v4;
	v3 =	vadd.f32 v5, v3;
	v5 =	vmul.f32 v4, v4  }
0x2fd: {  	v0 =	vmin.f32 v0, v6;
	v2 =	vadd.f32 v6, v2  }
0x2fe: {  	v0 =	vmin.f32 v0, v7;
	v4 =	vmul.f32 v6, v6;
	v3 =	vadd.f32 v5, v3  }
0x2ff: {  	v0 =	vmin.f32 v0, v12;
	v2 =	vadd.f32 v7, v2  }
0x300: {  	v0 =	vmin.f32 v0, v8;
	v3 =	vadd.f32 v4, v3;
	v4 =	vmul.f32 v7, v7;
	v5 =	vld [tilespmem:s21+$0xCCE0]  }
0x301: {  	v2 =	vadd.f32 v12, v2  }
0x302: {  	v3 =	vadd.f32 v4, v3;
	v4 =	vmul.f32 v12, v12  }
0x303: {  	v2 =	vadd.f32 v8, v2  }
0x304: {  	v3 =	vadd.f32 v4, v3;
	v4 =	vmul.f32 v8, v8  }
0x305: {  	v2 =	vadd.f32 v5, v2  }
0x306: {  	v3 =	vadd.f32 v4, v3;
	v4 =	vmul.f32 v5, v5  }
0x307: {  	[tilespmem:s15+$0x0] =	vst v2  }
0x308: {  	v2 =	vadd.f32 v4, v3  }
0x309: {  	v1 =	vmax.f32 v1, v5  }
0x30a: {  	v0 =	vmin.f32 v0, v5;
	[tilespmem:s17+$0x0] =	vst v2  }
0x30b: {  	[tilespmem:s18+$0x0] =	vst v1  }
0x30c: {  	[tilespmem:s9+$0x0] =	vst v0  }
0x30d: {  	v0 =	vld [tilespmem:s21+$0xC830]  }
0x30e: {  	v1 =	vld [tilespmem:s21+$0xC870]  }
0x30f: {  	v2 =	vld [tilespmem:s21+$0xC8B0]  }
0x310: {  	v3 =	vld [tilespmem:s21+$0xC8F0]  }
0x311: {  	v4 =	vld [tilespmem:s21+$0xC930]  }
0x312: {  	v5 =	vmul.f32 v0, v0;
	v6 =	vld [tilespmem:s21+$0xC970]  }
0x313: {  	v7 =	vadd.f32 v1, v0;
	v8 =	vmul.f32 v1, v1;
	v9 =	vmax.f32 v0, v1;
	v10 =	vld [tilespmem:s21+$0xC9B0]  }
0x314: {  	v0 =	vmin.f32 v0, v1;
	v1 =	vmax.f32 v9, v2;
	v9 =	vld [tilespmem:s21+$0xC9F0]  }
0x315: {  	v5 =	vadd.f32 v8, v5;
	v7 =	vadd.f32 v2, v7;
	v8 =	vmul.f32 v2, v2;
	v11 =	vld [tilespmem:s21+$0xCA30]  }
0x316: {  	v0 =	vmin.f32 v0, v2;
	v1 =	vmax.f32 v1, v3;
	v2 =	vld [tilespmem:s21+$0xCA70]  }
0x317: {  	v5 =	vadd.f32 v8, v5;
	v7 =	vadd.f32 v3, v7;
	v8 =	vmul.f32 v3, v3;
	v12 =	vld [tilespmem:s21+$0xCAB0]  }
0x318: {  	v0 =	vmin.f32 v0, v3;
	v1 =	vmax.f32 v1, v4;
	v3 =	vld [tilespmem:s21+$0xCAF0]  }
0x319: {  	v5 =	vadd.f32 v8, v5;
	v7 =	vadd.f32 v4, v7;
	v8 =	vmul.f32 v4, v4;
	v13 =	vld [tilespmem:s21+$0xCB30]  }
0x31a: {  	v0 =	vmin.f32 v0, v4;
	v1 =	vmax.f32 v1, v6;
	v4 =	vmul.f32 v6, v6;
	v14 =	vld [tilespmem:s21+$0xCB70]  }
0x31b: {  	v0 =	vmin.f32 v0, v6;
	v5 =	vadd.f32 v8, v5;
	v7 =	vadd.f32 v6, v7;
	v6 =	vld [tilespmem:s21+$0xCBB0]  }
0x31c: {  	v1 =	vmax.f32 v1, v10;
	v0 =	vmin.f32 v0, v10;
	v8 =	vld [tilespmem:s21+$0xCBF0]  }
0x31d: {  	v4 =	vadd.f32 v4, v5;
	v5 =	vadd.f32 v10, v7;
	v7 =	vmul.f32 v10, v10;
	v10 =	vld [tilespmem:s21+$0xCC30]  }
0x31e: {  	v1 =	vmax.f32 v1, v9;
	v0 =	vmin.f32 v0, v9;
	v15 =	vld [tilespmem:s21+$0xCC70]  }
0x31f: {  	v4 =	vadd.f32 v7, v4;
	v5 =	vadd.f32 v9, v5;
	v7 =	vmul.f32 v9, v9;
	v9 =	vld [tilespmem:s21+$0xCCB0]  }
0x320: {  	v1 =	vmax.f32 v1, v11;
	v16 =	vmin.f32 v0, v11;
	v0 =	vld [tilespmem:s21+$0xCCF0]  }
0x321: {  	v4 =	vadd.f32 v7, v4;
	v5 =	vadd.f32 v11, v5;
	v7 =	vmul.f32 v11, v11  }
0x322: {  	v1 =	vmax.f32 v1, v2;
	v11 =	vmin.f32 v16, v2  }
0x323: {  	v4 =	vadd.f32 v7, v4;
	v5 =	vadd.f32 v2, v5;
	v2 =	vmul.f32 v2, v2  }
0x324: {  	v1 =	vmax.f32 v1, v12;
	v7 =	vmin.f32 v11, v12  }
0x325: {  	v2 =	vadd.f32 v2, v4;
	v4 =	vadd.f32 v12, v5;
	v5 =	vmul.f32 v12, v12  }
0x326: {  	v1 =	vmax.f32 v1, v3;
	v7 =	vmin.f32 v7, v3  }
0x327: {  	v2 =	vadd.f32 v5, v2;
	v4 =	vadd.f32 v3, v4;
	v3 =	vmul.f32 v3, v3  }
0x328: {  	v1 =	vmax.f32 v1, v13;
	v7 =	vmin.f32 v7, v13;
	v5 =	vmul.f32 v13, v13  }
0x329: {  	v1 =	vmax.f32 v1, v14;
	v2 =	vadd.f32 v3, v2;
	v3 =	vadd.f32 v13, v4  }
0x32a: {  	v1 =	vmax.f32 v1, v6;
	v7 =	vmin.f32 v7, v14;
	v4 =	vmul.f32 v14, v14  }
0x32b: {  	v1 =	vmax.f32 v1, v8;
	v2 =	vadd.f32 v5, v2;
	v3 =	vadd.f32 v14, v3  }
0x32c: {  	v1 =	vmax.f32 v1, v10;
	v7 =	vmin.f32 v7, v6;
	v5 =	vmul.f32 v6, v6  }
0x32d: {  	v1 =	vmax.f32 v1, v15;
	v2 =	vadd.f32 v4, v2;
	v3 =	vadd.f32 v6, v3  }
0x32e: {  	v1 =	vmax.f32 v1, v9;
	v4 =	vmul.f32 v8, v8;
	v6 =	vmin.f32 v7, v8  }
0x32f: {  	v2 =	vadd.f32 v5, v2;
	v3 =	vadd.f32 v8, v3;
	v5 =	vmin.f32 v6, v10  }
0x330: {  	v6 =	vmul.f32 v10, v10;
	v5 =	vmin.f32 v5, v15  }
0x331: {  	v4 =	vadd.f32 v4, v2;
	v3 =	vadd.f32 v10, v3;
	v2 =	vmin.f32 v5, v9;
	_ =	sdelay $0x1  }
.Ltmp1:
0x332: {  	v5 =	vmul.f32 v15, v15;
	v4 =	vadd.f32 v6, v4;
	v3 =	vadd.f32 v15, v3;
	(pc) =	sbr.rel @p0 .LBB2_5-.Ltmp1, $3  }
0x333: {  	_ = 	snop  }
0x334: {  	v4 =	vadd.f32 v5, v4;
	v5 =	vadd.f32 v9, v3;
	v3 =	vmul.f32 v9, v9;
	_ =	sdelay $0x1  }
0x335: {  	s9 =	sadd.s32 $0x40, s9;
	v3 =	vadd.f32 v3, v4;
	v4 =	vadd.f32 v0, v5;
	v5 =	vmul.f32 v0, v0  }
0x336: {  	_ = 	snop  }
0x337: {  	v3 =	vadd.f32 v5, v3  }
0x338: {  	[tilespmem:s0+$0x10] =	vst v4  }
0x339: {  	v1 =	vmax.f32 v1, v0;
	s19 =	sshll.u32 s14, $0x8;
	[tilespmem:s10+$0x10] =	vst v3  }
0x33a: {  	v63 =	vmin.f32 v2, v0;
	s0 =	sadd.s32 s8, s19;
	[tilespmem:s20+$0x10] =	vst v1  }
0x33b: {  	s9 =	sadd.s32 s4, s0;
	[tilespmem:s16+$0x10] =	vst v63  }
0x33c: {  	[hbm4b:s9+s3] =	stream.linear.scatter [tilespmem:s28], [sflag:$0x3], $0x800, $0x38;
	[tilespmem:$0x18800] =	vst v63  }
0x33d: {  	_ =	swait.ge [sflag:s11], $0x800  }
0x33e: {  	[sflag:s11] =	ssyncset.done $0x0  }
0x33f: {  	s20 =	sadd.s32 s5, s0;
	[sflag:s11] =	ssyncadd.s32 $0xFFFFF800  }
0x340: {  	[hbm4b:s20+s3] =	stream.linear.scatter [tilespmem:s29], [sflag:$0x3], $0x800, $0x38;
	[tilespmem:$0x18800] =	vst v63  }
0x341: {  	_ =	swait.ge [sflag:s11], $0x800  }
0x342: {  	[sflag:s11] =	ssyncset.done $0x0  }
0x343: {  	s21 =	sadd.s32 s6, s0;
	[sflag:s11] =	ssyncadd.s32 $0xFFFFF800  }
0x344: {  	[hbm4b:s21+s3] =	stream.linear.scatter [tilespmem:s30], [sflag:$0x3], $0x800, $0x38;
	[tilespmem:$0x18800] =	vst v63  }
0x345: {  	s13 =	sadd.s32 $0x1, s13;
	_ =	swait.ge [sflag:s11], $0x800  }
0x346: {  	p0 =	sne.s32 s13, $0x8;
	[sflag:s11] =	ssyncset.done $0x0  }
.Ltmp2:
0x347: {  	s0 =	sadd.s32 s7, s0;
	[sflag:s11] =	ssyncadd.s32 $0xFFFFF800;
	(pc) =	sbr.rel @p0 .LBB2_2-.Ltmp2, $4  }
0x348: {  	[hbm4b:s0+s3] =	stream.linear.scatter [tilespmem:s31], [sflag:$0x3], $0x800, $0x38;
	[tilespmem:$0x18800] =	vst v63  }
0x349: {  	_ =	swait.ge [sflag:s11], $0x800  }
0x34a: {  	[sflag:s11] =	ssyncset.done $0x0  }
0x34b: {  	[sflag:s11] =	ssyncadd.s32 $0xFFFFF800  }
0x34c: {  	s9 =	rddreg [dreg:$0x5]  }
0x34d: {  	s0 =	rddreg [dreg:$0x4];
	s9 =	sadd.s32 $0x1, s9  }
0x34e: {  	p0 =	sne.s32 s9, s0  }
.Ltmp3:
0x34f: {  	_ = 	snop;
	(pc) =	sbr.rel @p0 .LBB2_1-.Ltmp3, $1  }
0x350: {  	_ =	sdelay $0x3  }
0x351: {  	_ =	sfence.sel $0x180000  }
0x352: {  	[bflag:$0x0] =	sbarrier.arrive $0xFFFF  }
0x353: {  	_ =	strace $0x90000047  }
0x354: {  	s0 =	stileid.u32;
	[bflag:$0x2] =	sbarrier.arrive $0xFFFF  }
0x355: {  	p0 =	sne.s32 s0, $0x0;
	s0 =	rddreg [dreg:$0x2]  }
0x356: {  	s0 =	sadd.s32 @!p0 $0x100000, s0  }
0x357: {  	[sflag:s0] =	ssyncadd.tile.s32 @!p0 $0x1;
	_ =	shalt  }
.Lfunc_end2:
_tile_overlayer_lowered:
.L_overlay_start_2:
0x358: {  	(tag) =	ssettag $0x2  }
0x359: {  	s0 =	rddreg [dreg:$0x0];
	s2 =	stileid.u32  }
0x35a: {  	s1 =	rddreg [dreg:$0x1];
	p0 =	sne.s32 s2, $0x0  }
0x35b: {  	s3 =	rddreg [dreg:$0x2];
	[bflag:$0x3] =	sbarrier.arrive $0xFFFF;
	s2 =	simm.s32 @!p0 $0x1C03  }
0x35c: {  	[timem:s3], [sflag:s2] =	dma.local @!p0 [hbm:s0], s1  }
0x35d: {  	s0 =	simm.s32 @!p0 $0x3  }
0x35e: {  	_ =	swait.ge @!p0 [sflag:s0], s1  }
0x35f: {  	s1 =	ssub.s32 @!p0 $0x0, s1;
	[sflag:s0] =	ssyncset.done @!p0 $0x0  }
0x360: {  	[sflag:s0] =	ssyncadd.s32 @!p0 s1  }
0x361: {  	[bflag:$0x3] =	sbarrier.arrive $0xFFFF  }
0x362: {  	_ =	shalt  }

</sc_bundles>
